<compile_context>
chip_gen: v7x
topology: tpu7x:2x2x1
jax: 0.10.2.dev20260603
libtpu: 0.0.44.dev20260713+nightly
codegen_flags: <defaults>
</compile_context>

<pallas_src>
import functools

import jax
import jax.numpy as jnp
from jax import lax
from jax.experimental import pallas as pl
from jax.experimental.pallas import tpu as pltpu
from jax.experimental.pallas import tpu_sc as plsc

_NC = 2
_NS = 16
_NW = _NC * _NS
_MAXLANE = 128
_SG = 16
_RB = 2048


def _sc_degree(sd3d, npad, nblk_w, lane):
    rows_t = npad // _NS
    mesh = plsc.VectorSubcoreMesh(core_axis_name="c", subcore_axis_name="s")

    @functools.partial(
        pl.kernel,
        out_type=jax.ShapeDtypeStruct((_NC, npad), jnp.float32),
        mesh=mesh,
        scratch_types=[
            pltpu.VMEM((_SG, lane), jnp.int32),
            pltpu.VMEM((lane,), jnp.float32),
            pltpu.VMEM((rows_t,), jnp.float32),
            pltpu.VMEM_SHARED((npad,), jnp.float32),
        ],
    )
    def k(sd_hbm, out_hbm, dst_v, ones_v, init_v, acc):
        cid = lax.axis_index("c")
        sid = lax.axis_index("s")
        wid = cid * _NS + sid

        @pl.loop(0, lane, step=16)
        def _(i):
            ones_v[pl.ds(i, 16)] = jnp.ones((16,), jnp.float32)

        val = jnp.where(cid == 0, jnp.float32(1.0), jnp.float32(0.0))

        @pl.loop(0, rows_t, step=16)
        def _(i):
            init_v[pl.ds(i, 16)] = jnp.zeros((16,), jnp.float32) + val

        pltpu.sync_copy(init_v, acc.at[pl.ds(sid * rows_t, rows_t)])
        plsc.subcore_barrier()

        @pl.loop(0, nblk_w // _SG)
        def _(sg):
            pltpu.sync_copy(sd_hbm.at[1, wid, pl.ds(sg * _SG, _SG)], dst_v)

            @pl.loop(0, _SG)
            def _(j):
                pltpu.sync_copy(ones_v, acc.at[dst_v.at[j]], add=True)

        plsc.subcore_barrier()
        pltpu.sync_copy(acc.at[pl.ds(sid * rows_t, rows_t)],
                        out_hbm.at[cid, pl.ds(sid * rows_t, rows_t)])

    return k(sd3d)


def _sc_segsum(g, sd3d, nblk_w, lane):
    npad, d = g.shape
    rows_t = npad // _NS
    nchunks = rows_t // _MAXLANE
    nbuf = 2 if d > 64 else 4
    mesh = plsc.VectorSubcoreMesh(core_axis_name="c", subcore_axis_name="s")
    cp = (None if d % 128 == 0
          else pltpu.CompilerParams(use_tc_tiling_on_sc=False))
    dw = max(d, _MAXLANE)

    @functools.partial(
        pl.kernel,
        out_type=jax.ShapeDtypeStruct((_NC, npad, dw), jnp.float32),
        mesh=mesh,
        scratch_types=[
            pltpu.VMEM((_SG, lane), jnp.int32),
            pltpu.VMEM((_SG, lane), jnp.int32),
            pltpu.VMEM((nbuf, _MAXLANE, d), jnp.float32),
            pltpu.VMEM_SHARED((npad, d), jnp.float32),
            pltpu.SemaphoreType.DMA((nbuf,)),
            pltpu.SemaphoreType.DMA((nbuf,)),
        ],
        compiler_params=cp,
    )
    def k(g_hbm, sd_hbm, out_hbm, src_v, dst_v, rows_v, acc, gsem, ssem):
        cid = lax.axis_index("c")
        sid = lax.axis_index("s")
        wid = cid * _NS + sid

        @pl.loop(0, _MAXLANE)
        def _(i):
            @pl.loop(0, d, step=16)
            def _(j):
                rows_v[0, i, pl.ds(j, 16)] = jnp.zeros((16,), jnp.float32)

        base = sid * rows_t

        zcps = [
            pltpu.async_copy(rows_v.at[0],
                             acc.at[pl.ds(base + t * _MAXLANE, _MAXLANE)],
                             gsem.at[0])
            for t in range(nchunks)
        ]
        for cp in zcps:
            cp.wait()

        plsc.subcore_barrier()

        @pl.loop(0, nblk_w // _SG)
        def _(sg):
            icp0 = pltpu.async_copy(sd_hbm.at[0, wid, pl.ds(sg * _SG, _SG)],
                                    src_v, gsem.at[0])
            icp1 = pltpu.async_copy(sd_hbm.at[1, wid, pl.ds(sg * _SG, _SG)],
                                    dst_v, gsem.at[1 % nbuf])
            icp0.wait()
            icp1.wait()

            @pl.loop(0, _SG // nbuf)
            def _(grp):
                j0 = grp * nbuf
                gathers = []
                for b in range(nbuf):
                    @pl.when(grp > 0)
                    def _():
                        pltpu.make_async_copy(
                            rows_v.at[b, pl.ds(0, lane)],
                            acc.at[dst_v.at[j0 + b]],
                            ssem.at[b]).wait()

                    gathers.append(
                        pltpu.async_copy(g_hbm.at[src_v.at[j0 + b]],
                                         rows_v.at[b, pl.ds(0, lane)],
                                         gsem.at[b]))
                for b in range(nbuf):
                    gathers[b].wait()
                    pltpu.async_copy(rows_v.at[b, pl.ds(0, lane)],
                                     acc.at[dst_v.at[j0 + b]],
                                     ssem.at[b], add=True)

            for b in range(nbuf):
                pltpu.make_async_copy(rows_v.at[b, pl.ds(0, lane)],
                                      acc.at[dst_v.at[b]],
                                      ssem.at[b]).wait()

        plsc.subcore_barrier()

        ocps = [
            pltpu.async_copy(acc.at[pl.ds(base + t * _MAXLANE, _MAXLANE)],
                             out_hbm.at[cid, pl.ds(base + t * _MAXLANE, _MAXLANE),
                                        pl.ds(0, d)],
                             ssem.at[0])
            for t in range(nchunks)
        ]
        for cp in ocps:
            cp.wait()

    return k(g, sd3d)


def _dinv_of(deg_ref):
    d = deg_ref[0] + deg_ref[1]
    return lax.rsqrt(jnp.maximum(d, 1.0))[:, None]


def _l1_body(x_ref, w_ref, deg_ref, g_ref):
    dinv = _dinv_of(deg_ref)
    y = jnp.dot(x_ref[...], w_ref[...], preferred_element_type=jnp.float32)
    g_ref[...] = y * dinv


def _l2_body(s_ref, g1_ref, deg_ref, b1_ref, w2_ref, g2_ref):
    dinv = _dinv_of(deg_ref)
    agg = dinv * (s_ref[0] + s_ref[1] + g1_ref[...]) + b1_ref[...]
    h = jnp.tanh(agg)
    g2_ref[...] = jnp.dot(h, w2_ref[...], preferred_element_type=jnp.float32) * dinv


def _l3_body(s_ref, g2_ref, deg_ref, b2_ref, o_ref):
    dinv = _dinv_of(deg_ref)
    do = o_ref.shape[-1]
    s = s_ref[0, :, :do] + s_ref[1, :, :do]
    o_ref[...] = dinv * (s + g2_ref[...]) + b2_ref[...]


def _tc_layer1(x, W1, deg2, npad):
    _, di = x.shape
    dh = W1.shape[1]
    return pl.pallas_call(
        _l1_body,
        grid=(npad // _RB,),
        in_specs=[
            pl.BlockSpec((_RB, di), lambda i: (i, 0)),
            pl.BlockSpec((di, dh), lambda i: (0, 0)),
            pl.BlockSpec((_NC, _RB), lambda i: (0, i)),
        ],
        out_specs=pl.BlockSpec((_RB, dh), lambda i: (i, 0)),
        out_shape=jax.ShapeDtypeStruct((npad, dh), jnp.float32),
    )(x, W1, deg2)


def _tc_layer2(s1, g1, deg2, b1, W2):
    npad, dh = g1.shape
    do = W2.shape[1]
    return pl.pallas_call(
        _l2_body,
        grid=(npad // _RB,),
        in_specs=[
            pl.BlockSpec((_NC, _RB, dh), lambda i: (0, i, 0)),
            pl.BlockSpec((_RB, dh), lambda i: (i, 0)),
            pl.BlockSpec((_NC, _RB), lambda i: (0, i)),
            pl.BlockSpec((1, dh), lambda i: (0, 0)),
            pl.BlockSpec((dh, do), lambda i: (0, 0)),
        ],
        out_specs=pl.BlockSpec((_RB, do), lambda i: (i, 0)),
        out_shape=jax.ShapeDtypeStruct((npad, do), jnp.float32),
    )(s1, g1, deg2, b1, W2)


def _tc_layer3(s2, g2, deg2, b2, n):
    npad, do = g2.shape
    dw = s2.shape[-1]
    return pl.pallas_call(
        _l3_body,
        grid=(npad // _RB,),
        in_specs=[
            pl.BlockSpec((_NC, _RB, dw), lambda i: (0, i, 0)),
            pl.BlockSpec((_RB, do), lambda i: (i, 0)),
            pl.BlockSpec((_NC, _RB), lambda i: (0, i)),
            pl.BlockSpec((1, do), lambda i: (0, 0)),
        ],
        out_specs=pl.BlockSpec((_RB, do), lambda i: (i, 0)),
        out_shape=jax.ShapeDtypeStruct((n, do), jnp.float32),
    )(s2, g2, deg2, b2)


def kernel(x, edge_index, W1, b1, W2, b2):
    n, di = x.shape
    dh = W1.shape[1]
    do = W2.shape[1]
    e = edge_index.shape[1]

    blk = _NS * _MAXLANE
    npad = ((n + blk - 1) // blk) * blk

    src = edge_index[0]
    dst = edge_index[1]
    nblk_w = None
    if e % _NW == 0:
        per_w = e // _NW
        cand = (-(-per_w // _MAXLANE) + _SG - 1) // _SG * _SG
        if cand > 0 and per_w % cand == 0 and per_w // cand <= _MAXLANE:
            nblk_w = cand
            lane = per_w // cand
            sd3d = edge_index.reshape(2, _NW, nblk_w, lane)
    if nblk_w is None:
        lane = _MAXLANE
        nblk_w = -(-e // (_NW * lane))
        nblk_w = ((nblk_w + _SG - 1) // _SG) * _SG
        pad = _NW * nblk_w * lane - e
        pad_idx = lax.iota(src.dtype, pad)
        srcp = jnp.concatenate([src, pad_idx % n])
        dstp = jnp.concatenate([dst, n + pad_idx % (npad - n)])
        sd3d = jnp.stack([srcp, dstp]).reshape(2, _NW, nblk_w, lane)

    deg2 = _sc_degree(sd3d, npad, nblk_w, lane)

    g1 = _tc_layer1(x, W1, deg2, npad)
    s1 = _sc_segsum(g1, sd3d, nblk_w, lane)
    g2 = _tc_layer2(s1, g1, deg2, b1.reshape(1, dh), W2)
    s2 = _sc_segsum(g2, sd3d, nblk_w, lane)
    return _tc_layer3(s2, g2, deg2, b2.reshape(1, do), n)

# --- scband reference (transcript-rebuilt; emitter-appended) ---
"""Pipeline reference for scband-gcn-encoder-17849884082524 (READ-ONLY COPY).

The authoritative reference and input builder live on the scoring server;
editing this copy changes nothing except your own understanding.
"""

import jax, jax.numpy as jnp
import numpy as np

N = 10000
E = 320000
D_IN = 128
D_HID = 128
D_OUT = 64


def setup_inputs(seed: int = 0) -> dict:
    key = jax.random.key(seed)
    k1, k2, k3, k4, k5, k6 = jax.random.split(key, 6)
    x = jax.random.normal(k1, (N, D_IN), dtype=jnp.float32)
    edge_index = jax.random.randint(k2, (2, E), 0, N, dtype=jnp.int32)
    W1 = jax.random.normal(k3, (D_IN, D_HID), dtype=jnp.float32) * (1.0 / np.sqrt(D_IN))
    b1 = jnp.zeros((D_HID,), dtype=jnp.float32)
    W2 = jax.random.normal(k4, (D_HID, D_OUT), dtype=jnp.float32) * (1.0 / np.sqrt(D_HID))
    b2 = jnp.zeros((D_OUT,), dtype=jnp.float32)
    return {"x": x, "edge_index": edge_index, "W1": W1, "b1": b1, "W2": W2, "b2": b2}


def reference(x, edge_index, W1, b1, W2, b2):
    # GCNConv with symmetric normalization and self-loops (PyG semantics, cached
    # normalization shared by both layers). Dropout is identity in eval mode.
    src = edge_index[0]
    dst = edge_index[1]
    loop = jnp.arange(N, dtype=src.dtype)
    src_f = jnp.concatenate([src, loop])
    dst_f = jnp.concatenate([dst, loop])
    ones = jnp.ones((E + N,), dtype=jnp.float32)
    deg = jax.ops.segment_sum(ones, dst_f, num_segments=N)
    dinv = jax.lax.rsqrt(jnp.maximum(deg, 1.0))
    norm = dinv[src_f] * dinv[dst_f]

    def gcn_conv(h, W, b):
        h = h @ W
        msg = jnp.take(h, src_f, axis=0) * norm[:, None]
        agg = jax.ops.segment_sum(msg, dst_f, num_segments=N)
        return agg + b

    h1 = jnp.tanh(gcn_conv(x, W1, b1))
    out = gcn_conv(h1, W2, b2)
    return out

if __name__ == "__main__":
    import jax
    _d = setup_inputs()
    print(jax.jit(kernel)(*tuple(_d.values())))

</pallas_src>

<mosaic_0001>
#map = affine_map<(d0, d1) -> (0, 0)>
#map1 = affine_map<(d0, d1) -> (0, 0, 0, 0)>
#map2 = affine_map<(d0, d1) -> (0, 0, 0)>
module attributes {stable_mosaic.version = 14 : i64} {
  func.func @k(%arg0: i32, %arg1: i32, %arg2: memref<10240x128xf32, #tpu.memory_space<hbm>>, %arg3: memref<2x32x80x125xi32, #tpu.memory_space<hbm>>, %arg4: memref<2x10240x128xf32, #tpu.memory_space<hbm>>, %arg5: memref<16x125xi32, #tpu.memory_space<vmem>>, %arg6: memref<16x125xi32, #tpu.memory_space<vmem>>, %arg7: memref<2x128x128xf32, #tpu.memory_space<vmem>>, %arg8: memref<10240x128xf32, #tpu.memory_space<vmem_shared>>, %arg9: memref<2x!tpu.dma_semaphore, #tpu.memory_space<semaphore_mem>>, %arg10: memref<2x!tpu.dma_semaphore, #tpu.memory_space<semaphore_mem>>) attributes {dimension_semantics = [#tpu.dimension_semantics<core_parallel>, #tpu.dimension_semantics<subcore_parallel>], iteration_bounds = array<i64: 2, 16>, scalar_prefetch = 0 : i64, scratch_operands = 6 : i64, tpu.core_type = #tpu.core_type<sc_vector_subcore>, window_params = [{transform_indices = #map}, {transform_indices = #map1}, {transform_indices = #map2}]} {
    %mul3A = arith.constant 16 : i32
    %mul3A_0 = arith.muli %arg0, %mul3A : i32
    %add3A = arith.addi %mul3A_0, %arg1 : i32
    %scan3A = arith.constant 0 : i32
    %scan3A_1 = arith.constant 128 : i32
    %scan3A_2 = arith.addi %scan3A, %scan3A_1 : i32
    %scan3A_3 = arith.constant 1 : i32
    scf.for %scan3A_281 = %scan3A to %scan3A_2 step %scan3A_3  : i32 {
      %mul3A_282 = arith.constant 1 : i32
      %mul3A_283 = arith.muli %scan3A_281, %mul3A_282 : i32
      %add3A_284 = arith.constant 0 : i32
      %add3A_285 = arith.addi %add3A_284, %mul3A_283 : i32
      %scan3A_286 = arith.constant 0 : i32
      %scan3A_287 = arith.constant 8 : i32
      %scan3A_288 = arith.addi %scan3A_286, %scan3A_287 : i32
      %scan3A_289 = arith.constant 1 : i32
      scf.for %scan3A_291 = %scan3A_286 to %scan3A_288 step %scan3A_289  : i32 {
        %mul3A_292 = arith.constant 16 : i32
        %mul3A_293 = arith.muli %scan3A_291, %mul3A_292 : i32
        %add3A_294 = arith.constant 0 : i32
        %add3A_295 = arith.addi %add3A_294, %mul3A_293 : i32
        %broadcast_in_dim3A = arith.constant 0.000000e+00 : f32
        %broadcast_in_dim3A_296 = vector.broadcast %broadcast_in_dim3A : f32 to vector<16xf32>
        %swap3A = arith.constant 0 : i32
        %swap3A_297 = arith.index_cast %swap3A : i32 to index
        %swap3A_298 = arith.index_cast %add3A_285 : i32 to index
        %swap3A_299 = arith.index_cast %add3A_295 : i32 to index
        %swap3A_300 = tpu.vector_load %arg7[%swap3A_297, %swap3A_298, %swap3A_299] {strides = array<i32>} : memref<2x128x128xf32, #tpu.memory_space<vmem>>, vector<1x1x16xf32>,
        %swap3A_301 = vector.shape_cast %swap3A_300 : vector<1x1x16xf32> to vector<16xf32>
        %swap3A_302 = vector.shape_cast %broadcast_in_dim3A_296 : vector<16xf32> to vector<1x1x16xf32>
        tpu.vector_store %arg7[%swap3A_297, %swap3A_298, %swap3A_299], %swap3A_302 {strides = array<i32>} : memref<2x128x128xf32, #tpu.memory_space<vmem>>, vector<1x1x16xf32>,
      }
      %scan3A_290 = arith.constant 8 : i32
    }
    %scan3A_4 = arith.constant 128 : i32
    %mul3A_5 = arith.constant 640 : i32
    %mul3A_6 = arith.muli %arg1, %mul3A_5 : i32
    %add3A_7 = arith.constant 0 : i32
    %add3A_8 = arith.addi %mul3A_6, %add3A_7 : i32
    %dma_start3A = arith.constant 0 : i32
    %dma_start3A_9 = arith.constant 0 : i32
    %dma_start3A_10 = arith.constant 0 : i32
    %dma_start3A_11 = arith.constant 0 : i32
    %dma_start3A_12 = tpu.memref_slice %arg7[%dma_start3A, %dma_start3A_10, %dma_start3A_11] : memref<2x128x128xf32, #tpu.memory_space<vmem>> -> memref<1x128x128xf32, #tpu.memory_space<vmem>>
    %dma_start3A_13 = tpu.memref_squeeze %dma_start3A_12 : memref<1x128x128xf32, #tpu.memory_space<vmem>> -> memref<128x128xf32, #tpu.memory_space<vmem>>
    %dma_start3A_14 = arith.constant 0 : i32
    %dma_start3A_15 = tpu.memref_slice %arg8[%add3A_8, %dma_start3A_14] : memref<10240x128xf32, #tpu.memory_space<vmem_shared>> -> memref<128x128xf32, #tpu.memory_space<vmem_shared>>
    %dma_start3A_16 = tpu.memref_slice %arg9[%dma_start3A_9] : memref<2x!tpu.dma_semaphore, #tpu.memory_space<semaphore_mem>> -> memref<1x!tpu.dma_semaphore, #tpu.memory_space<semaphore_mem>>
    %dma_start3A_17 = tpu.memref_squeeze %dma_start3A_16 : memref<1x!tpu.dma_semaphore, #tpu.memory_space<semaphore_mem>> -> memref<!tpu.dma_semaphore, #tpu.memory_space<semaphore_mem>>
    %dma_start3A_18 = arith.constant 0 : i32
    %dma_start3A_19 = tpu.memref_slice %arg8[%add3A_8, %dma_start3A_18] : memref<10240x128xf32, #tpu.memory_space<vmem_shared>> -> memref<128x128xf32, #tpu.memory_space<vmem_shared>>
    %dma_start3A_20 = arith.constant 0 : i32
    %dma_start3A_21 = arith.constant 0 : i32
    %dma_start3A_22 = tpu.memref_slice %arg7[%dma_start3A, %dma_start3A_20, %dma_start3A_21] : memref<2x128x128xf32, #tpu.memory_space<vmem>> -> memref<1x128x128xf32, #tpu.memory_space<vmem>>
    %dma_start3A_23 = tpu.memref_squeeze %dma_start3A_22 : memref<1x128x128xf32, #tpu.memory_space<vmem>> -> memref<128x128xf32, #tpu.memory_space<vmem>>
    tpu.enqueue_dma source(%dma_start3A_23 : memref<128x128xf32, #tpu.memory_space<vmem>>) target(%dma_start3A_19 : memref<128x128xf32, #tpu.memory_space<vmem_shared>>) target_semaphore(%dma_start3A_17 : memref<!tpu.dma_semaphore, #tpu.memory_space<semaphore_mem>>)
    %add3A_24 = arith.constant 128 : i32
    %add3A_25 = arith.addi %mul3A_6, %add3A_24 : i32
    %dma_start3A_26 = arith.constant 0 : i32
    %dma_start3A_27 = arith.constant 0 : i32
    %dma_start3A_28 = arith.constant 0 : i32
    %dma_start3A_29 = arith.constant 0 : i32
    %dma_start3A_30 = tpu.memref_slice %arg7[%dma_start3A_26, %dma_start3A_28, %dma_start3A_29] : memref<2x128x128xf32, #tpu.memory_space<vmem>> -> memref<1x128x128xf32, #tpu.memory_space<vmem>>
    %dma_start3A_31 = tpu.memref_squeeze %dma_start3A_30 : memref<1x128x128xf32, #tpu.memory_space<vmem>> -> memref<128x128xf32, #tpu.memory_space<vmem>>
    %dma_start3A_32 = arith.constant 0 : i32
    %dma_start3A_33 = tpu.memref_slice %arg8[%add3A_25, %dma_start3A_32] : memref<10240x128xf32, #tpu.memory_space<vmem_shared>> -> memref<128x128xf32, #tpu.memory_space<vmem_shared>>
    %dma_start3A_34 = tpu.memref_slice %arg9[%dma_start3A_27] : memref<2x!tpu.dma_semaphore, #tpu.memory_space<semaphore_mem>> -> memref<1x!tpu.dma_semaphore, #tpu.memory_space<semaphore_mem>>
    %dma_start3A_35 = tpu.memref_squeeze %dma_start3A_34 : memref<1x!tpu.dma_semaphore, #tpu.memory_space<semaphore_mem>> -> memref<!tpu.dma_semaphore, #tpu.memory_space<semaphore_mem>>
    %dma_start3A_36 = arith.constant 0 : i32
    %dma_start3A_37 = tpu.memref_slice %arg8[%add3A_25, %dma_start3A_36] : memref<10240x128xf32, #tpu.memory_space<vmem_shared>> -> memref<128x128xf32, #tpu.memory_space<vmem_shared>>
    %dma_start3A_38 = arith.constant 0 : i32
    %dma_start3A_39 = arith.constant 0 : i32
    %dma_start3A_40 = tpu.memref_slice %arg7[%dma_start3A_26, %dma_start3A_38, %dma_start3A_39] : memref<2x128x128xf32, #tpu.memory_space<vmem>> -> memref<1x128x128xf32, #tpu.memory_space<vmem>>
    %dma_start3A_41 = tpu.memref_squeeze %dma_start3A_40 : memref<1x128x128xf32, #tpu.memory_space<vmem>> -> memref<128x128xf32, #tpu.memory_space<vmem>>
    tpu.enqueue_dma source(%dma_start3A_41 : memref<128x128xf32, #tpu.memory_space<vmem>>) target(%dma_start3A_37 : memref<128x128xf32, #tpu.memory_space<vmem_shared>>) target_semaphore(%dma_start3A_35 : memref<!tpu.dma_semaphore, #tpu.memory_space<semaphore_mem>>)
    %add3A_42 = arith.constant 256 : i32
    %add3A_43 = arith.addi %mul3A_6, %add3A_42 : i32
    %dma_start3A_44 = arith.constant 0 : i32
    %dma_start3A_45 = arith.constant 0 : i32
    %dma_start3A_46 = arith.constant 0 : i32
    %dma_start3A_47 = arith.constant 0 : i32
    %dma_start3A_48 = tpu.memref_slice %arg7[%dma_start3A_44, %dma_start3A_46, %dma_start3A_47] : memref<2x128x128xf32, #tpu.memory_space<vmem>> -> memref<1x128x128xf32, #tpu.memory_space<vmem>>
    %dma_start3A_49 = tpu.memref_squeeze %dma_start3A_48 : memref<1x128x128xf32, #tpu.memory_space<vmem>> -> memref<128x128xf32, #tpu.memory_space<vmem>>
    %dma_start3A_50 = arith.constant 0 : i32
    %dma_start3A_51 = tpu.memref_slice %arg8[%add3A_43, %dma_start3A_50] : memref<10240x128xf32, #tpu.memory_space<vmem_shared>> -> memref<128x128xf32, #tpu.memory_space<vmem_shared>>
    %dma_start3A_52 = tpu.memref_slice %arg9[%dma_start3A_45] : memref<2x!tpu.dma_semaphore, #tpu.memory_space<semaphore_mem>> -> memref<1x!tpu.dma_semaphore, #tpu.memory_space<semaphore_mem>>
    %dma_start3A_53 = tpu.memref_squeeze %dma_start3A_52 : memref<1x!tpu.dma_semaphore, #tpu.memory_space<semaphore_mem>> -> memref<!tpu.dma_semaphore, #tpu.memory_space<semaphore_mem>>
    %dma_start3A_54 = arith.constant 0 : i32
    %dma_start3A_55 = tpu.memref_slice %arg8[%add3A_43, %dma_start3A_54] : memref<10240x128xf32, #tpu.memory_space<vmem_shared>> -> memref<128x128xf32, #tpu.memory_space<vmem_shared>>
    %dma_start3A_56 = arith.constant 0 : i32
    %dma_start3A_57 = arith.constant 0 : i32
    %dma_start3A_58 = tpu.memref_slice %arg7[%dma_start3A_44, %dma_start3A_56, %dma_start3A_57] : memref<2x128x128xf32, #tpu.memory_space<vmem>> -> memref<1x128x128xf32, #tpu.memory_space<vmem>>
    %dma_start3A_59 = tpu.memref_squeeze %dma_start3A_58 : memref<1x128x128xf32, #tpu.memory_space<vmem>> -> memref<128x128xf32, #tpu.memory_space<vmem>>
    tpu.enqueue_dma source(%dma_start3A_59 : memref<128x128xf32, #tpu.memory_space<vmem>>) target(%dma_start3A_55 : memref<128x128xf32, #tpu.memory_space<vmem_shared>>) target_semaphore(%dma_start3A_53 : memref<!tpu.dma_semaphore, #tpu.memory_space<semaphore_mem>>)
    %add3A_60 = arith.constant 384 : i32
    %add3A_61 = arith.addi %mul3A_6, %add3A_60 : i32
    %dma_start3A_62 = arith.constant 0 : i32
    %dma_start3A_63 = arith.constant 0 : i32
    %dma_start3A_64 = arith.constant 0 : i32
    %dma_start3A_65 = arith.constant 0 : i32
    %dma_start3A_66 = tpu.memref_slice %arg7[%dma_start3A_62, %dma_start3A_64, %dma_start3A_65] : memref<2x128x128xf32, #tpu.memory_space<vmem>> -> memref<1x128x128xf32, #tpu.memory_space<vmem>>
    %dma_start3A_67 = tpu.memref_squeeze %dma_start3A_66 : memref<1x128x128xf32, #tpu.memory_space<vmem>> -> memref<128x128xf32, #tpu.memory_space<vmem>>
    %dma_start3A_68 = arith.constant 0 : i32
    %dma_start3A_69 = tpu.memref_slice %arg8[%add3A_61, %dma_start3A_68] : memref<10240x128xf32, #tpu.memory_space<vmem_shared>> -> memref<128x128xf32, #tpu.memory_space<vmem_shared>>
    %dma_start3A_70 = tpu.memref_slice %arg9[%dma_start3A_63] : memref<2x!tpu.dma_semaphore, #tpu.memory_space<semaphore_mem>> -> memref<1x!tpu.dma_semaphore, #tpu.memory_space<semaphore_mem>>
    %dma_start3A_71 = tpu.memref_squeeze %dma_start3A_70 : memref<1x!tpu.dma_semaphore, #tpu.memory_space<semaphore_mem>> -> memref<!tpu.dma_semaphore, #tpu.memory_space<semaphore_mem>>
    %dma_start3A_72 = arith.constant 0 : i32
    %dma_start3A_73 = tpu.memref_slice %arg8[%add3A_61, %dma_start3A_72] : memref<10240x128xf32, #tpu.memory_space<vmem_shared>> -> memref<128x128xf32, #tpu.memory_space<vmem_shared>>
    %dma_start3A_74 = arith.constant 0 : i32
    %dma_start3A_75 = arith.constant 0 : i32
    %dma_start3A_76 = tpu.memref_slice %arg7[%dma_start3A_62, %dma_start3A_74, %dma_start3A_75] : memref<2x128x128xf32, #tpu.memory_space<vmem>> -> memref<1x128x128xf32, #tpu.memory_space<vmem>>
    %dma_start3A_77 = tpu.memref_squeeze %dma_start3A_76 : memref<1x128x128xf32, #tpu.memory_space<vmem>> -> memref<128x128xf32, #tpu.memory_space<vmem>>
    tpu.enqueue_dma source(%dma_start3A_77 : memref<128x128xf32, #tpu.memory_space<vmem>>) target(%dma_start3A_73 : memref<128x128xf32, #tpu.memory_space<vmem_shared>>) target_semaphore(%dma_start3A_71 : memref<!tpu.dma_semaphore, #tpu.memory_space<semaphore_mem>>)
    %add3A_78 = arith.constant 512 : i32
    %add3A_79 = arith.addi %mul3A_6, %add3A_78 : i32
    %dma_start3A_80 = arith.constant 0 : i32
    %dma_start3A_81 = arith.constant 0 : i32
    %dma_start3A_82 = arith.constant 0 : i32
    %dma_start3A_83 = arith.constant 0 : i32
    %dma_start3A_84 = tpu.memref_slice %arg7[%dma_start3A_80, %dma_start3A_82, %dma_start3A_83] : memref<2x128x128xf32, #tpu.memory_space<vmem>> -> memref<1x128x128xf32, #tpu.memory_space<vmem>>
    %dma_start3A_85 = tpu.memref_squeeze %dma_start3A_84 : memref<1x128x128xf32, #tpu.memory_space<vmem>> -> memref<128x128xf32, #tpu.memory_space<vmem>>
    %dma_start3A_86 = arith.constant 0 : i32
    %dma_start3A_87 = tpu.memref_slice %arg8[%add3A_79, %dma_start3A_86] : memref<10240x128xf32, #tpu.memory_space<vmem_shared>> -> memref<128x128xf32, #tpu.memory_space<vmem_shared>>
    %dma_start3A_88 = tpu.memref_slice %arg9[%dma_start3A_81] : memref<2x!tpu.dma_semaphore, #tpu.memory_space<semaphore_mem>> -> memref<1x!tpu.dma_semaphore, #tpu.memory_space<semaphore_mem>>
    %dma_start3A_89 = tpu.memref_squeeze %dma_start3A_88 : memref<1x!tpu.dma_semaphore, #tpu.memory_space<semaphore_mem>> -> memref<!tpu.dma_semaphore, #tpu.memory_space<semaphore_mem>>
    %dma_start3A_90 = arith.constant 0 : i32
    %dma_start3A_91 = tpu.memref_slice %arg8[%add3A_79, %dma_start3A_90] : memref<10240x128xf32, #tpu.memory_space<vmem_shared>> -> memref<128x128xf32, #tpu.memory_space<vmem_shared>>
    %dma_start3A_92 = arith.constant 0 : i32
    %dma_start3A_93 = arith.constant 0 : i32
    %dma_start3A_94 = tpu.memref_slice %arg7[%dma_start3A_80, %dma_start3A_92, %dma_start3A_93] : memref<2x128x128xf32, #tpu.memory_space<vmem>> -> memref<1x128x128xf32, #tpu.memory_space<vmem>>
    %dma_start3A_95 = tpu.memref_squeeze %dma_start3A_94 : memref<1x128x128xf32, #tpu.memory_space<vmem>> -> memref<128x128xf32, #tpu.memory_space<vmem>>
    tpu.enqueue_dma source(%dma_start3A_95 : memref<128x128xf32, #tpu.memory_space<vmem>>) target(%dma_start3A_91 : memref<128x128xf32, #tpu.memory_space<vmem_shared>>) target_semaphore(%dma_start3A_89 : memref<!tpu.dma_semaphore, #tpu.memory_space<semaphore_mem>>)
    %dma_wait3A = arith.constant 0 : i32
    %dma_wait3A_96 = arith.constant 0 : i32
    %dma_wait3A_97 = arith.constant 0 : i32
    %dma_wait3A_98 = arith.constant 0 : i32
    %dma_wait3A_99 = tpu.memref_slice %arg7[%dma_wait3A, %dma_wait3A_97, %dma_wait3A_98] : memref<2x128x128xf32, #tpu.memory_space<vmem>> -> memref<1x128x128xf32, #tpu.memory_space<vmem>>
    %dma_wait3A_100 = tpu.memref_squeeze %dma_wait3A_99 : memref<1x128x128xf32, #tpu.memory_space<vmem>> -> memref<128x128xf32, #tpu.memory_space<vmem>>
    %dma_wait3A_101 = arith.constant 0 : i32
    %dma_wait3A_102 = tpu.memref_slice %arg8[%add3A_8, %dma_wait3A_101] : memref<10240x128xf32, #tpu.memory_space<vmem_shared>> -> memref<128x128xf32, #tpu.memory_space<vmem_shared>>
    %dma_wait3A_103 = tpu.memref_slice %arg9[%dma_wait3A_96] : memref<2x!tpu.dma_semaphore, #tpu.memory_space<semaphore_mem>> -> memref<1x!tpu.dma_semaphore, #tpu.memory_space<semaphore_mem>>
    %dma_wait3A_104 = tpu.memref_squeeze %dma_wait3A_103 : memref<1x!tpu.dma_semaphore, #tpu.memory_space<semaphore_mem>> -> memref<!tpu.dma_semaphore, #tpu.memory_space<semaphore_mem>>
    %dma_wait3A_105 = arith.constant 0 : i32
    %dma_wait3A_106 = tpu.memref_slice %arg8[%add3A_8, %dma_wait3A_105] : memref<10240x128xf32, #tpu.memory_space<vmem_shared>> -> memref<128x128xf32, #tpu.memory_space<vmem_shared>>
    %dma_wait3A_107 = arith.constant 0 : i32
    %dma_wait3A_108 = arith.constant 0 : i32
    %dma_wait3A_109 = tpu.memref_slice %arg7[%dma_wait3A, %dma_wait3A_107, %dma_wait3A_108] : memref<2x128x128xf32, #tpu.memory_space<vmem>> -> memref<1x128x128xf32, #tpu.memory_space<vmem>>
    %dma_wait3A_110 = tpu.memref_squeeze %dma_wait3A_109 : memref<1x128x128xf32, #tpu.memory_space<vmem>> -> memref<128x128xf32, #tpu.memory_space<vmem>>
    tpu.wait_dma2 semaphore(%dma_wait3A_104 : memref<!tpu.dma_semaphore, #tpu.memory_space<semaphore_mem>>) src(%dma_wait3A_110 : memref<128x128xf32, #tpu.memory_space<vmem>>) dst(%dma_wait3A_106 : memref<128x128xf32, #tpu.memory_space<vmem_shared>>)
    %dma_wait3A_111 = arith.constant 0 : i32
    %dma_wait3A_112 = arith.constant 0 : i32
    %dma_wait3A_113 = arith.constant 0 : i32
    %dma_wait3A_114 = arith.constant 0 : i32
    %dma_wait3A_115 = tpu.memref_slice %arg7[%dma_wait3A_111, %dma_wait3A_113, %dma_wait3A_114] : memref<2x128x128xf32, #tpu.memory_space<vmem>> -> memref<1x128x128xf32, #tpu.memory_space<vmem>>
    %dma_wait3A_116 = tpu.memref_squeeze %dma_wait3A_115 : memref<1x128x128xf32, #tpu.memory_space<vmem>> -> memref<128x128xf32, #tpu.memory_space<vmem>>
    %dma_wait3A_117 = arith.constant 0 : i32
    %dma_wait3A_118 = tpu.memref_slice %arg8[%add3A_25, %dma_wait3A_117] : memref<10240x128xf32, #tpu.memory_space<vmem_shared>> -> memref<128x128xf32, #tpu.memory_space<vmem_shared>>
    %dma_wait3A_119 = tpu.memref_slice %arg9[%dma_wait3A_112] : memref<2x!tpu.dma_semaphore, #tpu.memory_space<semaphore_mem>> -> memref<1x!tpu.dma_semaphore, #tpu.memory_space<semaphore_mem>>
    %dma_wait3A_120 = tpu.memref_squeeze %dma_wait3A_119 : memref<1x!tpu.dma_semaphore, #tpu.memory_space<semaphore_mem>> -> memref<!tpu.dma_semaphore, #tpu.memory_space<semaphore_mem>>
    %dma_wait3A_121 = arith.constant 0 : i32
    %dma_wait3A_122 = tpu.memref_slice %arg8[%add3A_25, %dma_wait3A_121] : memref<10240x128xf32, #tpu.memory_space<vmem_shared>> -> memref<128x128xf32, #tpu.memory_space<vmem_shared>>
    %dma_wait3A_123 = arith.constant 0 : i32
    %dma_wait3A_124 = arith.constant 0 : i32
    %dma_wait3A_125 = tpu.memref_slice %arg7[%dma_wait3A_111, %dma_wait3A_123, %dma_wait3A_124] : memref<2x128x128xf32, #tpu.memory_space<vmem>> -> memref<1x128x128xf32, #tpu.memory_space<vmem>>
    %dma_wait3A_126 = tpu.memref_squeeze %dma_wait3A_125 : memref<1x128x128xf32, #tpu.memory_space<vmem>> -> memref<128x128xf32, #tpu.memory_space<vmem>>
    tpu.wait_dma2 semaphore(%dma_wait3A_120 : memref<!tpu.dma_semaphore, #tpu.memory_space<semaphore_mem>>) src(%dma_wait3A_126 : memref<128x128xf32, #tpu.memory_space<vmem>>) dst(%dma_wait3A_122 : memref<128x128xf32, #tpu.memory_space<vmem_shared>>)
    %dma_wait3A_127 = arith.constant 0 : i32
    %dma_wait3A_128 = arith.constant 0 : i32
    %dma_wait3A_129 = arith.constant 0 : i32
    %dma_wait3A_130 = arith.constant 0 : i32
    %dma_wait3A_131 = tpu.memref_slice %arg7[%dma_wait3A_127, %dma_wait3A_129, %dma_wait3A_130] : memref<2x128x128xf32, #tpu.memory_space<vmem>> -> memref<1x128x128xf32, #tpu.memory_space<vmem>>
    %dma_wait3A_132 = tpu.memref_squeeze %dma_wait3A_131 : memref<1x128x128xf32, #tpu.memory_space<vmem>> -> memref<128x128xf32, #tpu.memory_space<vmem>>
    %dma_wait3A_133 = arith.constant 0 : i32
    %dma_wait3A_134 = tpu.memref_slice %arg8[%add3A_43, %dma_wait3A_133] : memref<10240x128xf32, #tpu.memory_space<vmem_shared>> -> memref<128x128xf32, #tpu.memory_space<vmem_shared>>
    %dma_wait3A_135 = tpu.memref_slice %arg9[%dma_wait3A_128] : memref<2x!tpu.dma_semaphore, #tpu.memory_space<semaphore_mem>> -> memref<1x!tpu.dma_semaphore, #tpu.memory_space<semaphore_mem>>
    %dma_wait3A_136 = tpu.memref_squeeze %dma_wait3A_135 : memref<1x!tpu.dma_semaphore, #tpu.memory_space<semaphore_mem>> -> memref<!tpu.dma_semaphore, #tpu.memory_space<semaphore_mem>>
    %dma_wait3A_137 = arith.constant 0 : i32
    %dma_wait3A_138 = tpu.memref_slice %arg8[%add3A_43, %dma_wait3A_137] : memref<10240x128xf32, #tpu.memory_space<vmem_shared>> -> memref<128x128xf32, #tpu.memory_space<vmem_shared>>
    %dma_wait3A_139 = arith.constant 0 : i32
    %dma_wait3A_140 = arith.constant 0 : i32
    %dma_wait3A_141 = tpu.memref_slice %arg7[%dma_wait3A_127, %dma_wait3A_139, %dma_wait3A_140] : memref<2x128x128xf32, #tpu.memory_space<vmem>> -> memref<1x128x128xf32, #tpu.memory_space<vmem>>
    %dma_wait3A_142 = tpu.memref_squeeze %dma_wait3A_141 : memref<1x128x128xf32, #tpu.memory_space<vmem>> -> memref<128x128xf32, #tpu.memory_space<vmem>>
    tpu.wait_dma2 semaphore(%dma_wait3A_136 : memref<!tpu.dma_semaphore, #tpu.memory_space<semaphore_mem>>) src(%dma_wait3A_142 : memref<128x128xf32, #tpu.memory_space<vmem>>) dst(%dma_wait3A_138 : memref<128x128xf32, #tpu.memory_space<vmem_shared>>)
    %dma_wait3A_143 = arith.constant 0 : i32
    %dma_wait3A_144 = arith.constant 0 : i32
    %dma_wait3A_145 = arith.constant 0 : i32
    %dma_wait3A_146 = arith.constant 0 : i32
    %dma_wait3A_147 = tpu.memref_slice %arg7[%dma_wait3A_143, %dma_wait3A_145, %dma_wait3A_146] : memref<2x128x128xf32, #tpu.memory_space<vmem>> -> memref<1x128x128xf32, #tpu.memory_space<vmem>>
    %dma_wait3A_148 = tpu.memref_squeeze %dma_wait3A_147 : memref<1x128x128xf32, #tpu.memory_space<vmem>> -> memref<128x128xf32, #tpu.memory_space<vmem>>
    %dma_wait3A_149 = arith.constant 0 : i32
    %dma_wait3A_150 = tpu.memref_slice %arg8[%add3A_61, %dma_wait3A_149] : memref<10240x128xf32, #tpu.memory_space<vmem_shared>> -> memref<128x128xf32, #tpu.memory_space<vmem_shared>>
    %dma_wait3A_151 = tpu.memref_slice %arg9[%dma_wait3A_144] : memref<2x!tpu.dma_semaphore, #tpu.memory_space<semaphore_mem>> -> memref<1x!tpu.dma_semaphore, #tpu.memory_space<semaphore_mem>>
    %dma_wait3A_152 = tpu.memref_squeeze %dma_wait3A_151 : memref<1x!tpu.dma_semaphore, #tpu.memory_space<semaphore_mem>> -> memref<!tpu.dma_semaphore, #tpu.memory_space<semaphore_mem>>
    %dma_wait3A_153 = arith.constant 0 : i32
    %dma_wait3A_154 = tpu.memref_slice %arg8[%add3A_61, %dma_wait3A_153] : memref<10240x128xf32, #tpu.memory_space<vmem_shared>> -> memref<128x128xf32, #tpu.memory_space<vmem_shared>>
    %dma_wait3A_155 = arith.constant 0 : i32
    %dma_wait3A_156 = arith.constant 0 : i32
    %dma_wait3A_157 = tpu.memref_slice %arg7[%dma_wait3A_143, %dma_wait3A_155, %dma_wait3A_156] : memref<2x128x128xf32, #tpu.memory_space<vmem>> -> memref<1x128x128xf32, #tpu.memory_space<vmem>>
    %dma_wait3A_158 = tpu.memref_squeeze %dma_wait3A_157 : memref<1x128x128xf32, #tpu.memory_space<vmem>> -> memref<128x128xf32, #tpu.memory_space<vmem>>
    tpu.wait_dma2 semaphore(%dma_wait3A_152 : memref<!tpu.dma_semaphore, #tpu.memory_space<semaphore_mem>>) src(%dma_wait3A_158 : memref<128x128xf32, #tpu.memory_space<vmem>>) dst(%dma_wait3A_154 : memref<128x128xf32, #tpu.memory_space<vmem_shared>>)
    %dma_wait3A_159 = arith.constant 0 : i32
    %dma_wait3A_160 = arith.constant 0 : i32
    %dma_wait3A_161 = arith.constant 0 : i32
    %dma_wait3A_162 = arith.constant 0 : i32
    %dma_wait3A_163 = tpu.memref_slice %arg7[%dma_wait3A_159, %dma_wait3A_161, %dma_wait3A_162] : memref<2x128x128xf32, #tpu.memory_space<vmem>> -> memref<1x128x128xf32, #tpu.memory_space<vmem>>
    %dma_wait3A_164 = tpu.memref_squeeze %dma_wait3A_163 : memref<1x128x128xf32, #tpu.memory_space<vmem>> -> memref<128x128xf32, #tpu.memory_space<vmem>>
    %dma_wait3A_165 = arith.constant 0 : i32
    %dma_wait3A_166 = tpu.memref_slice %arg8[%add3A_79, %dma_wait3A_165] : memref<10240x128xf32, #tpu.memory_space<vmem_shared>> -> memref<128x128xf32, #tpu.memory_space<vmem_shared>>
    %dma_wait3A_167 = tpu.memref_slice %arg9[%dma_wait3A_160] : memref<2x!tpu.dma_semaphore, #tpu.memory_space<semaphore_mem>> -> memref<1x!tpu.dma_semaphore, #tpu.memory_space<semaphore_mem>>
    %dma_wait3A_168 = tpu.memref_squeeze %dma_wait3A_167 : memref<1x!tpu.dma_semaphore, #tpu.memory_space<semaphore_mem>> -> memref<!tpu.dma_semaphore, #tpu.memory_space<semaphore_mem>>
    %dma_wait3A_169 = arith.constant 0 : i32
    %dma_wait3A_170 = tpu.memref_slice %arg8[%add3A_79, %dma_wait3A_169] : memref<10240x128xf32, #tpu.memory_space<vmem_shared>> -> memref<128x128xf32, #tpu.memory_space<vmem_shared>>
    %dma_wait3A_171 = arith.constant 0 : i32
    %dma_wait3A_172 = arith.constant 0 : i32
    %dma_wait3A_173 = tpu.memref_slice %arg7[%dma_wait3A_159, %dma_wait3A_171, %dma_wait3A_172] : memref<2x128x128xf32, #tpu.memory_space<vmem>> -> memref<1x128x128xf32, #tpu.memory_space<vmem>>
    %dma_wait3A_174 = tpu.memref_squeeze %dma_wait3A_173 : memref<1x128x128xf32, #tpu.memory_space<vmem>> -> memref<128x128xf32, #tpu.memory_space<vmem>>
    tpu.wait_dma2 semaphore(%dma_wait3A_168 : memref<!tpu.dma_semaphore, #tpu.memory_space<semaphore_mem>>) src(%dma_wait3A_174 : memref<128x128xf32, #tpu.memory_space<vmem>>) dst(%dma_wait3A_170 : memref<128x128xf32, #tpu.memory_space<vmem_shared>>)
    %barrier3A = arith.constant 0 : index
    tpu.barrier barrier_id(%barrier3A)
    %scan3A_175 = arith.constant 0 : i32
    %scan3A_176 = arith.constant 5 : i32
    %scan3A_177 = arith.addi %scan3A_175, %scan3A_176 : i32
    %scan3A_178 = arith.constant 1 : i32
    scf.for %scan3A_281 = %scan3A_175 to %scan3A_177 step %scan3A_178  : i32 {
      %mul3A_282 = arith.constant 1 : i32
      %mul3A_283 = arith.muli %scan3A_281, %mul3A_282 : i32
      %add3A_284 = arith.constant 0 : i32
      %add3A_285 = arith.addi %add3A_284, %mul3A_283 : i32
      %mul3A_286 = arith.constant 16 : i32
      %mul3A_287 = arith.muli %add3A_285, %mul3A_286 : i32
      %dma_start3A_288 = arith.constant 0 : i32
      %dma_start3A_289 = arith.constant 0 : i32
      %dma_start3A_290 = arith.constant 0 : i32
      %dma_start3A_291 = tpu.memref_slice %arg3[%dma_start3A_288, %add3A, %mul3A_287, %dma_start3A_290] : memref<2x32x80x125xi32, #tpu.memory_space<hbm>> -> memref<1x1x16x125xi32, #tpu.memory_space<hbm>>
      %dma_start3A_292 = tpu.memref_squeeze %dma_start3A_291 : memref<1x1x16x125xi32, #tpu.memory_space<hbm>> -> memref<16x125xi32, #tpu.memory_space<hbm>>
      %dma_start3A_293 = tpu.memref_slice %arg9[%dma_start3A_289] : memref<2x!tpu.dma_semaphore, #tpu.memory_space<semaphore_mem>> -> memref<1x!tpu.dma_semaphore, #tpu.memory_space<semaphore_mem>>
      %dma_start3A_294 = tpu.memref_squeeze %dma_start3A_293 : memref<1x!tpu.dma_semaphore, #tpu.memory_space<semaphore_mem>> -> memref<!tpu.dma_semaphore, #tpu.memory_space<semaphore_mem>>
      %dma_start3A_295 = arith.constant 0 : i32
      %dma_start3A_296 = tpu.memref_slice %arg3[%dma_start3A_288, %add3A, %mul3A_287, %dma_start3A_295] : memref<2x32x80x125xi32, #tpu.memory_space<hbm>> -> memref<1x1x16x125xi32, #tpu.memory_space<hbm>>
      %dma_start3A_297 = tpu.memref_squeeze %dma_start3A_296 : memref<1x1x16x125xi32, #tpu.memory_space<hbm>> -> memref<16x125xi32, #tpu.memory_space<hbm>>
      tpu.enqueue_dma source(%dma_start3A_297 : memref<16x125xi32, #tpu.memory_space<hbm>>) target(%arg5 : memref<16x125xi32, #tpu.memory_space<vmem>>) target_semaphore(%dma_start3A_294 : memref<!tpu.dma_semaphore, #tpu.memory_space<semaphore_mem>>)
      %mul3A_298 = arith.constant 16 : i32
      %mul3A_299 = arith.muli %add3A_285, %mul3A_298 : i32
      %dma_start3A_300 = arith.constant 1 : i32
      %dma_start3A_301 = arith.constant 1 : i32
      %dma_start3A_302 = arith.constant 0 : i32
      %dma_start3A_303 = tpu.memref_slice %arg3[%dma_start3A_300, %add3A, %mul3A_299, %dma_start3A_302] : memref<2x32x80x125xi32, #tpu.memory_space<hbm>> -> memref<1x1x16x125xi32, #tpu.memory_space<hbm>>
      %dma_start3A_304 = tpu.memref_squeeze %dma_start3A_303 : memref<1x1x16x125xi32, #tpu.memory_space<hbm>> -> memref<16x125xi32, #tpu.memory_space<hbm>>
      %dma_start3A_305 = tpu.memref_slice %arg9[%dma_start3A_301] : memref<2x!tpu.dma_semaphore, #tpu.memory_space<semaphore_mem>> -> memref<1x!tpu.dma_semaphore, #tpu.memory_space<semaphore_mem>>
      %dma_start3A_306 = tpu.memref_squeeze %dma_start3A_305 : memref<1x!tpu.dma_semaphore, #tpu.memory_space<semaphore_mem>> -> memref<!tpu.dma_semaphore, #tpu.memory_space<semaphore_mem>>
      %dma_start3A_307 = arith.constant 0 : i32
      %dma_start3A_308 = tpu.memref_slice %arg3[%dma_start3A_300, %add3A, %mul3A_299, %dma_start3A_307] : memref<2x32x80x125xi32, #tpu.memory_space<hbm>> -> memref<1x1x16x125xi32, #tpu.memory_space<hbm>>
      %dma_start3A_309 = tpu.memref_squeeze %dma_start3A_308 : memref<1x1x16x125xi32, #tpu.memory_space<hbm>> -> memref<16x125xi32, #tpu.memory_space<hbm>>
      tpu.enqueue_dma source(%dma_start3A_309 : memref<16x125xi32, #tpu.memory_space<hbm>>) target(%arg6 : memref<16x125xi32, #tpu.memory_space<vmem>>) target_semaphore(%dma_start3A_306 : memref<!tpu.dma_semaphore, #tpu.memory_space<semaphore_mem>>)
      %dma_wait3A_310 = arith.constant 0 : i32
      %dma_wait3A_311 = arith.constant 0 : i32
      %dma_wait3A_312 = arith.constant 0 : i32
      %dma_wait3A_313 = tpu.memref_slice %arg3[%dma_wait3A_310, %add3A, %mul3A_287, %dma_wait3A_312] : memref<2x32x80x125xi32, #tpu.memory_space<hbm>> -> memref<1x1x16x125xi32, #tpu.memory_space<hbm>>
      %dma_wait3A_314 = tpu.memref_squeeze %dma_wait3A_313 : memref<1x1x16x125xi32, #tpu.memory_space<hbm>> -> memref<16x125xi32, #tpu.memory_space<hbm>>
      %dma_wait3A_315 = tpu.memref_slice %arg9[%dma_wait3A_311] : memref<2x!tpu.dma_semaphore, #tpu.memory_space<semaphore_mem>> -> memref<1x!tpu.dma_semaphore, #tpu.memory_space<semaphore_mem>>
      %dma_wait3A_316 = tpu.memref_squeeze %dma_wait3A_315 : memref<1x!tpu.dma_semaphore, #tpu.memory_space<semaphore_mem>> -> memref<!tpu.dma_semaphore, #tpu.memory_space<semaphore_mem>>
      %dma_wait3A_317 = arith.constant 0 : i32
      %dma_wait3A_318 = tpu.memref_slice %arg3[%dma_wait3A_310, %add3A, %mul3A_287, %dma_wait3A_317] : memref<2x32x80x125xi32, #tpu.memory_space<hbm>> -> memref<1x1x16x125xi32, #tpu.memory_space<hbm>>
      %dma_wait3A_319 = tpu.memref_squeeze %dma_wait3A_318 : memref<1x1x16x125xi32, #tpu.memory_space<hbm>> -> memref<16x125xi32, #tpu.memory_space<hbm>>
      tpu.wait_dma2 semaphore(%dma_wait3A_316 : memref<!tpu.dma_semaphore, #tpu.memory_space<semaphore_mem>>) src(%dma_wait3A_319 : memref<16x125xi32, #tpu.memory_space<hbm>>) dst(%arg5 : memref<16x125xi32, #tpu.memory_space<vmem>>)
      %dma_wait3A_320 = arith.constant 1 : i32
      %dma_wait3A_321 = arith.constant 1 : i32
      %dma_wait3A_322 = arith.constant 0 : i32
      %dma_wait3A_323 = tpu.memref_slice %arg3[%dma_wait3A_320, %add3A, %mul3A_299, %dma_wait3A_322] : memref<2x32x80x125xi32, #tpu.memory_space<hbm>> -> memref<1x1x16x125xi32, #tpu.memory_space<hbm>>
      %dma_wait3A_324 = tpu.memref_squeeze %dma_wait3A_323 : memref<1x1x16x125xi32, #tpu.memory_space<hbm>> -> memref<16x125xi32, #tpu.memory_space<hbm>>
      %dma_wait3A_325 = tpu.memref_slice %arg9[%dma_wait3A_321] : memref<2x!tpu.dma_semaphore, #tpu.memory_space<semaphore_mem>> -> memref<1x!tpu.dma_semaphore, #tpu.memory_space<semaphore_mem>>
      %dma_wait3A_326 = tpu.memref_squeeze %dma_wait3A_325 : memref<1x!tpu.dma_semaphore, #tpu.memory_space<semaphore_mem>> -> memref<!tpu.dma_semaphore, #tpu.memory_space<semaphore_mem>>
      %dma_wait3A_327 = arith.constant 0 : i32
      %dma_wait3A_328 = tpu.memref_slice %arg3[%dma_wait3A_320, %add3A, %mul3A_299, %dma_wait3A_327] : memref<2x32x80x125xi32, #tpu.memory_space<hbm>> -> memref<1x1x16x125xi32, #tpu.memory_space<hbm>>
      %dma_wait3A_329 = tpu.memref_squeeze %dma_wait3A_328 : memref<1x1x16x125xi32, #tpu.memory_space<hbm>> -> memref<16x125xi32, #tpu.memory_space<hbm>>
      tpu.wait_dma2 semaphore(%dma_wait3A_326 : memref<!tpu.dma_semaphore, #tpu.memory_space<semaphore_mem>>) src(%dma_wait3A_329 : memref<16x125xi32, #tpu.memory_space<hbm>>) dst(%arg6 : memref<16x125xi32, #tpu.memory_space<vmem>>)
      %scan3A_330 = arith.constant 0 : i32
      %scan3A_331 = arith.constant 8 : i32
      %scan3A_332 = arith.addi %scan3A_330, %scan3A_331 : i32
      %scan3A_333 = arith.constant 1 : i32
      scf.for %scan3A_365 = %scan3A_330 to %scan3A_332 step %scan3A_333  : i32 {
        %mul3A_366 = arith.constant 1 : i32
        %mul3A_367 = arith.muli %scan3A_365, %mul3A_366 : i32
        %add3A_368 = arith.constant 0 : i32
        %add3A_369 = arith.addi %add3A_368, %mul3A_367 : i32
        %mul3A_370 = arith.constant 2 : i32
        %mul3A_371 = arith.muli %add3A_369, %mul3A_370 : i32
        %gt3A = arith.constant 0 : i32
        %gt3A_372 = arith.cmpi sgt, %add3A_369, %gt3A : i32
        %convert_element_type3A = arith.extui %gt3A_372 : i1 to i32
        %cond3A = arith.constant 0 : i32
        %cond3A_373 = arith.cmpi ne, %convert_element_type3A, %cond3A : i32
        scf.if %cond3A_373 {
          %add3A_471 = arith.constant 0 : i32
          %add3A_472 = arith.addi %mul3A_371, %add3A_471 : i32
          %dma_wait3A_473 = arith.constant 0 : i32
          %dma_wait3A_474 = arith.constant 0 : i32
          %dma_wait3A_475 = arith.constant 0 : i32
          %dma_wait3A_476 = arith.constant 0 : i32
          %dma_wait3A_477 = tpu.memref_slice %arg7[%dma_wait3A_473, %dma_wait3A_475, %dma_wait3A_476] : memref<2x128x128xf32, #tpu.memory_space<vmem>> -> memref<1x125x128xf32, #tpu.memory_space<vmem>>
          %dma_wait3A_478 = tpu.memref_squeeze %dma_wait3A_477 : memref<1x125x128xf32, #tpu.memory_space<vmem>> -> memref<125x128xf32, #tpu.memory_space<vmem>>
          %dma_wait3A_479 = arith.constant 0 : i32
          %dma_wait3A_480 = tpu.memref_slice %arg6[%add3A_472, %dma_wait3A_479] : memref<16x125xi32, #tpu.memory_space<vmem>> -> memref<1x125xi32, #tpu.memory_space<vmem>>
          %dma_wait3A_481 = tpu.memref_squeeze %dma_wait3A_480 : memref<1x125xi32, #tpu.memory_space<vmem>> -> memref<125xi32, #tpu.memory_space<vmem>>
          %dma_wait3A_482 = arith.constant 0 : i32
          %dma_wait3A_483 = arith.constant 0 : i32
          %dma_wait3A_484 = tpu.memref_slice %arg8[%dma_wait3A_482, %dma_wait3A_483] : memref<10240x128xf32, #tpu.memory_space<vmem_shared>> -> memref<10240x128xf32, #tpu.memory_space<vmem_shared>>
          %dma_wait3A_485 = tpu.memref_slice %arg10[%dma_wait3A_474] : memref<2x!tpu.dma_semaphore, #tpu.memory_space<semaphore_mem>> -> memref<1x!tpu.dma_semaphore, #tpu.memory_space<semaphore_mem>>
          %dma_wait3A_486 = tpu.memref_squeeze %dma_wait3A_485 : memref<1x!tpu.dma_semaphore, #tpu.memory_space<semaphore_mem>> -> memref<!tpu.dma_semaphore, #tpu.memory_space<semaphore_mem>>
          tpu.wait_indirect_dma semaphore(%dma_wait3A_486 : memref<!tpu.dma_semaphore, #tpu.memory_space<semaphore_mem>>) src(%dma_wait3A_478 : memref<125x128xf32, #tpu.memory_space<vmem>>) dst(%dma_wait3A_484 : memref<10240x128xf32, #tpu.memory_space<vmem_shared>>)
        } else {
        }
        %add3A_374 = arith.constant 0 : i32
        %add3A_375 = arith.addi %mul3A_371, %add3A_374 : i32
        %dma_start3A_376 = arith.constant 0 : i32
        %dma_start3A_377 = arith.constant 0 : i32
        %dma_start3A_378 = arith.constant 0 : i32
        %dma_start3A_379 = arith.constant 0 : i32
        %dma_start3A_380 = tpu.memref_slice %arg7[%dma_start3A_376, %dma_start3A_378, %dma_start3A_379] : memref<2x128x128xf32, #tpu.memory_space<vmem>> -> memref<1x125x128xf32, #tpu.memory_space<vmem>>
        %dma_start3A_381 = tpu.memref_squeeze %dma_start3A_380 : memref<1x125x128xf32, #tpu.memory_space<vmem>> -> memref<125x128xf32, #tpu.memory_space<vmem>>
        %dma_start3A_382 = arith.constant 0 : i32
        %dma_start3A_383 = tpu.memref_slice %arg5[%add3A_375, %dma_start3A_382] : memref<16x125xi32, #tpu.memory_space<vmem>> -> memref<1x125xi32, #tpu.memory_space<vmem>>
        %dma_start3A_384 = tpu.memref_squeeze %dma_start3A_383 : memref<1x125xi32, #tpu.memory_space<vmem>> -> memref<125xi32, #tpu.memory_space<vmem>>
        %dma_start3A_385 = arith.constant 0 : i32
        %dma_start3A_386 = arith.constant 0 : i32
        %dma_start3A_387 = tpu.memref_slice %arg2[%dma_start3A_385, %dma_start3A_386] : memref<10240x128xf32, #tpu.memory_space<hbm>> -> memref<10240x128xf32, #tpu.memory_space<hbm>>
        %dma_start3A_388 = tpu.memref_slice %arg9[%dma_start3A_377] : memref<2x!tpu.dma_semaphore, #tpu.memory_space<semaphore_mem>> -> memref<1x!tpu.dma_semaphore, #tpu.memory_space<semaphore_mem>>
        %dma_start3A_389 = tpu.memref_squeeze %dma_start3A_388 : memref<1x!tpu.dma_semaphore, #tpu.memory_space<semaphore_mem>> -> memref<!tpu.dma_semaphore, #tpu.memory_space<semaphore_mem>>
        tpu.enqueue_indirect_dma source(%dma_start3A_387 : memref<10240x128xf32, #tpu.memory_space<hbm>>) target(%dma_start3A_381 : memref<125x128xf32, #tpu.memory_space<vmem>>) offsets(%dma_start3A_384 : memref<125xi32, #tpu.memory_space<vmem>>) semaphore(%dma_start3A_389 : memref<!tpu.dma_semaphore, #tpu.memory_space<semaphore_mem>>)
        %gt3A_390 = arith.constant 0 : i32
        %gt3A_391 = arith.cmpi sgt, %add3A_369, %gt3A_390 : i32
        %convert_element_type3A_392 = arith.extui %gt3A_391 : i1 to i32
        %cond3A_393 = arith.constant 0 : i32
        %cond3A_394 = arith.cmpi ne, %convert_element_type3A_392, %cond3A_393 : i32
        scf.if %cond3A_394 {
          %add3A_471 = arith.constant 1 : i32
          %add3A_472 = arith.addi %mul3A_371, %add3A_471 : i32
          %dma_wait3A_473 = arith.constant 1 : i32
          %dma_wait3A_474 = arith.constant 1 : i32
          %dma_wait3A_475 = arith.constant 0 : i32
          %dma_wait3A_476 = arith.constant 0 : i32
          %dma_wait3A_477 = tpu.memref_slice %arg7[%dma_wait3A_473, %dma_wait3A_475, %dma_wait3A_476] : memref<2x128x128xf32, #tpu.memory_space<vmem>> -> memref<1x125x128xf32, #tpu.memory_space<vmem>>
          %dma_wait3A_478 = tpu.memref_squeeze %dma_wait3A_477 : memref<1x125x128xf32, #tpu.memory_space<vmem>> -> memref<125x128xf32, #tpu.memory_space<vmem>>
          %dma_wait3A_479 = arith.constant 0 : i32
          %dma_wait3A_480 = tpu.memref_slice %arg6[%add3A_472, %dma_wait3A_479] : memref<16x125xi32, #tpu.memory_space<vmem>> -> memref<1x125xi32, #tpu.memory_space<vmem>>
          %dma_wait3A_481 = tpu.memref_squeeze %dma_wait3A_480 : memref<1x125xi32, #tpu.memory_space<vmem>> -> memref<125xi32, #tpu.memory_space<vmem>>
          %dma_wait3A_482 = arith.constant 0 : i32
          %dma_wait3A_483 = arith.constant 0 : i32
          %dma_wait3A_484 = tpu.memref_slice %arg8[%dma_wait3A_482, %dma_wait3A_483] : memref<10240x128xf32, #tpu.memory_space<vmem_shared>> -> memref<10240x128xf32, #tpu.memory_space<vmem_shared>>
          %dma_wait3A_485 = tpu.memref_slice %arg10[%dma_wait3A_474] : memref<2x!tpu.dma_semaphore, #tpu.memory_space<semaphore_mem>> -> memref<1x!tpu.dma_semaphore, #tpu.memory_space<semaphore_mem>>
          %dma_wait3A_486 = tpu.memref_squeeze %dma_wait3A_485 : memref<1x!tpu.dma_semaphore, #tpu.memory_space<semaphore_mem>> -> memref<!tpu.dma_semaphore, #tpu.memory_space<semaphore_mem>>
          tpu.wait_indirect_dma semaphore(%dma_wait3A_486 : memref<!tpu.dma_semaphore, #tpu.memory_space<semaphore_mem>>) src(%dma_wait3A_478 : memref<125x128xf32, #tpu.memory_space<vmem>>) dst(%dma_wait3A_484 : memref<10240x128xf32, #tpu.memory_space<vmem_shared>>)
        } else {
        }
        %add3A_395 = arith.constant 1 : i32
        %add3A_396 = arith.addi %mul3A_371, %add3A_395 : i32
        %dma_start3A_397 = arith.constant 1 : i32
        %dma_start3A_398 = arith.constant 1 : i32
        %dma_start3A_399 = arith.constant 0 : i32
        %dma_start3A_400 = arith.constant 0 : i32
        %dma_start3A_401 = tpu.memref_slice %arg7[%dma_start3A_397, %dma_start3A_399, %dma_start3A_400] : memref<2x128x128xf32, #tpu.memory_space<vmem>> -> memref<1x125x128xf32, #tpu.memory_space<vmem>>
        %dma_start3A_402 = tpu.memref_squeeze %dma_start3A_401 : memref<1x125x128xf32, #tpu.memory_space<vmem>> -> memref<125x128xf32, #tpu.memory_space<vmem>>
        %dma_start3A_403 = arith.constant 0 : i32
        %dma_start3A_404 = tpu.memref_slice %arg5[%add3A_396, %dma_start3A_403] : memref<16x125xi32, #tpu.memory_space<vmem>> -> memref<1x125xi32, #tpu.memory_space<vmem>>
        %dma_start3A_405 = tpu.memref_squeeze %dma_start3A_404 : memref<1x125xi32, #tpu.memory_space<vmem>> -> memref<125xi32, #tpu.memory_space<vmem>>
        %dma_start3A_406 = arith.constant 0 : i32
        %dma_start3A_407 = arith.constant 0 : i32
        %dma_start3A_408 = tpu.memref_slice %arg2[%dma_start3A_406, %dma_start3A_407] : memref<10240x128xf32, #tpu.memory_space<hbm>> -> memref<10240x128xf32, #tpu.memory_space<hbm>>
        %dma_start3A_409 = tpu.memref_slice %arg9[%dma_start3A_398] : memref<2x!tpu.dma_semaphore, #tpu.memory_space<semaphore_mem>> -> memref<1x!tpu.dma_semaphore, #tpu.memory_space<semaphore_mem>>
        %dma_start3A_410 = tpu.memref_squeeze %dma_start3A_409 : memref<1x!tpu.dma_semaphore, #tpu.memory_space<semaphore_mem>> -> memref<!tpu.dma_semaphore, #tpu.memory_space<semaphore_mem>>
        tpu.enqueue_indirect_dma source(%dma_start3A_408 : memref<10240x128xf32, #tpu.memory_space<hbm>>) target(%dma_start3A_402 : memref<125x128xf32, #tpu.memory_space<vmem>>) offsets(%dma_start3A_405 : memref<125xi32, #tpu.memory_space<vmem>>) semaphore(%dma_start3A_410 : memref<!tpu.dma_semaphore, #tpu.memory_space<semaphore_mem>>)
        %dma_wait3A_411 = arith.constant 0 : i32
        %dma_wait3A_412 = arith.constant 0 : i32
        %dma_wait3A_413 = arith.constant 0 : i32
        %dma_wait3A_414 = arith.constant 0 : i32
        %dma_wait3A_415 = tpu.memref_slice %arg7[%dma_wait3A_411, %dma_wait3A_413, %dma_wait3A_414] : memref<2x128x128xf32, #tpu.memory_space<vmem>> -> memref<1x125x128xf32, #tpu.memory_space<vmem>>
        %dma_wait3A_416 = tpu.memref_squeeze %dma_wait3A_415 : memref<1x125x128xf32, #tpu.memory_space<vmem>> -> memref<125x128xf32, #tpu.memory_space<vmem>>
        %dma_wait3A_417 = arith.constant 0 : i32
        %dma_wait3A_418 = tpu.memref_slice %arg5[%add3A_375, %dma_wait3A_417] : memref<16x125xi32, #tpu.memory_space<vmem>> -> memref<1x125xi32, #tpu.memory_space<vmem>>
        %dma_wait3A_419 = tpu.memref_squeeze %dma_wait3A_418 : memref<1x125xi32, #tpu.memory_space<vmem>> -> memref<125xi32, #tpu.memory_space<vmem>>
        %dma_wait3A_420 = arith.constant 0 : i32
        %dma_wait3A_421 = arith.constant 0 : i32
        %dma_wait3A_422 = tpu.memref_slice %arg2[%dma_wait3A_420, %dma_wait3A_421] : memref<10240x128xf32, #tpu.memory_space<hbm>> -> memref<10240x128xf32, #tpu.memory_space<hbm>>
        %dma_wait3A_423 = tpu.memref_slice %arg9[%dma_wait3A_412] : memref<2x!tpu.dma_semaphore, #tpu.memory_space<semaphore_mem>> -> memref<1x!tpu.dma_semaphore, #tpu.memory_space<semaphore_mem>>
        %dma_wait3A_424 = tpu.memref_squeeze %dma_wait3A_423 : memref<1x!tpu.dma_semaphore, #tpu.memory_space<semaphore_mem>> -> memref<!tpu.dma_semaphore, #tpu.memory_space<semaphore_mem>>
        tpu.wait_indirect_dma semaphore(%dma_wait3A_424 : memref<!tpu.dma_semaphore, #tpu.memory_space<semaphore_mem>>) src(%dma_wait3A_422 : memref<10240x128xf32, #tpu.memory_space<hbm>>) dst(%dma_wait3A_416 : memref<125x128xf32, #tpu.memory_space<vmem>>)
        %add3A_425 = arith.constant 0 : i32
        %add3A_426 = arith.addi %mul3A_371, %add3A_425 : i32
        %dma_start3A_427 = arith.constant 0 : i32
        %dma_start3A_428 = arith.constant 0 : i32
        %dma_start3A_429 = arith.constant 0 : i32
        %dma_start3A_430 = arith.constant 0 : i32
        %dma_start3A_431 = tpu.memref_slice %arg7[%dma_start3A_427, %dma_start3A_429, %dma_start3A_430] : memref<2x128x128xf32, #tpu.memory_space<vmem>> -> memref<1x125x128xf32, #tpu.memory_space<vmem>>
        %dma_start3A_432 = tpu.memref_squeeze %dma_start3A_431 : memref<1x125x128xf32, #tpu.memory_space<vmem>> -> memref<125x128xf32, #tpu.memory_space<vmem>>
        %dma_start3A_433 = arith.constant 0 : i32
        %dma_start3A_434 = tpu.memref_slice %arg6[%add3A_426, %dma_start3A_433] : memref<16x125xi32, #tpu.memory_space<vmem>> -> memref<1x125xi32, #tpu.memory_space<vmem>>
        %dma_start3A_435 = tpu.memref_squeeze %dma_start3A_434 : memref<1x125xi32, #tpu.memory_space<vmem>> -> memref<125xi32, #tpu.memory_space<vmem>>
        %dma_start3A_436 = arith.constant 0 : i32
        %dma_start3A_437 = arith.constant 0 : i32
        %dma_start3A_438 = tpu.memref_slice %arg8[%dma_start3A_436, %dma_start3A_437] : memref<10240x128xf32, #tpu.memory_space<vmem_shared>> -> memref<10240x128xf32, #tpu.memory_space<vmem_shared>>
        %dma_start3A_439 = tpu.memref_slice %arg10[%dma_start3A_428] : memref<2x!tpu.dma_semaphore, #tpu.memory_space<semaphore_mem>> -> memref<1x!tpu.dma_semaphore, #tpu.memory_space<semaphore_mem>>
        %dma_start3A_440 = tpu.memref_squeeze %dma_start3A_439 : memref<1x!tpu.dma_semaphore, #tpu.memory_space<semaphore_mem>> -> memref<!tpu.dma_semaphore, #tpu.memory_space<semaphore_mem>>
        tpu.enqueue_indirect_dma source(%dma_start3A_432 : memref<125x128xf32, #tpu.memory_space<vmem>>) target(%dma_start3A_438 : memref<10240x128xf32, #tpu.memory_space<vmem_shared>>) offsets(%dma_start3A_435 : memref<125xi32, #tpu.memory_space<vmem>>) semaphore(%dma_start3A_440 : memref<!tpu.dma_semaphore, #tpu.memory_space<semaphore_mem>>) {add = true}
        %dma_wait3A_441 = arith.constant 1 : i32
        %dma_wait3A_442 = arith.constant 1 : i32
        %dma_wait3A_443 = arith.constant 0 : i32
        %dma_wait3A_444 = arith.constant 0 : i32
        %dma_wait3A_445 = tpu.memref_slice %arg7[%dma_wait3A_441, %dma_wait3A_443, %dma_wait3A_444] : memref<2x128x128xf32, #tpu.memory_space<vmem>> -> memref<1x125x128xf32, #tpu.memory_space<vmem>>
        %dma_wait3A_446 = tpu.memref_squeeze %dma_wait3A_445 : memref<1x125x128xf32, #tpu.memory_space<vmem>> -> memref<125x128xf32, #tpu.memory_space<vmem>>
        %dma_wait3A_447 = arith.constant 0 : i32
        %dma_wait3A_448 = tpu.memref_slice %arg5[%add3A_396, %dma_wait3A_447] : memref<16x125xi32, #tpu.memory_space<vmem>> -> memref<1x125xi32, #tpu.memory_space<vmem>>
        %dma_wait3A_449 = tpu.memref_squeeze %dma_wait3A_448 : memref<1x125xi32, #tpu.memory_space<vmem>> -> memref<125xi32, #tpu.memory_space<vmem>>
        %dma_wait3A_450 = arith.constant 0 : i32
        %dma_wait3A_451 = arith.constant 0 : i32
        %dma_wait3A_452 = tpu.memref_slice %arg2[%dma_wait3A_450, %dma_wait3A_451] : memref<10240x128xf32, #tpu.memory_space<hbm>> -> memref<10240x128xf32, #tpu.memory_space<hbm>>
        %dma_wait3A_453 = tpu.memref_slice %arg9[%dma_wait3A_442] : memref<2x!tpu.dma_semaphore, #tpu.memory_space<semaphore_mem>> -> memref<1x!tpu.dma_semaphore, #tpu.memory_space<semaphore_mem>>
        %dma_wait3A_454 = tpu.memref_squeeze %dma_wait3A_453 : memref<1x!tpu.dma_semaphore, #tpu.memory_space<semaphore_mem>> -> memref<!tpu.dma_semaphore, #tpu.memory_space<semaphore_mem>>
        tpu.wait_indirect_dma semaphore(%dma_wait3A_454 : memref<!tpu.dma_semaphore, #tpu.memory_space<semaphore_mem>>) src(%dma_wait3A_452 : memref<10240x128xf32, #tpu.memory_space<hbm>>) dst(%dma_wait3A_446 : memref<125x128xf32, #tpu.memory_space<vmem>>)
        %add3A_455 = arith.constant 1 : i32
        %add3A_456 = arith.addi %mul3A_371, %add3A_455 : i32
        %dma_start3A_457 = arith.constant 1 : i32
        %dma_start3A_458 = arith.constant 1 : i32
        %dma_start3A_459 = arith.constant 0 : i32
        %dma_start3A_460 = arith.constant 0 : i32
        %dma_start3A_461 = tpu.memref_slice %arg7[%dma_start3A_457, %dma_start3A_459, %dma_start3A_460] : memref<2x128x128xf32, #tpu.memory_space<vmem>> -> memref<1x125x128xf32, #tpu.memory_space<vmem>>
        %dma_start3A_462 = tpu.memref_squeeze %dma_start3A_461 : memref<1x125x128xf32, #tpu.memory_space<vmem>> -> memref<125x128xf32, #tpu.memory_space<vmem>>
        %dma_start3A_463 = arith.constant 0 : i32
        %dma_start3A_464 = tpu.memref_slice %arg6[%add3A_456, %dma_start3A_463] : memref<16x125xi32, #tpu.memory_space<vmem>> -> memref<1x125xi32, #tpu.memory_space<vmem>>
        %dma_start3A_465 = tpu.memref_squeeze %dma_start3A_464 : memref<1x125xi32, #tpu.memory_space<vmem>> -> memref<125xi32, #tpu.memory_space<vmem>>
        %dma_start3A_466 = arith.constant 0 : i32
        %dma_start3A_467 = arith.constant 0 : i32
        %dma_start3A_468 = tpu.memref_slice %arg8[%dma_start3A_466, %dma_start3A_467] : memref<10240x128xf32, #tpu.memory_space<vmem_shared>> -> memref<10240x128xf32, #tpu.memory_space<vmem_shared>>
        %dma_start3A_469 = tpu.memref_slice %arg10[%dma_start3A_458] : memref<2x!tpu.dma_semaphore, #tpu.memory_space<semaphore_mem>> -> memref<1x!tpu.dma_semaphore, #tpu.memory_space<semaphore_mem>>
        %dma_start3A_470 = tpu.memref_squeeze %dma_start3A_469 : memref<1x!tpu.dma_semaphore, #tpu.memory_space<semaphore_mem>> -> memref<!tpu.dma_semaphore, #tpu.memory_space<semaphore_mem>>
        tpu.enqueue_indirect_dma source(%dma_start3A_462 : memref<125x128xf32, #tpu.memory_space<vmem>>) target(%dma_start3A_468 : memref<10240x128xf32, #tpu.memory_space<vmem_shared>>) offsets(%dma_start3A_465 : memref<125xi32, #tpu.memory_space<vmem>>) semaphore(%dma_start3A_470 : memref<!tpu.dma_semaphore, #tpu.memory_space<semaphore_mem>>) {add = true}
      }
      %scan3A_334 = arith.constant 8 : i32
      %dma_wait3A_335 = arith.constant 0 : i32
      %dma_wait3A_336 = arith.constant 0 : i32
      %dma_wait3A_337 = arith.constant 0 : i32
      %dma_wait3A_338 = arith.constant 0 : i32
      %dma_wait3A_339 = arith.constant 0 : i32
      %dma_wait3A_340 = tpu.memref_slice %arg7[%dma_wait3A_335, %dma_wait3A_338, %dma_wait3A_339] : memref<2x128x128xf32, #tpu.memory_space<vmem>> -> memref<1x125x128xf32, #tpu.memory_space<vmem>>
      %dma_wait3A_341 = tpu.memref_squeeze %dma_wait3A_340 : memref<1x125x128xf32, #tpu.memory_space<vmem>> -> memref<125x128xf32, #tpu.memory_space<vmem>>
      %dma_wait3A_342 = arith.constant 0 : i32
      %dma_wait3A_343 = tpu.memref_slice %arg6[%dma_wait3A_336, %dma_wait3A_342] : memref<16x125xi32, #tpu.memory_space<vmem>> -> memref<1x125xi32, #tpu.memory_space<vmem>>
      %dma_wait3A_344 = tpu.memref_squeeze %dma_wait3A_343 : memref<1x125xi32, #tpu.memory_space<vmem>> -> memref<125xi32, #tpu.memory_space<vmem>>
      %dma_wait3A_345 = arith.constant 0 : i32
      %dma_wait3A_346 = arith.constant 0 : i32
      %dma_wait3A_347 = tpu.memref_slice %arg8[%dma_wait3A_345, %dma_wait3A_346] : memref<10240x128xf32, #tpu.memory_space<vmem_shared>> -> memref<10240x128xf32, #tpu.memory_space<vmem_shared>>
      %dma_wait3A_348 = tpu.memref_slice %arg10[%dma_wait3A_337] : memref<2x!tpu.dma_semaphore, #tpu.memory_space<semaphore_mem>> -> memref<1x!tpu.dma_semaphore, #tpu.memory_space<semaphore_mem>>
      %dma_wait3A_349 = tpu.memref_squeeze %dma_wait3A_348 : memref<1x!tpu.dma_semaphore, #tpu.memory_space<semaphore_mem>> -> memref<!tpu.dma_semaphore, #tpu.memory_space<semaphore_mem>>
      tpu.wait_indirect_dma semaphore(%dma_wait3A_349 : memref<!tpu.dma_semaphore, #tpu.memory_space<semaphore_mem>>) src(%dma_wait3A_341 : memref<125x128xf32, #tpu.memory_space<vmem>>) dst(%dma_wait3A_347 : memref<10240x128xf32, #tpu.memory_space<vmem_shared>>)
      %dma_wait3A_350 = arith.constant 1 : i32
      %dma_wait3A_351 = arith.constant 1 : i32
      %dma_wait3A_352 = arith.constant 1 : i32
      %dma_wait3A_353 = arith.constant 0 : i32
      %dma_wait3A_354 = arith.constant 0 : i32
      %dma_wait3A_355 = tpu.memref_slice %arg7[%dma_wait3A_350, %dma_wait3A_353, %dma_wait3A_354] : memref<2x128x128xf32, #tpu.memory_space<vmem>> -> memref<1x125x128xf32, #tpu.memory_space<vmem>>
      %dma_wait3A_356 = tpu.memref_squeeze %dma_wait3A_355 : memref<1x125x128xf32, #tpu.memory_space<vmem>> -> memref<125x128xf32, #tpu.memory_space<vmem>>
      %dma_wait3A_357 = arith.constant 0 : i32
      %dma_wait3A_358 = tpu.memref_slice %arg6[%dma_wait3A_351, %dma_wait3A_357] : memref<16x125xi32, #tpu.memory_space<vmem>> -> memref<1x125xi32, #tpu.memory_space<vmem>>
      %dma_wait3A_359 = tpu.memref_squeeze %dma_wait3A_358 : memref<1x125xi32, #tpu.memory_space<vmem>> -> memref<125xi32, #tpu.memory_space<vmem>>
      %dma_wait3A_360 = arith.constant 0 : i32
      %dma_wait3A_361 = arith.constant 0 : i32
      %dma_wait3A_362 = tpu.memref_slice %arg8[%dma_wait3A_360, %dma_wait3A_361] : memref<10240x128xf32, #tpu.memory_space<vmem_shared>> -> memref<10240x128xf32, #tpu.memory_space<vmem_shared>>
      %dma_wait3A_363 = tpu.memref_slice %arg10[%dma_wait3A_352] : memref<2x!tpu.dma_semaphore, #tpu.memory_space<semaphore_mem>> -> memref<1x!tpu.dma_semaphore, #tpu.memory_space<semaphore_mem>>
      %dma_wait3A_364 = tpu.memref_squeeze %dma_wait3A_363 : memref<1x!tpu.dma_semaphore, #tpu.memory_space<semaphore_mem>> -> memref<!tpu.dma_semaphore, #tpu.memory_space<semaphore_mem>>
      tpu.wait_indirect_dma semaphore(%dma_wait3A_364 : memref<!tpu.dma_semaphore, #tpu.memory_space<semaphore_mem>>) src(%dma_wait3A_356 : memref<125x128xf32, #tpu.memory_space<vmem>>) dst(%dma_wait3A_362 : memref<10240x128xf32, #tpu.memory_space<vmem_shared>>)
    }
    %scan3A_179 = arith.constant 5 : i32
    %barrier3A_180 = arith.constant 0 : index
    tpu.barrier barrier_id(%barrier3A_180)
    %add3A_181 = arith.constant 0 : i32
    %add3A_182 = arith.addi %mul3A_6, %add3A_181 : i32
    %add3A_183 = arith.constant 0 : i32
    %add3A_184 = arith.addi %mul3A_6, %add3A_183 : i32
    %dma_start3A_185 = arith.constant 0 : i32
    %dma_start3A_186 = tpu.memref_slice %arg10[%dma_start3A_185] : memref<2x!tpu.dma_semaphore, #tpu.memory_space<semaphore_mem>> -> memref<1x!tpu.dma_semaphore, #tpu.memory_space<semaphore_mem>>
    %dma_start3A_187 = tpu.memref_squeeze %dma_start3A_186 : memref<1x!tpu.dma_semaphore, #tpu.memory_space<semaphore_mem>> -> memref<!tpu.dma_semaphore, #tpu.memory_space<semaphore_mem>>
    %dma_start3A_188 = arith.constant 0 : i32
    %dma_start3A_189 = tpu.memref_slice %arg4[%arg0, %add3A_184, %dma_start3A_188] : memref<2x10240x128xf32, #tpu.memory_space<hbm>> -> memref<1x128x128xf32, #tpu.memory_space<hbm>>
    %dma_start3A_190 = tpu.memref_squeeze %dma_start3A_189 : memref<1x128x128xf32, #tpu.memory_space<hbm>> -> memref<128x128xf32, #tpu.memory_space<hbm>>
    %dma_start3A_191 = arith.constant 0 : i32
    %dma_start3A_192 = tpu.memref_slice %arg8[%add3A_182, %dma_start3A_191] : memref<10240x128xf32, #tpu.memory_space<vmem_shared>> -> memref<128x128xf32, #tpu.memory_space<vmem_shared>>
    tpu.enqueue_dma source(%dma_start3A_192 : memref<128x128xf32, #tpu.memory_space<vmem_shared>>) target(%dma_start3A_190 : memref<128x128xf32, #tpu.memory_space<hbm>>) target_semaphore(%dma_start3A_187 : memref<!tpu.dma_semaphore, #tpu.memory_space<semaphore_mem>>)
    %add3A_193 = arith.constant 128 : i32
    %add3A_194 = arith.addi %mul3A_6, %add3A_193 : i32
    %add3A_195 = arith.constant 128 : i32
    %add3A_196 = arith.addi %mul3A_6, %add3A_195 : i32
    %dma_start3A_197 = arith.constant 0 : i32
    %dma_start3A_198 = tpu.memref_slice %arg10[%dma_start3A_197] : memref<2x!tpu.dma_semaphore, #tpu.memory_space<semaphore_mem>> -> memref<1x!tpu.dma_semaphore, #tpu.memory_space<semaphore_mem>>
    %dma_start3A_199 = tpu.memref_squeeze %dma_start3A_198 : memref<1x!tpu.dma_semaphore, #tpu.memory_space<semaphore_mem>> -> memref<!tpu.dma_semaphore, #tpu.memory_space<semaphore_mem>>
    %dma_start3A_200 = arith.constant 0 : i32
    %dma_start3A_201 = tpu.memref_slice %arg4[%arg0, %add3A_196, %dma_start3A_200] : memref<2x10240x128xf32, #tpu.memory_space<hbm>> -> memref<1x128x128xf32, #tpu.memory_space<hbm>>
    %dma_start3A_202 = tpu.memref_squeeze %dma_start3A_201 : memref<1x128x128xf32, #tpu.memory_space<hbm>> -> memref<128x128xf32, #tpu.memory_space<hbm>>
    %dma_start3A_203 = arith.constant 0 : i32
    %dma_start3A_204 = tpu.memref_slice %arg8[%add3A_194, %dma_start3A_203] : memref<10240x128xf32, #tpu.memory_space<vmem_shared>> -> memref<128x128xf32, #tpu.memory_space<vmem_shared>>
    tpu.enqueue_dma source(%dma_start3A_204 : memref<128x128xf32, #tpu.memory_space<vmem_shared>>) target(%dma_start3A_202 : memref<128x128xf32, #tpu.memory_space<hbm>>) target_semaphore(%dma_start3A_199 : memref<!tpu.dma_semaphore, #tpu.memory_space<semaphore_mem>>)
    %add3A_205 = arith.constant 256 : i32
    %add3A_206 = arith.addi %mul3A_6, %add3A_205 : i32
    %add3A_207 = arith.constant 256 : i32
    %add3A_208 = arith.addi %mul3A_6, %add3A_207 : i32
    %dma_start3A_209 = arith.constant 0 : i32
    %dma_start3A_210 = tpu.memref_slice %arg10[%dma_start3A_209] : memref<2x!tpu.dma_semaphore, #tpu.memory_space<semaphore_mem>> -> memref<1x!tpu.dma_semaphore, #tpu.memory_space<semaphore_mem>>
    %dma_start3A_211 = tpu.memref_squeeze %dma_start3A_210 : memref<1x!tpu.dma_semaphore, #tpu.memory_space<semaphore_mem>> -> memref<!tpu.dma_semaphore, #tpu.memory_space<semaphore_mem>>
    %dma_start3A_212 = arith.constant 0 : i32
    %dma_start3A_213 = tpu.memref_slice %arg4[%arg0, %add3A_208, %dma_start3A_212] : memref<2x10240x128xf32, #tpu.memory_space<hbm>> -> memref<1x128x128xf32, #tpu.memory_space<hbm>>
    %dma_start3A_214 = tpu.memref_squeeze %dma_start3A_213 : memref<1x128x128xf32, #tpu.memory_space<hbm>> -> memref<128x128xf32, #tpu.memory_space<hbm>>
    %dma_start3A_215 = arith.constant 0 : i32
    %dma_start3A_216 = tpu.memref_slice %arg8[%add3A_206, %dma_start3A_215] : memref<10240x128xf32, #tpu.memory_space<vmem_shared>> -> memref<128x128xf32, #tpu.memory_space<vmem_shared>>
    tpu.enqueue_dma source(%dma_start3A_216 : memref<128x128xf32, #tpu.memory_space<vmem_shared>>) target(%dma_start3A_214 : memref<128x128xf32, #tpu.memory_space<hbm>>) target_semaphore(%dma_start3A_211 : memref<!tpu.dma_semaphore, #tpu.memory_space<semaphore_mem>>)
    %add3A_217 = arith.constant 384 : i32
    %add3A_218 = arith.addi %mul3A_6, %add3A_217 : i32
    %add3A_219 = arith.constant 384 : i32
    %add3A_220 = arith.addi %mul3A_6, %add3A_219 : i32
    %dma_start3A_221 = arith.constant 0 : i32
    %dma_start3A_222 = tpu.memref_slice %arg10[%dma_start3A_221] : memref<2x!tpu.dma_semaphore, #tpu.memory_space<semaphore_mem>> -> memref<1x!tpu.dma_semaphore, #tpu.memory_space<semaphore_mem>>
    %dma_start3A_223 = tpu.memref_squeeze %dma_start3A_222 : memref<1x!tpu.dma_semaphore, #tpu.memory_space<semaphore_mem>> -> memref<!tpu.dma_semaphore, #tpu.memory_space<semaphore_mem>>
    %dma_start3A_224 = arith.constant 0 : i32
    %dma_start3A_225 = tpu.memref_slice %arg4[%arg0, %add3A_220, %dma_start3A_224] : memref<2x10240x128xf32, #tpu.memory_space<hbm>> -> memref<1x128x128xf32, #tpu.memory_space<hbm>>
    %dma_start3A_226 = tpu.memref_squeeze %dma_start3A_225 : memref<1x128x128xf32, #tpu.memory_space<hbm>> -> memref<128x128xf32, #tpu.memory_space<hbm>>
    %dma_start3A_227 = arith.constant 0 : i32
    %dma_start3A_228 = tpu.memref_slice %arg8[%add3A_218, %dma_start3A_227] : memref<10240x128xf32, #tpu.memory_space<vmem_shared>> -> memref<128x128xf32, #tpu.memory_space<vmem_shared>>
    tpu.enqueue_dma source(%dma_start3A_228 : memref<128x128xf32, #tpu.memory_space<vmem_shared>>) target(%dma_start3A_226 : memref<128x128xf32, #tpu.memory_space<hbm>>) target_semaphore(%dma_start3A_223 : memref<!tpu.dma_semaphore, #tpu.memory_space<semaphore_mem>>)
    %add3A_229 = arith.constant 512 : i32
    %add3A_230 = arith.addi %mul3A_6, %add3A_229 : i32
    %add3A_231 = arith.constant 512 : i32
    %add3A_232 = arith.addi %mul3A_6, %add3A_231 : i32
    %dma_start3A_233 = arith.constant 0 : i32
    %dma_start3A_234 = tpu.memref_slice %arg10[%dma_start3A_233] : memref<2x!tpu.dma_semaphore, #tpu.memory_space<semaphore_mem>> -> memref<1x!tpu.dma_semaphore, #tpu.memory_space<semaphore_mem>>
    %dma_start3A_235 = tpu.memref_squeeze %dma_start3A_234 : memref<1x!tpu.dma_semaphore, #tpu.memory_space<semaphore_mem>> -> memref<!tpu.dma_semaphore, #tpu.memory_space<semaphore_mem>>
    %dma_start3A_236 = arith.constant 0 : i32
    %dma_start3A_237 = tpu.memref_slice %arg4[%arg0, %add3A_232, %dma_start3A_236] : memref<2x10240x128xf32, #tpu.memory_space<hbm>> -> memref<1x128x128xf32, #tpu.memory_space<hbm>>
    %dma_start3A_238 = tpu.memref_squeeze %dma_start3A_237 : memref<1x128x128xf32, #tpu.memory_space<hbm>> -> memref<128x128xf32, #tpu.memory_space<hbm>>
    %dma_start3A_239 = arith.constant 0 : i32
    %dma_start3A_240 = tpu.memref_slice %arg8[%add3A_230, %dma_start3A_239] : memref<10240x128xf32, #tpu.memory_space<vmem_shared>> -> memref<128x128xf32, #tpu.memory_space<vmem_shared>>
    tpu.enqueue_dma source(%dma_start3A_240 : memref<128x128xf32, #tpu.memory_space<vmem_shared>>) target(%dma_start3A_238 : memref<128x128xf32, #tpu.memory_space<hbm>>) target_semaphore(%dma_start3A_235 : memref<!tpu.dma_semaphore, #tpu.memory_space<semaphore_mem>>)
    %dma_wait3A_241 = arith.constant 0 : i32
    %dma_wait3A_242 = tpu.memref_slice %arg10[%dma_wait3A_241] : memref<2x!tpu.dma_semaphore, #tpu.memory_space<semaphore_mem>> -> memref<1x!tpu.dma_semaphore, #tpu.memory_space<semaphore_mem>>
    %dma_wait3A_243 = tpu.memref_squeeze %dma_wait3A_242 : memref<1x!tpu.dma_semaphore, #tpu.memory_space<semaphore_mem>> -> memref<!tpu.dma_semaphore, #tpu.memory_space<semaphore_mem>>
    %dma_wait3A_244 = arith.constant 0 : i32
    %dma_wait3A_245 = tpu.memref_slice %arg4[%arg0, %add3A_184, %dma_wait3A_244] : memref<2x10240x128xf32, #tpu.memory_space<hbm>> -> memref<1x128x128xf32, #tpu.memory_space<hbm>>
    %dma_wait3A_246 = tpu.memref_squeeze %dma_wait3A_245 : memref<1x128x128xf32, #tpu.memory_space<hbm>> -> memref<128x128xf32, #tpu.memory_space<hbm>>
    %dma_wait3A_247 = arith.constant 0 : i32
    %dma_wait3A_248 = tpu.memref_slice %arg8[%add3A_182, %dma_wait3A_247] : memref<10240x128xf32, #tpu.memory_space<vmem_shared>> -> memref<128x128xf32, #tpu.memory_space<vmem_shared>>
    tpu.wait_dma2 semaphore(%dma_wait3A_243 : memref<!tpu.dma_semaphore, #tpu.memory_space<semaphore_mem>>) src(%dma_wait3A_248 : memref<128x128xf32, #tpu.memory_space<vmem_shared>>) dst(%dma_wait3A_246 : memref<128x128xf32, #tpu.memory_space<hbm>>)
    %dma_wait3A_249 = arith.constant 0 : i32
    %dma_wait3A_250 = tpu.memref_slice %arg10[%dma_wait3A_249] : memref<2x!tpu.dma_semaphore, #tpu.memory_space<semaphore_mem>> -> memref<1x!tpu.dma_semaphore, #tpu.memory_space<semaphore_mem>>
    %dma_wait3A_251 = tpu.memref_squeeze %dma_wait3A_250 : memref<1x!tpu.dma_semaphore, #tpu.memory_space<semaphore_mem>> -> memref<!tpu.dma_semaphore, #tpu.memory_space<semaphore_mem>>
    %dma_wait3A_252 = arith.constant 0 : i32
    %dma_wait3A_253 = tpu.memref_slice %arg4[%arg0, %add3A_196, %dma_wait3A_252] : memref<2x10240x128xf32, #tpu.memory_space<hbm>> -> memref<1x128x128xf32, #tpu.memory_space<hbm>>
    %dma_wait3A_254 = tpu.memref_squeeze %dma_wait3A_253 : memref<1x128x128xf32, #tpu.memory_space<hbm>> -> memref<128x128xf32, #tpu.memory_space<hbm>>
    %dma_wait3A_255 = arith.constant 0 : i32
    %dma_wait3A_256 = tpu.memref_slice %arg8[%add3A_194, %dma_wait3A_255] : memref<10240x128xf32, #tpu.memory_space<vmem_shared>> -> memref<128x128xf32, #tpu.memory_space<vmem_shared>>
    tpu.wait_dma2 semaphore(%dma_wait3A_251 : memref<!tpu.dma_semaphore, #tpu.memory_space<semaphore_mem>>) src(%dma_wait3A_256 : memref<128x128xf32, #tpu.memory_space<vmem_shared>>) dst(%dma_wait3A_254 : memref<128x128xf32, #tpu.memory_space<hbm>>)
    %dma_wait3A_257 = arith.constant 0 : i32
    %dma_wait3A_258 = tpu.memref_slice %arg10[%dma_wait3A_257] : memref<2x!tpu.dma_semaphore, #tpu.memory_space<semaphore_mem>> -> memref<1x!tpu.dma_semaphore, #tpu.memory_space<semaphore_mem>>
    %dma_wait3A_259 = tpu.memref_squeeze %dma_wait3A_258 : memref<1x!tpu.dma_semaphore, #tpu.memory_space<semaphore_mem>> -> memref<!tpu.dma_semaphore, #tpu.memory_space<semaphore_mem>>
    %dma_wait3A_260 = arith.constant 0 : i32
    %dma_wait3A_261 = tpu.memref_slice %arg4[%arg0, %add3A_208, %dma_wait3A_260] : memref<2x10240x128xf32, #tpu.memory_space<hbm>> -> memref<1x128x128xf32, #tpu.memory_space<hbm>>
    %dma_wait3A_262 = tpu.memref_squeeze %dma_wait3A_261 : memref<1x128x128xf32, #tpu.memory_space<hbm>> -> memref<128x128xf32, #tpu.memory_space<hbm>>
    %dma_wait3A_263 = arith.constant 0 : i32
    %dma_wait3A_264 = tpu.memref_slice %arg8[%add3A_206, %dma_wait3A_263] : memref<10240x128xf32, #tpu.memory_space<vmem_shared>> -> memref<128x128xf32, #tpu.memory_space<vmem_shared>>
    tpu.wait_dma2 semaphore(%dma_wait3A_259 : memref<!tpu.dma_semaphore, #tpu.memory_space<semaphore_mem>>) src(%dma_wait3A_264 : memref<128x128xf32, #tpu.memory_space<vmem_shared>>) dst(%dma_wait3A_262 : memref<128x128xf32, #tpu.memory_space<hbm>>)
    %dma_wait3A_265 = arith.constant 0 : i32
    %dma_wait3A_266 = tpu.memref_slice %arg10[%dma_wait3A_265] : memref<2x!tpu.dma_semaphore, #tpu.memory_space<semaphore_mem>> -> memref<1x!tpu.dma_semaphore, #tpu.memory_space<semaphore_mem>>
    %dma_wait3A_267 = tpu.memref_squeeze %dma_wait3A_266 : memref<1x!tpu.dma_semaphore, #tpu.memory_space<semaphore_mem>> -> memref<!tpu.dma_semaphore, #tpu.memory_space<semaphore_mem>>
    %dma_wait3A_268 = arith.constant 0 : i32
    %dma_wait3A_269 = tpu.memref_slice %arg4[%arg0, %add3A_220, %dma_wait3A_268] : memref<2x10240x128xf32, #tpu.memory_space<hbm>> -> memref<1x128x128xf32, #tpu.memory_space<hbm>>
    %dma_wait3A_270 = tpu.memref_squeeze %dma_wait3A_269 : memref<1x128x128xf32, #tpu.memory_space<hbm>> -> memref<128x128xf32, #tpu.memory_space<hbm>>
    %dma_wait3A_271 = arith.constant 0 : i32
    %dma_wait3A_272 = tpu.memref_slice %arg8[%add3A_218, %dma_wait3A_271] : memref<10240x128xf32, #tpu.memory_space<vmem_shared>> -> memref<128x128xf32, #tpu.memory_space<vmem_shared>>
    tpu.wait_dma2 semaphore(%dma_wait3A_267 : memref<!tpu.dma_semaphore, #tpu.memory_space<semaphore_mem>>) src(%dma_wait3A_272 : memref<128x128xf32, #tpu.memory_space<vmem_shared>>) dst(%dma_wait3A_270 : memref<128x128xf32, #tpu.memory_space<hbm>>)
    %dma_wait3A_273 = arith.constant 0 : i32
    %dma_wait3A_274 = tpu.memref_slice %arg10[%dma_wait3A_273] : memref<2x!tpu.dma_semaphore, #tpu.memory_space<semaphore_mem>> -> memref<1x!tpu.dma_semaphore, #tpu.memory_space<semaphore_mem>>
    %dma_wait3A_275 = tpu.memref_squeeze %dma_wait3A_274 : memref<1x!tpu.dma_semaphore, #tpu.memory_space<semaphore_mem>> -> memref<!tpu.dma_semaphore, #tpu.memory_space<semaphore_mem>>
    %dma_wait3A_276 = arith.constant 0 : i32
    %dma_wait3A_277 = tpu.memref_slice %arg4[%arg0, %add3A_232, %dma_wait3A_276] : memref<2x10240x128xf32, #tpu.memory_space<hbm>> -> memref<1x128x128xf32, #tpu.memory_space<hbm>>
    %dma_wait3A_278 = tpu.memref_squeeze %dma_wait3A_277 : memref<1x128x128xf32, #tpu.memory_space<hbm>> -> memref<128x128xf32, #tpu.memory_space<hbm>>
    %dma_wait3A_279 = arith.constant 0 : i32
    %dma_wait3A_280 = tpu.memref_slice %arg8[%add3A_230, %dma_wait3A_279] : memref<10240x128xf32, #tpu.memory_space<vmem_shared>> -> memref<128x128xf32, #tpu.memory_space<vmem_shared>>
    tpu.wait_dma2 semaphore(%dma_wait3A_275 : memref<!tpu.dma_semaphore, #tpu.memory_space<semaphore_mem>>) src(%dma_wait3A_280 : memref<128x128xf32, #tpu.memory_space<vmem_shared>>) dst(%dma_wait3A_278 : memref<128x128xf32, #tpu.memory_space<hbm>>)
    return
  }
}

#map = affine_map<(d0, d1) -> (0, 0, 0, 0)>
#map1 = affine_map<(d0, d1) -> (0, 0)>
module attributes {stable_mosaic.version = 14 : i64} {
  func.func @k(%arg0: i32, %arg1: i32, %arg2: memref<2x32x80x125xi32, #tpu.memory_space<hbm>>, %arg3: memref<2x10240xf32, #tpu.memory_space<hbm>>, %arg4: memref<16x125xi32, #tpu.memory_space<vmem>>, %arg5: memref<125xf32, #tpu.memory_space<vmem>>, %arg6: memref<640xf32, #tpu.memory_space<vmem>>, %arg7: memref<10240xf32, #tpu.memory_space<vmem_shared>>) attributes {dimension_semantics = [#tpu.dimension_semantics<core_parallel>, #tpu.dimension_semantics<subcore_parallel>], iteration_bounds = array<i64: 2, 16>, scalar_prefetch = 0 : i64, scratch_operands = 4 : i64, tpu.core_type = #tpu.core_type<sc_vector_subcore>, window_params = [{transform_indices = #map}, {transform_indices = #map1}]} {
    %mul3A = arith.constant 16 : i32
    %mul3A_0 = arith.muli %arg0, %mul3A : i32
    %add3A = arith.addi %mul3A_0, %arg1 : i32
    %scan3A = arith.constant 0 : i32
    %scan3A_1 = arith.constant 8 : i32
    %scan3A_2 = arith.addi %scan3A, %scan3A_1 : i32
    %scan3A_3 = arith.constant 1 : i32
    scf.for %scan3A_24 = %scan3A to %scan3A_2 step %scan3A_3  : i32 {
      %mul3A_25 = arith.constant 16 : i32
      %mul3A_26 = arith.muli %scan3A_24, %mul3A_25 : i32
      %add3A_27 = arith.constant 0 : i32
      %add3A_28 = arith.addi %add3A_27, %mul3A_26 : i32
      %broadcast_in_dim3A = arith.constant 1.000000e+00 : f32
      %broadcast_in_dim3A_29 = vector.broadcast %broadcast_in_dim3A : f32 to vector<16xf32>
      %swap3A = arith.index_cast %add3A_28 : i32 to index
      %swap3A_30 = tpu.vector_load %arg5[%swap3A] {strides = array<i32>} : memref<125xf32, #tpu.memory_space<vmem>>, vector<16xf32>,
      %swap3A_31 = vector.shape_cast %swap3A_30 : vector<16xf32> to vector<16xf32>
      %swap3A_32 = vector.shape_cast %broadcast_in_dim3A_29 : vector<16xf32> to vector<16xf32>
      tpu.vector_store %arg5[%swap3A], %swap3A_32 {strides = array<i32>} : memref<125xf32, #tpu.memory_space<vmem>>, vector<16xf32>,
    }
    %scan3A_4 = arith.constant 8 : i32
    %eq3A = arith.constant 0 : i32
    %eq3A_5 = arith.cmpi eq, %arg0, %eq3A : i32
    %jit3A = arith.constant 1.000000e+00 : f32
    %jit3A_6 = arith.constant 0.000000e+00 : f32
    %select_n3A = arith.select %eq3A_5, %jit3A, %jit3A_6 : f32
    %scan3A_7 = arith.constant 0 : i32
    %scan3A_8 = arith.constant 40 : i32
    %scan3A_9 = arith.addi %scan3A_7, %scan3A_8 : i32
    %scan3A_10 = arith.constant 1 : i32
    scf.for %scan3A_24 = %scan3A_7 to %scan3A_9 step %scan3A_10  : i32 {
      %mul3A_25 = arith.constant 16 : i32
      %mul3A_26 = arith.muli %scan3A_24, %mul3A_25 : i32
      %add3A_27 = arith.constant 0 : i32
      %add3A_28 = arith.addi %add3A_27, %mul3A_26 : i32
      %broadcast_in_dim3A = arith.constant 0.000000e+00 : f32
      %broadcast_in_dim3A_29 = vector.broadcast %broadcast_in_dim3A : f32 to vector<16xf32>
      %add3A_30 = vector.broadcast %select_n3A : f32 to vector<16xf32>
      %add3A_31 = arith.addf %broadcast_in_dim3A_29, %add3A_30 : vector<16xf32>
      %swap3A = arith.index_cast %add3A_28 : i32 to index
      %swap3A_32 = tpu.vector_load %arg6[%swap3A] {strides = array<i32>} : memref<640xf32, #tpu.memory_space<vmem>>, vector<16xf32>,
      %swap3A_33 = vector.shape_cast %swap3A_32 : vector<16xf32> to vector<16xf32>
      %swap3A_34 = vector.shape_cast %add3A_31 : vector<16xf32> to vector<16xf32>
      tpu.vector_store %arg6[%swap3A], %swap3A_34 {strides = array<i32>} : memref<640xf32, #tpu.memory_space<vmem>>, vector<16xf32>,
    }
    %scan3A_11 = arith.constant 40 : i32
    %mul3A_12 = arith.constant 640 : i32
    %mul3A_13 = arith.muli %arg1, %mul3A_12 : i32
    "tpu.region"() ({
      %run_scoped3A = tpu.sem_alloc : memref<!tpu.dma_semaphore, #tpu.memory_space<semaphore_mem>>
      %dma_start3A = tpu.memref_slice %arg7[%mul3A_13] : memref<10240xf32, #tpu.memory_space<vmem_shared>> -> memref<640xf32, #tpu.memory_space<vmem_shared>>
      %dma_start3A_24 = tpu.memref_slice %arg7[%mul3A_13] : memref<10240xf32, #tpu.memory_space<vmem_shared>> -> memref<640xf32, #tpu.memory_space<vmem_shared>>
      tpu.enqueue_dma source(%arg6 : memref<640xf32, #tpu.memory_space<vmem>>) target(%dma_start3A_24 : memref<640xf32, #tpu.memory_space<vmem_shared>>) target_semaphore(%run_scoped3A : memref<!tpu.dma_semaphore, #tpu.memory_space<semaphore_mem>>)
      %dma_wait3A = tpu.memref_slice %arg7[%mul3A_13] : memref<10240xf32, #tpu.memory_space<vmem_shared>> -> memref<640xf32, #tpu.memory_space<vmem_shared>>
      %dma_wait3A_25 = tpu.memref_slice %arg7[%mul3A_13] : memref<10240xf32, #tpu.memory_space<vmem_shared>> -> memref<640xf32, #tpu.memory_space<vmem_shared>>
      tpu.wait_dma2 semaphore(%run_scoped3A : memref<!tpu.dma_semaphore, #tpu.memory_space<semaphore_mem>>) src(%arg6 : memref<640xf32, #tpu.memory_space<vmem>>) dst(%dma_wait3A_25 : memref<640xf32, #tpu.memory_space<vmem_shared>>)
      tpu.yield
    }) : () -> ()
    %barrier3A = arith.constant 0 : index
    tpu.barrier barrier_id(%barrier3A)
    %scan3A_14 = arith.constant 0 : i32
    %scan3A_15 = arith.constant 5 : i32
    %scan3A_16 = arith.addi %scan3A_14, %scan3A_15 : i32
    %scan3A_17 = arith.constant 1 : i32
    scf.for %scan3A_24 = %scan3A_14 to %scan3A_16 step %scan3A_17  : i32 {
      %mul3A_25 = arith.constant 1 : i32
      %mul3A_26 = arith.muli %scan3A_24, %mul3A_25 : i32
      %add3A_27 = arith.constant 0 : i32
      %add3A_28 = arith.addi %add3A_27, %mul3A_26 : i32
      %mul3A_29 = arith.constant 16 : i32
      %mul3A_30 = arith.muli %add3A_28, %mul3A_29 : i32
      %run_scoped3A = arith.constant 1 : i32
      "tpu.region"() ({
        %run_scoped3A_36 = tpu.sem_alloc : memref<!tpu.dma_semaphore, #tpu.memory_space<semaphore_mem>>
        %dma_start3A = arith.constant 0 : i32
        %dma_start3A_37 = tpu.memref_slice %arg2[%run_scoped3A, %add3A, %mul3A_30, %dma_start3A] : memref<2x32x80x125xi32, #tpu.memory_space<hbm>> -> memref<1x1x16x125xi32, #tpu.memory_space<hbm>>
        %dma_start3A_38 = tpu.memref_squeeze %dma_start3A_37 : memref<1x1x16x125xi32, #tpu.memory_space<hbm>> -> memref<16x125xi32, #tpu.memory_space<hbm>>
        %dma_start3A_39 = arith.constant 0 : i32
        %dma_start3A_40 = tpu.memref_slice %arg2[%run_scoped3A, %add3A, %mul3A_30, %dma_start3A_39] : memref<2x32x80x125xi32, #tpu.memory_space<hbm>> -> memref<1x1x16x125xi32, #tpu.memory_space<hbm>>
        %dma_start3A_41 = tpu.memref_squeeze %dma_start3A_40 : memref<1x1x16x125xi32, #tpu.memory_space<hbm>> -> memref<16x125xi32, #tpu.memory_space<hbm>>
        tpu.enqueue_dma source(%dma_start3A_41 : memref<16x125xi32, #tpu.memory_space<hbm>>) target(%arg4 : memref<16x125xi32, #tpu.memory_space<vmem>>) target_semaphore(%run_scoped3A_36 : memref<!tpu.dma_semaphore, #tpu.memory_space<semaphore_mem>>)
        %dma_wait3A = arith.constant 0 : i32
        %dma_wait3A_42 = tpu.memref_slice %arg2[%run_scoped3A, %add3A, %mul3A_30, %dma_wait3A] : memref<2x32x80x125xi32, #tpu.memory_space<hbm>> -> memref<1x1x16x125xi32, #tpu.memory_space<hbm>>
        %dma_wait3A_43 = tpu.memref_squeeze %dma_wait3A_42 : memref<1x1x16x125xi32, #tpu.memory_space<hbm>> -> memref<16x125xi32, #tpu.memory_space<hbm>>
        %dma_wait3A_44 = arith.constant 0 : i32
        %dma_wait3A_45 = tpu.memref_slice %arg2[%run_scoped3A, %add3A, %mul3A_30, %dma_wait3A_44] : memref<2x32x80x125xi32, #tpu.memory_space<hbm>> -> memref<1x1x16x125xi32, #tpu.memory_space<hbm>>
        %dma_wait3A_46 = tpu.memref_squeeze %dma_wait3A_45 : memref<1x1x16x125xi32, #tpu.memory_space<hbm>> -> memref<16x125xi32, #tpu.memory_space<hbm>>
        tpu.wait_dma2 semaphore(%run_scoped3A_36 : memref<!tpu.dma_semaphore, #tpu.memory_space<semaphore_mem>>) src(%dma_wait3A_46 : memref<16x125xi32, #tpu.memory_space<hbm>>) dst(%arg4 : memref<16x125xi32, #tpu.memory_space<vmem>>)
        tpu.yield
      }) : () -> ()
      %scan3A_31 = arith.constant 0 : i32
      %scan3A_32 = arith.constant 16 : i32
      %scan3A_33 = arith.addi %scan3A_31, %scan3A_32 : i32
      %scan3A_34 = arith.constant 1 : i32
      scf.for %scan3A_36 = %scan3A_31 to %scan3A_33 step %scan3A_34  : i32 {
        %mul3A_37 = arith.constant 1 : i32
        %mul3A_38 = arith.muli %scan3A_36, %mul3A_37 : i32
        %add3A_39 = arith.constant 0 : i32
        %add3A_40 = arith.addi %add3A_39, %mul3A_38 : i32
        "tpu.region"() ({
          %run_scoped3A_41 = tpu.sem_alloc : memref<!tpu.dma_semaphore, #tpu.memory_space<semaphore_mem>>
          %dma_start3A = arith.constant 0 : i32
          %dma_start3A_42 = tpu.memref_slice %arg4[%add3A_40, %dma_start3A] : memref<16x125xi32, #tpu.memory_space<vmem>> -> memref<1x125xi32, #tpu.memory_space<vmem>>
          %dma_start3A_43 = tpu.memref_squeeze %dma_start3A_42 : memref<1x125xi32, #tpu.memory_space<vmem>> -> memref<125xi32, #tpu.memory_space<vmem>>
          %dma_start3A_44 = arith.constant 0 : i32
          %dma_start3A_45 = tpu.memref_slice %arg7[%dma_start3A_44] : memref<10240xf32, #tpu.memory_space<vmem_shared>> -> memref<10240xf32, #tpu.memory_space<vmem_shared>>
          tpu.enqueue_indirect_dma source(%arg5 : memref<125xf32, #tpu.memory_space<vmem>>) target(%dma_start3A_45 : memref<10240xf32, #tpu.memory_space<vmem_shared>>) offsets(%dma_start3A_43 : memref<125xi32, #tpu.memory_space<vmem>>) semaphore(%run_scoped3A_41 : memref<!tpu.dma_semaphore, #tpu.memory_space<semaphore_mem>>) {add = true}
          %dma_wait3A = arith.constant 0 : i32
          %dma_wait3A_46 = tpu.memref_slice %arg4[%add3A_40, %dma_wait3A] : memref<16x125xi32, #tpu.memory_space<vmem>> -> memref<1x125xi32, #tpu.memory_space<vmem>>
          %dma_wait3A_47 = tpu.memref_squeeze %dma_wait3A_46 : memref<1x125xi32, #tpu.memory_space<vmem>> -> memref<125xi32, #tpu.memory_space<vmem>>
          %dma_wait3A_48 = arith.constant 0 : i32
          %dma_wait3A_49 = tpu.memref_slice %arg7[%dma_wait3A_48] : memref<10240xf32, #tpu.memory_space<vmem_shared>> -> memref<10240xf32, #tpu.memory_space<vmem_shared>>
          tpu.wait_indirect_dma semaphore(%run_scoped3A_41 : memref<!tpu.dma_semaphore, #tpu.memory_space<semaphore_mem>>) src(%arg5 : memref<125xf32, #tpu.memory_space<vmem>>) dst(%dma_wait3A_49 : memref<10240xf32, #tpu.memory_space<vmem_shared>>)
          tpu.yield
        }) : () -> ()
      }
      %scan3A_35 = arith.constant 16 : i32
    }
    %scan3A_18 = arith.constant 5 : i32
    %barrier3A_19 = arith.constant 0 : index
    tpu.barrier barrier_id(%barrier3A_19)
    %mul3A_20 = arith.constant 640 : i32
    %mul3A_21 = arith.muli %arg1, %mul3A_20 : i32
    %mul3A_22 = arith.constant 640 : i32
    %mul3A_23 = arith.muli %arg1, %mul3A_22 : i32
    "tpu.region"() ({
      %run_scoped3A = tpu.sem_alloc : memref<!tpu.dma_semaphore, #tpu.memory_space<semaphore_mem>>
      %dma_start3A = tpu.memref_slice %arg3[%arg0, %mul3A_23] : memref<2x10240xf32, #tpu.memory_space<hbm>> -> memref<1x640xf32, #tpu.memory_space<hbm>>
      %dma_start3A_24 = tpu.memref_squeeze %dma_start3A : memref<1x640xf32, #tpu.memory_space<hbm>> -> memref<640xf32, #tpu.memory_space<hbm>>
      %dma_start3A_25 = tpu.memref_slice %arg7[%mul3A_21] : memref<10240xf32, #tpu.memory_space<vmem_shared>> -> memref<640xf32, #tpu.memory_space<vmem_shared>>
      tpu.enqueue_dma source(%dma_start3A_25 : memref<640xf32, #tpu.memory_space<vmem_shared>>) target(%dma_start3A_24 : memref<640xf32, #tpu.memory_space<hbm>>) target_semaphore(%run_scoped3A : memref<!tpu.dma_semaphore, #tpu.memory_space<semaphore_mem>>)
      %dma_wait3A = tpu.memref_slice %arg3[%arg0, %mul3A_23] : memref<2x10240xf32, #tpu.memory_space<hbm>> -> memref<1x640xf32, #tpu.memory_space<hbm>>
      %dma_wait3A_26 = tpu.memref_squeeze %dma_wait3A : memref<1x640xf32, #tpu.memory_space<hbm>> -> memref<640xf32, #tpu.memory_space<hbm>>
      %dma_wait3A_27 = tpu.memref_slice %arg7[%mul3A_21] : memref<10240xf32, #tpu.memory_space<vmem_shared>> -> memref<640xf32, #tpu.memory_space<vmem_shared>>
      tpu.wait_dma2 semaphore(%run_scoped3A : memref<!tpu.dma_semaphore, #tpu.memory_space<semaphore_mem>>) src(%dma_wait3A_27 : memref<640xf32, #tpu.memory_space<vmem_shared>>) dst(%dma_wait3A_26 : memref<640xf32, #tpu.memory_space<hbm>>)
      tpu.yield
    }) : () -> ()
    return
  }
}

#map = affine_map<(d0, d1) -> (0, 0)>
#map1 = affine_map<(d0, d1) -> (0, 0, 0, 0)>
#map2 = affine_map<(d0, d1) -> (0, 0, 0)>
module attributes {stable_mosaic.version = 14 : i64} {
  func.func @k(%arg0: i32, %arg1: i32, %arg2: memref<10240x64xf32, #tpu.memory_space<hbm>>, %arg3: memref<2x32x80x125xi32, #tpu.memory_space<hbm>>, %arg4: memref<2x10240x128xf32, #tpu.memory_space<hbm>>, %arg5: memref<16x125xi32, #tpu.memory_space<vmem>>, %arg6: memref<16x125xi32, #tpu.memory_space<vmem>>, %arg7: memref<4x128x64xf32, #tpu.memory_space<vmem>>, %arg8: memref<10240x64xf32, #tpu.memory_space<vmem_shared>>, %arg9: memref<4x!tpu.dma_semaphore, #tpu.memory_space<semaphore_mem>>, %arg10: memref<4x!tpu.dma_semaphore, #tpu.memory_space<semaphore_mem>>) attributes {dimension_semantics = [#tpu.dimension_semantics<core_parallel>, #tpu.dimension_semantics<subcore_parallel>], iteration_bounds = array<i64: 2, 16>, scalar_prefetch = 0 : i64, scratch_operands = 6 : i64, tpu.core_type = #tpu.core_type<sc_vector_subcore>, window_params = [{transform_indices = #map}, {transform_indices = #map1}, {transform_indices = #map2}]} {
    %mul3A = arith.constant 16 : i32
    %mul3A_0 = arith.muli %arg0, %mul3A : i32
    %add3A = arith.addi %mul3A_0, %arg1 : i32
    %scan3A = arith.constant 0 : i32
    %scan3A_1 = arith.constant 128 : i32
    %scan3A_2 = arith.addi %scan3A, %scan3A_1 : i32
    %scan3A_3 = arith.constant 1 : i32
    scf.for %scan3A_281 = %scan3A to %scan3A_2 step %scan3A_3  : i32 {
      %mul3A_282 = arith.constant 1 : i32
      %mul3A_283 = arith.muli %scan3A_281, %mul3A_282 : i32
      %add3A_284 = arith.constant 0 : i32
      %add3A_285 = arith.addi %add3A_284, %mul3A_283 : i32
      %scan3A_286 = arith.constant 0 : i32
      %scan3A_287 = arith.constant 4 : i32
      %scan3A_288 = arith.addi %scan3A_286, %scan3A_287 : i32
      %scan3A_289 = arith.constant 1 : i32
      scf.for %scan3A_291 = %scan3A_286 to %scan3A_288 step %scan3A_289  : i32 {
        %mul3A_292 = arith.constant 16 : i32
        %mul3A_293 = arith.muli %scan3A_291, %mul3A_292 : i32
        %add3A_294 = arith.constant 0 : i32
        %add3A_295 = arith.addi %add3A_294, %mul3A_293 : i32
        %broadcast_in_dim3A = arith.constant 0.000000e+00 : f32
        %broadcast_in_dim3A_296 = vector.broadcast %broadcast_in_dim3A : f32 to vector<16xf32>
        %swap3A = arith.constant 0 : i32
        %swap3A_297 = arith.index_cast %swap3A : i32 to index
        %swap3A_298 = arith.index_cast %add3A_285 : i32 to index
        %swap3A_299 = arith.index_cast %add3A_295 : i32 to index
        %swap3A_300 = tpu.vector_load %arg7[%swap3A_297, %swap3A_298, %swap3A_299] {strides = array<i32>} : memref<4x128x64xf32, #tpu.memory_space<vmem>>, vector<1x1x16xf32>,
        %swap3A_301 = vector.shape_cast %swap3A_300 : vector<1x1x16xf32> to vector<16xf32>
        %swap3A_302 = vector.shape_cast %broadcast_in_dim3A_296 : vector<16xf32> to vector<1x1x16xf32>
        tpu.vector_store %arg7[%swap3A_297, %swap3A_298, %swap3A_299], %swap3A_302 {strides = array<i32>} : memref<4x128x64xf32, #tpu.memory_space<vmem>>, vector<1x1x16xf32>,
      }
      %scan3A_290 = arith.constant 4 : i32
    }
    %scan3A_4 = arith.constant 128 : i32
    %mul3A_5 = arith.constant 640 : i32
    %mul3A_6 = arith.muli %arg1, %mul3A_5 : i32
    %add3A_7 = arith.constant 0 : i32
    %add3A_8 = arith.addi %mul3A_6, %add3A_7 : i32
    %dma_start3A = arith.constant 0 : i32
    %dma_start3A_9 = arith.constant 0 : i32
    %dma_start3A_10 = arith.constant 0 : i32
    %dma_start3A_11 = arith.constant 0 : i32
    %dma_start3A_12 = tpu.memref_slice %arg7[%dma_start3A, %dma_start3A_10, %dma_start3A_11] : memref<4x128x64xf32, #tpu.memory_space<vmem>> -> memref<1x128x64xf32, #tpu.memory_space<vmem>>
    %dma_start3A_13 = tpu.memref_squeeze %dma_start3A_12 : memref<1x128x64xf32, #tpu.memory_space<vmem>> -> memref<128x64xf32, #tpu.memory_space<vmem>>
    %dma_start3A_14 = arith.constant 0 : i32
    %dma_start3A_15 = tpu.memref_slice %arg8[%add3A_8, %dma_start3A_14] : memref<10240x64xf32, #tpu.memory_space<vmem_shared>> -> memref<128x64xf32, #tpu.memory_space<vmem_shared>>
    %dma_start3A_16 = tpu.memref_slice %arg9[%dma_start3A_9] : memref<4x!tpu.dma_semaphore, #tpu.memory_space<semaphore_mem>> -> memref<1x!tpu.dma_semaphore, #tpu.memory_space<semaphore_mem>>
    %dma_start3A_17 = tpu.memref_squeeze %dma_start3A_16 : memref<1x!tpu.dma_semaphore, #tpu.memory_space<semaphore_mem>> -> memref<!tpu.dma_semaphore, #tpu.memory_space<semaphore_mem>>
    %dma_start3A_18 = arith.constant 0 : i32
    %dma_start3A_19 = tpu.memref_slice %arg8[%add3A_8, %dma_start3A_18] : memref<10240x64xf32, #tpu.memory_space<vmem_shared>> -> memref<128x64xf32, #tpu.memory_space<vmem_shared>>
    %dma_start3A_20 = arith.constant 0 : i32
    %dma_start3A_21 = arith.constant 0 : i32
    %dma_start3A_22 = tpu.memref_slice %arg7[%dma_start3A, %dma_start3A_20, %dma_start3A_21] : memref<4x128x64xf32, #tpu.memory_space<vmem>> -> memref<1x128x64xf32, #tpu.memory_space<vmem>>
    %dma_start3A_23 = tpu.memref_squeeze %dma_start3A_22 : memref<1x128x64xf32, #tpu.memory_space<vmem>> -> memref<128x64xf32, #tpu.memory_space<vmem>>
    tpu.enqueue_dma source(%dma_start3A_23 : memref<128x64xf32, #tpu.memory_space<vmem>>) target(%dma_start3A_19 : memref<128x64xf32, #tpu.memory_space<vmem_shared>>) target_semaphore(%dma_start3A_17 : memref<!tpu.dma_semaphore, #tpu.memory_space<semaphore_mem>>)
    %add3A_24 = arith.constant 128 : i32
    %add3A_25 = arith.addi %mul3A_6, %add3A_24 : i32
    %dma_start3A_26 = arith.constant 0 : i32
    %dma_start3A_27 = arith.constant 0 : i32
    %dma_start3A_28 = arith.constant 0 : i32
    %dma_start3A_29 = arith.constant 0 : i32
    %dma_start3A_30 = tpu.memref_slice %arg7[%dma_start3A_26, %dma_start3A_28, %dma_start3A_29] : memref<4x128x64xf32, #tpu.memory_space<vmem>> -> memref<1x128x64xf32, #tpu.memory_space<vmem>>
    %dma_start3A_31 = tpu.memref_squeeze %dma_start3A_30 : memref<1x128x64xf32, #tpu.memory_space<vmem>> -> memref<128x64xf32, #tpu.memory_space<vmem>>
    %dma_start3A_32 = arith.constant 0 : i32
    %dma_start3A_33 = tpu.memref_slice %arg8[%add3A_25, %dma_start3A_32] : memref<10240x64xf32, #tpu.memory_space<vmem_shared>> -> memref<128x64xf32, #tpu.memory_space<vmem_shared>>
    %dma_start3A_34 = tpu.memref_slice %arg9[%dma_start3A_27] : memref<4x!tpu.dma_semaphore, #tpu.memory_space<semaphore_mem>> -> memref<1x!tpu.dma_semaphore, #tpu.memory_space<semaphore_mem>>
    %dma_start3A_35 = tpu.memref_squeeze %dma_start3A_34 : memref<1x!tpu.dma_semaphore, #tpu.memory_space<semaphore_mem>> -> memref<!tpu.dma_semaphore, #tpu.memory_space<semaphore_mem>>
    %dma_start3A_36 = arith.constant 0 : i32
    %dma_start3A_37 = tpu.memref_slice %arg8[%add3A_25, %dma_start3A_36] : memref<10240x64xf32, #tpu.memory_space<vmem_shared>> -> memref<128x64xf32, #tpu.memory_space<vmem_shared>>
    %dma_start3A_38 = arith.constant 0 : i32
    %dma_start3A_39 = arith.constant 0 : i32
    %dma_start3A_40 = tpu.memref_slice %arg7[%dma_start3A_26, %dma_start3A_38, %dma_start3A_39] : memref<4x128x64xf32, #tpu.memory_space<vmem>> -> memref<1x128x64xf32, #tpu.memory_space<vmem>>
    %dma_start3A_41 = tpu.memref_squeeze %dma_start3A_40 : memref<1x128x64xf32, #tpu.memory_space<vmem>> -> memref<128x64xf32, #tpu.memory_space<vmem>>
    tpu.enqueue_dma source(%dma_start3A_41 : memref<128x64xf32, #tpu.memory_space<vmem>>) target(%dma_start3A_37 : memref<128x64xf32, #tpu.memory_space<vmem_shared>>) target_semaphore(%dma_start3A_35 : memref<!tpu.dma_semaphore, #tpu.memory_space<semaphore_mem>>)
    %add3A_42 = arith.constant 256 : i32
    %add3A_43 = arith.addi %mul3A_6, %add3A_42 : i32
    %dma_start3A_44 = arith.constant 0 : i32
    %dma_start3A_45 = arith.constant 0 : i32
    %dma_start3A_46 = arith.constant 0 : i32
    %dma_start3A_47 = arith.constant 0 : i32
    %dma_start3A_48 = tpu.memref_slice %arg7[%dma_start3A_44, %dma_start3A_46, %dma_start3A_47] : memref<4x128x64xf32, #tpu.memory_space<vmem>> -> memref<1x128x64xf32, #tpu.memory_space<vmem>>
    %dma_start3A_49 = tpu.memref_squeeze %dma_start3A_48 : memref<1x128x64xf32, #tpu.memory_space<vmem>> -> memref<128x64xf32, #tpu.memory_space<vmem>>
    %dma_start3A_50 = arith.constant 0 : i32
    %dma_start3A_51 = tpu.memref_slice %arg8[%add3A_43, %dma_start3A_50] : memref<10240x64xf32, #tpu.memory_space<vmem_shared>> -> memref<128x64xf32, #tpu.memory_space<vmem_shared>>
    %dma_start3A_52 = tpu.memref_slice %arg9[%dma_start3A_45] : memref<4x!tpu.dma_semaphore, #tpu.memory_space<semaphore_mem>> -> memref<1x!tpu.dma_semaphore, #tpu.memory_space<semaphore_mem>>
    %dma_start3A_53 = tpu.memref_squeeze %dma_start3A_52 : memref<1x!tpu.dma_semaphore, #tpu.memory_space<semaphore_mem>> -> memref<!tpu.dma_semaphore, #tpu.memory_space<semaphore_mem>>
    %dma_start3A_54 = arith.constant 0 : i32
    %dma_start3A_55 = tpu.memref_slice %arg8[%add3A_43, %dma_start3A_54] : memref<10240x64xf32, #tpu.memory_space<vmem_shared>> -> memref<128x64xf32, #tpu.memory_space<vmem_shared>>
    %dma_start3A_56 = arith.constant 0 : i32
    %dma_start3A_57 = arith.constant 0 : i32
    %dma_start3A_58 = tpu.memref_slice %arg7[%dma_start3A_44, %dma_start3A_56, %dma_start3A_57] : memref<4x128x64xf32, #tpu.memory_space<vmem>> -> memref<1x128x64xf32, #tpu.memory_space<vmem>>
    %dma_start3A_59 = tpu.memref_squeeze %dma_start3A_58 : memref<1x128x64xf32, #tpu.memory_space<vmem>> -> memref<128x64xf32, #tpu.memory_space<vmem>>
    tpu.enqueue_dma source(%dma_start3A_59 : memref<128x64xf32, #tpu.memory_space<vmem>>) target(%dma_start3A_55 : memref<128x64xf32, #tpu.memory_space<vmem_shared>>) target_semaphore(%dma_start3A_53 : memref<!tpu.dma_semaphore, #tpu.memory_space<semaphore_mem>>)
    %add3A_60 = arith.constant 384 : i32
    %add3A_61 = arith.addi %mul3A_6, %add3A_60 : i32
    %dma_start3A_62 = arith.constant 0 : i32
    %dma_start3A_63 = arith.constant 0 : i32
    %dma_start3A_64 = arith.constant 0 : i32
    %dma_start3A_65 = arith.constant 0 : i32
    %dma_start3A_66 = tpu.memref_slice %arg7[%dma_start3A_62, %dma_start3A_64, %dma_start3A_65] : memref<4x128x64xf32, #tpu.memory_space<vmem>> -> memref<1x128x64xf32, #tpu.memory_space<vmem>>
    %dma_start3A_67 = tpu.memref_squeeze %dma_start3A_66 : memref<1x128x64xf32, #tpu.memory_space<vmem>> -> memref<128x64xf32, #tpu.memory_space<vmem>>
    %dma_start3A_68 = arith.constant 0 : i32
    %dma_start3A_69 = tpu.memref_slice %arg8[%add3A_61, %dma_start3A_68] : memref<10240x64xf32, #tpu.memory_space<vmem_shared>> -> memref<128x64xf32, #tpu.memory_space<vmem_shared>>
    %dma_start3A_70 = tpu.memref_slice %arg9[%dma_start3A_63] : memref<4x!tpu.dma_semaphore, #tpu.memory_space<semaphore_mem>> -> memref<1x!tpu.dma_semaphore, #tpu.memory_space<semaphore_mem>>
    %dma_start3A_71 = tpu.memref_squeeze %dma_start3A_70 : memref<1x!tpu.dma_semaphore, #tpu.memory_space<semaphore_mem>> -> memref<!tpu.dma_semaphore, #tpu.memory_space<semaphore_mem>>
    %dma_start3A_72 = arith.constant 0 : i32
    %dma_start3A_73 = tpu.memref_slice %arg8[%add3A_61, %dma_start3A_72] : memref<10240x64xf32, #tpu.memory_space<vmem_shared>> -> memref<128x64xf32, #tpu.memory_space<vmem_shared>>
    %dma_start3A_74 = arith.constant 0 : i32
    %dma_start3A_75 = arith.constant 0 : i32
    %dma_start3A_76 = tpu.memref_slice %arg7[%dma_start3A_62, %dma_start3A_74, %dma_start3A_75] : memref<4x128x64xf32, #tpu.memory_space<vmem>> -> memref<1x128x64xf32, #tpu.memory_space<vmem>>
    %dma_start3A_77 = tpu.memref_squeeze %dma_start3A_76 : memref<1x128x64xf32, #tpu.memory_space<vmem>> -> memref<128x64xf32, #tpu.memory_space<vmem>>
    tpu.enqueue_dma source(%dma_start3A_77 : memref<128x64xf32, #tpu.memory_space<vmem>>) target(%dma_start3A_73 : memref<128x64xf32, #tpu.memory_space<vmem_shared>>) target_semaphore(%dma_start3A_71 : memref<!tpu.dma_semaphore, #tpu.memory_space<semaphore_mem>>)
    %add3A_78 = arith.constant 512 : i32
    %add3A_79 = arith.addi %mul3A_6, %add3A_78 : i32
    %dma_start3A_80 = arith.constant 0 : i32
    %dma_start3A_81 = arith.constant 0 : i32
    %dma_start3A_82 = arith.constant 0 : i32
    %dma_start3A_83 = arith.constant 0 : i32
    %dma_start3A_84 = tpu.memref_slice %arg7[%dma_start3A_80, %dma_start3A_82, %dma_start3A_83] : memref<4x128x64xf32, #tpu.memory_space<vmem>> -> memref<1x128x64xf32, #tpu.memory_space<vmem>>
    %dma_start3A_85 = tpu.memref_squeeze %dma_start3A_84 : memref<1x128x64xf32, #tpu.memory_space<vmem>> -> memref<128x64xf32, #tpu.memory_space<vmem>>
    %dma_start3A_86 = arith.constant 0 : i32
    %dma_start3A_87 = tpu.memref_slice %arg8[%add3A_79, %dma_start3A_86] : memref<10240x64xf32, #tpu.memory_space<vmem_shared>> -> memref<128x64xf32, #tpu.memory_space<vmem_shared>>
    %dma_start3A_88 = tpu.memref_slice %arg9[%dma_start3A_81] : memref<4x!tpu.dma_semaphore, #tpu.memory_space<semaphore_mem>> -> memref<1x!tpu.dma_semaphore, #tpu.memory_space<semaphore_mem>>
    %dma_start3A_89 = tpu.memref_squeeze %dma_start3A_88 : memref<1x!tpu.dma_semaphore, #tpu.memory_space<semaphore_mem>> -> memref<!tpu.dma_semaphore, #tpu.memory_space<semaphore_mem>>
    %dma_start3A_90 = arith.constant 0 : i32
    %dma_start3A_91 = tpu.memref_slice %arg8[%add3A_79, %dma_start3A_90] : memref<10240x64xf32, #tpu.memory_space<vmem_shared>> -> memref<128x64xf32, #tpu.memory_space<vmem_shared>>
    %dma_start3A_92 = arith.constant 0 : i32
    %dma_start3A_93 = arith.constant 0 : i32
    %dma_start3A_94 = tpu.memref_slice %arg7[%dma_start3A_80, %dma_start3A_92, %dma_start3A_93] : memref<4x128x64xf32, #tpu.memory_space<vmem>> -> memref<1x128x64xf32, #tpu.memory_space<vmem>>
    %dma_start3A_95 = tpu.memref_squeeze %dma_start3A_94 : memref<1x128x64xf32, #tpu.memory_space<vmem>> -> memref<128x64xf32, #tpu.memory_space<vmem>>
    tpu.enqueue_dma source(%dma_start3A_95 : memref<128x64xf32, #tpu.memory_space<vmem>>) target(%dma_start3A_91 : memref<128x64xf32, #tpu.memory_space<vmem_shared>>) target_semaphore(%dma_start3A_89 : memref<!tpu.dma_semaphore, #tpu.memory_space<semaphore_mem>>)
    %dma_wait3A = arith.constant 0 : i32
    %dma_wait3A_96 = arith.constant 0 : i32
    %dma_wait3A_97 = arith.constant 0 : i32
    %dma_wait3A_98 = arith.constant 0 : i32
    %dma_wait3A_99 = tpu.memref_slice %arg7[%dma_wait3A, %dma_wait3A_97, %dma_wait3A_98] : memref<4x128x64xf32, #tpu.memory_space<vmem>> -> memref<1x128x64xf32, #tpu.memory_space<vmem>>
    %dma_wait3A_100 = tpu.memref_squeeze %dma_wait3A_99 : memref<1x128x64xf32, #tpu.memory_space<vmem>> -> memref<128x64xf32, #tpu.memory_space<vmem>>
    %dma_wait3A_101 = arith.constant 0 : i32
    %dma_wait3A_102 = tpu.memref_slice %arg8[%add3A_8, %dma_wait3A_101] : memref<10240x64xf32, #tpu.memory_space<vmem_shared>> -> memref<128x64xf32, #tpu.memory_space<vmem_shared>>
    %dma_wait3A_103 = tpu.memref_slice %arg9[%dma_wait3A_96] : memref<4x!tpu.dma_semaphore, #tpu.memory_space<semaphore_mem>> -> memref<1x!tpu.dma_semaphore, #tpu.memory_space<semaphore_mem>>
    %dma_wait3A_104 = tpu.memref_squeeze %dma_wait3A_103 : memref<1x!tpu.dma_semaphore, #tpu.memory_space<semaphore_mem>> -> memref<!tpu.dma_semaphore, #tpu.memory_space<semaphore_mem>>
    %dma_wait3A_105 = arith.constant 0 : i32
    %dma_wait3A_106 = tpu.memref_slice %arg8[%add3A_8, %dma_wait3A_105] : memref<10240x64xf32, #tpu.memory_space<vmem_shared>> -> memref<128x64xf32, #tpu.memory_space<vmem_shared>>
    %dma_wait3A_107 = arith.constant 0 : i32
    %dma_wait3A_108 = arith.constant 0 : i32
    %dma_wait3A_109 = tpu.memref_slice %arg7[%dma_wait3A, %dma_wait3A_107, %dma_wait3A_108] : memref<4x128x64xf32, #tpu.memory_space<vmem>> -> memref<1x128x64xf32, #tpu.memory_space<vmem>>
    %dma_wait3A_110 = tpu.memref_squeeze %dma_wait3A_109 : memref<1x128x64xf32, #tpu.memory_space<vmem>> -> memref<128x64xf32, #tpu.memory_space<vmem>>
    tpu.wait_dma2 semaphore(%dma_wait3A_104 : memref<!tpu.dma_semaphore, #tpu.memory_space<semaphore_mem>>) src(%dma_wait3A_110 : memref<128x64xf32, #tpu.memory_space<vmem>>) dst(%dma_wait3A_106 : memref<128x64xf32, #tpu.memory_space<vmem_shared>>)
    %dma_wait3A_111 = arith.constant 0 : i32
    %dma_wait3A_112 = arith.constant 0 : i32
    %dma_wait3A_113 = arith.constant 0 : i32
    %dma_wait3A_114 = arith.constant 0 : i32
    %dma_wait3A_115 = tpu.memref_slice %arg7[%dma_wait3A_111, %dma_wait3A_113, %dma_wait3A_114] : memref<4x128x64xf32, #tpu.memory_space<vmem>> -> memref<1x128x64xf32, #tpu.memory_space<vmem>>
    %dma_wait3A_116 = tpu.memref_squeeze %dma_wait3A_115 : memref<1x128x64xf32, #tpu.memory_space<vmem>> -> memref<128x64xf32, #tpu.memory_space<vmem>>
    %dma_wait3A_117 = arith.constant 0 : i32
    %dma_wait3A_118 = tpu.memref_slice %arg8[%add3A_25, %dma_wait3A_117] : memref<10240x64xf32, #tpu.memory_space<vmem_shared>> -> memref<128x64xf32, #tpu.memory_space<vmem_shared>>
    %dma_wait3A_119 = tpu.memref_slice %arg9[%dma_wait3A_112] : memref<4x!tpu.dma_semaphore, #tpu.memory_space<semaphore_mem>> -> memref<1x!tpu.dma_semaphore, #tpu.memory_space<semaphore_mem>>
    %dma_wait3A_120 = tpu.memref_squeeze %dma_wait3A_119 : memref<1x!tpu.dma_semaphore, #tpu.memory_space<semaphore_mem>> -> memref<!tpu.dma_semaphore, #tpu.memory_space<semaphore_mem>>
    %dma_wait3A_121 = arith.constant 0 : i32
    %dma_wait3A_122 = tpu.memref_slice %arg8[%add3A_25, %dma_wait3A_121] : memref<10240x64xf32, #tpu.memory_space<vmem_shared>> -> memref<128x64xf32, #tpu.memory_space<vmem_shared>>
    %dma_wait3A_123 = arith.constant 0 : i32
    %dma_wait3A_124 = arith.constant 0 : i32
    %dma_wait3A_125 = tpu.memref_slice %arg7[%dma_wait3A_111, %dma_wait3A_123, %dma_wait3A_124] : memref<4x128x64xf32, #tpu.memory_space<vmem>> -> memref<1x128x64xf32, #tpu.memory_space<vmem>>
    %dma_wait3A_126 = tpu.memref_squeeze %dma_wait3A_125 : memref<1x128x64xf32, #tpu.memory_space<vmem>> -> memref<128x64xf32, #tpu.memory_space<vmem>>
    tpu.wait_dma2 semaphore(%dma_wait3A_120 : memref<!tpu.dma_semaphore, #tpu.memory_space<semaphore_mem>>) src(%dma_wait3A_126 : memref<128x64xf32, #tpu.memory_space<vmem>>) dst(%dma_wait3A_122 : memref<128x64xf32, #tpu.memory_space<vmem_shared>>)
    %dma_wait3A_127 = arith.constant 0 : i32
    %dma_wait3A_128 = arith.constant 0 : i32
    %dma_wait3A_129 = arith.constant 0 : i32
    %dma_wait3A_130 = arith.constant 0 : i32
    %dma_wait3A_131 = tpu.memref_slice %arg7[%dma_wait3A_127, %dma_wait3A_129, %dma_wait3A_130] : memref<4x128x64xf32, #tpu.memory_space<vmem>> -> memref<1x128x64xf32, #tpu.memory_space<vmem>>
    %dma_wait3A_132 = tpu.memref_squeeze %dma_wait3A_131 : memref<1x128x64xf32, #tpu.memory_space<vmem>> -> memref<128x64xf32, #tpu.memory_space<vmem>>
    %dma_wait3A_133 = arith.constant 0 : i32
    %dma_wait3A_134 = tpu.memref_slice %arg8[%add3A_43, %dma_wait3A_133] : memref<10240x64xf32, #tpu.memory_space<vmem_shared>> -> memref<128x64xf32, #tpu.memory_space<vmem_shared>>
    %dma_wait3A_135 = tpu.memref_slice %arg9[%dma_wait3A_128] : memref<4x!tpu.dma_semaphore, #tpu.memory_space<semaphore_mem>> -> memref<1x!tpu.dma_semaphore, #tpu.memory_space<semaphore_mem>>
    %dma_wait3A_136 = tpu.memref_squeeze %dma_wait3A_135 : memref<1x!tpu.dma_semaphore, #tpu.memory_space<semaphore_mem>> -> memref<!tpu.dma_semaphore, #tpu.memory_space<semaphore_mem>>
    %dma_wait3A_137 = arith.constant 0 : i32
    %dma_wait3A_138 = tpu.memref_slice %arg8[%add3A_43, %dma_wait3A_137] : memref<10240x64xf32, #tpu.memory_space<vmem_shared>> -> memref<128x64xf32, #tpu.memory_space<vmem_shared>>
    %dma_wait3A_139 = arith.constant 0 : i32
    %dma_wait3A_140 = arith.constant 0 : i32
    %dma_wait3A_141 = tpu.memref_slice %arg7[%dma_wait3A_127, %dma_wait3A_139, %dma_wait3A_140] : memref<4x128x64xf32, #tpu.memory_space<vmem>> -> memref<1x128x64xf32, #tpu.memory_space<vmem>>
    %dma_wait3A_142 = tpu.memref_squeeze %dma_wait3A_141 : memref<1x128x64xf32, #tpu.memory_space<vmem>> -> memref<128x64xf32, #tpu.memory_space<vmem>>
    tpu.wait_dma2 semaphore(%dma_wait3A_136 : memref<!tpu.dma_semaphore, #tpu.memory_space<semaphore_mem>>) src(%dma_wait3A_142 : memref<128x64xf32, #tpu.memory_space<vmem>>) dst(%dma_wait3A_138 : memref<128x64xf32, #tpu.memory_space<vmem_shared>>)
    %dma_wait3A_143 = arith.constant 0 : i32
    %dma_wait3A_144 = arith.constant 0 : i32
    %dma_wait3A_145 = arith.constant 0 : i32
    %dma_wait3A_146 = arith.constant 0 : i32
    %dma_wait3A_147 = tpu.memref_slice %arg7[%dma_wait3A_143, %dma_wait3A_145, %dma_wait3A_146] : memref<4x128x64xf32, #tpu.memory_space<vmem>> -> memref<1x128x64xf32, #tpu.memory_space<vmem>>
    %dma_wait3A_148 = tpu.memref_squeeze %dma_wait3A_147 : memref<1x128x64xf32, #tpu.memory_space<vmem>> -> memref<128x64xf32, #tpu.memory_space<vmem>>
    %dma_wait3A_149 = arith.constant 0 : i32
    %dma_wait3A_150 = tpu.memref_slice %arg8[%add3A_61, %dma_wait3A_149] : memref<10240x64xf32, #tpu.memory_space<vmem_shared>> -> memref<128x64xf32, #tpu.memory_space<vmem_shared>>
    %dma_wait3A_151 = tpu.memref_slice %arg9[%dma_wait3A_144] : memref<4x!tpu.dma_semaphore, #tpu.memory_space<semaphore_mem>> -> memref<1x!tpu.dma_semaphore, #tpu.memory_space<semaphore_mem>>
    %dma_wait3A_152 = tpu.memref_squeeze %dma_wait3A_151 : memref<1x!tpu.dma_semaphore, #tpu.memory_space<semaphore_mem>> -> memref<!tpu.dma_semaphore, #tpu.memory_space<semaphore_mem>>
    %dma_wait3A_153 = arith.constant 0 : i32
    %dma_wait3A_154 = tpu.memref_slice %arg8[%add3A_61, %dma_wait3A_153] : memref<10240x64xf32, #tpu.memory_space<vmem_shared>> -> memref<128x64xf32, #tpu.memory_space<vmem_shared>>
    %dma_wait3A_155 = arith.constant 0 : i32
    %dma_wait3A_156 = arith.constant 0 : i32
    %dma_wait3A_157 = tpu.memref_slice %arg7[%dma_wait3A_143, %dma_wait3A_155, %dma_wait3A_156] : memref<4x128x64xf32, #tpu.memory_space<vmem>> -> memref<1x128x64xf32, #tpu.memory_space<vmem>>
    %dma_wait3A_158 = tpu.memref_squeeze %dma_wait3A_157 : memref<1x128x64xf32, #tpu.memory_space<vmem>> -> memref<128x64xf32, #tpu.memory_space<vmem>>
    tpu.wait_dma2 semaphore(%dma_wait3A_152 : memref<!tpu.dma_semaphore, #tpu.memory_space<semaphore_mem>>) src(%dma_wait3A_158 : memref<128x64xf32, #tpu.memory_space<vmem>>) dst(%dma_wait3A_154 : memref<128x64xf32, #tpu.memory_space<vmem_shared>>)
    %dma_wait3A_159 = arith.constant 0 : i32
    %dma_wait3A_160 = arith.constant 0 : i32
    %dma_wait3A_161 = arith.constant 0 : i32
    %dma_wait3A_162 = arith.constant 0 : i32
    %dma_wait3A_163 = tpu.memref_slice %arg7[%dma_wait3A_159, %dma_wait3A_161, %dma_wait3A_162] : memref<4x128x64xf32, #tpu.memory_space<vmem>> -> memref<1x128x64xf32, #tpu.memory_space<vmem>>
    %dma_wait3A_164 = tpu.memref_squeeze %dma_wait3A_163 : memref<1x128x64xf32, #tpu.memory_space<vmem>> -> memref<128x64xf32, #tpu.memory_space<vmem>>
    %dma_wait3A_165 = arith.constant 0 : i32
    %dma_wait3A_166 = tpu.memref_slice %arg8[%add3A_79, %dma_wait3A_165] : memref<10240x64xf32, #tpu.memory_space<vmem_shared>> -> memref<128x64xf32, #tpu.memory_space<vmem_shared>>
    %dma_wait3A_167 = tpu.memref_slice %arg9[%dma_wait3A_160] : memref<4x!tpu.dma_semaphore, #tpu.memory_space<semaphore_mem>> -> memref<1x!tpu.dma_semaphore, #tpu.memory_space<semaphore_mem>>
    %dma_wait3A_168 = tpu.memref_squeeze %dma_wait3A_167 : memref<1x!tpu.dma_semaphore, #tpu.memory_space<semaphore_mem>> -> memref<!tpu.dma_semaphore, #tpu.memory_space<semaphore_mem>>
    %dma_wait3A_169 = arith.constant 0 : i32
    %dma_wait3A_170 = tpu.memref_slice %arg8[%add3A_79, %dma_wait3A_169] : memref<10240x64xf32, #tpu.memory_space<vmem_shared>> -> memref<128x64xf32, #tpu.memory_space<vmem_shared>>
    %dma_wait3A_171 = arith.constant 0 : i32
    %dma_wait3A_172 = arith.constant 0 : i32
    %dma_wait3A_173 = tpu.memref_slice %arg7[%dma_wait3A_159, %dma_wait3A_171, %dma_wait3A_172] : memref<4x128x64xf32, #tpu.memory_space<vmem>> -> memref<1x128x64xf32, #tpu.memory_space<vmem>>
    %dma_wait3A_174 = tpu.memref_squeeze %dma_wait3A_173 : memref<1x128x64xf32, #tpu.memory_space<vmem>> -> memref<128x64xf32, #tpu.memory_space<vmem>>
    tpu.wait_dma2 semaphore(%dma_wait3A_168 : memref<!tpu.dma_semaphore, #tpu.memory_space<semaphore_mem>>) src(%dma_wait3A_174 : memref<128x64xf32, #tpu.memory_space<vmem>>) dst(%dma_wait3A_170 : memref<128x64xf32, #tpu.memory_space<vmem_shared>>)
    %barrier3A = arith.constant 0 : index
    tpu.barrier barrier_id(%barrier3A)
    %scan3A_175 = arith.constant 0 : i32
    %scan3A_176 = arith.constant 5 : i32
    %scan3A_177 = arith.addi %scan3A_175, %scan3A_176 : i32
    %scan3A_178 = arith.constant 1 : i32
    scf.for %scan3A_281 = %scan3A_175 to %scan3A_177 step %scan3A_178  : i32 {
      %mul3A_282 = arith.constant 1 : i32
      %mul3A_283 = arith.muli %scan3A_281, %mul3A_282 : i32
      %add3A_284 = arith.constant 0 : i32
      %add3A_285 = arith.addi %add3A_284, %mul3A_283 : i32
      %mul3A_286 = arith.constant 16 : i32
      %mul3A_287 = arith.muli %add3A_285, %mul3A_286 : i32
      %dma_start3A_288 = arith.constant 0 : i32
      %dma_start3A_289 = arith.constant 0 : i32
      %dma_start3A_290 = arith.constant 0 : i32
      %dma_start3A_291 = tpu.memref_slice %arg3[%dma_start3A_288, %add3A, %mul3A_287, %dma_start3A_290] : memref<2x32x80x125xi32, #tpu.memory_space<hbm>> -> memref<1x1x16x125xi32, #tpu.memory_space<hbm>>
      %dma_start3A_292 = tpu.memref_squeeze %dma_start3A_291 : memref<1x1x16x125xi32, #tpu.memory_space<hbm>> -> memref<16x125xi32, #tpu.memory_space<hbm>>
      %dma_start3A_293 = tpu.memref_slice %arg9[%dma_start3A_289] : memref<4x!tpu.dma_semaphore, #tpu.memory_space<semaphore_mem>> -> memref<1x!tpu.dma_semaphore, #tpu.memory_space<semaphore_mem>>
      %dma_start3A_294 = tpu.memref_squeeze %dma_start3A_293 : memref<1x!tpu.dma_semaphore, #tpu.memory_space<semaphore_mem>> -> memref<!tpu.dma_semaphore, #tpu.memory_space<semaphore_mem>>
      %dma_start3A_295 = arith.constant 0 : i32
      %dma_start3A_296 = tpu.memref_slice %arg3[%dma_start3A_288, %add3A, %mul3A_287, %dma_start3A_295] : memref<2x32x80x125xi32, #tpu.memory_space<hbm>> -> memref<1x1x16x125xi32, #tpu.memory_space<hbm>>
      %dma_start3A_297 = tpu.memref_squeeze %dma_start3A_296 : memref<1x1x16x125xi32, #tpu.memory_space<hbm>> -> memref<16x125xi32, #tpu.memory_space<hbm>>
      tpu.enqueue_dma source(%dma_start3A_297 : memref<16x125xi32, #tpu.memory_space<hbm>>) target(%arg5 : memref<16x125xi32, #tpu.memory_space<vmem>>) target_semaphore(%dma_start3A_294 : memref<!tpu.dma_semaphore, #tpu.memory_space<semaphore_mem>>)
      %mul3A_298 = arith.constant 16 : i32
      %mul3A_299 = arith.muli %add3A_285, %mul3A_298 : i32
      %dma_start3A_300 = arith.constant 1 : i32
      %dma_start3A_301 = arith.constant 1 : i32
      %dma_start3A_302 = arith.constant 0 : i32
      %dma_start3A_303 = tpu.memref_slice %arg3[%dma_start3A_300, %add3A, %mul3A_299, %dma_start3A_302] : memref<2x32x80x125xi32, #tpu.memory_space<hbm>> -> memref<1x1x16x125xi32, #tpu.memory_space<hbm>>
      %dma_start3A_304 = tpu.memref_squeeze %dma_start3A_303 : memref<1x1x16x125xi32, #tpu.memory_space<hbm>> -> memref<16x125xi32, #tpu.memory_space<hbm>>
      %dma_start3A_305 = tpu.memref_slice %arg9[%dma_start3A_301] : memref<4x!tpu.dma_semaphore, #tpu.memory_space<semaphore_mem>> -> memref<1x!tpu.dma_semaphore, #tpu.memory_space<semaphore_mem>>
      %dma_start3A_306 = tpu.memref_squeeze %dma_start3A_305 : memref<1x!tpu.dma_semaphore, #tpu.memory_space<semaphore_mem>> -> memref<!tpu.dma_semaphore, #tpu.memory_space<semaphore_mem>>
      %dma_start3A_307 = arith.constant 0 : i32
      %dma_start3A_308 = tpu.memref_slice %arg3[%dma_start3A_300, %add3A, %mul3A_299, %dma_start3A_307] : memref<2x32x80x125xi32, #tpu.memory_space<hbm>> -> memref<1x1x16x125xi32, #tpu.memory_space<hbm>>
      %dma_start3A_309 = tpu.memref_squeeze %dma_start3A_308 : memref<1x1x16x125xi32, #tpu.memory_space<hbm>> -> memref<16x125xi32, #tpu.memory_space<hbm>>
      tpu.enqueue_dma source(%dma_start3A_309 : memref<16x125xi32, #tpu.memory_space<hbm>>) target(%arg6 : memref<16x125xi32, #tpu.memory_space<vmem>>) target_semaphore(%dma_start3A_306 : memref<!tpu.dma_semaphore, #tpu.memory_space<semaphore_mem>>)
      %dma_wait3A_310 = arith.constant 0 : i32
      %dma_wait3A_311 = arith.constant 0 : i32
      %dma_wait3A_312 = arith.constant 0 : i32
      %dma_wait3A_313 = tpu.memref_slice %arg3[%dma_wait3A_310, %add3A, %mul3A_287, %dma_wait3A_312] : memref<2x32x80x125xi32, #tpu.memory_space<hbm>> -> memref<1x1x16x125xi32, #tpu.memory_space<hbm>>
      %dma_wait3A_314 = tpu.memref_squeeze %dma_wait3A_313 : memref<1x1x16x125xi32, #tpu.memory_space<hbm>> -> memref<16x125xi32, #tpu.memory_space<hbm>>
      %dma_wait3A_315 = tpu.memref_slice %arg9[%dma_wait3A_311] : memref<4x!tpu.dma_semaphore, #tpu.memory_space<semaphore_mem>> -> memref<1x!tpu.dma_semaphore, #tpu.memory_space<semaphore_mem>>
      %dma_wait3A_316 = tpu.memref_squeeze %dma_wait3A_315 : memref<1x!tpu.dma_semaphore, #tpu.memory_space<semaphore_mem>> -> memref<!tpu.dma_semaphore, #tpu.memory_space<semaphore_mem>>
      %dma_wait3A_317 = arith.constant 0 : i32
      %dma_wait3A_318 = tpu.memref_slice %arg3[%dma_wait3A_310, %add3A, %mul3A_287, %dma_wait3A_317] : memref<2x32x80x125xi32, #tpu.memory_space<hbm>> -> memref<1x1x16x125xi32, #tpu.memory_space<hbm>>
      %dma_wait3A_319 = tpu.memref_squeeze %dma_wait3A_318 : memref<1x1x16x125xi32, #tpu.memory_space<hbm>> -> memref<16x125xi32, #tpu.memory_space<hbm>>
      tpu.wait_dma2 semaphore(%dma_wait3A_316 : memref<!tpu.dma_semaphore, #tpu.memory_space<semaphore_mem>>) src(%dma_wait3A_319 : memref<16x125xi32, #tpu.memory_space<hbm>>) dst(%arg5 : memref<16x125xi32, #tpu.memory_space<vmem>>)
      %dma_wait3A_320 = arith.constant 1 : i32
      %dma_wait3A_321 = arith.constant 1 : i32
      %dma_wait3A_322 = arith.constant 0 : i32
      %dma_wait3A_323 = tpu.memref_slice %arg3[%dma_wait3A_320, %add3A, %mul3A_299, %dma_wait3A_322] : memref<2x32x80x125xi32, #tpu.memory_space<hbm>> -> memref<1x1x16x125xi32, #tpu.memory_space<hbm>>
      %dma_wait3A_324 = tpu.memref_squeeze %dma_wait3A_323 : memref<1x1x16x125xi32, #tpu.memory_space<hbm>> -> memref<16x125xi32, #tpu.memory_space<hbm>>
      %dma_wait3A_325 = tpu.memref_slice %arg9[%dma_wait3A_321] : memref<4x!tpu.dma_semaphore, #tpu.memory_space<semaphore_mem>> -> memref<1x!tpu.dma_semaphore, #tpu.memory_space<semaphore_mem>>
      %dma_wait3A_326 = tpu.memref_squeeze %dma_wait3A_325 : memref<1x!tpu.dma_semaphore, #tpu.memory_space<semaphore_mem>> -> memref<!tpu.dma_semaphore, #tpu.memory_space<semaphore_mem>>
      %dma_wait3A_327 = arith.constant 0 : i32
      %dma_wait3A_328 = tpu.memref_slice %arg3[%dma_wait3A_320, %add3A, %mul3A_299, %dma_wait3A_327] : memref<2x32x80x125xi32, #tpu.memory_space<hbm>> -> memref<1x1x16x125xi32, #tpu.memory_space<hbm>>
      %dma_wait3A_329 = tpu.memref_squeeze %dma_wait3A_328 : memref<1x1x16x125xi32, #tpu.memory_space<hbm>> -> memref<16x125xi32, #tpu.memory_space<hbm>>
      tpu.wait_dma2 semaphore(%dma_wait3A_326 : memref<!tpu.dma_semaphore, #tpu.memory_space<semaphore_mem>>) src(%dma_wait3A_329 : memref<16x125xi32, #tpu.memory_space<hbm>>) dst(%arg6 : memref<16x125xi32, #tpu.memory_space<vmem>>)
      %scan3A_330 = arith.constant 0 : i32
      %scan3A_331 = arith.constant 4 : i32
      %scan3A_332 = arith.addi %scan3A_330, %scan3A_331 : i32
      %scan3A_333 = arith.constant 1 : i32
      scf.for %scan3A_395 = %scan3A_330 to %scan3A_332 step %scan3A_333  : i32 {
        %mul3A_396 = arith.constant 1 : i32
        %mul3A_397 = arith.muli %scan3A_395, %mul3A_396 : i32
        %add3A_398 = arith.constant 0 : i32
        %add3A_399 = arith.addi %add3A_398, %mul3A_397 : i32
        %mul3A_400 = arith.constant 4 : i32
        %mul3A_401 = arith.muli %add3A_399, %mul3A_400 : i32
        %gt3A = arith.constant 0 : i32
        %gt3A_402 = arith.cmpi sgt, %add3A_399, %gt3A : i32
        %convert_element_type3A = arith.extui %gt3A_402 : i1 to i32
        %cond3A = arith.constant 0 : i32
        %cond3A_403 = arith.cmpi ne, %convert_element_type3A, %cond3A : i32
        scf.if %cond3A_403 {
          %add3A_603 = arith.constant 0 : i32
          %add3A_604 = arith.addi %mul3A_401, %add3A_603 : i32
          %dma_wait3A_605 = arith.constant 0 : i32
          %dma_wait3A_606 = arith.constant 0 : i32
          %dma_wait3A_607 = arith.constant 0 : i32
          %dma_wait3A_608 = arith.constant 0 : i32
          %dma_wait3A_609 = tpu.memref_slice %arg7[%dma_wait3A_605, %dma_wait3A_607, %dma_wait3A_608] : memref<4x128x64xf32, #tpu.memory_space<vmem>> -> memref<1x125x64xf32, #tpu.memory_space<vmem>>
          %dma_wait3A_610 = tpu.memref_squeeze %dma_wait3A_609 : memref<1x125x64xf32, #tpu.memory_space<vmem>> -> memref<125x64xf32, #tpu.memory_space<vmem>>
          %dma_wait3A_611 = arith.constant 0 : i32
          %dma_wait3A_612 = tpu.memref_slice %arg6[%add3A_604, %dma_wait3A_611] : memref<16x125xi32, #tpu.memory_space<vmem>> -> memref<1x125xi32, #tpu.memory_space<vmem>>
          %dma_wait3A_613 = tpu.memref_squeeze %dma_wait3A_612 : memref<1x125xi32, #tpu.memory_space<vmem>> -> memref<125xi32, #tpu.memory_space<vmem>>
          %dma_wait3A_614 = arith.constant 0 : i32
          %dma_wait3A_615 = arith.constant 0 : i32
          %dma_wait3A_616 = tpu.memref_slice %arg8[%dma_wait3A_614, %dma_wait3A_615] : memref<10240x64xf32, #tpu.memory_space<vmem_shared>> -> memref<10240x64xf32, #tpu.memory_space<vmem_shared>>
          %dma_wait3A_617 = tpu.memref_slice %arg10[%dma_wait3A_606] : memref<4x!tpu.dma_semaphore, #tpu.memory_space<semaphore_mem>> -> memref<1x!tpu.dma_semaphore, #tpu.memory_space<semaphore_mem>>
          %dma_wait3A_618 = tpu.memref_squeeze %dma_wait3A_617 : memref<1x!tpu.dma_semaphore, #tpu.memory_space<semaphore_mem>> -> memref<!tpu.dma_semaphore, #tpu.memory_space<semaphore_mem>>
          tpu.wait_indirect_dma semaphore(%dma_wait3A_618 : memref<!tpu.dma_semaphore, #tpu.memory_space<semaphore_mem>>) src(%dma_wait3A_610 : memref<125x64xf32, #tpu.memory_space<vmem>>) dst(%dma_wait3A_616 : memref<10240x64xf32, #tpu.memory_space<vmem_shared>>)
        } else {
        }
        %add3A_404 = arith.constant 0 : i32
        %add3A_405 = arith.addi %mul3A_401, %add3A_404 : i32
        %dma_start3A_406 = arith.constant 0 : i32
        %dma_start3A_407 = arith.constant 0 : i32
        %dma_start3A_408 = arith.constant 0 : i32
        %dma_start3A_409 = arith.constant 0 : i32
        %dma_start3A_410 = tpu.memref_slice %arg7[%dma_start3A_406, %dma_start3A_408, %dma_start3A_409] : memref<4x128x64xf32, #tpu.memory_space<vmem>> -> memref<1x125x64xf32, #tpu.memory_space<vmem>>
        %dma_start3A_411 = tpu.memref_squeeze %dma_start3A_410 : memref<1x125x64xf32, #tpu.memory_space<vmem>> -> memref<125x64xf32, #tpu.memory_space<vmem>>
        %dma_start3A_412 = arith.constant 0 : i32
        %dma_start3A_413 = tpu.memref_slice %arg5[%add3A_405, %dma_start3A_412] : memref<16x125xi32, #tpu.memory_space<vmem>> -> memref<1x125xi32, #tpu.memory_space<vmem>>
        %dma_start3A_414 = tpu.memref_squeeze %dma_start3A_413 : memref<1x125xi32, #tpu.memory_space<vmem>> -> memref<125xi32, #tpu.memory_space<vmem>>
        %dma_start3A_415 = arith.constant 0 : i32
        %dma_start3A_416 = arith.constant 0 : i32
        %dma_start3A_417 = tpu.memref_slice %arg2[%dma_start3A_415, %dma_start3A_416] : memref<10240x64xf32, #tpu.memory_space<hbm>> -> memref<10240x64xf32, #tpu.memory_space<hbm>>
        %dma_start3A_418 = tpu.memref_slice %arg9[%dma_start3A_407] : memref<4x!tpu.dma_semaphore, #tpu.memory_space<semaphore_mem>> -> memref<1x!tpu.dma_semaphore, #tpu.memory_space<semaphore_mem>>
        %dma_start3A_419 = tpu.memref_squeeze %dma_start3A_418 : memref<1x!tpu.dma_semaphore, #tpu.memory_space<semaphore_mem>> -> memref<!tpu.dma_semaphore, #tpu.memory_space<semaphore_mem>>
        tpu.enqueue_indirect_dma source(%dma_start3A_417 : memref<10240x64xf32, #tpu.memory_space<hbm>>) target(%dma_start3A_411 : memref<125x64xf32, #tpu.memory_space<vmem>>) offsets(%dma_start3A_414 : memref<125xi32, #tpu.memory_space<vmem>>) semaphore(%dma_start3A_419 : memref<!tpu.dma_semaphore, #tpu.memory_space<semaphore_mem>>)
        %gt3A_420 = arith.constant 0 : i32
        %gt3A_421 = arith.cmpi sgt, %add3A_399, %gt3A_420 : i32
        %convert_element_type3A_422 = arith.extui %gt3A_421 : i1 to i32
        %cond3A_423 = arith.constant 0 : i32
        %cond3A_424 = arith.cmpi ne, %convert_element_type3A_422, %cond3A_423 : i32
        scf.if %cond3A_424 {
          %add3A_603 = arith.constant 1 : i32
          %add3A_604 = arith.addi %mul3A_401, %add3A_603 : i32
          %dma_wait3A_605 = arith.constant 1 : i32
          %dma_wait3A_606 = arith.constant 1 : i32
          %dma_wait3A_607 = arith.constant 0 : i32
          %dma_wait3A_608 = arith.constant 0 : i32
          %dma_wait3A_609 = tpu.memref_slice %arg7[%dma_wait3A_605, %dma_wait3A_607, %dma_wait3A_608] : memref<4x128x64xf32, #tpu.memory_space<vmem>> -> memref<1x125x64xf32, #tpu.memory_space<vmem>>
          %dma_wait3A_610 = tpu.memref_squeeze %dma_wait3A_609 : memref<1x125x64xf32, #tpu.memory_space<vmem>> -> memref<125x64xf32, #tpu.memory_space<vmem>>
          %dma_wait3A_611 = arith.constant 0 : i32
          %dma_wait3A_612 = tpu.memref_slice %arg6[%add3A_604, %dma_wait3A_611] : memref<16x125xi32, #tpu.memory_space<vmem>> -> memref<1x125xi32, #tpu.memory_space<vmem>>
          %dma_wait3A_613 = tpu.memref_squeeze %dma_wait3A_612 : memref<1x125xi32, #tpu.memory_space<vmem>> -> memref<125xi32, #tpu.memory_space<vmem>>
          %dma_wait3A_614 = arith.constant 0 : i32
          %dma_wait3A_615 = arith.constant 0 : i32
          %dma_wait3A_616 = tpu.memref_slice %arg8[%dma_wait3A_614, %dma_wait3A_615] : memref<10240x64xf32, #tpu.memory_space<vmem_shared>> -> memref<10240x64xf32, #tpu.memory_space<vmem_shared>>
          %dma_wait3A_617 = tpu.memref_slice %arg10[%dma_wait3A_606] : memref<4x!tpu.dma_semaphore, #tpu.memory_space<semaphore_mem>> -> memref<1x!tpu.dma_semaphore, #tpu.memory_space<semaphore_mem>>
          %dma_wait3A_618 = tpu.memref_squeeze %dma_wait3A_617 : memref<1x!tpu.dma_semaphore, #tpu.memory_space<semaphore_mem>> -> memref<!tpu.dma_semaphore, #tpu.memory_space<semaphore_mem>>
          tpu.wait_indirect_dma semaphore(%dma_wait3A_618 : memref<!tpu.dma_semaphore, #tpu.memory_space<semaphore_mem>>) src(%dma_wait3A_610 : memref<125x64xf32, #tpu.memory_space<vmem>>) dst(%dma_wait3A_616 : memref<10240x64xf32, #tpu.memory_space<vmem_shared>>)
        } else {
        }
        %add3A_425 = arith.constant 1 : i32
        %add3A_426 = arith.addi %mul3A_401, %add3A_425 : i32
        %dma_start3A_427 = arith.constant 1 : i32
        %dma_start3A_428 = arith.constant 1 : i32
        %dma_start3A_429 = arith.constant 0 : i32
        %dma_start3A_430 = arith.constant 0 : i32
        %dma_start3A_431 = tpu.memref_slice %arg7[%dma_start3A_427, %dma_start3A_429, %dma_start3A_430] : memref<4x128x64xf32, #tpu.memory_space<vmem>> -> memref<1x125x64xf32, #tpu.memory_space<vmem>>
        %dma_start3A_432 = tpu.memref_squeeze %dma_start3A_431 : memref<1x125x64xf32, #tpu.memory_space<vmem>> -> memref<125x64xf32, #tpu.memory_space<vmem>>
        %dma_start3A_433 = arith.constant 0 : i32
        %dma_start3A_434 = tpu.memref_slice %arg5[%add3A_426, %dma_start3A_433] : memref<16x125xi32, #tpu.memory_space<vmem>> -> memref<1x125xi32, #tpu.memory_space<vmem>>
        %dma_start3A_435 = tpu.memref_squeeze %dma_start3A_434 : memref<1x125xi32, #tpu.memory_space<vmem>> -> memref<125xi32, #tpu.memory_space<vmem>>
        %dma_start3A_436 = arith.constant 0 : i32
        %dma_start3A_437 = arith.constant 0 : i32
        %dma_start3A_438 = tpu.memref_slice %arg2[%dma_start3A_436, %dma_start3A_437] : memref<10240x64xf32, #tpu.memory_space<hbm>> -> memref<10240x64xf32, #tpu.memory_space<hbm>>
        %dma_start3A_439 = tpu.memref_slice %arg9[%dma_start3A_428] : memref<4x!tpu.dma_semaphore, #tpu.memory_space<semaphore_mem>> -> memref<1x!tpu.dma_semaphore, #tpu.memory_space<semaphore_mem>>
        %dma_start3A_440 = tpu.memref_squeeze %dma_start3A_439 : memref<1x!tpu.dma_semaphore, #tpu.memory_space<semaphore_mem>> -> memref<!tpu.dma_semaphore, #tpu.memory_space<semaphore_mem>>
        tpu.enqueue_indirect_dma source(%dma_start3A_438 : memref<10240x64xf32, #tpu.memory_space<hbm>>) target(%dma_start3A_432 : memref<125x64xf32, #tpu.memory_space<vmem>>) offsets(%dma_start3A_435 : memref<125xi32, #tpu.memory_space<vmem>>) semaphore(%dma_start3A_440 : memref<!tpu.dma_semaphore, #tpu.memory_space<semaphore_mem>>)
        %gt3A_441 = arith.constant 0 : i32
        %gt3A_442 = arith.cmpi sgt, %add3A_399, %gt3A_441 : i32
        %convert_element_type3A_443 = arith.extui %gt3A_442 : i1 to i32
        %cond3A_444 = arith.constant 0 : i32
        %cond3A_445 = arith.cmpi ne, %convert_element_type3A_443, %cond3A_444 : i32
        scf.if %cond3A_445 {
          %add3A_603 = arith.constant 2 : i32
          %add3A_604 = arith.addi %mul3A_401, %add3A_603 : i32
          %dma_wait3A_605 = arith.constant 2 : i32
          %dma_wait3A_606 = arith.constant 2 : i32
          %dma_wait3A_607 = arith.constant 0 : i32
          %dma_wait3A_608 = arith.constant 0 : i32
          %dma_wait3A_609 = tpu.memref_slice %arg7[%dma_wait3A_605, %dma_wait3A_607, %dma_wait3A_608] : memref<4x128x64xf32, #tpu.memory_space<vmem>> -> memref<1x125x64xf32, #tpu.memory_space<vmem>>
          %dma_wait3A_610 = tpu.memref_squeeze %dma_wait3A_609 : memref<1x125x64xf32, #tpu.memory_space<vmem>> -> memref<125x64xf32, #tpu.memory_space<vmem>>
          %dma_wait3A_611 = arith.constant 0 : i32
          %dma_wait3A_612 = tpu.memref_slice %arg6[%add3A_604, %dma_wait3A_611] : memref<16x125xi32, #tpu.memory_space<vmem>> -> memref<1x125xi32, #tpu.memory_space<vmem>>
          %dma_wait3A_613 = tpu.memref_squeeze %dma_wait3A_612 : memref<1x125xi32, #tpu.memory_space<vmem>> -> memref<125xi32, #tpu.memory_space<vmem>>
          %dma_wait3A_614 = arith.constant 0 : i32
          %dma_wait3A_615 = arith.constant 0 : i32
          %dma_wait3A_616 = tpu.memref_slice %arg8[%dma_wait3A_614, %dma_wait3A_615] : memref<10240x64xf32, #tpu.memory_space<vmem_shared>> -> memref<10240x64xf32, #tpu.memory_space<vmem_shared>>
          %dma_wait3A_617 = tpu.memref_slice %arg10[%dma_wait3A_606] : memref<4x!tpu.dma_semaphore, #tpu.memory_space<semaphore_mem>> -> memref<1x!tpu.dma_semaphore, #tpu.memory_space<semaphore_mem>>
          %dma_wait3A_618 = tpu.memref_squeeze %dma_wait3A_617 : memref<1x!tpu.dma_semaphore, #tpu.memory_space<semaphore_mem>> -> memref<!tpu.dma_semaphore, #tpu.memory_space<semaphore_mem>>
          tpu.wait_indirect_dma semaphore(%dma_wait3A_618 : memref<!tpu.dma_semaphore, #tpu.memory_space<semaphore_mem>>) src(%dma_wait3A_610 : memref<125x64xf32, #tpu.memory_space<vmem>>) dst(%dma_wait3A_616 : memref<10240x64xf32, #tpu.memory_space<vmem_shared>>)
        } else {
        }
        %add3A_446 = arith.constant 2 : i32
        %add3A_447 = arith.addi %mul3A_401, %add3A_446 : i32
        %dma_start3A_448 = arith.constant 2 : i32
        %dma_start3A_449 = arith.constant 2 : i32
        %dma_start3A_450 = arith.constant 0 : i32
        %dma_start3A_451 = arith.constant 0 : i32
        %dma_start3A_452 = tpu.memref_slice %arg7[%dma_start3A_448, %dma_start3A_450, %dma_start3A_451] : memref<4x128x64xf32, #tpu.memory_space<vmem>> -> memref<1x125x64xf32, #tpu.memory_space<vmem>>
        %dma_start3A_453 = tpu.memref_squeeze %dma_start3A_452 : memref<1x125x64xf32, #tpu.memory_space<vmem>> -> memref<125x64xf32, #tpu.memory_space<vmem>>
        %dma_start3A_454 = arith.constant 0 : i32
        %dma_start3A_455 = tpu.memref_slice %arg5[%add3A_447, %dma_start3A_454] : memref<16x125xi32, #tpu.memory_space<vmem>> -> memref<1x125xi32, #tpu.memory_space<vmem>>
        %dma_start3A_456 = tpu.memref_squeeze %dma_start3A_455 : memref<1x125xi32, #tpu.memory_space<vmem>> -> memref<125xi32, #tpu.memory_space<vmem>>
        %dma_start3A_457 = arith.constant 0 : i32
        %dma_start3A_458 = arith.constant 0 : i32
        %dma_start3A_459 = tpu.memref_slice %arg2[%dma_start3A_457, %dma_start3A_458] : memref<10240x64xf32, #tpu.memory_space<hbm>> -> memref<10240x64xf32, #tpu.memory_space<hbm>>
        %dma_start3A_460 = tpu.memref_slice %arg9[%dma_start3A_449] : memref<4x!tpu.dma_semaphore, #tpu.memory_space<semaphore_mem>> -> memref<1x!tpu.dma_semaphore, #tpu.memory_space<semaphore_mem>>
        %dma_start3A_461 = tpu.memref_squeeze %dma_start3A_460 : memref<1x!tpu.dma_semaphore, #tpu.memory_space<semaphore_mem>> -> memref<!tpu.dma_semaphore, #tpu.memory_space<semaphore_mem>>
        tpu.enqueue_indirect_dma source(%dma_start3A_459 : memref<10240x64xf32, #tpu.memory_space<hbm>>) target(%dma_start3A_453 : memref<125x64xf32, #tpu.memory_space<vmem>>) offsets(%dma_start3A_456 : memref<125xi32, #tpu.memory_space<vmem>>) semaphore(%dma_start3A_461 : memref<!tpu.dma_semaphore, #tpu.memory_space<semaphore_mem>>)
        %gt3A_462 = arith.constant 0 : i32
        %gt3A_463 = arith.cmpi sgt, %add3A_399, %gt3A_462 : i32
        %convert_element_type3A_464 = arith.extui %gt3A_463 : i1 to i32
        %cond3A_465 = arith.constant 0 : i32
        %cond3A_466 = arith.cmpi ne, %convert_element_type3A_464, %cond3A_465 : i32
        scf.if %cond3A_466 {
          %add3A_603 = arith.constant 3 : i32
          %add3A_604 = arith.addi %mul3A_401, %add3A_603 : i32
          %dma_wait3A_605 = arith.constant 3 : i32
          %dma_wait3A_606 = arith.constant 3 : i32
          %dma_wait3A_607 = arith.constant 0 : i32
          %dma_wait3A_608 = arith.constant 0 : i32
          %dma_wait3A_609 = tpu.memref_slice %arg7[%dma_wait3A_605, %dma_wait3A_607, %dma_wait3A_608] : memref<4x128x64xf32, #tpu.memory_space<vmem>> -> memref<1x125x64xf32, #tpu.memory_space<vmem>>
          %dma_wait3A_610 = tpu.memref_squeeze %dma_wait3A_609 : memref<1x125x64xf32, #tpu.memory_space<vmem>> -> memref<125x64xf32, #tpu.memory_space<vmem>>
          %dma_wait3A_611 = arith.constant 0 : i32
          %dma_wait3A_612 = tpu.memref_slice %arg6[%add3A_604, %dma_wait3A_611] : memref<16x125xi32, #tpu.memory_space<vmem>> -> memref<1x125xi32, #tpu.memory_space<vmem>>
          %dma_wait3A_613 = tpu.memref_squeeze %dma_wait3A_612 : memref<1x125xi32, #tpu.memory_space<vmem>> -> memref<125xi32, #tpu.memory_space<vmem>>
          %dma_wait3A_614 = arith.constant 0 : i32
          %dma_wait3A_615 = arith.constant 0 : i32
          %dma_wait3A_616 = tpu.memref_slice %arg8[%dma_wait3A_614, %dma_wait3A_615] : memref<10240x64xf32, #tpu.memory_space<vmem_shared>> -> memref<10240x64xf32, #tpu.memory_space<vmem_shared>>
          %dma_wait3A_617 = tpu.memref_slice %arg10[%dma_wait3A_606] : memref<4x!tpu.dma_semaphore, #tpu.memory_space<semaphore_mem>> -> memref<1x!tpu.dma_semaphore, #tpu.memory_space<semaphore_mem>>
          %dma_wait3A_618 = tpu.memref_squeeze %dma_wait3A_617 : memref<1x!tpu.dma_semaphore, #tpu.memory_space<semaphore_mem>> -> memref<!tpu.dma_semaphore, #tpu.memory_space<semaphore_mem>>
          tpu.wait_indirect_dma semaphore(%dma_wait3A_618 : memref<!tpu.dma_semaphore, #tpu.memory_space<semaphore_mem>>) src(%dma_wait3A_610 : memref<125x64xf32, #tpu.memory_space<vmem>>) dst(%dma_wait3A_616 : memref<10240x64xf32, #tpu.memory_space<vmem_shared>>)
        } else {
        }
        %add3A_467 = arith.constant 3 : i32
        %add3A_468 = arith.addi %mul3A_401, %add3A_467 : i32
        %dma_start3A_469 = arith.constant 3 : i32
        %dma_start3A_470 = arith.constant 3 : i32
        %dma_start3A_471 = arith.constant 0 : i32
        %dma_start3A_472 = arith.constant 0 : i32
        %dma_start3A_473 = tpu.memref_slice %arg7[%dma_start3A_469, %dma_start3A_471, %dma_start3A_472] : memref<4x128x64xf32, #tpu.memory_space<vmem>> -> memref<1x125x64xf32, #tpu.memory_space<vmem>>
        %dma_start3A_474 = tpu.memref_squeeze %dma_start3A_473 : memref<1x125x64xf32, #tpu.memory_space<vmem>> -> memref<125x64xf32, #tpu.memory_space<vmem>>
        %dma_start3A_475 = arith.constant 0 : i32
        %dma_start3A_476 = tpu.memref_slice %arg5[%add3A_468, %dma_start3A_475] : memref<16x125xi32, #tpu.memory_space<vmem>> -> memref<1x125xi32, #tpu.memory_space<vmem>>
        %dma_start3A_477 = tpu.memref_squeeze %dma_start3A_476 : memref<1x125xi32, #tpu.memory_space<vmem>> -> memref<125xi32, #tpu.memory_space<vmem>>
        %dma_start3A_478 = arith.constant 0 : i32
        %dma_start3A_479 = arith.constant 0 : i32
        %dma_start3A_480 = tpu.memref_slice %arg2[%dma_start3A_478, %dma_start3A_479] : memref<10240x64xf32, #tpu.memory_space<hbm>> -> memref<10240x64xf32, #tpu.memory_space<hbm>>
        %dma_start3A_481 = tpu.memref_slice %arg9[%dma_start3A_470] : memref<4x!tpu.dma_semaphore, #tpu.memory_space<semaphore_mem>> -> memref<1x!tpu.dma_semaphore, #tpu.memory_space<semaphore_mem>>
        %dma_start3A_482 = tpu.memref_squeeze %dma_start3A_481 : memref<1x!tpu.dma_semaphore, #tpu.memory_space<semaphore_mem>> -> memref<!tpu.dma_semaphore, #tpu.memory_space<semaphore_mem>>
        tpu.enqueue_indirect_dma source(%dma_start3A_480 : memref<10240x64xf32, #tpu.memory_space<hbm>>) target(%dma_start3A_474 : memref<125x64xf32, #tpu.memory_space<vmem>>) offsets(%dma_start3A_477 : memref<125xi32, #tpu.memory_space<vmem>>) semaphore(%dma_start3A_482 : memref<!tpu.dma_semaphore, #tpu.memory_space<semaphore_mem>>)
        %dma_wait3A_483 = arith.constant 0 : i32
        %dma_wait3A_484 = arith.constant 0 : i32
        %dma_wait3A_485 = arith.constant 0 : i32
        %dma_wait3A_486 = arith.constant 0 : i32
        %dma_wait3A_487 = tpu.memref_slice %arg7[%dma_wait3A_483, %dma_wait3A_485, %dma_wait3A_486] : memref<4x128x64xf32, #tpu.memory_space<vmem>> -> memref<1x125x64xf32, #tpu.memory_space<vmem>>
        %dma_wait3A_488 = tpu.memref_squeeze %dma_wait3A_487 : memref<1x125x64xf32, #tpu.memory_space<vmem>> -> memref<125x64xf32, #tpu.memory_space<vmem>>
        %dma_wait3A_489 = arith.constant 0 : i32
        %dma_wait3A_490 = tpu.memref_slice %arg5[%add3A_405, %dma_wait3A_489] : memref<16x125xi32, #tpu.memory_space<vmem>> -> memref<1x125xi32, #tpu.memory_space<vmem>>
        %dma_wait3A_491 = tpu.memref_squeeze %dma_wait3A_490 : memref<1x125xi32, #tpu.memory_space<vmem>> -> memref<125xi32, #tpu.memory_space<vmem>>
        %dma_wait3A_492 = arith.constant 0 : i32
        %dma_wait3A_493 = arith.constant 0 : i32
        %dma_wait3A_494 = tpu.memref_slice %arg2[%dma_wait3A_492, %dma_wait3A_493] : memref<10240x64xf32, #tpu.memory_space<hbm>> -> memref<10240x64xf32, #tpu.memory_space<hbm>>
        %dma_wait3A_495 = tpu.memref_slice %arg9[%dma_wait3A_484] : memref<4x!tpu.dma_semaphore, #tpu.memory_space<semaphore_mem>> -> memref<1x!tpu.dma_semaphore, #tpu.memory_space<semaphore_mem>>
        %dma_wait3A_496 = tpu.memref_squeeze %dma_wait3A_495 : memref<1x!tpu.dma_semaphore, #tpu.memory_space<semaphore_mem>> -> memref<!tpu.dma_semaphore, #tpu.memory_space<semaphore_mem>>
        tpu.wait_indirect_dma semaphore(%dma_wait3A_496 : memref<!tpu.dma_semaphore, #tpu.memory_space<semaphore_mem>>) src(%dma_wait3A_494 : memref<10240x64xf32, #tpu.memory_space<hbm>>) dst(%dma_wait3A_488 : memref<125x64xf32, #tpu.memory_space<vmem>>)
        %add3A_497 = arith.constant 0 : i32
        %add3A_498 = arith.addi %mul3A_401, %add3A_497 : i32
        %dma_start3A_499 = arith.constant 0 : i32
        %dma_start3A_500 = arith.constant 0 : i32
        %dma_start3A_501 = arith.constant 0 : i32
        %dma_start3A_502 = arith.constant 0 : i32
        %dma_start3A_503 = tpu.memref_slice %arg7[%dma_start3A_499, %dma_start3A_501, %dma_start3A_502] : memref<4x128x64xf32, #tpu.memory_space<vmem>> -> memref<1x125x64xf32, #tpu.memory_space<vmem>>
        %dma_start3A_504 = tpu.memref_squeeze %dma_start3A_503 : memref<1x125x64xf32, #tpu.memory_space<vmem>> -> memref<125x64xf32, #tpu.memory_space<vmem>>
        %dma_start3A_505 = arith.constant 0 : i32
        %dma_start3A_506 = tpu.memref_slice %arg6[%add3A_498, %dma_start3A_505] : memref<16x125xi32, #tpu.memory_space<vmem>> -> memref<1x125xi32, #tpu.memory_space<vmem>>
        %dma_start3A_507 = tpu.memref_squeeze %dma_start3A_506 : memref<1x125xi32, #tpu.memory_space<vmem>> -> memref<125xi32, #tpu.memory_space<vmem>>
        %dma_start3A_508 = arith.constant 0 : i32
        %dma_start3A_509 = arith.constant 0 : i32
        %dma_start3A_510 = tpu.memref_slice %arg8[%dma_start3A_508, %dma_start3A_509] : memref<10240x64xf32, #tpu.memory_space<vmem_shared>> -> memref<10240x64xf32, #tpu.memory_space<vmem_shared>>
        %dma_start3A_511 = tpu.memref_slice %arg10[%dma_start3A_500] : memref<4x!tpu.dma_semaphore, #tpu.memory_space<semaphore_mem>> -> memref<1x!tpu.dma_semaphore, #tpu.memory_space<semaphore_mem>>
        %dma_start3A_512 = tpu.memref_squeeze %dma_start3A_511 : memref<1x!tpu.dma_semaphore, #tpu.memory_space<semaphore_mem>> -> memref<!tpu.dma_semaphore, #tpu.memory_space<semaphore_mem>>
        tpu.enqueue_indirect_dma source(%dma_start3A_504 : memref<125x64xf32, #tpu.memory_space<vmem>>) target(%dma_start3A_510 : memref<10240x64xf32, #tpu.memory_space<vmem_shared>>) offsets(%dma_start3A_507 : memref<125xi32, #tpu.memory_space<vmem>>) semaphore(%dma_start3A_512 : memref<!tpu.dma_semaphore, #tpu.memory_space<semaphore_mem>>) {add = true}
        %dma_wait3A_513 = arith.constant 1 : i32
        %dma_wait3A_514 = arith.constant 1 : i32
        %dma_wait3A_515 = arith.constant 0 : i32
        %dma_wait3A_516 = arith.constant 0 : i32
        %dma_wait3A_517 = tpu.memref_slice %arg7[%dma_wait3A_513, %dma_wait3A_515, %dma_wait3A_516] : memref<4x128x64xf32, #tpu.memory_space<vmem>> -> memref<1x125x64xf32, #tpu.memory_space<vmem>>
        %dma_wait3A_518 = tpu.memref_squeeze %dma_wait3A_517 : memref<1x125x64xf32, #tpu.memory_space<vmem>> -> memref<125x64xf32, #tpu.memory_space<vmem>>
        %dma_wait3A_519 = arith.constant 0 : i32
        %dma_wait3A_520 = tpu.memref_slice %arg5[%add3A_426, %dma_wait3A_519] : memref<16x125xi32, #tpu.memory_space<vmem>> -> memref<1x125xi32, #tpu.memory_space<vmem>>
        %dma_wait3A_521 = tpu.memref_squeeze %dma_wait3A_520 : memref<1x125xi32, #tpu.memory_space<vmem>> -> memref<125xi32, #tpu.memory_space<vmem>>
        %dma_wait3A_522 = arith.constant 0 : i32
        %dma_wait3A_523 = arith.constant 0 : i32
        %dma_wait3A_524 = tpu.memref_slice %arg2[%dma_wait3A_522, %dma_wait3A_523] : memref<10240x64xf32, #tpu.memory_space<hbm>> -> memref<10240x64xf32, #tpu.memory_space<hbm>>
        %dma_wait3A_525 = tpu.memref_slice %arg9[%dma_wait3A_514] : memref<4x!tpu.dma_semaphore, #tpu.memory_space<semaphore_mem>> -> memref<1x!tpu.dma_semaphore, #tpu.memory_space<semaphore_mem>>
        %dma_wait3A_526 = tpu.memref_squeeze %dma_wait3A_525 : memref<1x!tpu.dma_semaphore, #tpu.memory_space<semaphore_mem>> -> memref<!tpu.dma_semaphore, #tpu.memory_space<semaphore_mem>>
        tpu.wait_indirect_dma semaphore(%dma_wait3A_526 : memref<!tpu.dma_semaphore, #tpu.memory_space<semaphore_mem>>) src(%dma_wait3A_524 : memref<10240x64xf32, #tpu.memory_space<hbm>>) dst(%dma_wait3A_518 : memref<125x64xf32, #tpu.memory_space<vmem>>)
        %add3A_527 = arith.constant 1 : i32
        %add3A_528 = arith.addi %mul3A_401, %add3A_527 : i32
        %dma_start3A_529 = arith.constant 1 : i32
        %dma_start3A_530 = arith.constant 1 : i32
        %dma_start3A_531 = arith.constant 0 : i32
        %dma_start3A_532 = arith.constant 0 : i32
        %dma_start3A_533 = tpu.memref_slice %arg7[%dma_start3A_529, %dma_start3A_531, %dma_start3A_532] : memref<4x128x64xf32, #tpu.memory_space<vmem>> -> memref<1x125x64xf32, #tpu.memory_space<vmem>>
        %dma_start3A_534 = tpu.memref_squeeze %dma_start3A_533 : memref<1x125x64xf32, #tpu.memory_space<vmem>> -> memref<125x64xf32, #tpu.memory_space<vmem>>
        %dma_start3A_535 = arith.constant 0 : i32
        %dma_start3A_536 = tpu.memref_slice %arg6[%add3A_528, %dma_start3A_535] : memref<16x125xi32, #tpu.memory_space<vmem>> -> memref<1x125xi32, #tpu.memory_space<vmem>>
        %dma_start3A_537 = tpu.memref_squeeze %dma_start3A_536 : memref<1x125xi32, #tpu.memory_space<vmem>> -> memref<125xi32, #tpu.memory_space<vmem>>
        %dma_start3A_538 = arith.constant 0 : i32
        %dma_start3A_539 = arith.constant 0 : i32
        %dma_start3A_540 = tpu.memref_slice %arg8[%dma_start3A_538, %dma_start3A_539] : memref<10240x64xf32, #tpu.memory_space<vmem_shared>> -> memref<10240x64xf32, #tpu.memory_space<vmem_shared>>
        %dma_start3A_541 = tpu.memref_slice %arg10[%dma_start3A_530] : memref<4x!tpu.dma_semaphore, #tpu.memory_space<semaphore_mem>> -> memref<1x!tpu.dma_semaphore, #tpu.memory_space<semaphore_mem>>
        %dma_start3A_542 = tpu.memref_squeeze %dma_start3A_541 : memref<1x!tpu.dma_semaphore, #tpu.memory_space<semaphore_mem>> -> memref<!tpu.dma_semaphore, #tpu.memory_space<semaphore_mem>>
        tpu.enqueue_indirect_dma source(%dma_start3A_534 : memref<125x64xf32, #tpu.memory_space<vmem>>) target(%dma_start3A_540 : memref<10240x64xf32, #tpu.memory_space<vmem_shared>>) offsets(%dma_start3A_537 : memref<125xi32, #tpu.memory_space<vmem>>) semaphore(%dma_start3A_542 : memref<!tpu.dma_semaphore, #tpu.memory_space<semaphore_mem>>) {add = true}
        %dma_wait3A_543 = arith.constant 2 : i32
        %dma_wait3A_544 = arith.constant 2 : i32
        %dma_wait3A_545 = arith.constant 0 : i32
        %dma_wait3A_546 = arith.constant 0 : i32
        %dma_wait3A_547 = tpu.memref_slice %arg7[%dma_wait3A_543, %dma_wait3A_545, %dma_wait3A_546] : memref<4x128x64xf32, #tpu.memory_space<vmem>> -> memref<1x125x64xf32, #tpu.memory_space<vmem>>
        %dma_wait3A_548 = tpu.memref_squeeze %dma_wait3A_547 : memref<1x125x64xf32, #tpu.memory_space<vmem>> -> memref<125x64xf32, #tpu.memory_space<vmem>>
        %dma_wait3A_549 = arith.constant 0 : i32
        %dma_wait3A_550 = tpu.memref_slice %arg5[%add3A_447, %dma_wait3A_549] : memref<16x125xi32, #tpu.memory_space<vmem>> -> memref<1x125xi32, #tpu.memory_space<vmem>>
        %dma_wait3A_551 = tpu.memref_squeeze %dma_wait3A_550 : memref<1x125xi32, #tpu.memory_space<vmem>> -> memref<125xi32, #tpu.memory_space<vmem>>
        %dma_wait3A_552 = arith.constant 0 : i32
        %dma_wait3A_553 = arith.constant 0 : i32
        %dma_wait3A_554 = tpu.memref_slice %arg2[%dma_wait3A_552, %dma_wait3A_553] : memref<10240x64xf32, #tpu.memory_space<hbm>> -> memref<10240x64xf32, #tpu.memory_space<hbm>>
        %dma_wait3A_555 = tpu.memref_slice %arg9[%dma_wait3A_544] : memref<4x!tpu.dma_semaphore, #tpu.memory_space<semaphore_mem>> -> memref<1x!tpu.dma_semaphore, #tpu.memory_space<semaphore_mem>>
        %dma_wait3A_556 = tpu.memref_squeeze %dma_wait3A_555 : memref<1x!tpu.dma_semaphore, #tpu.memory_space<semaphore_mem>> -> memref<!tpu.dma_semaphore, #tpu.memory_space<semaphore_mem>>
        tpu.wait_indirect_dma semaphore(%dma_wait3A_556 : memref<!tpu.dma_semaphore, #tpu.memory_space<semaphore_mem>>) src(%dma_wait3A_554 : memref<10240x64xf32, #tpu.memory_space<hbm>>) dst(%dma_wait3A_548 : memref<125x64xf32, #tpu.memory_space<vmem>>)
        %add3A_557 = arith.constant 2 : i32
        %add3A_558 = arith.addi %mul3A_401, %add3A_557 : i32
        %dma_start3A_559 = arith.constant 2 : i32
        %dma_start3A_560 = arith.constant 2 : i32
        %dma_start3A_561 = arith.constant 0 : i32
        %dma_start3A_562 = arith.constant 0 : i32
        %dma_start3A_563 = tpu.memref_slice %arg7[%dma_start3A_559, %dma_start3A_561, %dma_start3A_562] : memref<4x128x64xf32, #tpu.memory_space<vmem>> -> memref<1x125x64xf32, #tpu.memory_space<vmem>>
        %dma_start3A_564 = tpu.memref_squeeze %dma_start3A_563 : memref<1x125x64xf32, #tpu.memory_space<vmem>> -> memref<125x64xf32, #tpu.memory_space<vmem>>
        %dma_start3A_565 = arith.constant 0 : i32
        %dma_start3A_566 = tpu.memref_slice %arg6[%add3A_558, %dma_start3A_565] : memref<16x125xi32, #tpu.memory_space<vmem>> -> memref<1x125xi32, #tpu.memory_space<vmem>>
        %dma_start3A_567 = tpu.memref_squeeze %dma_start3A_566 : memref<1x125xi32, #tpu.memory_space<vmem>> -> memref<125xi32, #tpu.memory_space<vmem>>
        %dma_start3A_568 = arith.constant 0 : i32
        %dma_start3A_569 = arith.constant 0 : i32
        %dma_start3A_570 = tpu.memref_slice %arg8[%dma_start3A_568, %dma_start3A_569] : memref<10240x64xf32, #tpu.memory_space<vmem_shared>> -> memref<10240x64xf32, #tpu.memory_space<vmem_shared>>
        %dma_start3A_571 = tpu.memref_slice %arg10[%dma_start3A_560] : memref<4x!tpu.dma_semaphore, #tpu.memory_space<semaphore_mem>> -> memref<1x!tpu.dma_semaphore, #tpu.memory_space<semaphore_mem>>
        %dma_start3A_572 = tpu.memref_squeeze %dma_start3A_571 : memref<1x!tpu.dma_semaphore, #tpu.memory_space<semaphore_mem>> -> memref<!tpu.dma_semaphore, #tpu.memory_space<semaphore_mem>>
        tpu.enqueue_indirect_dma source(%dma_start3A_564 : memref<125x64xf32, #tpu.memory_space<vmem>>) target(%dma_start3A_570 : memref<10240x64xf32, #tpu.memory_space<vmem_shared>>) offsets(%dma_start3A_567 : memref<125xi32, #tpu.memory_space<vmem>>) semaphore(%dma_start3A_572 : memref<!tpu.dma_semaphore, #tpu.memory_space<semaphore_mem>>) {add = true}
        %dma_wait3A_573 = arith.constant 3 : i32
        %dma_wait3A_574 = arith.constant 3 : i32
        %dma_wait3A_575 = arith.constant 0 : i32
        %dma_wait3A_576 = arith.constant 0 : i32
        %dma_wait3A_577 = tpu.memref_slice %arg7[%dma_wait3A_573, %dma_wait3A_575, %dma_wait3A_576] : memref<4x128x64xf32, #tpu.memory_space<vmem>> -> memref<1x125x64xf32, #tpu.memory_space<vmem>>
        %dma_wait3A_578 = tpu.memref_squeeze %dma_wait3A_577 : memref<1x125x64xf32, #tpu.memory_space<vmem>> -> memref<125x64xf32, #tpu.memory_space<vmem>>
        %dma_wait3A_579 = arith.constant 0 : i32
        %dma_wait3A_580 = tpu.memref_slice %arg5[%add3A_468, %dma_wait3A_579] : memref<16x125xi32, #tpu.memory_space<vmem>> -> memref<1x125xi32, #tpu.memory_space<vmem>>
        %dma_wait3A_581 = tpu.memref_squeeze %dma_wait3A_580 : memref<1x125xi32, #tpu.memory_space<vmem>> -> memref<125xi32, #tpu.memory_space<vmem>>
        %dma_wait3A_582 = arith.constant 0 : i32
        %dma_wait3A_583 = arith.constant 0 : i32
        %dma_wait3A_584 = tpu.memref_slice %arg2[%dma_wait3A_582, %dma_wait3A_583] : memref<10240x64xf32, #tpu.memory_space<hbm>> -> memref<10240x64xf32, #tpu.memory_space<hbm>>
        %dma_wait3A_585 = tpu.memref_slice %arg9[%dma_wait3A_574] : memref<4x!tpu.dma_semaphore, #tpu.memory_space<semaphore_mem>> -> memref<1x!tpu.dma_semaphore, #tpu.memory_space<semaphore_mem>>
        %dma_wait3A_586 = tpu.memref_squeeze %dma_wait3A_585 : memref<1x!tpu.dma_semaphore, #tpu.memory_space<semaphore_mem>> -> memref<!tpu.dma_semaphore, #tpu.memory_space<semaphore_mem>>
        tpu.wait_indirect_dma semaphore(%dma_wait3A_586 : memref<!tpu.dma_semaphore, #tpu.memory_space<semaphore_mem>>) src(%dma_wait3A_584 : memref<10240x64xf32, #tpu.memory_space<hbm>>) dst(%dma_wait3A_578 : memref<125x64xf32, #tpu.memory_space<vmem>>)
        %add3A_587 = arith.constant 3 : i32
        %add3A_588 = arith.addi %mul3A_401, %add3A_587 : i32
        %dma_start3A_589 = arith.constant 3 : i32
        %dma_start3A_590 = arith.constant 3 : i32
        %dma_start3A_591 = arith.constant 0 : i32
        %dma_start3A_592 = arith.constant 0 : i32
        %dma_start3A_593 = tpu.memref_slice %arg7[%dma_start3A_589, %dma_start3A_591, %dma_start3A_592] : memref<4x128x64xf32, #tpu.memory_space<vmem>> -> memref<1x125x64xf32, #tpu.memory_space<vmem>>
        %dma_start3A_594 = tpu.memref_squeeze %dma_start3A_593 : memref<1x125x64xf32, #tpu.memory_space<vmem>> -> memref<125x64xf32, #tpu.memory_space<vmem>>
        %dma_start3A_595 = arith.constant 0 : i32
        %dma_start3A_596 = tpu.memref_slice %arg6[%add3A_588, %dma_start3A_595] : memref<16x125xi32, #tpu.memory_space<vmem>> -> memref<1x125xi32, #tpu.memory_space<vmem>>
        %dma_start3A_597 = tpu.memref_squeeze %dma_start3A_596 : memref<1x125xi32, #tpu.memory_space<vmem>> -> memref<125xi32, #tpu.memory_space<vmem>>
        %dma_start3A_598 = arith.constant 0 : i32
        %dma_start3A_599 = arith.constant 0 : i32
        %dma_start3A_600 = tpu.memref_slice %arg8[%dma_start3A_598, %dma_start3A_599] : memref<10240x64xf32, #tpu.memory_space<vmem_shared>> -> memref<10240x64xf32, #tpu.memory_space<vmem_shared>>
        %dma_start3A_601 = tpu.memref_slice %arg10[%dma_start3A_590] : memref<4x!tpu.dma_semaphore, #tpu.memory_space<semaphore_mem>> -> memref<1x!tpu.dma_semaphore, #tpu.memory_space<semaphore_mem>>
        %dma_start3A_602 = tpu.memref_squeeze %dma_start3A_601 : memref<1x!tpu.dma_semaphore, #tpu.memory_space<semaphore_mem>> -> memref<!tpu.dma_semaphore, #tpu.memory_space<semaphore_mem>>
        tpu.enqueue_indirect_dma source(%dma_start3A_594 : memref<125x64xf32, #tpu.memory_space<vmem>>) target(%dma_start3A_600 : memref<10240x64xf32, #tpu.memory_space<vmem_shared>>) offsets(%dma_start3A_597 : memref<125xi32, #tpu.memory_space<vmem>>) semaphore(%dma_start3A_602 : memref<!tpu.dma_semaphore, #tpu.memory_space<semaphore_mem>>) {add = true}
      }
      %scan3A_334 = arith.constant 4 : i32
      %dma_wait3A_335 = arith.constant 0 : i32
      %dma_wait3A_336 = arith.constant 0 : i32
      %dma_wait3A_337 = arith.constant 0 : i32
      %dma_wait3A_338 = arith.constant 0 : i32
      %dma_wait3A_339 = arith.constant 0 : i32
      %dma_wait3A_340 = tpu.memref_slice %arg7[%dma_wait3A_335, %dma_wait3A_338, %dma_wait3A_339] : memref<4x128x64xf32, #tpu.memory_space<vmem>> -> memref<1x125x64xf32, #tpu.memory_space<vmem>>
      %dma_wait3A_341 = tpu.memref_squeeze %dma_wait3A_340 : memref<1x125x64xf32, #tpu.memory_space<vmem>> -> memref<125x64xf32, #tpu.memory_space<vmem>>
      %dma_wait3A_342 = arith.constant 0 : i32
      %dma_wait3A_343 = tpu.memref_slice %arg6[%dma_wait3A_336, %dma_wait3A_342] : memref<16x125xi32, #tpu.memory_space<vmem>> -> memref<1x125xi32, #tpu.memory_space<vmem>>
      %dma_wait3A_344 = tpu.memref_squeeze %dma_wait3A_343 : memref<1x125xi32, #tpu.memory_space<vmem>> -> memref<125xi32, #tpu.memory_space<vmem>>
      %dma_wait3A_345 = arith.constant 0 : i32
      %dma_wait3A_346 = arith.constant 0 : i32
      %dma_wait3A_347 = tpu.memref_slice %arg8[%dma_wait3A_345, %dma_wait3A_346] : memref<10240x64xf32, #tpu.memory_space<vmem_shared>> -> memref<10240x64xf32, #tpu.memory_space<vmem_shared>>
      %dma_wait3A_348 = tpu.memref_slice %arg10[%dma_wait3A_337] : memref<4x!tpu.dma_semaphore, #tpu.memory_space<semaphore_mem>> -> memref<1x!tpu.dma_semaphore, #tpu.memory_space<semaphore_mem>>
      %dma_wait3A_349 = tpu.memref_squeeze %dma_wait3A_348 : memref<1x!tpu.dma_semaphore, #tpu.memory_space<semaphore_mem>> -> memref<!tpu.dma_semaphore, #tpu.memory_space<semaphore_mem>>
      tpu.wait_indirect_dma semaphore(%dma_wait3A_349 : memref<!tpu.dma_semaphore, #tpu.memory_space<semaphore_mem>>) src(%dma_wait3A_341 : memref<125x64xf32, #tpu.memory_space<vmem>>) dst(%dma_wait3A_347 : memref<10240x64xf32, #tpu.memory_space<vmem_shared>>)
      %dma_wait3A_350 = arith.constant 1 : i32
      %dma_wait3A_351 = arith.constant 1 : i32
      %dma_wait3A_352 = arith.constant 1 : i32
      %dma_wait3A_353 = arith.constant 0 : i32
      %dma_wait3A_354 = arith.constant 0 : i32
      %dma_wait3A_355 = tpu.memref_slice %arg7[%dma_wait3A_350, %dma_wait3A_353, %dma_wait3A_354] : memref<4x128x64xf32, #tpu.memory_space<vmem>> -> memref<1x125x64xf32, #tpu.memory_space<vmem>>
      %dma_wait3A_356 = tpu.memref_squeeze %dma_wait3A_355 : memref<1x125x64xf32, #tpu.memory_space<vmem>> -> memref<125x64xf32, #tpu.memory_space<vmem>>
      %dma_wait3A_357 = arith.constant 0 : i32
      %dma_wait3A_358 = tpu.memref_slice %arg6[%dma_wait3A_351, %dma_wait3A_357] : memref<16x125xi32, #tpu.memory_space<vmem>> -> memref<1x125xi32, #tpu.memory_space<vmem>>
      %dma_wait3A_359 = tpu.memref_squeeze %dma_wait3A_358 : memref<1x125xi32, #tpu.memory_space<vmem>> -> memref<125xi32, #tpu.memory_space<vmem>>
      %dma_wait3A_360 = arith.constant 0 : i32
      %dma_wait3A_361 = arith.constant 0 : i32
      %dma_wait3A_362 = tpu.memref_slice %arg8[%dma_wait3A_360, %dma_wait3A_361] : memref<10240x64xf32, #tpu.memory_space<vmem_shared>> -> memref<10240x64xf32, #tpu.memory_space<vmem_shared>>
      %dma_wait3A_363 = tpu.memref_slice %arg10[%dma_wait3A_352] : memref<4x!tpu.dma_semaphore, #tpu.memory_space<semaphore_mem>> -> memref<1x!tpu.dma_semaphore, #tpu.memory_space<semaphore_mem>>
      %dma_wait3A_364 = tpu.memref_squeeze %dma_wait3A_363 : memref<1x!tpu.dma_semaphore, #tpu.memory_space<semaphore_mem>> -> memref<!tpu.dma_semaphore, #tpu.memory_space<semaphore_mem>>
      tpu.wait_indirect_dma semaphore(%dma_wait3A_364 : memref<!tpu.dma_semaphore, #tpu.memory_space<semaphore_mem>>) src(%dma_wait3A_356 : memref<125x64xf32, #tpu.memory_space<vmem>>) dst(%dma_wait3A_362 : memref<10240x64xf32, #tpu.memory_space<vmem_shared>>)
      %dma_wait3A_365 = arith.constant 2 : i32
      %dma_wait3A_366 = arith.constant 2 : i32
      %dma_wait3A_367 = arith.constant 2 : i32
      %dma_wait3A_368 = arith.constant 0 : i32
      %dma_wait3A_369 = arith.constant 0 : i32
      %dma_wait3A_370 = tpu.memref_slice %arg7[%dma_wait3A_365, %dma_wait3A_368, %dma_wait3A_369] : memref<4x128x64xf32, #tpu.memory_space<vmem>> -> memref<1x125x64xf32, #tpu.memory_space<vmem>>
      %dma_wait3A_371 = tpu.memref_squeeze %dma_wait3A_370 : memref<1x125x64xf32, #tpu.memory_space<vmem>> -> memref<125x64xf32, #tpu.memory_space<vmem>>
      %dma_wait3A_372 = arith.constant 0 : i32
      %dma_wait3A_373 = tpu.memref_slice %arg6[%dma_wait3A_366, %dma_wait3A_372] : memref<16x125xi32, #tpu.memory_space<vmem>> -> memref<1x125xi32, #tpu.memory_space<vmem>>
      %dma_wait3A_374 = tpu.memref_squeeze %dma_wait3A_373 : memref<1x125xi32, #tpu.memory_space<vmem>> -> memref<125xi32, #tpu.memory_space<vmem>>
      %dma_wait3A_375 = arith.constant 0 : i32
      %dma_wait3A_376 = arith.constant 0 : i32
      %dma_wait3A_377 = tpu.memref_slice %arg8[%dma_wait3A_375, %dma_wait3A_376] : memref<10240x64xf32, #tpu.memory_space<vmem_shared>> -> memref<10240x64xf32, #tpu.memory_space<vmem_shared>>
      %dma_wait3A_378 = tpu.memref_slice %arg10[%dma_wait3A_367] : memref<4x!tpu.dma_semaphore, #tpu.memory_space<semaphore_mem>> -> memref<1x!tpu.dma_semaphore, #tpu.memory_space<semaphore_mem>>
      %dma_wait3A_379 = tpu.memref_squeeze %dma_wait3A_378 : memref<1x!tpu.dma_semaphore, #tpu.memory_space<semaphore_mem>> -> memref<!tpu.dma_semaphore, #tpu.memory_space<semaphore_mem>>
      tpu.wait_indirect_dma semaphore(%dma_wait3A_379 : memref<!tpu.dma_semaphore, #tpu.memory_space<semaphore_mem>>) src(%dma_wait3A_371 : memref<125x64xf32, #tpu.memory_space<vmem>>) dst(%dma_wait3A_377 : memref<10240x64xf32, #tpu.memory_space<vmem_shared>>)
      %dma_wait3A_380 = arith.constant 3 : i32
      %dma_wait3A_381 = arith.constant 3 : i32
      %dma_wait3A_382 = arith.constant 3 : i32
      %dma_wait3A_383 = arith.constant 0 : i32
      %dma_wait3A_384 = arith.constant 0 : i32
      %dma_wait3A_385 = tpu.memref_slice %arg7[%dma_wait3A_380, %dma_wait3A_383, %dma_wait3A_384] : memref<4x128x64xf32, #tpu.memory_space<vmem>> -> memref<1x125x64xf32, #tpu.memory_space<vmem>>
      %dma_wait3A_386 = tpu.memref_squeeze %dma_wait3A_385 : memref<1x125x64xf32, #tpu.memory_space<vmem>> -> memref<125x64xf32, #tpu.memory_space<vmem>>
      %dma_wait3A_387 = arith.constant 0 : i32
      %dma_wait3A_388 = tpu.memref_slice %arg6[%dma_wait3A_381, %dma_wait3A_387] : memref<16x125xi32, #tpu.memory_space<vmem>> -> memref<1x125xi32, #tpu.memory_space<vmem>>
      %dma_wait3A_389 = tpu.memref_squeeze %dma_wait3A_388 : memref<1x125xi32, #tpu.memory_space<vmem>> -> memref<125xi32, #tpu.memory_space<vmem>>
      %dma_wait3A_390 = arith.constant 0 : i32
      %dma_wait3A_391 = arith.constant 0 : i32
      %dma_wait3A_392 = tpu.memref_slice %arg8[%dma_wait3A_390, %dma_wait3A_391] : memref<10240x64xf32, #tpu.memory_space<vmem_shared>> -> memref<10240x64xf32, #tpu.memory_space<vmem_shared>>
      %dma_wait3A_393 = tpu.memref_slice %arg10[%dma_wait3A_382] : memref<4x!tpu.dma_semaphore, #tpu.memory_space<semaphore_mem>> -> memref<1x!tpu.dma_semaphore, #tpu.memory_space<semaphore_mem>>
      %dma_wait3A_394 = tpu.memref_squeeze %dma_wait3A_393 : memref<1x!tpu.dma_semaphore, #tpu.memory_space<semaphore_mem>> -> memref<!tpu.dma_semaphore, #tpu.memory_space<semaphore_mem>>
      tpu.wait_indirect_dma semaphore(%dma_wait3A_394 : memref<!tpu.dma_semaphore, #tpu.memory_space<semaphore_mem>>) src(%dma_wait3A_386 : memref<125x64xf32, #tpu.memory_space<vmem>>) dst(%dma_wait3A_392 : memref<10240x64xf32, #tpu.memory_space<vmem_shared>>)
    }
    %scan3A_179 = arith.constant 5 : i32
    %barrier3A_180 = arith.constant 0 : index
    tpu.barrier barrier_id(%barrier3A_180)
    %add3A_181 = arith.constant 0 : i32
    %add3A_182 = arith.addi %mul3A_6, %add3A_181 : i32
    %add3A_183 = arith.constant 0 : i32
    %add3A_184 = arith.addi %mul3A_6, %add3A_183 : i32
    %dma_start3A_185 = arith.constant 0 : i32
    %dma_start3A_186 = tpu.memref_slice %arg10[%dma_start3A_185] : memref<4x!tpu.dma_semaphore, #tpu.memory_space<semaphore_mem>> -> memref<1x!tpu.dma_semaphore, #tpu.memory_space<semaphore_mem>>
    %dma_start3A_187 = tpu.memref_squeeze %dma_start3A_186 : memref<1x!tpu.dma_semaphore, #tpu.memory_space<semaphore_mem>> -> memref<!tpu.dma_semaphore, #tpu.memory_space<semaphore_mem>>
    %dma_start3A_188 = arith.constant 0 : i32
    %dma_start3A_189 = tpu.memref_slice %arg4[%arg0, %add3A_184, %dma_start3A_188] : memref<2x10240x128xf32, #tpu.memory_space<hbm>> -> memref<1x128x64xf32, #tpu.memory_space<hbm>>
    %dma_start3A_190 = tpu.memref_squeeze %dma_start3A_189 : memref<1x128x64xf32, #tpu.memory_space<hbm>> -> memref<128x64xf32, #tpu.memory_space<hbm>>
    %dma_start3A_191 = arith.constant 0 : i32
    %dma_start3A_192 = tpu.memref_slice %arg8[%add3A_182, %dma_start3A_191] : memref<10240x64xf32, #tpu.memory_space<vmem_shared>> -> memref<128x64xf32, #tpu.memory_space<vmem_shared>>
    tpu.enqueue_dma source(%dma_start3A_192 : memref<128x64xf32, #tpu.memory_space<vmem_shared>>) target(%dma_start3A_190 : memref<128x64xf32, #tpu.memory_space<hbm>>) target_semaphore(%dma_start3A_187 : memref<!tpu.dma_semaphore, #tpu.memory_space<semaphore_mem>>)
    %add3A_193 = arith.constant 128 : i32
    %add3A_194 = arith.addi %mul3A_6, %add3A_193 : i32
    %add3A_195 = arith.constant 128 : i32
    %add3A_196 = arith.addi %mul3A_6, %add3A_195 : i32
    %dma_start3A_197 = arith.constant 0 : i32
    %dma_start3A_198 = tpu.memref_slice %arg10[%dma_start3A_197] : memref<4x!tpu.dma_semaphore, #tpu.memory_space<semaphore_mem>> -> memref<1x!tpu.dma_semaphore, #tpu.memory_space<semaphore_mem>>
    %dma_start3A_199 = tpu.memref_squeeze %dma_start3A_198 : memref<1x!tpu.dma_semaphore, #tpu.memory_space<semaphore_mem>> -> memref<!tpu.dma_semaphore, #tpu.memory_space<semaphore_mem>>
    %dma_start3A_200 = arith.constant 0 : i32
    %dma_start3A_201 = tpu.memref_slice %arg4[%arg0, %add3A_196, %dma_start3A_200] : memref<2x10240x128xf32, #tpu.memory_space<hbm>> -> memref<1x128x64xf32, #tpu.memory_space<hbm>>
    %dma_start3A_202 = tpu.memref_squeeze %dma_start3A_201 : memref<1x128x64xf32, #tpu.memory_space<hbm>> -> memref<128x64xf32, #tpu.memory_space<hbm>>
    %dma_start3A_203 = arith.constant 0 : i32
    %dma_start3A_204 = tpu.memref_slice %arg8[%add3A_194, %dma_start3A_203] : memref<10240x64xf32, #tpu.memory_space<vmem_shared>> -> memref<128x64xf32, #tpu.memory_space<vmem_shared>>
    tpu.enqueue_dma source(%dma_start3A_204 : memref<128x64xf32, #tpu.memory_space<vmem_shared>>) target(%dma_start3A_202 : memref<128x64xf32, #tpu.memory_space<hbm>>) target_semaphore(%dma_start3A_199 : memref<!tpu.dma_semaphore, #tpu.memory_space<semaphore_mem>>)
    %add3A_205 = arith.constant 256 : i32
    %add3A_206 = arith.addi %mul3A_6, %add3A_205 : i32
    %add3A_207 = arith.constant 256 : i32
    %add3A_208 = arith.addi %mul3A_6, %add3A_207 : i32
    %dma_start3A_209 = arith.constant 0 : i32
    %dma_start3A_210 = tpu.memref_slice %arg10[%dma_start3A_209] : memref<4x!tpu.dma_semaphore, #tpu.memory_space<semaphore_mem>> -> memref<1x!tpu.dma_semaphore, #tpu.memory_space<semaphore_mem>>
    %dma_start3A_211 = tpu.memref_squeeze %dma_start3A_210 : memref<1x!tpu.dma_semaphore, #tpu.memory_space<semaphore_mem>> -> memref<!tpu.dma_semaphore, #tpu.memory_space<semaphore_mem>>
    %dma_start3A_212 = arith.constant 0 : i32
    %dma_start3A_213 = tpu.memref_slice %arg4[%arg0, %add3A_208, %dma_start3A_212] : memref<2x10240x128xf32, #tpu.memory_space<hbm>> -> memref<1x128x64xf32, #tpu.memory_space<hbm>>
    %dma_start3A_214 = tpu.memref_squeeze %dma_start3A_213 : memref<1x128x64xf32, #tpu.memory_space<hbm>> -> memref<128x64xf32, #tpu.memory_space<hbm>>
    %dma_start3A_215 = arith.constant 0 : i32
    %dma_start3A_216 = tpu.memref_slice %arg8[%add3A_206, %dma_start3A_215] : memref<10240x64xf32, #tpu.memory_space<vmem_shared>> -> memref<128x64xf32, #tpu.memory_space<vmem_shared>>
    tpu.enqueue_dma source(%dma_start3A_216 : memref<128x64xf32, #tpu.memory_space<vmem_shared>>) target(%dma_start3A_214 : memref<128x64xf32, #tpu.memory_space<hbm>>) target_semaphore(%dma_start3A_211 : memref<!tpu.dma_semaphore, #tpu.memory_space<semaphore_mem>>)
    %add3A_217 = arith.constant 384 : i32
    %add3A_218 = arith.addi %mul3A_6, %add3A_217 : i32
    %add3A_219 = arith.constant 384 : i32
    %add3A_220 = arith.addi %mul3A_6, %add3A_219 : i32
    %dma_start3A_221 = arith.constant 0 : i32
    %dma_start3A_222 = tpu.memref_slice %arg10[%dma_start3A_221] : memref<4x!tpu.dma_semaphore, #tpu.memory_space<semaphore_mem>> -> memref<1x!tpu.dma_semaphore, #tpu.memory_space<semaphore_mem>>
    %dma_start3A_223 = tpu.memref_squeeze %dma_start3A_222 : memref<1x!tpu.dma_semaphore, #tpu.memory_space<semaphore_mem>> -> memref<!tpu.dma_semaphore, #tpu.memory_space<semaphore_mem>>
    %dma_start3A_224 = arith.constant 0 : i32
    %dma_start3A_225 = tpu.memref_slice %arg4[%arg0, %add3A_220, %dma_start3A_224] : memref<2x10240x128xf32, #tpu.memory_space<hbm>> -> memref<1x128x64xf32, #tpu.memory_space<hbm>>
    %dma_start3A_226 = tpu.memref_squeeze %dma_start3A_225 : memref<1x128x64xf32, #tpu.memory_space<hbm>> -> memref<128x64xf32, #tpu.memory_space<hbm>>
    %dma_start3A_227 = arith.constant 0 : i32
    %dma_start3A_228 = tpu.memref_slice %arg8[%add3A_218, %dma_start3A_227] : memref<10240x64xf32, #tpu.memory_space<vmem_shared>> -> memref<128x64xf32, #tpu.memory_space<vmem_shared>>
    tpu.enqueue_dma source(%dma_start3A_228 : memref<128x64xf32, #tpu.memory_space<vmem_shared>>) target(%dma_start3A_226 : memref<128x64xf32, #tpu.memory_space<hbm>>) target_semaphore(%dma_start3A_223 : memref<!tpu.dma_semaphore, #tpu.memory_space<semaphore_mem>>)
    %add3A_229 = arith.constant 512 : i32
    %add3A_230 = arith.addi %mul3A_6, %add3A_229 : i32
    %add3A_231 = arith.constant 512 : i32
    %add3A_232 = arith.addi %mul3A_6, %add3A_231 : i32
    %dma_start3A_233 = arith.constant 0 : i32
    %dma_start3A_234 = tpu.memref_slice %arg10[%dma_start3A_233] : memref<4x!tpu.dma_semaphore, #tpu.memory_space<semaphore_mem>> -> memref<1x!tpu.dma_semaphore, #tpu.memory_space<semaphore_mem>>
    %dma_start3A_235 = tpu.memref_squeeze %dma_start3A_234 : memref<1x!tpu.dma_semaphore, #tpu.memory_space<semaphore_mem>> -> memref<!tpu.dma_semaphore, #tpu.memory_space<semaphore_mem>>
    %dma_start3A_236 = arith.constant 0 : i32
    %dma_start3A_237 = tpu.memref_slice %arg4[%arg0, %add3A_232, %dma_start3A_236] : memref<2x10240x128xf32, #tpu.memory_space<hbm>> -> memref<1x128x64xf32, #tpu.memory_space<hbm>>
    %dma_start3A_238 = tpu.memref_squeeze %dma_start3A_237 : memref<1x128x64xf32, #tpu.memory_space<hbm>> -> memref<128x64xf32, #tpu.memory_space<hbm>>
    %dma_start3A_239 = arith.constant 0 : i32
    %dma_start3A_240 = tpu.memref_slice %arg8[%add3A_230, %dma_start3A_239] : memref<10240x64xf32, #tpu.memory_space<vmem_shared>> -> memref<128x64xf32, #tpu.memory_space<vmem_shared>>
    tpu.enqueue_dma source(%dma_start3A_240 : memref<128x64xf32, #tpu.memory_space<vmem_shared>>) target(%dma_start3A_238 : memref<128x64xf32, #tpu.memory_space<hbm>>) target_semaphore(%dma_start3A_235 : memref<!tpu.dma_semaphore, #tpu.memory_space<semaphore_mem>>)
    %dma_wait3A_241 = arith.constant 0 : i32
    %dma_wait3A_242 = tpu.memref_slice %arg10[%dma_wait3A_241] : memref<4x!tpu.dma_semaphore, #tpu.memory_space<semaphore_mem>> -> memref<1x!tpu.dma_semaphore, #tpu.memory_space<semaphore_mem>>
    %dma_wait3A_243 = tpu.memref_squeeze %dma_wait3A_242 : memref<1x!tpu.dma_semaphore, #tpu.memory_space<semaphore_mem>> -> memref<!tpu.dma_semaphore, #tpu.memory_space<semaphore_mem>>
    %dma_wait3A_244 = arith.constant 0 : i32
    %dma_wait3A_245 = tpu.memref_slice %arg4[%arg0, %add3A_184, %dma_wait3A_244] : memref<2x10240x128xf32, #tpu.memory_space<hbm>> -> memref<1x128x64xf32, #tpu.memory_space<hbm>>
    %dma_wait3A_246 = tpu.memref_squeeze %dma_wait3A_245 : memref<1x128x64xf32, #tpu.memory_space<hbm>> -> memref<128x64xf32, #tpu.memory_space<hbm>>
    %dma_wait3A_247 = arith.constant 0 : i32
    %dma_wait3A_248 = tpu.memref_slice %arg8[%add3A_182, %dma_wait3A_247] : memref<10240x64xf32, #tpu.memory_space<vmem_shared>> -> memref<128x64xf32, #tpu.memory_space<vmem_shared>>
    tpu.wait_dma2 semaphore(%dma_wait3A_243 : memref<!tpu.dma_semaphore, #tpu.memory_space<semaphore_mem>>) src(%dma_wait3A_248 : memref<128x64xf32, #tpu.memory_space<vmem_shared>>) dst(%dma_wait3A_246 : memref<128x64xf32, #tpu.memory_space<hbm>>)
    %dma_wait3A_249 = arith.constant 0 : i32
    %dma_wait3A_250 = tpu.memref_slice %arg10[%dma_wait3A_249] : memref<4x!tpu.dma_semaphore, #tpu.memory_space<semaphore_mem>> -> memref<1x!tpu.dma_semaphore, #tpu.memory_space<semaphore_mem>>
    %dma_wait3A_251 = tpu.memref_squeeze %dma_wait3A_250 : memref<1x!tpu.dma_semaphore, #tpu.memory_space<semaphore_mem>> -> memref<!tpu.dma_semaphore, #tpu.memory_space<semaphore_mem>>
    %dma_wait3A_252 = arith.constant 0 : i32
    %dma_wait3A_253 = tpu.memref_slice %arg4[%arg0, %add3A_196, %dma_wait3A_252] : memref<2x10240x128xf32, #tpu.memory_space<hbm>> -> memref<1x128x64xf32, #tpu.memory_space<hbm>>
    %dma_wait3A_254 = tpu.memref_squeeze %dma_wait3A_253 : memref<1x128x64xf32, #tpu.memory_space<hbm>> -> memref<128x64xf32, #tpu.memory_space<hbm>>
    %dma_wait3A_255 = arith.constant 0 : i32
    %dma_wait3A_256 = tpu.memref_slice %arg8[%add3A_194, %dma_wait3A_255] : memref<10240x64xf32, #tpu.memory_space<vmem_shared>> -> memref<128x64xf32, #tpu.memory_space<vmem_shared>>
    tpu.wait_dma2 semaphore(%dma_wait3A_251 : memref<!tpu.dma_semaphore, #tpu.memory_space<semaphore_mem>>) src(%dma_wait3A_256 : memref<128x64xf32, #tpu.memory_space<vmem_shared>>) dst(%dma_wait3A_254 : memref<128x64xf32, #tpu.memory_space<hbm>>)
    %dma_wait3A_257 = arith.constant 0 : i32
    %dma_wait3A_258 = tpu.memref_slice %arg10[%dma_wait3A_257] : memref<4x!tpu.dma_semaphore, #tpu.memory_space<semaphore_mem>> -> memref<1x!tpu.dma_semaphore, #tpu.memory_space<semaphore_mem>>
    %dma_wait3A_259 = tpu.memref_squeeze %dma_wait3A_258 : memref<1x!tpu.dma_semaphore, #tpu.memory_space<semaphore_mem>> -> memref<!tpu.dma_semaphore, #tpu.memory_space<semaphore_mem>>
    %dma_wait3A_260 = arith.constant 0 : i32
    %dma_wait3A_261 = tpu.memref_slice %arg4[%arg0, %add3A_208, %dma_wait3A_260] : memref<2x10240x128xf32, #tpu.memory_space<hbm>> -> memref<1x128x64xf32, #tpu.memory_space<hbm>>
    %dma_wait3A_262 = tpu.memref_squeeze %dma_wait3A_261 : memref<1x128x64xf32, #tpu.memory_space<hbm>> -> memref<128x64xf32, #tpu.memory_space<hbm>>
    %dma_wait3A_263 = arith.constant 0 : i32
    %dma_wait3A_264 = tpu.memref_slice %arg8[%add3A_206, %dma_wait3A_263] : memref<10240x64xf32, #tpu.memory_space<vmem_shared>> -> memref<128x64xf32, #tpu.memory_space<vmem_shared>>
    tpu.wait_dma2 semaphore(%dma_wait3A_259 : memref<!tpu.dma_semaphore, #tpu.memory_space<semaphore_mem>>) src(%dma_wait3A_264 : memref<128x64xf32, #tpu.memory_space<vmem_shared>>) dst(%dma_wait3A_262 : memref<128x64xf32, #tpu.memory_space<hbm>>)
    %dma_wait3A_265 = arith.constant 0 : i32
    %dma_wait3A_266 = tpu.memref_slice %arg10[%dma_wait3A_265] : memref<4x!tpu.dma_semaphore, #tpu.memory_space<semaphore_mem>> -> memref<1x!tpu.dma_semaphore, #tpu.memory_space<semaphore_mem>>
    %dma_wait3A_267 = tpu.memref_squeeze %dma_wait3A_266 : memref<1x!tpu.dma_semaphore, #tpu.memory_space<semaphore_mem>> -> memref<!tpu.dma_semaphore, #tpu.memory_space<semaphore_mem>>
    %dma_wait3A_268 = arith.constant 0 : i32
    %dma_wait3A_269 = tpu.memref_slice %arg4[%arg0, %add3A_220, %dma_wait3A_268] : memref<2x10240x128xf32, #tpu.memory_space<hbm>> -> memref<1x128x64xf32, #tpu.memory_space<hbm>>
    %dma_wait3A_270 = tpu.memref_squeeze %dma_wait3A_269 : memref<1x128x64xf32, #tpu.memory_space<hbm>> -> memref<128x64xf32, #tpu.memory_space<hbm>>
    %dma_wait3A_271 = arith.constant 0 : i32
    %dma_wait3A_272 = tpu.memref_slice %arg8[%add3A_218, %dma_wait3A_271] : memref<10240x64xf32, #tpu.memory_space<vmem_shared>> -> memref<128x64xf32, #tpu.memory_space<vmem_shared>>
    tpu.wait_dma2 semaphore(%dma_wait3A_267 : memref<!tpu.dma_semaphore, #tpu.memory_space<semaphore_mem>>) src(%dma_wait3A_272 : memref<128x64xf32, #tpu.memory_space<vmem_shared>>) dst(%dma_wait3A_270 : memref<128x64xf32, #tpu.memory_space<hbm>>)
    %dma_wait3A_273 = arith.constant 0 : i32
    %dma_wait3A_274 = tpu.memref_slice %arg10[%dma_wait3A_273] : memref<4x!tpu.dma_semaphore, #tpu.memory_space<semaphore_mem>> -> memref<1x!tpu.dma_semaphore, #tpu.memory_space<semaphore_mem>>
    %dma_wait3A_275 = tpu.memref_squeeze %dma_wait3A_274 : memref<1x!tpu.dma_semaphore, #tpu.memory_space<semaphore_mem>> -> memref<!tpu.dma_semaphore, #tpu.memory_space<semaphore_mem>>
    %dma_wait3A_276 = arith.constant 0 : i32
    %dma_wait3A_277 = tpu.memref_slice %arg4[%arg0, %add3A_232, %dma_wait3A_276] : memref<2x10240x128xf32, #tpu.memory_space<hbm>> -> memref<1x128x64xf32, #tpu.memory_space<hbm>>
    %dma_wait3A_278 = tpu.memref_squeeze %dma_wait3A_277 : memref<1x128x64xf32, #tpu.memory_space<hbm>> -> memref<128x64xf32, #tpu.memory_space<hbm>>
    %dma_wait3A_279 = arith.constant 0 : i32
    %dma_wait3A_280 = tpu.memref_slice %arg8[%add3A_230, %dma_wait3A_279] : memref<10240x64xf32, #tpu.memory_space<vmem_shared>> -> memref<128x64xf32, #tpu.memory_space<vmem_shared>>
    tpu.wait_dma2 semaphore(%dma_wait3A_275 : memref<!tpu.dma_semaphore, #tpu.memory_space<semaphore_mem>>) src(%dma_wait3A_280 : memref<128x64xf32, #tpu.memory_space<vmem_shared>>) dst(%dma_wait3A_278 : memref<128x64xf32, #tpu.memory_space<hbm>>)
    return
  }
}

module attributes {stable_mosaic.version = 14 : i64} {
  func.func @_l1_body(%arg0: i32, %arg1: memref<2048x128xf32, #tpu.memory_space<vmem>>, %arg2: memref<128x128xf32, #tpu.memory_space<vmem>>, %arg3: memref<2x2048xf32, #tpu.memory_space<vmem>>, %arg4: memref<2048x128xf32, #tpu.memory_space<vmem>>) attributes {dimension_semantics = [#tpu.dimension_semantics<arbitrary>], iteration_bounds = array<i64: 5>, scalar_prefetch = 0 : i64, scratch_operands = 0 : i64, tpu.core_type = #tpu.core_type<tc>, window_params = [{transform_indices = @transform_0, window_bounds = array<i64: 2048, 128>}, {pipeline_mode = #tpu.pipeline_mode<synchronous>, transform_indices = @transform_1, window_bounds = array<i64: 128, 128>}, {transform_indices = @transform_2, window_bounds = array<i64: 2, 2048>}, {transform_indices = @transform_3, window_bounds = array<i64: 2048, 128>}]} {
    %get3A = arith.constant 0 : index
    %get3A_0 = arith.constant 0 : index
    %get3A_1 = vector.load %arg3[%get3A, %get3A_0] : memref<2x2048xf32, #tpu.memory_space<vmem>>, vector<1x2048xf32>
    %get3A_2 = vector.shape_cast %get3A_1 : vector<1x2048xf32> to vector<2048xf32>
    %get3A_3 = arith.constant 1 : index
    %get3A_4 = arith.constant 0 : index
    %get3A_5 = vector.load %arg3[%get3A_3, %get3A_4] : memref<2x2048xf32, #tpu.memory_space<vmem>>, vector<1x2048xf32>
    %get3A_6 = vector.shape_cast %get3A_5 : vector<1x2048xf32> to vector<2048xf32>
    %add3A = arith.addf %get3A_2, %get3A_6 : vector<2048xf32>
    %max3A = arith.constant 1.000000e+00 : f32
    %max3A_7 = vector.broadcast %max3A : f32 to vector<2048xf32>
    %max3A_8 = arith.maximumf %add3A, %max3A_7 : vector<2048xf32>
    %rsqrt3A = math.rsqrt %max3A_8 : vector<2048xf32>
    %broadcast_in_dim3A = vector.shape_cast %rsqrt3A : vector<2048xf32> to vector<2048x1xf32>
    %get3A_9 = arith.constant 0 : index
    %get3A_10 = arith.constant 0 : index
    %get3A_11 = vector.load %arg1[%get3A_9, %get3A_10] : memref<2048x128xf32, #tpu.memory_space<vmem>>, vector<2048x128xf32>
    %get3A_12 = arith.constant 0 : index
    %get3A_13 = arith.constant 0 : index
    %get3A_14 = vector.load %arg2[%get3A_12, %get3A_13] : memref<128x128xf32, #tpu.memory_space<vmem>>, vector<128x128xf32>
    %dot_general3A = arith.constant dense<0.000000e+00> : vector<2048x128xf32>
    %dot_general3A_15 = tpu.matmul %get3A_11, %get3A_14, %dot_general3A {dimension_numbers = #tpu.dot_dimension_numbers<[1], [0], [0], [1], [0, 0, 1, 1], [], []>, transpose_lhs_hint = false} : vector<2048x128xf32>, vector<128x128xf32>, vector<2048x128xf32> -> vector<2048x128xf32>
    %mul3A = vector.broadcast %broadcast_in_dim3A : vector<2048x1xf32> to vector<2048x128xf32>
    %mul3A_16 = arith.mulf %dot_general3A_15, %mul3A : vector<2048x128xf32>
    %swap3A = arith.constant 0 : index
    %swap3A_17 = arith.constant 0 : index
    %swap3A_18 = vector.load %arg4[%swap3A, %swap3A_17] : memref<2048x128xf32, #tpu.memory_space<vmem>>, vector<2048x128xf32>
    tpu.vector_store %arg4[%swap3A, %swap3A_17], %mul3A_16 {strides = array<i32>} : memref<2048x128xf32, #tpu.memory_space<vmem>>, vector<2048x128xf32>,
    return
  }
  func.func @transform_0(%arg0: i32) -> (i32, i32) {
    %c0_i32 = arith.constant 0 : i32
    %c0_i32_0 = arith.constant 0 : i32
    return %arg0, %c0_i32 : i32, i32
  }
  func.func @transform_1(%arg0: i32) -> (i32, i32) {
    %c0_i32 = arith.constant 0 : i32
    %c0_i32_0 = arith.constant 0 : i32
    %c0_i32_1 = arith.constant 0 : i32
    return %c0_i32, %c0_i32_0 : i32, i32
  }
  func.func @transform_2(%arg0: i32) -> (i32, i32) {
    %c0_i32 = arith.constant 0 : i32
    %c0_i32_0 = arith.constant 0 : i32
    return %c0_i32, %arg0 : i32, i32
  }
  func.func @transform_3(%arg0: i32) -> (i32, i32) {
    %c0_i32 = arith.constant 0 : i32
    %c0_i32_0 = arith.constant 0 : i32
    return %arg0, %c0_i32 : i32, i32
  }
}

module attributes {stable_mosaic.version = 14 : i64} {
  func.func @_l2_body(%arg0: i32, %arg1: memref<2x2048x128xf32, #tpu.memory_space<vmem>>, %arg2: memref<2048x128xf32, #tpu.memory_space<vmem>>, %arg3: memref<2x2048xf32, #tpu.memory_space<vmem>>, %arg4: memref<1x128xf32, #tpu.memory_space<vmem>>, %arg5: memref<128x64xf32, #tpu.memory_space<vmem>>, %arg6: memref<2048x64xf32, #tpu.memory_space<vmem>>) attributes {dimension_semantics = [#tpu.dimension_semantics<arbitrary>], iteration_bounds = array<i64: 5>, scalar_prefetch = 0 : i64, scratch_operands = 0 : i64, tpu.core_type = #tpu.core_type<tc>, window_params = [{transform_indices = @transform_0, window_bounds = array<i64: 2, 2048, 128>}, {transform_indices = @transform_1, window_bounds = array<i64: 2048, 128>}, {transform_indices = @transform_2, window_bounds = array<i64: 2, 2048>}, {pipeline_mode = #tpu.pipeline_mode<synchronous>, transform_indices = @transform_3, window_bounds = array<i64: 1, 128>}, {pipeline_mode = #tpu.pipeline_mode<synchronous>, transform_indices = @transform_4, window_bounds = array<i64: 128, 64>}, {transform_indices = @transform_5, window_bounds = array<i64: 2048, 64>}]} {
    %get3A = arith.constant 0 : index
    %get3A_0 = arith.constant 0 : index
    %get3A_1 = vector.load %arg3[%get3A, %get3A_0] : memref<2x2048xf32, #tpu.memory_space<vmem>>, vector<1x2048xf32>
    %get3A_2 = vector.shape_cast %get3A_1 : vector<1x2048xf32> to vector<2048xf32>
    %get3A_3 = arith.constant 1 : index
    %get3A_4 = arith.constant 0 : index
    %get3A_5 = vector.load %arg3[%get3A_3, %get3A_4] : memref<2x2048xf32, #tpu.memory_space<vmem>>, vector<1x2048xf32>
    %get3A_6 = vector.shape_cast %get3A_5 : vector<1x2048xf32> to vector<2048xf32>
    %add3A = arith.addf %get3A_2, %get3A_6 : vector<2048xf32>
    %max3A = arith.constant 1.000000e+00 : f32
    %max3A_7 = vector.broadcast %max3A : f32 to vector<2048xf32>
    %max3A_8 = arith.maximumf %add3A, %max3A_7 : vector<2048xf32>
    %rsqrt3A = math.rsqrt %max3A_8 : vector<2048xf32>
    %broadcast_in_dim3A = vector.shape_cast %rsqrt3A : vector<2048xf32> to vector<2048x1xf32>
    %get3A_9 = arith.constant 0 : index
    %get3A_10 = arith.constant 0 : index
    %get3A_11 = arith.constant 0 : index
    %get3A_12 = vector.load %arg1[%get3A_9, %get3A_10, %get3A_11] : memref<2x2048x128xf32, #tpu.memory_space<vmem>>, vector<1x2048x128xf32>
    %get3A_13 = vector.shape_cast %get3A_12 : vector<1x2048x128xf32> to vector<2048x128xf32>
    %get3A_14 = arith.constant 1 : index
    %get3A_15 = arith.constant 0 : index
    %get3A_16 = arith.constant 0 : index
    %get3A_17 = vector.load %arg1[%get3A_14, %get3A_15, %get3A_16] : memref<2x2048x128xf32, #tpu.memory_space<vmem>>, vector<1x2048x128xf32>
    %get3A_18 = vector.shape_cast %get3A_17 : vector<1x2048x128xf32> to vector<2048x128xf32>
    %add3A_19 = arith.addf %get3A_13, %get3A_18 : vector<2048x128xf32>
    %get3A_20 = arith.constant 0 : index
    %get3A_21 = arith.constant 0 : index
    %get3A_22 = vector.load %arg2[%get3A_20, %get3A_21] : memref<2048x128xf32, #tpu.memory_space<vmem>>, vector<2048x128xf32>
    %add3A_23 = arith.addf %add3A_19, %get3A_22 : vector<2048x128xf32>
    %mul3A = vector.broadcast %broadcast_in_dim3A : vector<2048x1xf32> to vector<2048x128xf32>
    %mul3A_24 = arith.mulf %mul3A, %add3A_23 : vector<2048x128xf32>
    %get3A_25 = arith.constant 0 : index
    %get3A_26 = arith.constant 0 : index
    %get3A_27 = vector.load %arg4[%get3A_25, %get3A_26] : memref<1x128xf32, #tpu.memory_space<vmem>>, vector<1x128xf32>
    %add3A_28 = vector.broadcast %get3A_27 : vector<1x128xf32> to vector<2048x128xf32>
    %add3A_29 = arith.addf %mul3A_24, %add3A_28 : vector<2048x128xf32>
    %tanh3A = math.tanh %add3A_29 : vector<2048x128xf32>
    %get3A_30 = arith.constant 0 : index
    %get3A_31 = arith.constant 0 : index
    %get3A_32 = vector.load %arg5[%get3A_30, %get3A_31] : memref<128x64xf32, #tpu.memory_space<vmem>>, vector<128x64xf32>
    %dot_general3A = arith.constant dense<0.000000e+00> : vector<2048x64xf32>
    %dot_general3A_33 = tpu.matmul %tanh3A, %get3A_32, %dot_general3A {dimension_numbers = #tpu.dot_dimension_numbers<[1], [0], [0], [1], [0, 0, 1, 1], [], []>, transpose_lhs_hint = false} : vector<2048x128xf32>, vector<128x64xf32>, vector<2048x64xf32> -> vector<2048x64xf32>
    %mul3A_34 = vector.broadcast %broadcast_in_dim3A : vector<2048x1xf32> to vector<2048x64xf32>
    %mul3A_35 = arith.mulf %dot_general3A_33, %mul3A_34 : vector<2048x64xf32>
    %swap3A = arith.constant 0 : index
    %swap3A_36 = arith.constant 0 : index
    %swap3A_37 = vector.load %arg6[%swap3A, %swap3A_36] : memref<2048x64xf32, #tpu.memory_space<vmem>>, vector<2048x64xf32>
    tpu.vector_store %arg6[%swap3A, %swap3A_36], %mul3A_35 {strides = array<i32>} : memref<2048x64xf32, #tpu.memory_space<vmem>>, vector<2048x64xf32>,
    return
  }
  func.func @transform_0(%arg0: i32) -> (i32, i32, i32) {
    %c0_i32 = arith.constant 0 : i32
    %c0_i32_0 = arith.constant 0 : i32
    %c0_i32_1 = arith.constant 0 : i32
    return %c0_i32, %arg0, %c0_i32_0 : i32, i32, i32
  }
  func.func @transform_1(%arg0: i32) -> (i32, i32) {
    %c0_i32 = arith.constant 0 : i32
    %c0_i32_0 = arith.constant 0 : i32
    return %arg0, %c0_i32 : i32, i32
  }
  func.func @transform_2(%arg0: i32) -> (i32, i32) {
    %c0_i32 = arith.constant 0 : i32
    %c0_i32_0 = arith.constant 0 : i32
    return %c0_i32, %arg0 : i32, i32
  }
  func.func @transform_3(%arg0: i32) -> (i32, i32) {
    %c0_i32 = arith.constant 0 : i32
    %c0_i32_0 = arith.constant 0 : i32
    %c0_i32_1 = arith.constant 0 : i32
    return %c0_i32, %c0_i32_0 : i32, i32
  }
  func.func @transform_4(%arg0: i32) -> (i32, i32) {
    %c0_i32 = arith.constant 0 : i32
    %c0_i32_0 = arith.constant 0 : i32
    %c0_i32_1 = arith.constant 0 : i32
    return %c0_i32, %c0_i32_0 : i32, i32
  }
  func.func @transform_5(%arg0: i32) -> (i32, i32) {
    %c0_i32 = arith.constant 0 : i32
    %c0_i32_0 = arith.constant 0 : i32
    return %arg0, %c0_i32 : i32, i32
  }
}

module attributes {stable_mosaic.version = 14 : i64} {
  func.func @_l3_body(%arg0: i32, %arg1: memref<2x2048x128xf32, #tpu.memory_space<vmem>>, %arg2: memref<2048x64xf32, #tpu.memory_space<vmem>>, %arg3: memref<2x2048xf32, #tpu.memory_space<vmem>>, %arg4: memref<1x64xf32, #tpu.memory_space<vmem>>, %arg5: memref<2048x64xf32, #tpu.memory_space<vmem>>) attributes {dimension_semantics = [#tpu.dimension_semantics<arbitrary>], iteration_bounds = array<i64: 5>, scalar_prefetch = 0 : i64, scratch_operands = 0 : i64, tpu.core_type = #tpu.core_type<tc>, window_params = [{transform_indices = @transform_0, window_bounds = array<i64: 2, 2048, 128>}, {transform_indices = @transform_1, window_bounds = array<i64: 2048, 64>}, {transform_indices = @transform_2, window_bounds = array<i64: 2, 2048>}, {pipeline_mode = #tpu.pipeline_mode<synchronous>, transform_indices = @transform_3, window_bounds = array<i64: 1, 64>}, {transform_indices = @transform_4, window_bounds = array<i64: 2048, 64>}]} {
    %get3A = arith.constant 0 : index
    %get3A_0 = arith.constant 0 : index
    %get3A_1 = vector.load %arg3[%get3A, %get3A_0] : memref<2x2048xf32, #tpu.memory_space<vmem>>, vector<1x2048xf32>
    %get3A_2 = vector.shape_cast %get3A_1 : vector<1x2048xf32> to vector<2048xf32>
    %get3A_3 = arith.constant 1 : index
    %get3A_4 = arith.constant 0 : index
    %get3A_5 = vector.load %arg3[%get3A_3, %get3A_4] : memref<2x2048xf32, #tpu.memory_space<vmem>>, vector<1x2048xf32>
    %get3A_6 = vector.shape_cast %get3A_5 : vector<1x2048xf32> to vector<2048xf32>
    %add3A = arith.addf %get3A_2, %get3A_6 : vector<2048xf32>
    %max3A = arith.constant 1.000000e+00 : f32
    %max3A_7 = vector.broadcast %max3A : f32 to vector<2048xf32>
    %max3A_8 = arith.maximumf %add3A, %max3A_7 : vector<2048xf32>
    %rsqrt3A = math.rsqrt %max3A_8 : vector<2048xf32>
    %broadcast_in_dim3A = vector.shape_cast %rsqrt3A : vector<2048xf32> to vector<2048x1xf32>
    %get3A_9 = arith.constant 0 : index
    %get3A_10 = arith.constant 0 : index
    %get3A_11 = arith.constant 0 : index
    %get3A_12 = vector.load %arg1[%get3A_9, %get3A_10, %get3A_11] : memref<2x2048x128xf32, #tpu.memory_space<vmem>>, vector<1x2048x64xf32>
    %get3A_13 = vector.shape_cast %get3A_12 : vector<1x2048x64xf32> to vector<2048x64xf32>
    %get3A_14 = arith.constant 1 : index
    %get3A_15 = arith.constant 0 : index
    %get3A_16 = arith.constant 0 : index
    %get3A_17 = vector.load %arg1[%get3A_14, %get3A_15, %get3A_16] : memref<2x2048x128xf32, #tpu.memory_space<vmem>>, vector<1x2048x64xf32>
    %get3A_18 = vector.shape_cast %get3A_17 : vector<1x2048x64xf32> to vector<2048x64xf32>
    %add3A_19 = arith.addf %get3A_13, %get3A_18 : vector<2048x64xf32>
    %get3A_20 = arith.constant 0 : index
    %get3A_21 = arith.constant 0 : index
    %get3A_22 = vector.load %arg2[%get3A_20, %get3A_21] : memref<2048x64xf32, #tpu.memory_space<vmem>>, vector<2048x64xf32>
    %add3A_23 = arith.addf %add3A_19, %get3A_22 : vector<2048x64xf32>
    %mul3A = vector.broadcast %broadcast_in_dim3A : vector<2048x1xf32> to vector<2048x64xf32>
    %mul3A_24 = arith.mulf %mul3A, %add3A_23 : vector<2048x64xf32>
    %get3A_25 = arith.constant 0 : index
    %get3A_26 = arith.constant 0 : index
    %get3A_27 = vector.load %arg4[%get3A_25, %get3A_26] : memref<1x64xf32, #tpu.memory_space<vmem>>, vector<1x64xf32>
    %add3A_28 = vector.broadcast %get3A_27 : vector<1x64xf32> to vector<2048x64xf32>
    %add3A_29 = arith.addf %mul3A_24, %add3A_28 : vector<2048x64xf32>
    %swap3A = arith.constant 0 : index
    %swap3A_30 = arith.constant 0 : index
    %swap3A_31 = vector.load %arg5[%swap3A, %swap3A_30] : memref<2048x64xf32, #tpu.memory_space<vmem>>, vector<2048x64xf32>
    tpu.vector_store %arg5[%swap3A, %swap3A_30], %add3A_29 {strides = array<i32>} : memref<2048x64xf32, #tpu.memory_space<vmem>>, vector<2048x64xf32>,
    return
  }
  func.func @transform_0(%arg0: i32) -> (i32, i32, i32) {
    %c0_i32 = arith.constant 0 : i32
    %c0_i32_0 = arith.constant 0 : i32
    %c0_i32_1 = arith.constant 0 : i32
    return %c0_i32, %arg0, %c0_i32_0 : i32, i32, i32
  }
  func.func @transform_1(%arg0: i32) -> (i32, i32) {
    %c0_i32 = arith.constant 0 : i32
    %c0_i32_0 = arith.constant 0 : i32
    return %arg0, %c0_i32 : i32, i32
  }
  func.func @transform_2(%arg0: i32) -> (i32, i32) {
    %c0_i32 = arith.constant 0 : i32
    %c0_i32_0 = arith.constant 0 : i32
    return %c0_i32, %arg0 : i32, i32
  }
  func.func @transform_3(%arg0: i32) -> (i32, i32) {
    %c0_i32 = arith.constant 0 : i32
    %c0_i32_0 = arith.constant 0 : i32
    %c0_i32_1 = arith.constant 0 : i32
    return %c0_i32, %c0_i32_0 : i32, i32
  }
  func.func @transform_4(%arg0: i32) -> (i32, i32) {
    %c0_i32 = arith.constant 0 : i32
    %c0_i32_0 = arith.constant 0 : i32
    return %arg0, %c0_i32 : i32, i32
  }
}

</mosaic_0001>

<sc_bundles>
// kernel: kernel.11.cloned.1.call-start
scs
__scs_entry_jumppad:
0x0: {  	(pc) =	sbr.rel $0x88, $3  }
0x1: {  	(tag) =	ssettag $0x0;
	lr =	simm.s32 $0x1  }
0x2: {  	[smem:$0x3F9B] =	sst lr;
	_ =	strace $0xD0000000  }
0x3: {  	_ = 	snop  }
0x4: {  	_ = 	snop  }
0x5: {  	_ = 	snop  }
0x6: {  	_ = 	snop  }
0x7: {  	_ = 	snop  }
__scs_overlays_trampoline_lowered:
0x8: {  	[smem:$0x3FAA] =	sst s0  }
0x9: {  	[smem:$0x3FAB] =	sst s1  }
0xa: {  	[smem:$0x3FAC] =	sst s2  }
0xb: {  	[smem:$0x3FAD] =	sst s3  }
0xc: {  	[smem:$0x3FAE] =	sst s4  }
0xd: {  	[smem:$0x3FAF] =	sst s5  }
0xe: {  	[smem:$0x3FB0] =	sst s6  }
0xf: {  	[smem:$0x3FB1] =	sst s7  }
0x10: {  	[smem:$0x3FB2] =	sst s8  }
0x11: {  	[smem:$0x3FB3] =	sst s9;
	s0 =	simm.s32 @!p0 $0x0  }
0x12: {  	s1 =	sld [smem:$0x3F99];
	s0 =	simm.s32 @p0 $0x1  }
0x13: {  	[smem:$0x3FB4] =	sst s0;
	s0 =	simm.s32 @!p1 $0x0  }
0x14: {  	s2 =	sld [smem:$0x3F98];
	s0 =	simm.s32 @p1 $0x1  }
0x15: {  	[smem:$0x3FB5] =	sst s0;
	s0 =	simm.s32 @!p2 $0x0  }
0x16: {  	s3 =	sld [smem:$0x3FDB];
	s0 =	simm.s32 @p2 $0x1  }
0x17: {  	s4 =	simm.s32 $0x1BF5;
	[smem:$0x3FB7] =	sst s0  }
0x18: {  	s0 =	sld [smem:$0x3F9A];
	_ =	swait.ge [sflag:s4], $0x0  }
0x19: {  	s7 =	sld [smem:$0x3F9B]  }
0x1a: {  	s8 =	sadd.s32 $0xFFFFE003, lr  }
0x1b: {  	s9 =	sadd.s32 $0xFFFFFEF7, lr;
	s5 =	simm.s32 $0xFFFFFFFF;
	p2 =	slt.u32 s8, $0xFFFFF086  }
0x1c: {  	p1 =	slt.u32 s9, $0xF7A;
	s5 =	simm.s32 @!p2 $0x0  }
0x1d: {  	s5 =	simm.s32 @p1 $0x1;
	p0 =	seq.s32 s7, s2  }
0x1e: {  	s7 =	smul.u32 @!p0 $0xF7A, s2;
	p2 =	seq.s32 @!p0 s5, $0x0  }
0x1f: {  	s9 =	smul.u32 $0xF7A, s1;
	s8 =	simm.s32 @!p0 $0x1BF5;
	p2 =	por !p2, p0  }
0x20: {  	[sflag:s8] =	ssyncset.s32 @!p0 $0xFFFFF086;
	s6 =	sadd.s32 @!p0 s3, s7;
	s7 =	simm.s32 @!p0 $0x108  }
0x21: {  	s3 =	sadd.s32 s3, s9;
	s6 =	sadd.s32 @!p0 $0x88, s6;
	s7 =	simm.s32 @p2 $0x1082  }
0x22: {  	[simem:s7], [sflag:s8] =	dma.local @!p0 [hbm:s6], $0xF7A  }
0x23: {  	s9 =	sor.u32 $0xD0000000, s2;
	s6 =	simm.s32 $0x108;
	_ =	swait.ge @!p0 [sflag:s8], $0x0  }
0x24: {  	s3 =	sadd.s32 $0x88, s3;
	s6 =	simm.s32 @!p1 $0x1082;
	[sflag:s4] =	ssyncset.s32 $0xFFFFF086  }
0x25: {  	[simem:s6], [sflag:s4] =	dma.local [hbm:s3], $0xF7A  }
0x26: {  	[smem:$0x3F9B] =	sst s1;
	(tag) =	ssettag s2;
	_ =	strace s9  }
0x27: {  	s1 =	sld [smem:$0x3FAB]  }
0x28: {  	s2 =	sld [smem:$0x3FAC]  }
0x29: {  	s4 =	sld [smem:$0x3FAE]  }
0x2a: {  	p0 =	seq.s32 s5, $0x0;
	s5 =	sld [smem:$0x3FAF]  }
0x2b: {  	s6 =	sld [smem:$0x3FB0]  }
0x2c: {  	s7 =	sld [smem:$0x3FB1]  }
0x2d: {  	s3 =	simm.s32 $0x108;
	s8 =	sld [smem:$0x3FB2]  }
0x2e: {  	s3 =	simm.s32 @!p0 $0x1082;
	s9 =	sld [smem:$0x3FB3]  }
0x2f: {  	lr =	sadd.s32 s0, s3;
	s0 =	sld [smem:$0x3FAA]  }
0x30: {  	s3 =	sld [smem:$0x3FAD]  }
0x31: {  	[smem:$0x3FB6] =	sst s10  }
0x32: {  	s10 =	sld [smem:$0x3FB4];
	_ =	sdelay $0x3  }
0x33: {  	p0 =	seq.s32 s10, $0x1;
	s10 =	sld [smem:$0x3FB6];
	_ =	sdelay $0x3  }
0x34: {  	[smem:$0x3FB6] =	sst s10  }
0x35: {  	s10 =	sld [smem:$0x3FB5];
	_ =	sdelay $0x3  }
0x36: {  	p1 =	seq.s32 s10, $0x1;
	s10 =	sld [smem:$0x3FB6];
	_ =	sdelay $0x3  }
0x37: {  	[smem:$0x3FB6] =	sst s10  }
0x38: {  	s10 =	sld [smem:$0x3FB7]  }
0x39: {  	_ = 	snop;
	(pc) =	sbr.ind lr, $3  }
0x3a: {  	_ = 	snop  }
0x3b: {  	_ = 	snop  }
0x3c: {  	p2 =	seq.s32 s10, $0x1;
	s10 =	sld [smem:$0x3FB6]  }
0x3d: {  	_ =	shalt  }
0x3e: {  	_ =	shalt  }
0x3f: {  	_ =	shalt  }
0x40: {  	_ =	shalt  }
0x41: {  	_ =	shalt  }
0x42: {  	_ =	shalt  }
0x43: {  	_ =	shalt  }
0x44: {  	_ =	shalt  }
0x45: {  	_ =	shalt  }
0x46: {  	_ =	shalt  }
0x47: {  	_ =	shalt  }
0x48: {  	_ =	shalt  }
0x49: {  	_ =	shalt  }
0x4a: {  	_ =	shalt  }
0x4b: {  	_ =	shalt  }
0x4c: {  	_ =	shalt  }
0x4d: {  	_ =	shalt  }
0x4e: {  	_ =	shalt  }
0x4f: {  	_ =	shalt  }
0x50: {  	_ =	shalt  }
0x51: {  	_ =	shalt  }
0x52: {  	_ =	shalt  }
0x53: {  	_ =	shalt  }
0x54: {  	_ =	shalt  }
0x55: {  	_ =	shalt  }
0x56: {  	_ =	shalt  }
0x57: {  	_ =	shalt  }
0x58: {  	_ =	shalt  }
0x59: {  	_ =	shalt  }
0x5a: {  	_ =	shalt  }
0x5b: {  	_ =	shalt  }
0x5c: {  	_ =	shalt  }
0x5d: {  	_ =	shalt  }
0x5e: {  	_ =	shalt  }
0x5f: {  	_ =	shalt  }
0x60: {  	_ =	shalt  }
0x61: {  	_ =	shalt  }
0x62: {  	_ =	shalt  }
0x63: {  	_ =	shalt  }
0x64: {  	_ =	shalt  }
0x65: {  	_ =	shalt  }
0x66: {  	_ =	shalt  }
0x67: {  	_ =	shalt  }
0x68: {  	_ =	shalt  }
0x69: {  	_ =	shalt  }
0x6a: {  	_ =	shalt  }
0x6b: {  	_ =	shalt  }
0x6c: {  	_ =	shalt  }
0x6d: {  	_ =	shalt  }
0x6e: {  	_ =	shalt  }
0x6f: {  	_ =	shalt  }
0x70: {  	_ =	shalt  }
0x71: {  	_ =	shalt  }
0x72: {  	_ =	shalt  }
0x73: {  	_ =	shalt  }
0x74: {  	_ =	shalt  }
0x75: {  	_ =	shalt  }
0x76: {  	_ =	shalt  }
0x77: {  	_ =	shalt  }
0x78: {  	_ =	shalt  }
0x79: {  	_ =	shalt  }
0x7a: {  	_ =	shalt  }
0x7b: {  	_ =	shalt  }
0x7c: {  	_ =	shalt  }
0x7d: {  	_ =	shalt  }
0x7e: {  	_ =	shalt  }
0x7f: {  	_ =	shalt  }
0x80: {  	_ =	shalt  }
0x81: {  	_ =	shalt  }
0x82: {  	_ =	shalt  }
0x83: {  	_ =	shalt  }
0x84: {  	_ =	shalt  }
0x85: {  	_ =	shalt  }
0x86: {  	_ =	shalt  }
0x87: {  	_ =	shalt  }
.Lfunc_end0:
.L_simem_size_0:
called_computation.1_lowered:
.L_overlay_start_0:
0x88: {  	s2 =	sld [smem:$0x3FD9]  }
0x89: {  	s3 =	sld [smem:$0x3FFE];
	_ =	sdelay $0x1  }
0x8a: {  	s1 =	srdreg.scid  }
0x8b: {  	s0 =	sand.u32 $0x1, s1  }
0x8c: {  	s16 =	sshll.u32 s0, $0xA;
	s2 =	sadd.s32 s3, s2  }
0x8d: {  	s2 =	sadd.s32 s2, s16  }
0x8e: {  	[smem:$0x3FC2] =	sst s2  }
0x8f: {  	_ = 	snop  }
0x90: {  	(tm) =	ssettm $0x1  }
0x91: {  	s17 =	sld [smem:$0x3FFB];
	_ =	sdelay $0x3  }
0x92: {  	_ =	strace s17  }
0x93: {  	s2 =	sld [smem:$0x3FFC];
	_ =	sdelay $0x3  }
0x94: {  	_ =	strace s2  }
0x95: {  	s2 =	sld [smem:$0x3FFD];
	_ =	sdelay $0x3  }
0x96: {  	_ =	strace s2  }
0x97: {  	_ =	strace $0x8FFFFFFF  }
0x98: {  	s18 =	sld [smem:$0x3FDB];
	_ =	sdelay $0x1  }
0x99: {  	s19 =	simm.s32 $_scs_section_size  }
0x9a: {  	s4 =	simm.s32 $_size__tile_overlayer_lowered;
	s5 =	simm.s32 $_tile_overlayer_lowered  }
0x9b: {  	s22 =	simm.s32 $0x1BFF;
	s21 =	sshll.u32 s5, $0x1;
	s2 =	sadd.s32 s19, s18  }
0x9c: {  	s6 =	simm.s32 $0x0;
	s20 =	sshll.u32 s4, $0x1;
	s4 =	sadd.s32 s21, s2  }
0x9d: {  	[timem:s6], [sflag:s22] =	dma.local [hbm:s4], s20  }
0x9e: {  	_ =	swait.ge [sflag:s22], s20  }
0x9f: {  	s3 =	ssub.s32 $0x0, s20;
	[sflag:s22] =	ssyncset.done $0x0  }
0xa0: {  	[sflag:s22] =	ssyncadd.s32 s3;
	_ =	sdelay $0x1  }
0xa1: {  	s23 =	simm.s32 $0x1B8B  }
0xa2: {  	_ =	swait.ge [sflag:s23], $0x1  }
0xa3: {  	[sflag:s23] =	ssyncset.done $0x0  }
0xa4: {  	s25 =	simm.s32 $0x1B8E;
	s24 =	sld [smem:$0x3FFE];
	[sflag:s23] =	ssyncadd.s32 $0xFFFFFFFF  }
0xa5: {  	s26 =	simm.s32 $execute0_lowered;
	[smem:$0x3FD2] =	sst s25  }
0xa6: {  	s4 =	sshll.u32 s26, $0x1;
	_ =	strace $0x80000049;
	[dreg:$0x1] =	wrdreg $0xFFFFFFFF  }
0xa7: {  	s28 =	simm.s32 $_size_execute0_lowered;
	s2 =	sadd.s32 s2, s4;
	[dreg:$0x0] =	wrdreg $0x0  }
0xa8: {  	s4 =	sshll.u32 s28, $0x1;
	[dreg:$0x2] =	wrdreg s2  }
0xa9: {  	[dreg:$0x3] =	wrdreg s4  }
0xaa: {  	[dreg:$0x4] =	wrdreg $0xC0  }
0xab: {  	_ =	task [dreg:s6], $0x5FFFF  }
0xac: {  	[dreg:$0x1] =	wrdreg $0xFFFFFFFF  }
0xad: {  	[dreg:$0x0] =	wrdreg $0x60  }
0xae: {  	[dreg:$0x2] =	wrdreg s24  }
0xaf: {  	[dreg:$0x3] =	wrdreg $0x90000  }
0xb0: {  	[dreg:$0x4] =	wrdreg $0x9  }
0xb1: {  	_ =	task.clear_ibuf [dreg:s6], $0x5FFFF;
	_ =	strace $0x90000049  }
0xb2: {  	s29 =	simm.s32 $0x9;
	_ =	strace $0x8000004B  }
0xb3: {  	_ =	swait.ge [sflag:s29], $0x1  }
0xb4: {  	[sflag:s29] =	ssyncadd.s32 $0xFFFFFFFF  }
0xb5: {  	_ =	strace $0x9000004B  }
0xb6: {  	_ =	sfence  }
0xb7: {  	s30 =	sld [smem:$0x0];
	_ =	sdelay $0x2  }
0xb8: {  	s31 =	sshll.u32 s1, $0xD;
	s1 =	sshrl.u32 s1, $0x2  }
0xb9: {  	s3 =	sand.u32 $0x4000, s31;
	s1 =	sadd.s32 s1, s30  }
0xba: {  	s0 =	sor.u32 s3, s0;
	s1 =	sshll.u32 s1, $0x11  }
0xbb: {  	s0 =	sor.u32 s1, s0  }
0xbc: {  	s0 =	sadd.s32 $0x8F2B, s0  }
0xbd: {  	[sflag:s0] =	ssyncadd.remote.s32 $0x1  }
0xbe: {  	_ =	sfence.sel $0xFFFF  }
0xbf: {  	[dreg:$0x0] =	wrdreg $0xFFFFFFFF;
	(pc) =	sbr.abs _section_cstart, $3  }
0xc0: {  	[dreg:$0x1] =	wrdreg $0xFFFFFFFF  }
0xc1: {  	_ =	task.clear_ibuf [dreg:s6], $0x2FFFF;
	_ =	strace $0x9FFFFFFF  }
0xc2: {  	(tm) =	ssettm $0x7FFFFFFF  }
0xc3: {  	_ =	shalt  }
tec
execute0_lowered:
.L_overlay_start_1:
0x0: {  	(tag) =	ssettag $0x1  }
0x1: {  	s0 =	rddreg [dreg:$0x0]  }
0x2: {  	s1 =	rddreg [dreg:$0x1];
	s3 =	simm.s32 $0x0  }
0x3: {  	s2 =	srdreg.scid;
	s13 =	stileid.u32;
	s15 =	simm.s32 $0x900  }
0x4: {  	s28 =	simm.s32 $0xC80;
	s29 =	simm.s32 $0x500;
	s30 =	simm.s32 $0x580  }
0x5: {  	s31 =	simm.s32 $0xF80;
	[smem:$0x7FF] =	sst s3;
	s5 =	smul.u32 $0x50000, s13  }
0x6: {  	s4 =	sadd.s32 $0x16800, s0;
	s2 =	sand.u32 $0x1, s2;
	s8 =	smul.u32 $0x14000, s13  }
0x7: {  	s6 =	sadd.s32 $0x2800, s0;
	s0 =	sadd.s32 $0x3E800, s0;
	s13 =	smul.u32 $0x2800, s13  }
0x8: {  	_ =	strace $0x8000004A;
	s7 =	ssub.s32 $0x2, s2;
	s11 =	smul.u32 $0x140000, s2  }
0x9: {  	s2 =	smul.u32 $0x28000, s2;
	[dreg:$0x9] =	wrdreg s15;
	s15 =	simm.s32 $0x780  }
0xa: {  	s9 =	sshrl.u32 s7, $0x1;
	s5 =	sshrl.u32 s5, $0x2;
	s17 =	sadd.s32 $0x4000, s8  }
0xb: {  	s18 =	sadd.s32 $0x8000, s8;
	s10 =	sadd.s32 $0xC000, s8;
	s21 =	sadd.s32 $0x10000, s8  }
0xc: {  	s7 =	ssub.s32 s7, s9;
	s24 =	sadd.s32 s5, s1;
	s12 =	sadd.s32 s17, s1  }
0xd: {  	s19 =	sadd.s32 s18, s1;
	s20 =	sadd.s32 s10, s1;
	s8 =	sadd.s32 s8, s11  }
0xe: {  	s5 =	sadd.s32 s11, s17;
	s14 =	sadd.s32 s21, s1;
	[dreg:$0x14] =	wrdreg s12  }
0xf: {  	s22 =	sadd.s32 s11, s18;
	s2 =	sadd.s32 s13, s2;
	[dreg:$0x15] =	wrdreg s19  }
0x10: {  	s26 =	sadd.s32 s11, s10;
	s9 =	simm.s32 $0x80;
	[dreg:$0x16] =	wrdreg s20  }
0x11: {  	s10 =	simm.s32 $0x880;
	s13 =	simm.s32 $0x100;
	[dreg:$0x17] =	wrdreg s14  }
0x12: {  	s17 =	simm.s32 $0x980;
	s18 =	simm.s32 $0x200;
	[dreg:$0x5] =	wrdreg s9  }
0x13: {  	s8 =	sshrl.u32 s8, $0x3;
	s5 =	sshrl.u32 s5, $0x3;
	[dreg:$0x6] =	wrdreg s10  }
0x14: {  	s23 =	sshrl.u32 s2, $0x3;
	s2 =	sadd.s32 $0x50000, s2;
	[dreg:$0x7] =	wrdreg s13  }
0x15: {  	s12 =	sadd.s32 s11, s21;
	s14 =	simm.s32 $0x180;
	[dreg:$0xa] =	wrdreg s17  }
0x16: {  	s16 =	smax.u32 s7, $0x1;
	s17 =	simm.s32 $0x1;
	[dreg:$0xb] =	wrdreg s18  }
0x17: {  	s19 =	simm.s32 $0x280;
	s18 =	simm.s32 $0x800;
	[dreg:$0x13] =	wrdreg s24  }
0x18: {  	s20 =	simm.s32 $0xA00;
	s21 =	simm.s32 $0xA80;
	[dreg:$0x8] =	wrdreg s14  }
0x19: {  	s9 =	simm.s32 $0x400;
	s10 =	simm.s32 $0x600;
	[dreg:$0x1d] =	wrdreg s16  }
0x1a: {  	s11 =	simm.s32 $0x680;
	s13 =	simm.s32 $0xE80;
	[dreg:$0xc] =	wrdreg s19  }
0x1b: {  	s7 =	simm.s32 $0x0;
	s8 =	sadd.s32 s0, s8;
	[dreg:$0xd] =	wrdreg s20  }
0x1c: {  	s5 =	sadd.s32 s0, s5;
	s25 =	sadd.s32 s23, s6;
	[dreg:$0xe] =	wrdreg s21  }
0x1d: {  	s2 =	sshrl.u32 s2, $0x3;
	s16 =	simm.s32 $0x1000;
	[dreg:$0x18] =	wrdreg s8  }
0x1e: {  	s19 =	simm.s32 $0x2;
	s20 =	simm.s32 $0x7D;
	[dreg:$0x19] =	wrdreg s5  }
0x1f: {  	s21 =	simm.s32 $0x5000;
	s23 =	simm.s32 $0x380;
	[dreg:$0x3] =	wrdreg s25  }
0x20: {  	s14 =	simm.s32 $0x700;
	s2 =	sadd.s32 s2, s6;
	[dreg:$0x10] =	wrdreg s23  }
0x21: {  	s5 =	sshrl.u32 s22, $0x3;
	s22 =	simm.s32 $0x300;
	[dreg:$0x4] =	wrdreg s2  }
0x22: {  	s8 =	sshrl.u32 s26, $0x3;
	s25 =	simm.s32 $0xB00;
	[dreg:$0xf] =	wrdreg s22  }
0x23: {  	s23 =	simm.s32 $0x4;
	s26 =	simm.s32 $0xB80;
	[dreg:$0x11] =	wrdreg s25  }
0x24: {  	s5 =	sadd.s32 s0, s5;
	s22 =	simm.s32 $0x3;
	[dreg:$0x12] =	wrdreg s26  }
0x25: {  	s25 =	simm.s32 $0x480;
	[dreg:$0x1a] =	wrdreg s5;
	s5 =	sadd.s32 s0, s8  }
0x26: {  	s26 =	simm.s32 $0xC00;
	[dreg:$0x1b] =	wrdreg s5;
	s5 =	sshrl.u32 s12, $0x3  }
0x27: {  	s2 =	simm.s32 $0xD80;
	s12 =	simm.s32 $0xE00;
	s0 =	sadd.s32 s0, s5  }
0x28: {  	v0 =	vimm.f32 $0.0e+00;
	s5 =	simm.s32 $0xF00;
	[dreg:$0x1c] =	wrdreg s0;
	s0 =	simm.s32 $0xD00  }
.LBB2_1:
0x29: {  	[dreg:$0x1e] =	wrdreg s7;
	s7 =	simm.s32 $0x0;
	s8 =	simm.s32 $0x200  }
.LBB2_2:
0x2a: {  	p0 =	sne.s32 s8, $0xFE00;
	[tilespmem:s7+$0x1070] =	vst v0  }
0x2b: {  	[tilespmem:s7+$0x1000] =	vst v0  }
0x2c: {  	[tilespmem:s7+$0x1010] =	vst v0  }
.Ltmp0:
0x2d: {  	[tilespmem:s7+$0x1020] =	vst v0;
	(pc) =	sbr.rel @p0 .LBB2_2-.Ltmp0, $4  }
0x2e: {  	[tilespmem:s7+$0x1030] =	vst v0  }
0x2f: {  	[tilespmem:s7+$0x1040] =	vst v0  }
0x30: {  	[tilespmem:s7+$0x1050] =	vst v0  }
0x31: {  	[tilespmem:s7+$0x1060] =	vst v0;
	s7 =	sshra.s32 s8, $0x2;
	s8 =	sadd.s32 $0x200, s8  }
0x32: {  	[tilespmem:s7+$0x1070] =	vst v0  }
0x33: {  	[tilespmem:s7+$0x1000] =	vst v0  }
0x34: {  	[tilespmem:s7+$0x1010] =	vst v0  }
0x35: {  	[tilespmem:s7+$0x1020] =	vst v0  }
0x36: {  	[tilespmem:s7+$0x1030] =	vst v0  }
0x37: {  	[tilespmem:s7+$0x1040] =	vst v0  }
0x38: {  	[tilespmem:s7+$0x1050] =	vst v0  }
0x39: {  	[tilespmem:s7+$0x1060] =	vst v0  }
0x3a: {  	[spmem:s24] =	stream.linear.scatter [tilespmem:s16], [sflag:$0x1], $0x4000, $0x38;
	[tilespmem:$0x1D000] =	vst v63  }
0x3b: {  	s6 =	rddreg [dreg:$0x14]  }
0x3c: {  	[spmem:s6] =	stream.linear.scatter [tilespmem:s16], [sflag:$0x1], $0x4000, $0x38;
	[tilespmem:$0x1D000] =	vst v63  }
0x3d: {  	s24 =	rddreg [dreg:$0x15]  }
0x3e: {  	[spmem:s24] =	stream.linear.scatter [tilespmem:s16], [sflag:$0x1], $0x4000, $0x38;
	[tilespmem:$0x1D000] =	vst v63  }
0x3f: {  	s7 =	rddreg [dreg:$0x16]  }
0x40: {  	[spmem:s7] =	stream.linear.scatter [tilespmem:s16], [sflag:$0x1], $0x4000, $0x38;
	[tilespmem:$0x1D000] =	vst v63  }
0x41: {  	s8 =	rddreg [dreg:$0x17]  }
0x42: {  	[spmem:s8] =	stream.linear.scatter [tilespmem:s16], [sflag:$0x1], $0x4000, $0x38;
	[tilespmem:$0x1D000] =	vst v63  }
0x43: {  	_ =	swait.ge [sflag:s17], $0x4000  }
0x44: {  	[sflag:s17] =	ssyncset.done $0x0  }
0x45: {  	[sflag:s17] =	ssyncadd.s32 $0xFFFFC000  }
0x46: {  	_ =	swait.ge [sflag:s17], $0x4000  }
0x47: {  	[sflag:s17] =	ssyncset.done $0x0  }
0x48: {  	[sflag:s17] =	ssyncadd.s32 $0xFFFFC000  }
0x49: {  	_ =	swait.ge [sflag:s17], $0x4000  }
0x4a: {  	[sflag:s17] =	ssyncset.done $0x0  }
0x4b: {  	[sflag:s17] =	ssyncadd.s32 $0xFFFFC000  }
0x4c: {  	_ =	swait.ge [sflag:s17], $0x4000  }
0x4d: {  	[sflag:s17] =	ssyncset.done $0x0  }
0x4e: {  	[sflag:s17] =	ssyncadd.s32 $0xFFFFC000  }
0x4f: {  	_ =	swait.ge [sflag:s17], $0x4000  }
0x50: {  	[sflag:s17] =	ssyncset.done $0x0  }
0x51: {  	[sflag:s17] =	ssyncadd.s32 $0xFFFFC000  }
0x52: {  	[bflag:$0x0] =	sbarrier.arrive $0xFFFF  }
0x53: {  	s24 =	rddreg [dreg:$0x3]  }
0x54: {  	s8 =	rddreg [dreg:$0x4];
	s7 =	sadd.s32 $0x0, s24  }
0x55: {  	[tilespmem:s3], [sflag:$0x1] =	stream.linear.gather [hbm4b:s7+s3], $0x800, $0x38;
	[tilespmem:$0x1D000] =	vst v63  }
0x56: {  	s6 =	sadd.s32 $0x0, s8  }
0x57: {  	[tilespmem:s18], [sflag:$0x2] =	stream.linear.gather [hbm4b:s6+s3], $0x800, $0x38;
	[tilespmem:$0x1D000] =	vst v63  }
0x58: {  	_ =	swait.ge [sflag:s17], $0x800  }
0x59: {  	[sflag:s17] =	ssyncset.done $0x0  }
0x5a: {  	[sflag:s17] =	ssyncadd.s32 $0xFFFFF800  }
0x5b: {  	_ =	swait.ge [sflag:s19], $0x800  }
0x5c: {  	[sflag:s19] =	ssyncset.done $0x0  }
0x5d: {  	[sflag:s19] =	ssyncadd.s32 $0xFFFFF800  }
0x5e: {  	[tilespmem:s16], [sflag:$0x1] =	stream.indirect.gather [hbm4b:s4+s20], $0x80, s3, s20, $0xb8;
	[tilespmem:$0x1D000] =	vst v63  }
0x5f: {  	s8 =	rddreg [dreg:$0x5]  }
0x60: {  	[tilespmem:s21], [sflag:$0x2] =	stream.indirect.gather [hbm4b:s4+s20], $0x80, s8, s20, $0xb8;
	[tilespmem:$0x1D000] =	vst v63  }
0x61: {  	_ =	swait.ge [sflag:s17], $0x3E80  }
0x62: {  	[sflag:s17] =	ssyncset.done $0x0  }
0x63: {  	[sflag:s17] =	ssyncadd.s32 $0xFFFFC180  }
0x64: {  	[spmem:s1] =	stream.indirect.scatter.add.f32 [tilespmem:s16], [sflag:$0x3], $0x80, s18, s20, $0xb8;
	[tilespmem:$0x1D000] =	vst v63  }
0x65: {  	_ =	swait.ge [sflag:s19], $0x3E80  }
0x66: {  	[sflag:s19] =	ssyncset.done $0x0  }
0x67: {  	s24 =	rddreg [dreg:$0x6];
	[sflag:s19] =	ssyncadd.s32 $0xFFFFC180  }
0x68: {  	[spmem:s1] =	stream.indirect.scatter.add.f32 [tilespmem:s21], [sflag:$0x4], $0x80, s24, s20, $0xb8;
	[tilespmem:$0x1D000] =	vst v63  }
0x69: {  	_ =	swait.ge [sflag:s22], $0x3E80  }
0x6a: {  	[sflag:s22] =	ssyncset.done $0x0  }
0x6b: {  	s6 =	rddreg [dreg:$0x7];
	[sflag:s22] =	ssyncadd.s32 $0xFFFFC180  }
0x6c: {  	[tilespmem:s16], [sflag:$0x1] =	stream.indirect.gather [hbm4b:s4+s20], $0x80, s6, s20, $0xb8;
	[tilespmem:$0x1D000] =	vst v63  }
0x6d: {  	_ =	swait.ge [sflag:s23], $0x3E80  }
0x6e: {  	[sflag:s23] =	ssyncset.done $0x0  }
0x6f: {  	s8 =	rddreg [dreg:$0x8];
	[sflag:s23] =	ssyncadd.s32 $0xFFFFC180  }
0x70: {  	[tilespmem:s21], [sflag:$0x2] =	stream.indirect.gather [hbm4b:s4+s20], $0x80, s8, s20, $0xb8;
	[tilespmem:$0x1D000] =	vst v63  }
0x71: {  	_ =	swait.ge [sflag:s17], $0x3E80  }
0x72: {  	[sflag:s17] =	ssyncset.done $0x0  }
0x73: {  	s24 =	rddreg [dreg:$0x9];
	[sflag:s17] =	ssyncadd.s32 $0xFFFFC180  }
0x74: {  	[spmem:s1] =	stream.indirect.scatter.add.f32 [tilespmem:s16], [sflag:$0x3], $0x80, s24, s20, $0xb8;
	[tilespmem:$0x1D000] =	vst v63  }
0x75: {  	_ =	swait.ge [sflag:s19], $0x3E80  }
0x76: {  	[sflag:s19] =	ssyncset.done $0x0  }
0x77: {  	s6 =	rddreg [dreg:$0xa];
	[sflag:s19] =	ssyncadd.s32 $0xFFFFC180  }
0x78: {  	[spmem:s1] =	stream.indirect.scatter.add.f32 [tilespmem:s21], [sflag:$0x4], $0x80, s6, s20, $0xb8;
	[tilespmem:$0x1D000] =	vst v63  }
0x79: {  	_ =	swait.ge [sflag:s22], $0x3E80  }
0x7a: {  	[sflag:s22] =	ssyncset.done $0x0  }
0x7b: {  	s8 =	rddreg [dreg:$0xb];
	[sflag:s22] =	ssyncadd.s32 $0xFFFFC180  }
0x7c: {  	[tilespmem:s16], [sflag:$0x1] =	stream.indirect.gather [hbm4b:s4+s20], $0x80, s8, s20, $0xb8;
	[tilespmem:$0x1D000] =	vst v63  }
0x7d: {  	_ =	swait.ge [sflag:s23], $0x3E80  }
0x7e: {  	[sflag:s23] =	ssyncset.done $0x0  }
0x7f: {  	s24 =	rddreg [dreg:$0xc];
	[sflag:s23] =	ssyncadd.s32 $0xFFFFC180  }
0x80: {  	[tilespmem:s21], [sflag:$0x2] =	stream.indirect.gather [hbm4b:s4+s20], $0x80, s24, s20, $0xb8;
	[tilespmem:$0x1D000] =	vst v63  }
0x81: {  	_ =	swait.ge [sflag:s17], $0x3E80  }
0x82: {  	[sflag:s17] =	ssyncset.done $0x0  }
0x83: {  	s6 =	rddreg [dreg:$0xd];
	[sflag:s17] =	ssyncadd.s32 $0xFFFFC180  }
0x84: {  	[spmem:s1] =	stream.indirect.scatter.add.f32 [tilespmem:s16], [sflag:$0x3], $0x80, s6, s20, $0xb8;
	[tilespmem:$0x1D000] =	vst v63  }
0x85: {  	_ =	swait.ge [sflag:s19], $0x3E80  }
0x86: {  	[sflag:s19] =	ssyncset.done $0x0  }
0x87: {  	s8 =	rddreg [dreg:$0xe];
	[sflag:s19] =	ssyncadd.s32 $0xFFFFC180  }
0x88: {  	[spmem:s1] =	stream.indirect.scatter.add.f32 [tilespmem:s21], [sflag:$0x4], $0x80, s8, s20, $0xb8;
	[tilespmem:$0x1D000] =	vst v63  }
0x89: {  	_ =	swait.ge [sflag:s22], $0x3E80  }
0x8a: {  	[sflag:s22] =	ssyncset.done $0x0  }
0x8b: {  	s24 =	rddreg [dreg:$0xf];
	[sflag:s22] =	ssyncadd.s32 $0xFFFFC180  }
0x8c: {  	[tilespmem:s16], [sflag:$0x1] =	stream.indirect.gather [hbm4b:s4+s20], $0x80, s24, s20, $0xb8;
	[tilespmem:$0x1D000] =	vst v63  }
0x8d: {  	_ =	swait.ge [sflag:s23], $0x3E80  }
0x8e: {  	[sflag:s23] =	ssyncset.done $0x0  }
0x8f: {  	s6 =	rddreg [dreg:$0x10];
	[sflag:s23] =	ssyncadd.s32 $0xFFFFC180  }
0x90: {  	[tilespmem:s21], [sflag:$0x2] =	stream.indirect.gather [hbm4b:s4+s20], $0x80, s6, s20, $0xb8;
	[tilespmem:$0x1D000] =	vst v63  }
0x91: {  	_ =	swait.ge [sflag:s17], $0x3E80  }
0x92: {  	[sflag:s17] =	ssyncset.done $0x0  }
0x93: {  	s8 =	rddreg [dreg:$0x11];
	[sflag:s17] =	ssyncadd.s32 $0xFFFFC180  }
0x94: {  	[spmem:s1] =	stream.indirect.scatter.add.f32 [tilespmem:s16], [sflag:$0x3], $0x80, s8, s20, $0xb8;
	[tilespmem:$0x1D000] =	vst v63  }
0x95: {  	_ =	swait.ge [sflag:s19], $0x3E80  }
0x96: {  	[sflag:s19] =	ssyncset.done $0x0  }
0x97: {  	s24 =	rddreg [dreg:$0x12];
	[sflag:s19] =	ssyncadd.s32 $0xFFFFC180  }
0x98: {  	[spmem:s1] =	stream.indirect.scatter.add.f32 [tilespmem:s21], [sflag:$0x4], $0x80, s24, s20, $0xb8;
	[tilespmem:$0x1D000] =	vst v63  }
0x99: {  	_ =	swait.ge [sflag:s22], $0x3E80  }
0x9a: {  	[sflag:s22] =	ssyncset.done $0x0  }
0x9b: {  	[sflag:s22] =	ssyncadd.s32 $0xFFFFC180  }
0x9c: {  	[tilespmem:s16], [sflag:$0x1] =	stream.indirect.gather [hbm4b:s4+s20], $0x80, s9, s20, $0xb8;
	[tilespmem:$0x1D000] =	vst v63  }
0x9d: {  	_ =	swait.ge [sflag:s23], $0x3E80  }
0x9e: {  	[sflag:s23] =	ssyncset.done $0x0  }
0x9f: {  	[sflag:s23] =	ssyncadd.s32 $0xFFFFC180  }
0xa0: {  	[tilespmem:s21], [sflag:$0x2] =	stream.indirect.gather [hbm4b:s4+s20], $0x80, s25, s20, $0xb8;
	[tilespmem:$0x1D000] =	vst v63  }
0xa1: {  	_ =	swait.ge [sflag:s17], $0x3E80  }
0xa2: {  	[sflag:s17] =	ssyncset.done $0x0  }
0xa3: {  	[sflag:s17] =	ssyncadd.s32 $0xFFFFC180  }
0xa4: {  	[spmem:s1] =	stream.indirect.scatter.add.f32 [tilespmem:s16], [sflag:$0x3], $0x80, s26, s20, $0xb8;
	[tilespmem:$0x1D000] =	vst v63  }
0xa5: {  	_ =	swait.ge [sflag:s19], $0x3E80  }
0xa6: {  	[sflag:s19] =	ssyncset.done $0x0  }
0xa7: {  	[sflag:s19] =	ssyncadd.s32 $0xFFFFC180  }
0xa8: {  	[spmem:s1] =	stream.indirect.scatter.add.f32 [tilespmem:s21], [sflag:$0x4], $0x80, s28, s20, $0xb8;
	[tilespmem:$0x1D000] =	vst v63  }
0xa9: {  	_ =	swait.ge [sflag:s22], $0x3E80  }
0xaa: {  	[sflag:s22] =	ssyncset.done $0x0  }
0xab: {  	[sflag:s22] =	ssyncadd.s32 $0xFFFFC180  }
0xac: {  	[tilespmem:s16], [sflag:$0x1] =	stream.indirect.gather [hbm4b:s4+s20], $0x80, s29, s20, $0xb8;
	[tilespmem:$0x1D000] =	vst v63  }
0xad: {  	_ =	swait.ge [sflag:s23], $0x3E80  }
0xae: {  	[sflag:s23] =	ssyncset.done $0x0  }
0xaf: {  	[sflag:s23] =	ssyncadd.s32 $0xFFFFC180  }
0xb0: {  	[tilespmem:s21], [sflag:$0x2] =	stream.indirect.gather [hbm4b:s4+s20], $0x80, s30, s20, $0xb8;
	[tilespmem:$0x1D000] =	vst v63  }
0xb1: {  	_ =	swait.ge [sflag:s17], $0x3E80  }
0xb2: {  	[sflag:s17] =	ssyncset.done $0x0  }
0xb3: {  	[sflag:s17] =	ssyncadd.s32 $0xFFFFC180  }
0xb4: {  	[spmem:s1] =	stream.indirect.scatter.add.f32 [tilespmem:s16], [sflag:$0x3], $0x80, s0, s20, $0xb8;
	[tilespmem:$0x1D000] =	vst v63  }
0xb5: {  	_ =	swait.ge [sflag:s19], $0x3E80  }
0xb6: {  	[sflag:s19] =	ssyncset.done $0x0  }
0xb7: {  	[sflag:s19] =	ssyncadd.s32 $0xFFFFC180  }
0xb8: {  	[spmem:s1] =	stream.indirect.scatter.add.f32 [tilespmem:s21], [sflag:$0x4], $0x80, s2, s20, $0xb8;
	[tilespmem:$0x1D000] =	vst v63  }
0xb9: {  	_ =	swait.ge [sflag:s22], $0x3E80  }
0xba: {  	[sflag:s22] =	ssyncset.done $0x0  }
0xbb: {  	[sflag:s22] =	ssyncadd.s32 $0xFFFFC180  }
0xbc: {  	[tilespmem:s16], [sflag:$0x1] =	stream.indirect.gather [hbm4b:s4+s20], $0x80, s10, s20, $0xb8;
	[tilespmem:$0x1D000] =	vst v63  }
0xbd: {  	_ =	swait.ge [sflag:s23], $0x3E80  }
0xbe: {  	[sflag:s23] =	ssyncset.done $0x0  }
0xbf: {  	[sflag:s23] =	ssyncadd.s32 $0xFFFFC180  }
0xc0: {  	[tilespmem:s21], [sflag:$0x2] =	stream.indirect.gather [hbm4b:s4+s20], $0x80, s11, s20, $0xb8;
	[tilespmem:$0x1D000] =	vst v63  }
0xc1: {  	_ =	swait.ge [sflag:s17], $0x3E80  }
0xc2: {  	[sflag:s17] =	ssyncset.done $0x0  }
0xc3: {  	[sflag:s17] =	ssyncadd.s32 $0xFFFFC180  }
0xc4: {  	[spmem:s1] =	stream.indirect.scatter.add.f32 [tilespmem:s16], [sflag:$0x3], $0x80, s12, s20, $0xb8;
	[tilespmem:$0x1D000] =	vst v63  }
0xc5: {  	_ =	swait.ge [sflag:s19], $0x3E80  }
0xc6: {  	[sflag:s19] =	ssyncset.done $0x0  }
0xc7: {  	[sflag:s19] =	ssyncadd.s32 $0xFFFFC180  }
0xc8: {  	[spmem:s1] =	stream.indirect.scatter.add.f32 [tilespmem:s21], [sflag:$0x4], $0x80, s13, s20, $0xb8;
	[tilespmem:$0x1D000] =	vst v63  }
0xc9: {  	_ =	swait.ge [sflag:s22], $0x3E80  }
0xca: {  	[sflag:s22] =	ssyncset.done $0x0  }
0xcb: {  	[sflag:s22] =	ssyncadd.s32 $0xFFFFC180  }
0xcc: {  	[tilespmem:s16], [sflag:$0x1] =	stream.indirect.gather [hbm4b:s4+s20], $0x80, s14, s20, $0xb8;
	[tilespmem:$0x1D000] =	vst v63  }
0xcd: {  	_ =	swait.ge [sflag:s23], $0x3E80  }
0xce: {  	[sflag:s23] =	ssyncset.done $0x0  }
0xcf: {  	[sflag:s23] =	ssyncadd.s32 $0xFFFFC180  }
0xd0: {  	[tilespmem:s21], [sflag:$0x2] =	stream.indirect.gather [hbm4b:s4+s20], $0x80, s15, s20, $0xb8;
	[tilespmem:$0x1D000] =	vst v63  }
0xd1: {  	_ =	swait.ge [sflag:s17], $0x3E80  }
0xd2: {  	[sflag:s17] =	ssyncset.done $0x0  }
0xd3: {  	s7 =	simm.s32 $0x100;
	s8 =	simm.s32 $0x200;
	[sflag:s17] =	ssyncadd.s32 $0xFFFFC180  }
0xd4: {  	[spmem:s1] =	stream.indirect.scatter.add.f32 [tilespmem:s16], [sflag:$0x3], $0x80, s5, s20, $0xb8;
	[tilespmem:$0x1D000] =	vst v63  }
0xd5: {  	s25 =	simm.s32 $0x400;
	s26 =	simm.s32 $0x480;
	_ =	swait.ge [sflag:s19], $0x3E80  }
0xd6: {  	s28 =	simm.s32 $0xC00;
	s29 =	simm.s32 $0xC80;
	[sflag:s19] =	ssyncset.done $0x0  }
0xd7: {  	s30 =	simm.s32 $0x500;
	s0 =	simm.s32 $0xD00;
	[sflag:s19] =	ssyncadd.s32 $0xFFFFC180  }
0xd8: {  	[spmem:s1] =	stream.indirect.scatter.add.f32 [tilespmem:s21], [sflag:$0x4], $0x80, s31, s20, $0xb8;
	[tilespmem:$0x1D000] =	vst v63  }
0xd9: {  	s2 =	simm.s32 $0xD80;
	s10 =	simm.s32 $0x600;
	_ =	swait.ge [sflag:s22], $0x3E80  }
0xda: {  	s11 =	simm.s32 $0x680;
	s12 =	simm.s32 $0xE00;
	[sflag:s22] =	ssyncset.done $0x0  }
0xdb: {  	s13 =	simm.s32 $0xE80;
	s14 =	simm.s32 $0x700;
	[sflag:s22] =	ssyncadd.s32 $0xFFFFC180  }
0xdc: {  	s15 =	simm.s32 $0x780;
	s5 =	simm.s32 $0xF00;
	_ =	swait.ge [sflag:s23], $0x3E80  }
0xdd: {  	s31 =	simm.s32 $0x580;
	s9 =	rddreg [dreg:$0x3];
	[sflag:s23] =	ssyncset.done $0x0  }
.LBB2_4:
0xde: {  	[sflag:s23] =	ssyncadd.s32 $0xFFFFC180;
	s24 =	rddreg [dreg:$0x4];
	s9 =	sadd.s32 s7, s9  }
0xdf: {  	[tilespmem:s3], [sflag:$0x1] =	stream.linear.gather [hbm4b:s9+s3], $0x800, $0x38;
	[tilespmem:$0x1D000] =	vst v63  }
0xe0: {  	s24 =	sadd.s32 s7, s24  }
0xe1: {  	[tilespmem:s18], [sflag:$0x2] =	stream.linear.gather [hbm4b:s24+s3], $0x800, $0x38;
	[tilespmem:$0x1D000] =	vst v63  }
0xe2: {  	_ =	swait.ge [sflag:s17], $0x800  }
0xe3: {  	[sflag:s17] =	ssyncset.done $0x0  }
0xe4: {  	[sflag:s17] =	ssyncadd.s32 $0xFFFFF800  }
0xe5: {  	_ =	swait.ge [sflag:s19], $0x800  }
0xe6: {  	[sflag:s19] =	ssyncset.done $0x0  }
0xe7: {  	[sflag:s19] =	ssyncadd.s32 $0xFFFFF800  }
0xe8: {  	[tilespmem:s16], [sflag:$0x1] =	stream.indirect.gather [hbm4b:s4+s20], $0x80, s3, s20, $0xb8;
	[tilespmem:$0x1D000] =	vst v63  }
0xe9: {  	s24 =	rddreg [dreg:$0x5]  }
0xea: {  	[tilespmem:s21], [sflag:$0x2] =	stream.indirect.gather [hbm4b:s4+s20], $0x80, s24, s20, $0xb8;
	[tilespmem:$0x1D000] =	vst v63  }
0xeb: {  	_ =	swait.ge [sflag:s17], $0x3E80  }
0xec: {  	[sflag:s17] =	ssyncset.done $0x0  }
0xed: {  	[sflag:s17] =	ssyncadd.s32 $0xFFFFC180  }
0xee: {  	[spmem:s1] =	stream.indirect.scatter.add.f32 [tilespmem:s16], [sflag:$0x3], $0x80, s18, s20, $0xb8;
	[tilespmem:$0x1D000] =	vst v63  }
0xef: {  	_ =	swait.ge [sflag:s19], $0x3E80  }
0xf0: {  	[sflag:s19] =	ssyncset.done $0x0  }
0xf1: {  	s9 =	rddreg [dreg:$0x6];
	[sflag:s19] =	ssyncadd.s32 $0xFFFFC180  }
0xf2: {  	[spmem:s1] =	stream.indirect.scatter.add.f32 [tilespmem:s21], [sflag:$0x4], $0x80, s9, s20, $0xb8;
	[tilespmem:$0x1D000] =	vst v63  }
0xf3: {  	_ =	swait.ge [sflag:s22], $0x3E80  }
0xf4: {  	[sflag:s22] =	ssyncset.done $0x0  }
0xf5: {  	s24 =	rddreg [dreg:$0x7];
	[sflag:s22] =	ssyncadd.s32 $0xFFFFC180  }
0xf6: {  	[tilespmem:s16], [sflag:$0x1] =	stream.indirect.gather [hbm4b:s4+s20], $0x80, s24, s20, $0xb8;
	[tilespmem:$0x1D000] =	vst v63  }
0xf7: {  	_ =	swait.ge [sflag:s23], $0x3E80  }
0xf8: {  	[sflag:s23] =	ssyncset.done $0x0  }
0xf9: {  	s9 =	rddreg [dreg:$0x8];
	[sflag:s23] =	ssyncadd.s32 $0xFFFFC180  }
0xfa: {  	[tilespmem:s21], [sflag:$0x2] =	stream.indirect.gather [hbm4b:s4+s20], $0x80, s9, s20, $0xb8;
	[tilespmem:$0x1D000] =	vst v63  }
0xfb: {  	_ =	swait.ge [sflag:s17], $0x3E80  }
0xfc: {  	[sflag:s17] =	ssyncset.done $0x0  }
0xfd: {  	s24 =	rddreg [dreg:$0x9];
	[sflag:s17] =	ssyncadd.s32 $0xFFFFC180  }
0xfe: {  	[spmem:s1] =	stream.indirect.scatter.add.f32 [tilespmem:s16], [sflag:$0x3], $0x80, s24, s20, $0xb8;
	[tilespmem:$0x1D000] =	vst v63  }
0xff: {  	_ =	swait.ge [sflag:s19], $0x3E80  }
0x100: {  	[sflag:s19] =	ssyncset.done $0x0  }
0x101: {  	s9 =	rddreg [dreg:$0xa];
	[sflag:s19] =	ssyncadd.s32 $0xFFFFC180  }
0x102: {  	[spmem:s1] =	stream.indirect.scatter.add.f32 [tilespmem:s21], [sflag:$0x4], $0x80, s9, s20, $0xb8;
	[tilespmem:$0x1D000] =	vst v63  }
0x103: {  	_ =	swait.ge [sflag:s22], $0x3E80  }
0x104: {  	[sflag:s22] =	ssyncset.done $0x0  }
0x105: {  	s24 =	rddreg [dreg:$0xb];
	[sflag:s22] =	ssyncadd.s32 $0xFFFFC180  }
0x106: {  	[tilespmem:s16], [sflag:$0x1] =	stream.indirect.gather [hbm4b:s4+s20], $0x80, s24, s20, $0xb8;
	[tilespmem:$0x1D000] =	vst v63  }
0x107: {  	_ =	swait.ge [sflag:s23], $0x3E80  }
0x108: {  	[sflag:s23] =	ssyncset.done $0x0  }
0x109: {  	s9 =	rddreg [dreg:$0xc];
	[sflag:s23] =	ssyncadd.s32 $0xFFFFC180  }
0x10a: {  	[tilespmem:s21], [sflag:$0x2] =	stream.indirect.gather [hbm4b:s4+s20], $0x80, s9, s20, $0xb8;
	[tilespmem:$0x1D000] =	vst v63  }
0x10b: {  	_ =	swait.ge [sflag:s17], $0x3E80  }
0x10c: {  	[sflag:s17] =	ssyncset.done $0x0  }
0x10d: {  	s24 =	rddreg [dreg:$0xd];
	[sflag:s17] =	ssyncadd.s32 $0xFFFFC180  }
0x10e: {  	[spmem:s1] =	stream.indirect.scatter.add.f32 [tilespmem:s16], [sflag:$0x3], $0x80, s24, s20, $0xb8;
	[tilespmem:$0x1D000] =	vst v63  }
0x10f: {  	_ =	swait.ge [sflag:s19], $0x3E80  }
0x110: {  	[sflag:s19] =	ssyncset.done $0x0  }
0x111: {  	s9 =	rddreg [dreg:$0xe];
	[sflag:s19] =	ssyncadd.s32 $0xFFFFC180  }
0x112: {  	[spmem:s1] =	stream.indirect.scatter.add.f32 [tilespmem:s21], [sflag:$0x4], $0x80, s9, s20, $0xb8;
	[tilespmem:$0x1D000] =	vst v63  }
0x113: {  	_ =	swait.ge [sflag:s22], $0x3E80  }
0x114: {  	[sflag:s22] =	ssyncset.done $0x0  }
0x115: {  	s24 =	rddreg [dreg:$0xf];
	[sflag:s22] =	ssyncadd.s32 $0xFFFFC180  }
0x116: {  	[tilespmem:s16], [sflag:$0x1] =	stream.indirect.gather [hbm4b:s4+s20], $0x80, s24, s20, $0xb8;
	[tilespmem:$0x1D000] =	vst v63  }
0x117: {  	_ =	swait.ge [sflag:s23], $0x3E80  }
0x118: {  	[sflag:s23] =	ssyncset.done $0x0  }
0x119: {  	s9 =	rddreg [dreg:$0x10];
	[sflag:s23] =	ssyncadd.s32 $0xFFFFC180  }
0x11a: {  	[tilespmem:s21], [sflag:$0x2] =	stream.indirect.gather [hbm4b:s4+s20], $0x80, s9, s20, $0xb8;
	[tilespmem:$0x1D000] =	vst v63  }
0x11b: {  	_ =	swait.ge [sflag:s17], $0x3E80  }
0x11c: {  	[sflag:s17] =	ssyncset.done $0x0  }
0x11d: {  	s24 =	rddreg [dreg:$0x11];
	[sflag:s17] =	ssyncadd.s32 $0xFFFFC180  }
0x11e: {  	[spmem:s1] =	stream.indirect.scatter.add.f32 [tilespmem:s16], [sflag:$0x3], $0x80, s24, s20, $0xb8;
	[tilespmem:$0x1D000] =	vst v63  }
0x11f: {  	_ =	swait.ge [sflag:s19], $0x3E80  }
0x120: {  	[sflag:s19] =	ssyncset.done $0x0  }
0x121: {  	s9 =	rddreg [dreg:$0x12];
	[sflag:s19] =	ssyncadd.s32 $0xFFFFC180  }
0x122: {  	[spmem:s1] =	stream.indirect.scatter.add.f32 [tilespmem:s21], [sflag:$0x4], $0x80, s9, s20, $0xb8;
	[tilespmem:$0x1D000] =	vst v63  }
0x123: {  	_ =	swait.ge [sflag:s22], $0x3E80  }
0x124: {  	[sflag:s22] =	ssyncset.done $0x0  }
0x125: {  	[sflag:s22] =	ssyncadd.s32 $0xFFFFC180  }
0x126: {  	[tilespmem:s16], [sflag:$0x1] =	stream.indirect.gather [hbm4b:s4+s20], $0x80, s25, s20, $0xb8;
	[tilespmem:$0x1D000] =	vst v63  }
0x127: {  	_ =	swait.ge [sflag:s23], $0x3E80  }
0x128: {  	[sflag:s23] =	ssyncset.done $0x0  }
0x129: {  	[sflag:s23] =	ssyncadd.s32 $0xFFFFC180  }
0x12a: {  	[tilespmem:s21], [sflag:$0x2] =	stream.indirect.gather [hbm4b:s4+s20], $0x80, s26, s20, $0xb8;
	[tilespmem:$0x1D000] =	vst v63  }
0x12b: {  	_ =	swait.ge [sflag:s17], $0x3E80  }
0x12c: {  	[sflag:s17] =	ssyncset.done $0x0  }
0x12d: {  	[sflag:s17] =	ssyncadd.s32 $0xFFFFC180  }
0x12e: {  	[spmem:s1] =	stream.indirect.scatter.add.f32 [tilespmem:s16], [sflag:$0x3], $0x80, s28, s20, $0xb8;
	[tilespmem:$0x1D000] =	vst v63  }
0x12f: {  	_ =	swait.ge [sflag:s19], $0x3E80  }
0x130: {  	[sflag:s19] =	ssyncset.done $0x0  }
0x131: {  	[sflag:s19] =	ssyncadd.s32 $0xFFFFC180  }
0x132: {  	[spmem:s1] =	stream.indirect.scatter.add.f32 [tilespmem:s21], [sflag:$0x4], $0x80, s29, s20, $0xb8;
	[tilespmem:$0x1D000] =	vst v63  }
0x133: {  	_ =	swait.ge [sflag:s22], $0x3E80  }
0x134: {  	[sflag:s22] =	ssyncset.done $0x0  }
0x135: {  	[sflag:s22] =	ssyncadd.s32 $0xFFFFC180  }
0x136: {  	[tilespmem:s16], [sflag:$0x1] =	stream.indirect.gather [hbm4b:s4+s20], $0x80, s30, s20, $0xb8;
	[tilespmem:$0x1D000] =	vst v63  }
0x137: {  	_ =	swait.ge [sflag:s23], $0x3E80  }
0x138: {  	[sflag:s23] =	ssyncset.done $0x0  }
0x139: {  	[sflag:s23] =	ssyncadd.s32 $0xFFFFC180  }
0x13a: {  	[tilespmem:s21], [sflag:$0x2] =	stream.indirect.gather [hbm4b:s4+s20], $0x80, s31, s20, $0xb8;
	[tilespmem:$0x1D000] =	vst v63  }
0x13b: {  	_ =	swait.ge [sflag:s17], $0x3E80  }
0x13c: {  	[sflag:s17] =	ssyncset.done $0x0  }
0x13d: {  	[sflag:s17] =	ssyncadd.s32 $0xFFFFC180  }
0x13e: {  	[spmem:s1] =	stream.indirect.scatter.add.f32 [tilespmem:s16], [sflag:$0x3], $0x80, s0, s20, $0xb8;
	[tilespmem:$0x1D000] =	vst v63  }
0x13f: {  	_ =	swait.ge [sflag:s19], $0x3E80  }
0x140: {  	[sflag:s19] =	ssyncset.done $0x0  }
0x141: {  	[sflag:s19] =	ssyncadd.s32 $0xFFFFC180  }
0x142: {  	[spmem:s1] =	stream.indirect.scatter.add.f32 [tilespmem:s21], [sflag:$0x4], $0x80, s2, s20, $0xb8;
	[tilespmem:$0x1D000] =	vst v63  }
0x143: {  	_ =	swait.ge [sflag:s22], $0x3E80  }
0x144: {  	[sflag:s22] =	ssyncset.done $0x0  }
0x145: {  	[sflag:s22] =	ssyncadd.s32 $0xFFFFC180  }
0x146: {  	[tilespmem:s16], [sflag:$0x1] =	stream.indirect.gather [hbm4b:s4+s20], $0x80, s10, s20, $0xb8;
	[tilespmem:$0x1D000] =	vst v63  }
0x147: {  	_ =	swait.ge [sflag:s23], $0x3E80  }
0x148: {  	[sflag:s23] =	ssyncset.done $0x0  }
0x149: {  	[sflag:s23] =	ssyncadd.s32 $0xFFFFC180  }
0x14a: {  	[tilespmem:s21], [sflag:$0x2] =	stream.indirect.gather [hbm4b:s4+s20], $0x80, s11, s20, $0xb8;
	[tilespmem:$0x1D000] =	vst v63  }
0x14b: {  	_ =	swait.ge [sflag:s17], $0x3E80  }
0x14c: {  	[sflag:s17] =	ssyncset.done $0x0  }
0x14d: {  	[sflag:s17] =	ssyncadd.s32 $0xFFFFC180  }
0x14e: {  	[spmem:s1] =	stream.indirect.scatter.add.f32 [tilespmem:s16], [sflag:$0x3], $0x80, s12, s20, $0xb8;
	[tilespmem:$0x1D000] =	vst v63  }
0x14f: {  	_ =	swait.ge [sflag:s19], $0x3E80  }
0x150: {  	[sflag:s19] =	ssyncset.done $0x0  }
0x151: {  	[sflag:s19] =	ssyncadd.s32 $0xFFFFC180  }
0x152: {  	[spmem:s1] =	stream.indirect.scatter.add.f32 [tilespmem:s21], [sflag:$0x4], $0x80, s13, s20, $0xb8;
	[tilespmem:$0x1D000] =	vst v63  }
0x153: {  	_ =	swait.ge [sflag:s22], $0x3E80  }
0x154: {  	[sflag:s22] =	ssyncset.done $0x0  }
0x155: {  	[sflag:s22] =	ssyncadd.s32 $0xFFFFC180  }
0x156: {  	[tilespmem:s16], [sflag:$0x1] =	stream.indirect.gather [hbm4b:s4+s20], $0x80, s14, s20, $0xb8;
	[tilespmem:$0x1D000] =	vst v63  }
0x157: {  	_ =	swait.ge [sflag:s23], $0x3E80  }
0x158: {  	[sflag:s23] =	ssyncset.done $0x0  }
0x159: {  	[sflag:s23] =	ssyncadd.s32 $0xFFFFC180  }
0x15a: {  	[tilespmem:s21], [sflag:$0x2] =	stream.indirect.gather [hbm4b:s4+s20], $0x80, s15, s20, $0xb8;
	[tilespmem:$0x1D000] =	vst v63  }
0x15b: {  	_ =	swait.ge [sflag:s17], $0x3E80  }
0x15c: {  	[sflag:s17] =	ssyncset.done $0x0  }
0x15d: {  	[sflag:s17] =	ssyncadd.s32 $0xFFFFC180  }
0x15e: {  	[spmem:s1] =	stream.indirect.scatter.add.f32 [tilespmem:s16], [sflag:$0x3], $0x80, s5, s20, $0xb8;
	[tilespmem:$0x1D000] =	vst v63  }
0x15f: {  	_ =	swait.ge [sflag:s19], $0x3E80  }
0x160: {  	[sflag:s19] =	ssyncset.done $0x0  }
0x161: {  	p0 =	sne.s32 s8, $0x400;
	s24 =	simm.s32 $0xF80;
	[sflag:s19] =	ssyncadd.s32 $0xFFFFC180  }
0x162: {  	[spmem:s1] =	stream.indirect.scatter.add.f32 [tilespmem:s21], [sflag:$0x4], $0x80, s24, s20, $0xb8;
	[tilespmem:$0x1D000] =	vst v63  }
.Ltmp1:
0x163: {  	_ =	swait.ge [sflag:s22], $0x3E80;
	(pc) =	sbr.rel @p0 .LBB2_4-.Ltmp1, $4  }
0x164: {  	[sflag:s22] =	ssyncset.done $0x0  }
0x165: {  	[sflag:s22] =	ssyncadd.s32 $0xFFFFC180  }
0x166: {  	s6 =	smov.u32 s8;
	s8 =	sadd.s32 $0x100, s8;
	_ =	swait.ge [sflag:s23], $0x3E80  }
0x167: {  	s7 =	smov.u32 s6;
	s9 =	rddreg [dreg:$0x3];
	[sflag:s23] =	ssyncset.done $0x0  }
0x168: {  	s6 =	rddreg [dreg:$0x4];
	[sflag:s23] =	ssyncadd.s32 $0xFFFFC180;
	s8 =	sadd.s32 s7, s9  }
0x169: {  	[tilespmem:s3], [sflag:$0x1] =	stream.linear.gather [hbm4b:s8+s3], $0x800, $0x38;
	[tilespmem:$0x1D000] =	vst v63  }
0x16a: {  	s6 =	sadd.s32 s7, s6  }
0x16b: {  	[tilespmem:s18], [sflag:$0x2] =	stream.linear.gather [hbm4b:s6+s3], $0x800, $0x38;
	[tilespmem:$0x1D000] =	vst v63  }
0x16c: {  	_ =	swait.ge [sflag:s17], $0x800  }
0x16d: {  	[sflag:s17] =	ssyncset.done $0x0  }
0x16e: {  	[sflag:s17] =	ssyncadd.s32 $0xFFFFF800  }
0x16f: {  	_ =	swait.ge [sflag:s19], $0x800  }
0x170: {  	[sflag:s19] =	ssyncset.done $0x0  }
0x171: {  	[sflag:s19] =	ssyncadd.s32 $0xFFFFF800  }
0x172: {  	[tilespmem:s16], [sflag:$0x1] =	stream.indirect.gather [hbm4b:s4+s20], $0x80, s3, s20, $0xb8;
	[tilespmem:$0x1D000] =	vst v63  }
0x173: {  	s8 =	rddreg [dreg:$0x5]  }
0x174: {  	[tilespmem:s21], [sflag:$0x2] =	stream.indirect.gather [hbm4b:s4+s20], $0x80, s8, s20, $0xb8;
	[tilespmem:$0x1D000] =	vst v63  }
0x175: {  	_ =	swait.ge [sflag:s17], $0x3E80  }
0x176: {  	[sflag:s17] =	ssyncset.done $0x0  }
0x177: {  	[sflag:s17] =	ssyncadd.s32 $0xFFFFC180  }
0x178: {  	[spmem:s1] =	stream.indirect.scatter.add.f32 [tilespmem:s16], [sflag:$0x3], $0x80, s18, s20, $0xb8;
	[tilespmem:$0x1D000] =	vst v63  }
0x179: {  	_ =	swait.ge [sflag:s19], $0x3E80  }
0x17a: {  	[sflag:s19] =	ssyncset.done $0x0  }
0x17b: {  	s9 =	rddreg [dreg:$0x6];
	[sflag:s19] =	ssyncadd.s32 $0xFFFFC180  }
0x17c: {  	[spmem:s1] =	stream.indirect.scatter.add.f32 [tilespmem:s21], [sflag:$0x4], $0x80, s9, s20, $0xb8;
	[tilespmem:$0x1D000] =	vst v63  }
0x17d: {  	_ =	swait.ge [sflag:s22], $0x3E80  }
0x17e: {  	[sflag:s22] =	ssyncset.done $0x0  }
0x17f: {  	s24 =	rddreg [dreg:$0x7];
	[sflag:s22] =	ssyncadd.s32 $0xFFFFC180  }
0x180: {  	[tilespmem:s16], [sflag:$0x1] =	stream.indirect.gather [hbm4b:s4+s20], $0x80, s24, s20, $0xb8;
	[tilespmem:$0x1D000] =	vst v63  }
0x181: {  	_ =	swait.ge [sflag:s23], $0x3E80  }
0x182: {  	[sflag:s23] =	ssyncset.done $0x0  }
0x183: {  	s7 =	rddreg [dreg:$0x8];
	[sflag:s23] =	ssyncadd.s32 $0xFFFFC180  }
0x184: {  	[tilespmem:s21], [sflag:$0x2] =	stream.indirect.gather [hbm4b:s4+s20], $0x80, s7, s20, $0xb8;
	[tilespmem:$0x1D000] =	vst v63  }
0x185: {  	_ =	swait.ge [sflag:s17], $0x3E80  }
0x186: {  	[sflag:s17] =	ssyncset.done $0x0  }
0x187: {  	s8 =	rddreg [dreg:$0x9];
	[sflag:s17] =	ssyncadd.s32 $0xFFFFC180  }
0x188: {  	[spmem:s1] =	stream.indirect.scatter.add.f32 [tilespmem:s16], [sflag:$0x3], $0x80, s8, s20, $0xb8;
	[tilespmem:$0x1D000] =	vst v63  }
0x189: {  	_ =	swait.ge [sflag:s19], $0x3E80  }
0x18a: {  	[sflag:s19] =	ssyncset.done $0x0  }
0x18b: {  	s9 =	rddreg [dreg:$0xa];
	[sflag:s19] =	ssyncadd.s32 $0xFFFFC180  }
0x18c: {  	[spmem:s1] =	stream.indirect.scatter.add.f32 [tilespmem:s21], [sflag:$0x4], $0x80, s9, s20, $0xb8;
	[tilespmem:$0x1D000] =	vst v63  }
0x18d: {  	_ =	swait.ge [sflag:s22], $0x3E80  }
0x18e: {  	[sflag:s22] =	ssyncset.done $0x0  }
0x18f: {  	s24 =	rddreg [dreg:$0xb];
	[sflag:s22] =	ssyncadd.s32 $0xFFFFC180  }
0x190: {  	[tilespmem:s16], [sflag:$0x1] =	stream.indirect.gather [hbm4b:s4+s20], $0x80, s24, s20, $0xb8;
	[tilespmem:$0x1D000] =	vst v63  }
0x191: {  	_ =	swait.ge [sflag:s23], $0x3E80  }
0x192: {  	[sflag:s23] =	ssyncset.done $0x0  }
0x193: {  	s7 =	rddreg [dreg:$0xc];
	[sflag:s23] =	ssyncadd.s32 $0xFFFFC180  }
0x194: {  	[tilespmem:s21], [sflag:$0x2] =	stream.indirect.gather [hbm4b:s4+s20], $0x80, s7, s20, $0xb8;
	[tilespmem:$0x1D000] =	vst v63  }
0x195: {  	_ =	swait.ge [sflag:s17], $0x3E80  }
0x196: {  	[sflag:s17] =	ssyncset.done $0x0  }
0x197: {  	s8 =	rddreg [dreg:$0xd];
	[sflag:s17] =	ssyncadd.s32 $0xFFFFC180  }
0x198: {  	[spmem:s1] =	stream.indirect.scatter.add.f32 [tilespmem:s16], [sflag:$0x3], $0x80, s8, s20, $0xb8;
	[tilespmem:$0x1D000] =	vst v63  }
0x199: {  	_ =	swait.ge [sflag:s19], $0x3E80  }
0x19a: {  	[sflag:s19] =	ssyncset.done $0x0  }
0x19b: {  	s9 =	rddreg [dreg:$0xe];
	[sflag:s19] =	ssyncadd.s32 $0xFFFFC180  }
0x19c: {  	[spmem:s1] =	stream.indirect.scatter.add.f32 [tilespmem:s21], [sflag:$0x4], $0x80, s9, s20, $0xb8;
	[tilespmem:$0x1D000] =	vst v63  }
0x19d: {  	_ =	swait.ge [sflag:s22], $0x3E80  }
0x19e: {  	[sflag:s22] =	ssyncset.done $0x0  }
0x19f: {  	s24 =	rddreg [dreg:$0xf];
	[sflag:s22] =	ssyncadd.s32 $0xFFFFC180  }
0x1a0: {  	[tilespmem:s16], [sflag:$0x1] =	stream.indirect.gather [hbm4b:s4+s20], $0x80, s24, s20, $0xb8;
	[tilespmem:$0x1D000] =	vst v63  }
0x1a1: {  	_ =	swait.ge [sflag:s23], $0x3E80  }
0x1a2: {  	[sflag:s23] =	ssyncset.done $0x0  }
0x1a3: {  	s7 =	rddreg [dreg:$0x10];
	[sflag:s23] =	ssyncadd.s32 $0xFFFFC180  }
0x1a4: {  	[tilespmem:s21], [sflag:$0x2] =	stream.indirect.gather [hbm4b:s4+s20], $0x80, s7, s20, $0xb8;
	[tilespmem:$0x1D000] =	vst v63  }
0x1a5: {  	_ =	swait.ge [sflag:s17], $0x3E80  }
0x1a6: {  	[sflag:s17] =	ssyncset.done $0x0  }
0x1a7: {  	s8 =	rddreg [dreg:$0x11];
	[sflag:s17] =	ssyncadd.s32 $0xFFFFC180  }
0x1a8: {  	[spmem:s1] =	stream.indirect.scatter.add.f32 [tilespmem:s16], [sflag:$0x3], $0x80, s8, s20, $0xb8;
	[tilespmem:$0x1D000] =	vst v63  }
0x1a9: {  	_ =	swait.ge [sflag:s19], $0x3E80  }
0x1aa: {  	[sflag:s19] =	ssyncset.done $0x0  }
0x1ab: {  	s9 =	rddreg [dreg:$0x12];
	[sflag:s19] =	ssyncadd.s32 $0xFFFFC180  }
0x1ac: {  	[spmem:s1] =	stream.indirect.scatter.add.f32 [tilespmem:s21], [sflag:$0x4], $0x80, s9, s20, $0xb8;
	[tilespmem:$0x1D000] =	vst v63  }
0x1ad: {  	_ =	swait.ge [sflag:s22], $0x3E80  }
0x1ae: {  	[sflag:s22] =	ssyncset.done $0x0  }
0x1af: {  	[sflag:s22] =	ssyncadd.s32 $0xFFFFC180  }
0x1b0: {  	[tilespmem:s16], [sflag:$0x1] =	stream.indirect.gather [hbm4b:s4+s20], $0x80, s25, s20, $0xb8;
	[tilespmem:$0x1D000] =	vst v63  }
0x1b1: {  	_ =	swait.ge [sflag:s23], $0x3E80  }
0x1b2: {  	[sflag:s23] =	ssyncset.done $0x0  }
0x1b3: {  	[sflag:s23] =	ssyncadd.s32 $0xFFFFC180  }
0x1b4: {  	[tilespmem:s21], [sflag:$0x2] =	stream.indirect.gather [hbm4b:s4+s20], $0x80, s26, s20, $0xb8;
	[tilespmem:$0x1D000] =	vst v63  }
0x1b5: {  	_ =	swait.ge [sflag:s17], $0x3E80  }
0x1b6: {  	[sflag:s17] =	ssyncset.done $0x0  }
0x1b7: {  	[sflag:s17] =	ssyncadd.s32 $0xFFFFC180  }
0x1b8: {  	[spmem:s1] =	stream.indirect.scatter.add.f32 [tilespmem:s16], [sflag:$0x3], $0x80, s28, s20, $0xb8;
	[tilespmem:$0x1D000] =	vst v63  }
0x1b9: {  	_ =	swait.ge [sflag:s19], $0x3E80  }
0x1ba: {  	[sflag:s19] =	ssyncset.done $0x0  }
0x1bb: {  	[sflag:s19] =	ssyncadd.s32 $0xFFFFC180  }
0x1bc: {  	[spmem:s1] =	stream.indirect.scatter.add.f32 [tilespmem:s21], [sflag:$0x4], $0x80, s29, s20, $0xb8;
	[tilespmem:$0x1D000] =	vst v63  }
0x1bd: {  	_ =	swait.ge [sflag:s22], $0x3E80  }
0x1be: {  	[sflag:s22] =	ssyncset.done $0x0  }
0x1bf: {  	[sflag:s22] =	ssyncadd.s32 $0xFFFFC180  }
0x1c0: {  	[tilespmem:s16], [sflag:$0x1] =	stream.indirect.gather [hbm4b:s4+s20], $0x80, s30, s20, $0xb8;
	[tilespmem:$0x1D000] =	vst v63  }
0x1c1: {  	_ =	swait.ge [sflag:s23], $0x3E80  }
0x1c2: {  	[sflag:s23] =	ssyncset.done $0x0  }
0x1c3: {  	[sflag:s23] =	ssyncadd.s32 $0xFFFFC180  }
0x1c4: {  	[tilespmem:s21], [sflag:$0x2] =	stream.indirect.gather [hbm4b:s4+s20], $0x80, s31, s20, $0xb8;
	[tilespmem:$0x1D000] =	vst v63  }
0x1c5: {  	_ =	swait.ge [sflag:s17], $0x3E80  }
0x1c6: {  	[sflag:s17] =	ssyncset.done $0x0  }
0x1c7: {  	[sflag:s17] =	ssyncadd.s32 $0xFFFFC180  }
0x1c8: {  	[spmem:s1] =	stream.indirect.scatter.add.f32 [tilespmem:s16], [sflag:$0x3], $0x80, s0, s20, $0xb8;
	[tilespmem:$0x1D000] =	vst v63  }
0x1c9: {  	_ =	swait.ge [sflag:s19], $0x3E80  }
0x1ca: {  	[sflag:s19] =	ssyncset.done $0x0  }
0x1cb: {  	[sflag:s19] =	ssyncadd.s32 $0xFFFFC180  }
0x1cc: {  	[spmem:s1] =	stream.indirect.scatter.add.f32 [tilespmem:s21], [sflag:$0x4], $0x80, s2, s20, $0xb8;
	[tilespmem:$0x1D000] =	vst v63  }
0x1cd: {  	_ =	swait.ge [sflag:s22], $0x3E80  }
0x1ce: {  	[sflag:s22] =	ssyncset.done $0x0  }
0x1cf: {  	[sflag:s22] =	ssyncadd.s32 $0xFFFFC180  }
0x1d0: {  	[tilespmem:s16], [sflag:$0x1] =	stream.indirect.gather [hbm4b:s4+s20], $0x80, s10, s20, $0xb8;
	[tilespmem:$0x1D000] =	vst v63  }
0x1d1: {  	_ =	swait.ge [sflag:s23], $0x3E80  }
0x1d2: {  	[sflag:s23] =	ssyncset.done $0x0  }
0x1d3: {  	[sflag:s23] =	ssyncadd.s32 $0xFFFFC180  }
0x1d4: {  	[tilespmem:s21], [sflag:$0x2] =	stream.indirect.gather [hbm4b:s4+s20], $0x80, s11, s20, $0xb8;
	[tilespmem:$0x1D000] =	vst v63  }
0x1d5: {  	_ =	swait.ge [sflag:s17], $0x3E80  }
0x1d6: {  	[sflag:s17] =	ssyncset.done $0x0  }
0x1d7: {  	[sflag:s17] =	ssyncadd.s32 $0xFFFFC180  }
0x1d8: {  	[spmem:s1] =	stream.indirect.scatter.add.f32 [tilespmem:s16], [sflag:$0x3], $0x80, s12, s20, $0xb8;
	[tilespmem:$0x1D000] =	vst v63  }
0x1d9: {  	_ =	swait.ge [sflag:s19], $0x3E80  }
0x1da: {  	[sflag:s19] =	ssyncset.done $0x0  }
0x1db: {  	[sflag:s19] =	ssyncadd.s32 $0xFFFFC180  }
0x1dc: {  	[spmem:s1] =	stream.indirect.scatter.add.f32 [tilespmem:s21], [sflag:$0x4], $0x80, s13, s20, $0xb8;
	[tilespmem:$0x1D000] =	vst v63  }
0x1dd: {  	_ =	swait.ge [sflag:s22], $0x3E80  }
0x1de: {  	[sflag:s22] =	ssyncset.done $0x0  }
0x1df: {  	[sflag:s22] =	ssyncadd.s32 $0xFFFFC180  }
0x1e0: {  	[tilespmem:s16], [sflag:$0x1] =	stream.indirect.gather [hbm4b:s4+s20], $0x80, s14, s20, $0xb8;
	[tilespmem:$0x1D000] =	vst v63  }
0x1e1: {  	_ =	swait.ge [sflag:s23], $0x3E80  }
0x1e2: {  	[sflag:s23] =	ssyncset.done $0x0  }
0x1e3: {  	[sflag:s23] =	ssyncadd.s32 $0xFFFFC180  }
0x1e4: {  	[tilespmem:s21], [sflag:$0x2] =	stream.indirect.gather [hbm4b:s4+s20], $0x80, s15, s20, $0xb8;
	[tilespmem:$0x1D000] =	vst v63  }
0x1e5: {  	_ =	swait.ge [sflag:s17], $0x3E80  }
0x1e6: {  	[sflag:s17] =	ssyncset.done $0x0  }
0x1e7: {  	[sflag:s17] =	ssyncadd.s32 $0xFFFFC180  }
0x1e8: {  	[spmem:s1] =	stream.indirect.scatter.add.f32 [tilespmem:s16], [sflag:$0x3], $0x80, s5, s20, $0xb8;
	[tilespmem:$0x1D000] =	vst v63  }
0x1e9: {  	_ =	swait.ge [sflag:s19], $0x3E80  }
0x1ea: {  	[sflag:s19] =	ssyncset.done $0x0  }
0x1eb: {  	s12 =	simm.s32 $0xF80;
	[sflag:s19] =	ssyncadd.s32 $0xFFFFC180  }
0x1ec: {  	[spmem:s1] =	stream.indirect.scatter.add.f32 [tilespmem:s21], [sflag:$0x4], $0x80, s12, s20, $0xb8;
	[tilespmem:$0x1D000] =	vst v63  }
0x1ed: {  	_ =	swait.ge [sflag:s22], $0x3E80  }
0x1ee: {  	[sflag:s22] =	ssyncset.done $0x0  }
0x1ef: {  	[sflag:s22] =	ssyncadd.s32 $0xFFFFC180  }
0x1f0: {  	_ =	swait.ge [sflag:s23], $0x3E80  }
0x1f1: {  	[sflag:s23] =	ssyncset.done $0x0  }
0x1f2: {  	[sflag:s23] =	ssyncadd.s32 $0xFFFFC180  }
0x1f3: {  	s13 =	stileid.u32;
	[bflag:$0x0] =	sbarrier.arrive $0xFFFF  }
0x1f4: {  	s6 =	sshll.u32 s13, $0x6;
	s24 =	rddreg [dreg:$0x13]  }
0x1f5: {  	s6 =	sor.u32 $0x1C03, s6;
	s15 =	rddreg [dreg:$0x18];
	s14 =	sshrl.u32 s24, $0x3  }
0x1f6: {  	[hbm:s15], [sflag:s6] =	dma.local [spmem:s14], $0x800  }
0x1f7: {  	s7 =	rddreg [dreg:$0x14]  }
0x1f8: {  	s8 =	rddreg [dreg:$0x19];
	s7 =	sshrl.u32 s7, $0x3  }
0x1f9: {  	[hbm:s8], [sflag:s6] =	dma.local [spmem:s7], $0x800  }
0x1fa: {  	s7 =	rddreg [dreg:$0x15]  }
0x1fb: {  	s8 =	rddreg [dreg:$0x1a];
	s7 =	sshrl.u32 s7, $0x3  }
0x1fc: {  	[hbm:s8], [sflag:s6] =	dma.local [spmem:s7], $0x800  }
0x1fd: {  	s7 =	rddreg [dreg:$0x16]  }
0x1fe: {  	s8 =	rddreg [dreg:$0x1b];
	s7 =	sshrl.u32 s7, $0x3  }
0x1ff: {  	[hbm:s8], [sflag:s6] =	dma.local [spmem:s7], $0x800  }
0x200: {  	s7 =	rddreg [dreg:$0x17]  }
0x201: {  	s8 =	rddreg [dreg:$0x1c];
	s7 =	sshrl.u32 s7, $0x3  }
0x202: {  	[hbm:s8], [sflag:s6] =	dma.local [spmem:s7], $0x800  }
0x203: {  	_ =	swait.ge [sflag:s22], $0x800  }
0x204: {  	[sflag:s22] =	ssyncset.done $0x0  }
0x205: {  	[sflag:s22] =	ssyncadd.s32 $0xFFFFF800  }
0x206: {  	_ =	swait.ge [sflag:s22], $0x800  }
0x207: {  	[sflag:s22] =	ssyncset.done $0x0  }
0x208: {  	[sflag:s22] =	ssyncadd.s32 $0xFFFFF800  }
0x209: {  	_ =	swait.ge [sflag:s22], $0x800  }
0x20a: {  	[sflag:s22] =	ssyncset.done $0x0  }
0x20b: {  	[sflag:s22] =	ssyncadd.s32 $0xFFFFF800  }
0x20c: {  	_ =	swait.ge [sflag:s22], $0x800  }
0x20d: {  	[sflag:s22] =	ssyncset.done $0x0  }
0x20e: {  	[sflag:s22] =	ssyncadd.s32 $0xFFFFF800  }
0x20f: {  	_ =	swait.ge [sflag:s22], $0x800  }
0x210: {  	s9 =	simm.s32 $0x400;
	s25 =	rddreg [dreg:$0x1e]  }
0x211: {  	s28 =	simm.s32 $0xC80;
	s26 =	rddreg [dreg:$0x1d];
	s7 =	sadd.s32 $0x1, s25  }
0x212: {  	s29 =	simm.s32 $0x500;
	s30 =	simm.s32 $0x580;
	p0 =	sne.s32 s7, s26  }
.Ltmp2:
0x213: {  	s31 =	simm.s32 $0xF80;
	s0 =	simm.s32 $0xD00;
	(pc) =	sbr.rel @p0 .LBB2_1-.Ltmp2, $4  }
0x214: {  	s2 =	simm.s32 $0xD80;
	s10 =	simm.s32 $0x600;
	s11 =	simm.s32 $0x680  }
0x215: {  	s13 =	simm.s32 $0xE80;
	s5 =	simm.s32 $0xF00;
	s12 =	simm.s32 $0xE00  }
0x216: {  	s14 =	simm.s32 $0x700;
	s15 =	simm.s32 $0x780;
	[sflag:s22] =	ssyncset.done $0x0  }
0x217: {  	[sflag:s22] =	ssyncadd.s32 $0xFFFFF800;
	s25 =	simm.s32 $0x480;
	s26 =	simm.s32 $0xC00  }
0x218: {  	_ =	sfence.sel $0x180000  }
0x219: {  	[bflag:$0x0] =	sbarrier.arrive $0xFFFF  }
0x21a: {  	_ =	strace $0x9000004A  }
0x21b: {  	s0 =	stileid.u32;
	[bflag:$0x2] =	sbarrier.arrive $0xFFFF  }
0x21c: {  	p0 =	sne.s32 s0, $0x0;
	s0 =	rddreg [dreg:$0x2]  }
0x21d: {  	s0 =	sadd.s32 @!p0 $0x100000, s0  }
0x21e: {  	[sflag:s0] =	ssyncadd.tile.s32 @!p0 $0x1;
	_ =	shalt  }
.Lfunc_end2:
_tile_overlayer_lowered:
.L_overlay_start_2:
0x21f: {  	(tag) =	ssettag $0x2  }
0x220: {  	s0 =	rddreg [dreg:$0x0];
	s2 =	stileid.u32  }
0x221: {  	s1 =	rddreg [dreg:$0x1];
	p0 =	sne.s32 s2, $0x0  }
0x222: {  	s3 =	rddreg [dreg:$0x2];
	[bflag:$0x3] =	sbarrier.arrive $0xFFFF;
	s2 =	simm.s32 @!p0 $0x1C05  }
0x223: {  	[timem:s3], [sflag:s2] =	dma.local @!p0 [hbm:s0], s1  }
0x224: {  	s0 =	simm.s32 @!p0 $0x5  }
0x225: {  	_ =	swait.ge @!p0 [sflag:s0], s1  }
0x226: {  	s1 =	ssub.s32 @!p0 $0x0, s1;
	[sflag:s0] =	ssyncset.done @!p0 $0x0  }
0x227: {  	[sflag:s0] =	ssyncadd.s32 @!p0 s1  }
0x228: {  	[bflag:$0x3] =	sbarrier.arrive $0xFFFF  }
0x229: {  	_ =	shalt  }

// kernel: kernel.14.cloned.1.call-start
scs
__scs_entry_jumppad:
0x0: {  	(pc) =	sbr.rel $0x88, $3  }
0x1: {  	(tag) =	ssettag $0x0;
	lr =	simm.s32 $0x1  }
0x2: {  	[smem:$0x3F9B] =	sst lr;
	_ =	strace $0xD0000000  }
0x3: {  	_ = 	snop  }
0x4: {  	_ = 	snop  }
0x5: {  	_ = 	snop  }
0x6: {  	_ = 	snop  }
0x7: {  	_ = 	snop  }
__scs_overlays_trampoline_lowered:
0x8: {  	[smem:$0x3FAA] =	sst s0  }
0x9: {  	[smem:$0x3FAB] =	sst s1  }
0xa: {  	[smem:$0x3FAC] =	sst s2  }
0xb: {  	[smem:$0x3FAD] =	sst s3  }
0xc: {  	[smem:$0x3FAE] =	sst s4  }
0xd: {  	[smem:$0x3FAF] =	sst s5  }
0xe: {  	[smem:$0x3FB0] =	sst s6  }
0xf: {  	[smem:$0x3FB1] =	sst s7  }
0x10: {  	[smem:$0x3FB2] =	sst s8  }
0x11: {  	[smem:$0x3FB3] =	sst s9;
	s0 =	simm.s32 @!p0 $0x0  }
0x12: {  	s1 =	sld [smem:$0x3F99];
	s0 =	simm.s32 @p0 $0x1  }
0x13: {  	[smem:$0x3FB4] =	sst s0;
	s0 =	simm.s32 @!p1 $0x0  }
0x14: {  	s2 =	sld [smem:$0x3F98];
	s0 =	simm.s32 @p1 $0x1  }
0x15: {  	[smem:$0x3FB5] =	sst s0;
	s0 =	simm.s32 @!p2 $0x0  }
0x16: {  	s3 =	sld [smem:$0x3FDB];
	s0 =	simm.s32 @p2 $0x1  }
0x17: {  	s4 =	simm.s32 $0x1BF5;
	[smem:$0x3FB7] =	sst s0  }
0x18: {  	s0 =	sld [smem:$0x3F9A];
	_ =	swait.ge [sflag:s4], $0x0  }
0x19: {  	s7 =	sld [smem:$0x3F9B]  }
0x1a: {  	s8 =	sadd.s32 $0xFFFFE003, lr  }
0x1b: {  	s9 =	sadd.s32 $0xFFFFFEF7, lr;
	s5 =	simm.s32 $0xFFFFFFFF;
	p2 =	slt.u32 s8, $0xFFFFF086  }
0x1c: {  	p1 =	slt.u32 s9, $0xF7A;
	s5 =	simm.s32 @!p2 $0x0  }
0x1d: {  	s5 =	simm.s32 @p1 $0x1;
	p0 =	seq.s32 s7, s2  }
0x1e: {  	s7 =	smul.u32 @!p0 $0xF7A, s2;
	p2 =	seq.s32 @!p0 s5, $0x0  }
0x1f: {  	s9 =	smul.u32 $0xF7A, s1;
	s8 =	simm.s32 @!p0 $0x1BF5;
	p2 =	por !p2, p0  }
0x20: {  	[sflag:s8] =	ssyncset.s32 @!p0 $0xFFFFF086;
	s6 =	sadd.s32 @!p0 s3, s7;
	s7 =	simm.s32 @!p0 $0x108  }
0x21: {  	s3 =	sadd.s32 s3, s9;
	s6 =	sadd.s32 @!p0 $0x88, s6;
	s7 =	simm.s32 @p2 $0x1082  }
0x22: {  	[simem:s7], [sflag:s8] =	dma.local @!p0 [hbm:s6], $0xF7A  }
0x23: {  	s9 =	sor.u32 $0xD0000000, s2;
	s6 =	simm.s32 $0x108;
	_ =	swait.ge @!p0 [sflag:s8], $0x0  }
0x24: {  	s3 =	sadd.s32 $0x88, s3;
	s6 =	simm.s32 @!p1 $0x1082;
	[sflag:s4] =	ssyncset.s32 $0xFFFFF086  }
0x25: {  	[simem:s6], [sflag:s4] =	dma.local [hbm:s3], $0xF7A  }
0x26: {  	[smem:$0x3F9B] =	sst s1;
	(tag) =	ssettag s2;
	_ =	strace s9  }
0x27: {  	s1 =	sld [smem:$0x3FAB]  }
0x28: {  	s2 =	sld [smem:$0x3FAC]  }
0x29: {  	s4 =	sld [smem:$0x3FAE]  }
0x2a: {  	p0 =	seq.s32 s5, $0x0;
	s5 =	sld [smem:$0x3FAF]  }
0x2b: {  	s6 =	sld [smem:$0x3FB0]  }
0x2c: {  	s7 =	sld [smem:$0x3FB1]  }
0x2d: {  	s3 =	simm.s32 $0x108;
	s8 =	sld [smem:$0x3FB2]  }
0x2e: {  	s3 =	simm.s32 @!p0 $0x1082;
	s9 =	sld [smem:$0x3FB3]  }
0x2f: {  	lr =	sadd.s32 s0, s3;
	s0 =	sld [smem:$0x3FAA]  }
0x30: {  	s3 =	sld [smem:$0x3FAD]  }
0x31: {  	[smem:$0x3FB6] =	sst s10  }
0x32: {  	s10 =	sld [smem:$0x3FB4];
	_ =	sdelay $0x3  }
0x33: {  	p0 =	seq.s32 s10, $0x1;
	s10 =	sld [smem:$0x3FB6];
	_ =	sdelay $0x3  }
0x34: {  	[smem:$0x3FB6] =	sst s10  }
0x35: {  	s10 =	sld [smem:$0x3FB5];
	_ =	sdelay $0x3  }
0x36: {  	p1 =	seq.s32 s10, $0x1;
	s10 =	sld [smem:$0x3FB6];
	_ =	sdelay $0x3  }
0x37: {  	[smem:$0x3FB6] =	sst s10  }
0x38: {  	s10 =	sld [smem:$0x3FB7]  }
0x39: {  	_ = 	snop;
	(pc) =	sbr.ind lr, $3  }
0x3a: {  	_ = 	snop  }
0x3b: {  	_ = 	snop  }
0x3c: {  	p2 =	seq.s32 s10, $0x1;
	s10 =	sld [smem:$0x3FB6]  }
0x3d: {  	_ =	shalt  }
0x3e: {  	_ =	shalt  }
0x3f: {  	_ =	shalt  }
0x40: {  	_ =	shalt  }
0x41: {  	_ =	shalt  }
0x42: {  	_ =	shalt  }
0x43: {  	_ =	shalt  }
0x44: {  	_ =	shalt  }
0x45: {  	_ =	shalt  }
0x46: {  	_ =	shalt  }
0x47: {  	_ =	shalt  }
0x48: {  	_ =	shalt  }
0x49: {  	_ =	shalt  }
0x4a: {  	_ =	shalt  }
0x4b: {  	_ =	shalt  }
0x4c: {  	_ =	shalt  }
0x4d: {  	_ =	shalt  }
0x4e: {  	_ =	shalt  }
0x4f: {  	_ =	shalt  }
0x50: {  	_ =	shalt  }
0x51: {  	_ =	shalt  }
0x52: {  	_ =	shalt  }
0x53: {  	_ =	shalt  }
0x54: {  	_ =	shalt  }
0x55: {  	_ =	shalt  }
0x56: {  	_ =	shalt  }
0x57: {  	_ =	shalt  }
0x58: {  	_ =	shalt  }
0x59: {  	_ =	shalt  }
0x5a: {  	_ =	shalt  }
0x5b: {  	_ =	shalt  }
0x5c: {  	_ =	shalt  }
0x5d: {  	_ =	shalt  }
0x5e: {  	_ =	shalt  }
0x5f: {  	_ =	shalt  }
0x60: {  	_ =	shalt  }
0x61: {  	_ =	shalt  }
0x62: {  	_ =	shalt  }
0x63: {  	_ =	shalt  }
0x64: {  	_ =	shalt  }
0x65: {  	_ =	shalt  }
0x66: {  	_ =	shalt  }
0x67: {  	_ =	shalt  }
0x68: {  	_ =	shalt  }
0x69: {  	_ =	shalt  }
0x6a: {  	_ =	shalt  }
0x6b: {  	_ =	shalt  }
0x6c: {  	_ =	shalt  }
0x6d: {  	_ =	shalt  }
0x6e: {  	_ =	shalt  }
0x6f: {  	_ =	shalt  }
0x70: {  	_ =	shalt  }
0x71: {  	_ =	shalt  }
0x72: {  	_ =	shalt  }
0x73: {  	_ =	shalt  }
0x74: {  	_ =	shalt  }
0x75: {  	_ =	shalt  }
0x76: {  	_ =	shalt  }
0x77: {  	_ =	shalt  }
0x78: {  	_ =	shalt  }
0x79: {  	_ =	shalt  }
0x7a: {  	_ =	shalt  }
0x7b: {  	_ =	shalt  }
0x7c: {  	_ =	shalt  }
0x7d: {  	_ =	shalt  }
0x7e: {  	_ =	shalt  }
0x7f: {  	_ =	shalt  }
0x80: {  	_ =	shalt  }
0x81: {  	_ =	shalt  }
0x82: {  	_ =	shalt  }
0x83: {  	_ =	shalt  }
0x84: {  	_ =	shalt  }
0x85: {  	_ =	shalt  }
0x86: {  	_ =	shalt  }
0x87: {  	_ =	shalt  }
.Lfunc_end0:
.L_simem_size_0:
called_computation.2_lowered:
.L_overlay_start_0:
0x88: {  	s2 =	sld [smem:$0x3FD9]  }
0x89: {  	s3 =	sld [smem:$0x3FFE];
	_ =	sdelay $0x1  }
0x8a: {  	s1 =	srdreg.scid  }
0x8b: {  	s0 =	sand.u32 $0x1, s1  }
0x8c: {  	s16 =	sshll.u32 s0, $0xA;
	s2 =	sadd.s32 s3, s2  }
0x8d: {  	s2 =	sadd.s32 s2, s16  }
0x8e: {  	[smem:$0x3FC2] =	sst s2  }
0x8f: {  	_ = 	snop  }
0x90: {  	(tm) =	ssettm $0x1  }
0x91: {  	s17 =	sld [smem:$0x3FFB];
	_ =	sdelay $0x3  }
0x92: {  	_ =	strace s17  }
0x93: {  	s2 =	sld [smem:$0x3FFC];
	_ =	sdelay $0x3  }
0x94: {  	_ =	strace s2  }
0x95: {  	s2 =	sld [smem:$0x3FFD];
	_ =	sdelay $0x3  }
0x96: {  	_ =	strace s2  }
0x97: {  	_ =	strace $0x8FFFFFFF  }
0x98: {  	s18 =	sld [smem:$0x3FDB];
	_ =	sdelay $0x1  }
0x99: {  	s19 =	simm.s32 $_scs_section_size  }
0x9a: {  	s4 =	simm.s32 $_size__tile_overlayer_lowered;
	s5 =	simm.s32 $_tile_overlayer_lowered  }
0x9b: {  	s22 =	simm.s32 $0x1BFF;
	s21 =	sshll.u32 s5, $0x1;
	s2 =	sadd.s32 s19, s18  }
0x9c: {  	s6 =	simm.s32 $0x0;
	s20 =	sshll.u32 s4, $0x1;
	s4 =	sadd.s32 s21, s2  }
0x9d: {  	[timem:s6], [sflag:s22] =	dma.local [hbm:s4], s20  }
0x9e: {  	_ =	swait.ge [sflag:s22], s20  }
0x9f: {  	s3 =	ssub.s32 $0x0, s20;
	[sflag:s22] =	ssyncset.done $0x0  }
0xa0: {  	[sflag:s22] =	ssyncadd.s32 s3;
	_ =	sdelay $0x1  }
0xa1: {  	s23 =	simm.s32 $0x1B8B  }
0xa2: {  	_ =	swait.ge [sflag:s23], $0x1  }
0xa3: {  	[sflag:s23] =	ssyncset.done $0x0  }
0xa4: {  	s25 =	simm.s32 $0x1B8E;
	s24 =	sld [smem:$0x3FFE];
	[sflag:s23] =	ssyncadd.s32 $0xFFFFFFFF  }
0xa5: {  	s26 =	simm.s32 $execute0_lowered;
	[smem:$0x3FD2] =	sst s25  }
0xa6: {  	s4 =	sshll.u32 s26, $0x1;
	_ =	strace $0x8000004C;
	[dreg:$0x1] =	wrdreg $0xFFFFFFFF  }
0xa7: {  	s28 =	simm.s32 $_size_execute0_lowered;
	s2 =	sadd.s32 s2, s4;
	[dreg:$0x0] =	wrdreg $0x0  }
0xa8: {  	s4 =	sshll.u32 s28, $0x1;
	[dreg:$0x2] =	wrdreg s2  }
0xa9: {  	[dreg:$0x3] =	wrdreg s4  }
0xaa: {  	[dreg:$0x4] =	wrdreg $0xC0  }
0xab: {  	_ =	task [dreg:s6], $0x5FFFF  }
0xac: {  	[dreg:$0x1] =	wrdreg $0xFFFFFFFF  }
0xad: {  	[dreg:$0x0] =	wrdreg $0x60  }
0xae: {  	[dreg:$0x2] =	wrdreg s24  }
0xaf: {  	[dreg:$0x3] =	wrdreg $0x90000  }
0xb0: {  	[dreg:$0x4] =	wrdreg $0x9  }
0xb1: {  	_ =	task.clear_ibuf [dreg:s6], $0x5FFFF;
	_ =	strace $0x9000004C  }
0xb2: {  	s29 =	simm.s32 $0x9;
	_ =	strace $0x8000004E  }
0xb3: {  	_ =	swait.ge [sflag:s29], $0x1  }
0xb4: {  	[sflag:s29] =	ssyncadd.s32 $0xFFFFFFFF  }
0xb5: {  	_ =	strace $0x9000004E  }
0xb6: {  	_ =	sfence  }
0xb7: {  	s30 =	sld [smem:$0x0];
	_ =	sdelay $0x2  }
0xb8: {  	s31 =	sshll.u32 s1, $0xD;
	s1 =	sshrl.u32 s1, $0x2  }
0xb9: {  	s3 =	sand.u32 $0x4000, s31;
	s1 =	sadd.s32 s1, s30  }
0xba: {  	s0 =	sor.u32 s3, s0;
	s1 =	sshll.u32 s1, $0x11  }
0xbb: {  	s0 =	sor.u32 s1, s0  }
0xbc: {  	s0 =	sadd.s32 $0x8F2B, s0  }
0xbd: {  	[sflag:s0] =	ssyncadd.remote.s32 $0x1  }
0xbe: {  	_ =	sfence.sel $0xFFFF  }
0xbf: {  	[dreg:$0x0] =	wrdreg $0xFFFFFFFF;
	(pc) =	sbr.abs _section_cstart, $3  }
0xc0: {  	[dreg:$0x1] =	wrdreg $0xFFFFFFFF  }
0xc1: {  	_ =	task.clear_ibuf [dreg:s6], $0x2FFFF;
	_ =	strace $0x9FFFFFFF  }
0xc2: {  	(tm) =	ssettm $0x7FFFFFFF  }
0xc3: {  	_ =	shalt  }
tec
execute0_lowered:
.L_overlay_start_1:
0x0: {  	(tag) =	ssettag $0x1  }
0x1: {  	s0 =	rddreg [dreg:$0x0]  }
0x2: {  	s1 =	rddreg [dreg:$0x1]  }
0x3: {  	s3 =	simm.s32 $0x0;
	s2 =	srdreg.scid;
	s15 =	stileid.u32  }
0x4: {  	s23 =	simm.s32 $0x80;
	s28 =	simm.s32 $0x6;
	s7 =	smul.u32 $0x28000, s15  }
0x5: {  	s29 =	simm.s32 $0x7;
	s30 =	simm.s32 $0x8;
	s10 =	smul.u32 $0x280, s15  }
0x6: {  	[smem:$0x7FF] =	sst s3;
	s5 =	sand.u32 $0x1, s2;
	s17 =	smul.u32 $0x14000, s15  }
0x7: {  	s4 =	sadd.s32 $0x2800, s0;
	s8 =	sadd.s32 $0x8E800, s0;
	s15 =	smul.u32 $0x2800, s15  }
0x8: {  	s2 =	sadd.s32 $0x16800, s0;
	_ =	strace $0x8000004D;
	s12 =	smul.u32 $0x140000, s5  }
0x9: {  	s6 =	ssub.s32 $0x2, s5;
	s5 =	smul.u32 $0x28000, s5;
	[dreg:$0x5] =	wrdreg s23  }
0xa: {  	s23 =	simm.s32 $0x500;
	s9 =	sshrl.u32 s6, $0x1;
	s24 =	sshrl.u32 s7, $0x2  }
0xb: {  	s25 =	sadd.s32 $0x80, s10;
	s26 =	sadd.s32 $0x100, s10;
	s18 =	sadd.s32 $0x180, s10  }
0xc: {  	s10 =	sadd.s32 $0x200, s10;
	[dreg:$0x15] =	wrdreg s23;
	s23 =	simm.s32 $0x7000  }
0xd: {  	s0 =	ssub.s32 s6, s9;
	s31 =	sadd.s32 s24, s1;
	s14 =	sshll.u32 s25, $0x6  }
0xe: {  	s11 =	sshll.u32 s26, $0x6;
	s13 =	sshll.u32 s18, $0x6;
	s6 =	sshll.u32 s25, $0x7  }
0xf: {  	s5 =	sadd.s32 s15, s5;
	s7 =	sshll.u32 s26, $0x7;
	s24 =	simm.s32 $0x100  }
0x10: {  	s25 =	sshll.u32 s18, $0x7;
	s26 =	simm.s32 $0x180;
	[dreg:$0x6] =	wrdreg s24  }
0x11: {  	s15 =	simm.s32 $0x300;
	s18 =	simm.s32 $0xA80;
	[dreg:$0x7] =	wrdreg s26  }
0x12: {  	s9 =	sadd.s32 s14, s1;
	s16 =	sadd.s32 s11, s1;
	[dreg:$0xd] =	wrdreg s15  }
0x13: {  	s14 =	sshll.u32 s10, $0x6;
	s13 =	sadd.s32 s13, s1;
	[dreg:$0x10] =	wrdreg s18  }
0x14: {  	s6 =	sadd.s32 s12, s6;
	s20 =	sadd.s32 $0x50000, s5;
	[dreg:$0x19] =	wrdreg s31  }
0x15: {  	s5 =	sshrl.u32 s5, $0x3;
	s7 =	sadd.s32 s12, s7;
	[dreg:$0x1a] =	wrdreg s9  }
0x16: {  	s11 =	sshll.u32 s10, $0x7;
	s0 =	smax.u32 s0, $0x1;
	[dreg:$0x1b] =	wrdreg s16  }
0x17: {  	s18 =	simm.s32 $0x800;
	s24 =	simm.s32 $0x580;
	[dreg:$0x1c] =	wrdreg s13  }
0x18: {  	s26 =	simm.s32 $0xC80;
	s10 =	simm.s32 $0x680;
	[smem:$0x7FD] =	sst s0  }
0x19: {  	s15 =	simm.s32 $0xF00;
	s19 =	sadd.s32 s14, s1;
	[dreg:$0x16] =	wrdreg s24  }
0x1a: {  	s9 =	sadd.s32 s17, s12;
	s6 =	sshrl.u32 s6, $0x3;
	[dreg:$0x18] =	wrdreg s26  }
0x1b: {  	s21 =	sshrl.u32 s20, $0x3;
	s5 =	sadd.s32 s5, s8;
	[dreg:$0x1d] =	wrdreg s19  }
0x1c: {  	s22 =	sshrl.u32 s7, $0x3;
	s7 =	simm.s32 $0x880;
	[dreg:$0x4] =	wrdreg s5  }
0x1d: {  	s13 =	simm.s32 $0x200;
	s14 =	simm.s32 $0x280;
	[dreg:$0x8] =	wrdreg s7  }
0x1e: {  	s16 =	simm.s32 $0x380;
	s17 =	simm.s32 $0xA00;
	[dreg:$0xb] =	wrdreg s13  }
0x1f: {  	s20 =	simm.s32 $0xB80;
	s24 =	simm.s32 $0x3;
	[dreg:$0xc] =	wrdreg s14  }
0x20: {  	s26 =	simm.s32 $0x5;
	s0 =	simm.s32 $0xD80;
	[dreg:$0xe] =	wrdreg s16  }
0x21: {  	s9 =	sshrl.u32 s9, $0x3;
	s6 =	sadd.s32 s2, s6;
	[dreg:$0xf] =	wrdreg s17  }
0x22: {  	s16 =	simm.s32 $0x1000;
	s17 =	simm.s32 $0x1;
	[dreg:$0x12] =	wrdreg s20  }
0x23: {  	s19 =	simm.s32 $0xB00;
	s20 =	simm.s32 $0x7D;
	[dreg:$0x1f] =	wrdreg s6  }
0x24: {  	s13 =	simm.s32 $0xE00;
	s9 =	sadd.s32 s2, s9;
	[dreg:$0x11] =	wrdreg s19  }
0x25: {  	s14 =	simm.s32 $0xE80;
	s6 =	sadd.s32 s21, s8;
	[dreg:$0x1e] =	wrdreg s9  }
0x26: {  	s5 =	simm.s32 $0xF80;
	s8 =	simm.s32 $0x900;
	[dreg:$0x3] =	wrdreg s6  }
0x27: {  	s7 =	simm.s32 $0x0;
	s21 =	simm.s32 $0x400;
	[dreg:$0x9] =	wrdreg s8  }
0x28: {  	s19 =	simm.s32 $0x2;
	s6 =	sadd.s32 s2, s22;
	[dreg:$0x13] =	wrdreg s21  }
0x29: {  	s9 =	simm.s32 $0x980;
	[smem:$0x7FA] =	sst s6;
	s6 =	sadd.s32 s12, s25  }
0x2a: {  	s22 =	simm.s32 $0x480;
	[dreg:$0xa] =	wrdreg s9;
	s6 =	sshrl.u32 s6, $0x3  }
0x2b: {  	s21 =	simm.s32 $0x3000;
	[dreg:$0x14] =	wrdreg s22;
	s6 =	sadd.s32 s2, s6  }
0x2c: {  	s25 =	simm.s32 $0xC00;
	[smem:$0x7FB] =	sst s6;
	s6 =	sadd.s32 s12, s11  }
0x2d: {  	s22 =	simm.s32 $0x5000;
	[dreg:$0x17] =	wrdreg s25;
	s6 =	sshrl.u32 s6, $0x3  }
0x2e: {  	s25 =	simm.s32 $0x4;
	s11 =	simm.s32 $0x700;
	s2 =	sadd.s32 s2, s6  }
0x2f: {  	v0 =	vimm.f32 $0.0e+00;
	s12 =	simm.s32 $0x780;
	[smem:$0x7FC] =	sst s2;
	s2 =	simm.s32 $0x600  }
.LBB2_1:
0x30: {  	s9 =	simm.s32 $0x100;
	s8 =	simm.s32 $0x0  }
.LBB2_2:
0x31: {  	p0 =	sne.s32 s9, $0x7F00;
	[tilespmem:s8+$0x1030] =	vst v0;
	s6 =	smov.u32 s9;
	s9 =	sadd.s32 $0x100, s9  }
.Ltmp0:
0x32: {  	[tilespmem:s8+$0x1020] =	vst v0;
	(pc) =	sbr.rel @p0 .LBB2_2-.Ltmp0, $3  }
0x33: {  	[tilespmem:s8+$0x1000] =	vst v0  }
0x34: {  	[tilespmem:s8+$0x1010] =	vst v0;
	_ =	sdelay $0x1  }
0x35: {  	s8 =	sshra.s32 s6, $0x2  }
0x36: {  	[tilespmem:s8+$0x1030] =	vst v0  }
0x37: {  	[tilespmem:s8+$0x1020] =	vst v0  }
0x38: {  	[tilespmem:s8+$0x1000] =	vst v0  }
0x39: {  	[smem:$0x7F9] =	sst s7;
	[tilespmem:s8+$0x1010] =	vst v0  }
0x3a: {  	[spmem:s31] =	stream.linear.scatter [tilespmem:s16], [sflag:$0x1], $0x2000, $0x38;
	[tilespmem:$0x13000] =	vst v63  }
0x3b: {  	s6 =	rddreg [dreg:$0x1a]  }
0x3c: {  	[spmem:s6] =	stream.linear.scatter [tilespmem:s16], [sflag:$0x1], $0x2000, $0x38;
	[tilespmem:$0x13000] =	vst v63  }
0x3d: {  	s7 =	rddreg [dreg:$0x1b]  }
0x3e: {  	[spmem:s7] =	stream.linear.scatter [tilespmem:s16], [sflag:$0x1], $0x2000, $0x38;
	[tilespmem:$0x13000] =	vst v63  }
0x3f: {  	s8 =	rddreg [dreg:$0x1c]  }
0x40: {  	[spmem:s8] =	stream.linear.scatter [tilespmem:s16], [sflag:$0x1], $0x2000, $0x38;
	[tilespmem:$0x13000] =	vst v63  }
0x41: {  	s9 =	rddreg [dreg:$0x1d]  }
0x42: {  	[spmem:s9] =	stream.linear.scatter [tilespmem:s16], [sflag:$0x1], $0x2000, $0x38;
	[tilespmem:$0x13000] =	vst v63  }
0x43: {  	_ =	swait.ge [sflag:s17], $0x2000  }
0x44: {  	[sflag:s17] =	ssyncset.done $0x0  }
0x45: {  	[sflag:s17] =	ssyncadd.s32 $0xFFFFE000  }
0x46: {  	_ =	swait.ge [sflag:s17], $0x2000  }
0x47: {  	[sflag:s17] =	ssyncset.done $0x0  }
0x48: {  	[sflag:s17] =	ssyncadd.s32 $0xFFFFE000  }
0x49: {  	_ =	swait.ge [sflag:s17], $0x2000  }
0x4a: {  	[sflag:s17] =	ssyncset.done $0x0  }
0x4b: {  	[sflag:s17] =	ssyncadd.s32 $0xFFFFE000  }
0x4c: {  	_ =	swait.ge [sflag:s17], $0x2000  }
0x4d: {  	[sflag:s17] =	ssyncset.done $0x0  }
0x4e: {  	[sflag:s17] =	ssyncadd.s32 $0xFFFFE000  }
0x4f: {  	_ =	swait.ge [sflag:s17], $0x2000  }
0x50: {  	[sflag:s17] =	ssyncset.done $0x0  }
0x51: {  	[sflag:s17] =	ssyncadd.s32 $0xFFFFE000  }
0x52: {  	[bflag:$0x0] =	sbarrier.arrive $0xFFFF  }
0x53: {  	s31 =	rddreg [dreg:$0x4]  }
0x54: {  	s7 =	rddreg [dreg:$0x3];
	s6 =	sadd.s32 $0x0, s31  }
0x55: {  	[tilespmem:s3], [sflag:$0x1] =	stream.linear.gather [hbm4b:s6+s3], $0x800, $0x38;
	[tilespmem:$0x13000] =	vst v63  }
0x56: {  	s8 =	sadd.s32 $0x0, s7  }
0x57: {  	[tilespmem:s18], [sflag:$0x2] =	stream.linear.gather [hbm4b:s8+s3], $0x800, $0x38;
	[tilespmem:$0x13000] =	vst v63  }
0x58: {  	_ =	swait.ge [sflag:s17], $0x800  }
0x59: {  	[sflag:s17] =	ssyncset.done $0x0  }
0x5a: {  	[sflag:s17] =	ssyncadd.s32 $0xFFFFF800  }
0x5b: {  	_ =	swait.ge [sflag:s19], $0x800  }
0x5c: {  	[sflag:s19] =	ssyncset.done $0x0  }
0x5d: {  	[sflag:s19] =	ssyncadd.s32 $0xFFFFF800  }
0x5e: {  	[tilespmem:s16], [sflag:$0x1] =	stream.indirect.gather [hbm4b:s4+s20], $0x40, s3, s20, $0xb8;
	[tilespmem:$0x13000] =	vst v63  }
0x5f: {  	s9 =	rddreg [dreg:$0x5]  }
0x60: {  	[tilespmem:s21], [sflag:$0x2] =	stream.indirect.gather [hbm4b:s4+s20], $0x40, s9, s20, $0xb8;
	[tilespmem:$0x13000] =	vst v63  }
0x61: {  	s31 =	rddreg [dreg:$0x6]  }
0x62: {  	[tilespmem:s22], [sflag:$0x3] =	stream.indirect.gather [hbm4b:s4+s20], $0x40, s31, s20, $0xb8;
	[tilespmem:$0x13000] =	vst v63  }
0x63: {  	s7 =	rddreg [dreg:$0x7]  }
0x64: {  	[tilespmem:s23], [sflag:$0x4] =	stream.indirect.gather [hbm4b:s4+s20], $0x40, s7, s20, $0xb8;
	[tilespmem:$0x13000] =	vst v63  }
0x65: {  	_ =	swait.ge [sflag:s17], $0x1F40  }
0x66: {  	[sflag:s17] =	ssyncset.done $0x0  }
0x67: {  	[sflag:s17] =	ssyncadd.s32 $0xFFFFE0C0  }
0x68: {  	[spmem:s1] =	stream.indirect.scatter.add.f32 [tilespmem:s16], [sflag:$0x5], $0x40, s18, s20, $0xb8;
	[tilespmem:$0x13000] =	vst v63  }
0x69: {  	_ =	swait.ge [sflag:s19], $0x1F40  }
0x6a: {  	[sflag:s19] =	ssyncset.done $0x0  }
0x6b: {  	s9 =	rddreg [dreg:$0x8];
	[sflag:s19] =	ssyncadd.s32 $0xFFFFE0C0  }
0x6c: {  	[spmem:s1] =	stream.indirect.scatter.add.f32 [tilespmem:s21], [sflag:$0x6], $0x40, s9, s20, $0xb8;
	[tilespmem:$0x13000] =	vst v63  }
0x6d: {  	_ =	swait.ge [sflag:s24], $0x1F40  }
0x6e: {  	[sflag:s24] =	ssyncset.done $0x0  }
0x6f: {  	s31 =	rddreg [dreg:$0x9];
	[sflag:s24] =	ssyncadd.s32 $0xFFFFE0C0  }
0x70: {  	[spmem:s1] =	stream.indirect.scatter.add.f32 [tilespmem:s22], [sflag:$0x7], $0x40, s31, s20, $0xb8;
	[tilespmem:$0x13000] =	vst v63  }
0x71: {  	_ =	swait.ge [sflag:s25], $0x1F40  }
0x72: {  	[sflag:s25] =	ssyncset.done $0x0  }
0x73: {  	s7 =	rddreg [dreg:$0xa];
	[sflag:s25] =	ssyncadd.s32 $0xFFFFE0C0  }
0x74: {  	[spmem:s1] =	stream.indirect.scatter.add.f32 [tilespmem:s23], [sflag:$0x8], $0x40, s7, s20, $0xb8;
	[tilespmem:$0x13000] =	vst v63  }
0x75: {  	_ =	swait.ge [sflag:s26], $0x1F40  }
0x76: {  	[sflag:s26] =	ssyncset.done $0x0  }
0x77: {  	s8 =	rddreg [dreg:$0xb];
	[sflag:s26] =	ssyncadd.s32 $0xFFFFE0C0  }
0x78: {  	[tilespmem:s16], [sflag:$0x1] =	stream.indirect.gather [hbm4b:s4+s20], $0x40, s8, s20, $0xb8;
	[tilespmem:$0x13000] =	vst v63  }
0x79: {  	_ =	swait.ge [sflag:s28], $0x1F40  }
0x7a: {  	[sflag:s28] =	ssyncset.done $0x0  }
0x7b: {  	s9 =	rddreg [dreg:$0xc];
	[sflag:s28] =	ssyncadd.s32 $0xFFFFE0C0  }
0x7c: {  	[tilespmem:s21], [sflag:$0x2] =	stream.indirect.gather [hbm4b:s4+s20], $0x40, s9, s20, $0xb8;
	[tilespmem:$0x13000] =	vst v63  }
0x7d: {  	_ =	swait.ge [sflag:s29], $0x1F40  }
0x7e: {  	[sflag:s29] =	ssyncset.done $0x0  }
0x7f: {  	s31 =	rddreg [dreg:$0xd];
	[sflag:s29] =	ssyncadd.s32 $0xFFFFE0C0  }
0x80: {  	[tilespmem:s22], [sflag:$0x3] =	stream.indirect.gather [hbm4b:s4+s20], $0x40, s31, s20, $0xb8;
	[tilespmem:$0x13000] =	vst v63  }
0x81: {  	_ =	swait.ge [sflag:s30], $0x1F40  }
0x82: {  	[sflag:s30] =	ssyncset.done $0x0  }
0x83: {  	s7 =	rddreg [dreg:$0xe];
	[sflag:s30] =	ssyncadd.s32 $0xFFFFE0C0  }
0x84: {  	[tilespmem:s23], [sflag:$0x4] =	stream.indirect.gather [hbm4b:s4+s20], $0x40, s7, s20, $0xb8;
	[tilespmem:$0x13000] =	vst v63  }
0x85: {  	_ =	swait.ge [sflag:s17], $0x1F40  }
0x86: {  	[sflag:s17] =	ssyncset.done $0x0  }
0x87: {  	s8 =	rddreg [dreg:$0xf];
	[sflag:s17] =	ssyncadd.s32 $0xFFFFE0C0  }
0x88: {  	[spmem:s1] =	stream.indirect.scatter.add.f32 [tilespmem:s16], [sflag:$0x5], $0x40, s8, s20, $0xb8;
	[tilespmem:$0x13000] =	vst v63  }
0x89: {  	_ =	swait.ge [sflag:s19], $0x1F40  }
0x8a: {  	[sflag:s19] =	ssyncset.done $0x0  }
0x8b: {  	s9 =	rddreg [dreg:$0x10];
	[sflag:s19] =	ssyncadd.s32 $0xFFFFE0C0  }
0x8c: {  	[spmem:s1] =	stream.indirect.scatter.add.f32 [tilespmem:s21], [sflag:$0x6], $0x40, s9, s20, $0xb8;
	[tilespmem:$0x13000] =	vst v63  }
0x8d: {  	_ =	swait.ge [sflag:s24], $0x1F40  }
0x8e: {  	[sflag:s24] =	ssyncset.done $0x0  }
0x8f: {  	s31 =	rddreg [dreg:$0x11];
	[sflag:s24] =	ssyncadd.s32 $0xFFFFE0C0  }
0x90: {  	[spmem:s1] =	stream.indirect.scatter.add.f32 [tilespmem:s22], [sflag:$0x7], $0x40, s31, s20, $0xb8;
	[tilespmem:$0x13000] =	vst v63  }
0x91: {  	_ =	swait.ge [sflag:s25], $0x1F40  }
0x92: {  	[sflag:s25] =	ssyncset.done $0x0  }
0x93: {  	s7 =	rddreg [dreg:$0x12];
	[sflag:s25] =	ssyncadd.s32 $0xFFFFE0C0  }
0x94: {  	[spmem:s1] =	stream.indirect.scatter.add.f32 [tilespmem:s23], [sflag:$0x8], $0x40, s7, s20, $0xb8;
	[tilespmem:$0x13000] =	vst v63  }
0x95: {  	_ =	swait.ge [sflag:s26], $0x1F40  }
0x96: {  	[sflag:s26] =	ssyncset.done $0x0  }
0x97: {  	s8 =	rddreg [dreg:$0x13];
	[sflag:s26] =	ssyncadd.s32 $0xFFFFE0C0  }
0x98: {  	[tilespmem:s16], [sflag:$0x1] =	stream.indirect.gather [hbm4b:s4+s20], $0x40, s8, s20, $0xb8;
	[tilespmem:$0x13000] =	vst v63  }
0x99: {  	_ =	swait.ge [sflag:s28], $0x1F40  }
0x9a: {  	[sflag:s28] =	ssyncset.done $0x0  }
0x9b: {  	s9 =	rddreg [dreg:$0x14];
	[sflag:s28] =	ssyncadd.s32 $0xFFFFE0C0  }
0x9c: {  	[tilespmem:s21], [sflag:$0x2] =	stream.indirect.gather [hbm4b:s4+s20], $0x40, s9, s20, $0xb8;
	[tilespmem:$0x13000] =	vst v63  }
0x9d: {  	_ =	swait.ge [sflag:s29], $0x1F40  }
0x9e: {  	[sflag:s29] =	ssyncset.done $0x0  }
0x9f: {  	s31 =	rddreg [dreg:$0x15];
	[sflag:s29] =	ssyncadd.s32 $0xFFFFE0C0  }
0xa0: {  	[tilespmem:s22], [sflag:$0x3] =	stream.indirect.gather [hbm4b:s4+s20], $0x40, s31, s20, $0xb8;
	[tilespmem:$0x13000] =	vst v63  }
0xa1: {  	_ =	swait.ge [sflag:s30], $0x1F40  }
0xa2: {  	[sflag:s30] =	ssyncset.done $0x0  }
0xa3: {  	s7 =	rddreg [dreg:$0x16];
	[sflag:s30] =	ssyncadd.s32 $0xFFFFE0C0  }
0xa4: {  	[tilespmem:s23], [sflag:$0x4] =	stream.indirect.gather [hbm4b:s4+s20], $0x40, s7, s20, $0xb8;
	[tilespmem:$0x13000] =	vst v63  }
0xa5: {  	_ =	swait.ge [sflag:s17], $0x1F40  }
0xa6: {  	[sflag:s17] =	ssyncset.done $0x0  }
0xa7: {  	s8 =	rddreg [dreg:$0x17];
	[sflag:s17] =	ssyncadd.s32 $0xFFFFE0C0  }
0xa8: {  	[spmem:s1] =	stream.indirect.scatter.add.f32 [tilespmem:s16], [sflag:$0x5], $0x40, s8, s20, $0xb8;
	[tilespmem:$0x13000] =	vst v63  }
0xa9: {  	_ =	swait.ge [sflag:s19], $0x1F40  }
0xaa: {  	[sflag:s19] =	ssyncset.done $0x0  }
0xab: {  	s9 =	rddreg [dreg:$0x18];
	[sflag:s19] =	ssyncadd.s32 $0xFFFFE0C0  }
0xac: {  	[spmem:s1] =	stream.indirect.scatter.add.f32 [tilespmem:s21], [sflag:$0x6], $0x40, s9, s20, $0xb8;
	[tilespmem:$0x13000] =	vst v63  }
0xad: {  	_ =	swait.ge [sflag:s24], $0x1F40  }
0xae: {  	[sflag:s24] =	ssyncset.done $0x0  }
0xaf: {  	s31 =	simm.s32 $0xD00;
	[sflag:s24] =	ssyncadd.s32 $0xFFFFE0C0  }
0xb0: {  	[spmem:s1] =	stream.indirect.scatter.add.f32 [tilespmem:s22], [sflag:$0x7], $0x40, s31, s20, $0xb8;
	[tilespmem:$0x13000] =	vst v63  }
0xb1: {  	_ =	swait.ge [sflag:s25], $0x1F40  }
0xb2: {  	[sflag:s25] =	ssyncset.done $0x0  }
0xb3: {  	[sflag:s25] =	ssyncadd.s32 $0xFFFFE0C0  }
0xb4: {  	[spmem:s1] =	stream.indirect.scatter.add.f32 [tilespmem:s23], [sflag:$0x8], $0x40, s0, s20, $0xb8;
	[tilespmem:$0x13000] =	vst v63  }
0xb5: {  	_ =	swait.ge [sflag:s26], $0x1F40  }
0xb6: {  	[sflag:s26] =	ssyncset.done $0x0  }
0xb7: {  	[sflag:s26] =	ssyncadd.s32 $0xFFFFE0C0  }
0xb8: {  	[tilespmem:s16], [sflag:$0x1] =	stream.indirect.gather [hbm4b:s4+s20], $0x40, s2, s20, $0xb8;
	[tilespmem:$0x13000] =	vst v63  }
0xb9: {  	_ =	swait.ge [sflag:s28], $0x1F40  }
0xba: {  	[sflag:s28] =	ssyncset.done $0x0  }
0xbb: {  	[sflag:s28] =	ssyncadd.s32 $0xFFFFE0C0  }
0xbc: {  	[tilespmem:s21], [sflag:$0x2] =	stream.indirect.gather [hbm4b:s4+s20], $0x40, s10, s20, $0xb8;
	[tilespmem:$0x13000] =	vst v63  }
0xbd: {  	_ =	swait.ge [sflag:s29], $0x1F40  }
0xbe: {  	[sflag:s29] =	ssyncset.done $0x0  }
0xbf: {  	[sflag:s29] =	ssyncadd.s32 $0xFFFFE0C0  }
0xc0: {  	[tilespmem:s22], [sflag:$0x3] =	stream.indirect.gather [hbm4b:s4+s20], $0x40, s11, s20, $0xb8;
	[tilespmem:$0x13000] =	vst v63  }
0xc1: {  	_ =	swait.ge [sflag:s30], $0x1F40  }
0xc2: {  	[sflag:s30] =	ssyncset.done $0x0  }
0xc3: {  	[sflag:s30] =	ssyncadd.s32 $0xFFFFE0C0  }
0xc4: {  	[tilespmem:s23], [sflag:$0x4] =	stream.indirect.gather [hbm4b:s4+s20], $0x40, s12, s20, $0xb8;
	[tilespmem:$0x13000] =	vst v63  }
0xc5: {  	_ =	swait.ge [sflag:s17], $0x1F40  }
0xc6: {  	[sflag:s17] =	ssyncset.done $0x0  }
0xc7: {  	[sflag:s17] =	ssyncadd.s32 $0xFFFFE0C0  }
0xc8: {  	[spmem:s1] =	stream.indirect.scatter.add.f32 [tilespmem:s16], [sflag:$0x5], $0x40, s13, s20, $0xb8;
	[tilespmem:$0x13000] =	vst v63  }
0xc9: {  	_ =	swait.ge [sflag:s19], $0x1F40  }
0xca: {  	[sflag:s19] =	ssyncset.done $0x0  }
0xcb: {  	[sflag:s19] =	ssyncadd.s32 $0xFFFFE0C0  }
0xcc: {  	[spmem:s1] =	stream.indirect.scatter.add.f32 [tilespmem:s21], [sflag:$0x6], $0x40, s14, s20, $0xb8;
	[tilespmem:$0x13000] =	vst v63  }
0xcd: {  	_ =	swait.ge [sflag:s24], $0x1F40  }
0xce: {  	[sflag:s24] =	ssyncset.done $0x0  }
0xcf: {  	[sflag:s24] =	ssyncadd.s32 $0xFFFFE0C0  }
0xd0: {  	[spmem:s1] =	stream.indirect.scatter.add.f32 [tilespmem:s22], [sflag:$0x7], $0x40, s15, s20, $0xb8;
	[tilespmem:$0x13000] =	vst v63  }
0xd1: {  	_ =	swait.ge [sflag:s25], $0x1F40  }
0xd2: {  	[sflag:s25] =	ssyncset.done $0x0  }
0xd3: {  	[sflag:s25] =	ssyncadd.s32 $0xFFFFE0C0  }
0xd4: {  	[spmem:s1] =	stream.indirect.scatter.add.f32 [tilespmem:s23], [sflag:$0x8], $0x40, s5, s20, $0xb8;
	[tilespmem:$0x13000] =	vst v63  }
0xd5: {  	_ =	swait.ge [sflag:s26], $0x1F40  }
0xd6: {  	[sflag:s26] =	ssyncset.done $0x0  }
0xd7: {  	[sflag:s26] =	ssyncadd.s32 $0xFFFFE0C0  }
0xd8: {  	_ =	swait.ge [sflag:s28], $0x1F40  }
0xd9: {  	[sflag:s28] =	ssyncset.done $0x0  }
0xda: {  	[sflag:s28] =	ssyncadd.s32 $0xFFFFE0C0  }
0xdb: {  	_ =	swait.ge [sflag:s29], $0x1F40  }
0xdc: {  	[sflag:s29] =	ssyncset.done $0x0  }
0xdd: {  	[sflag:s29] =	ssyncadd.s32 $0xFFFFE0C0  }
0xde: {  	s8 =	simm.s32 $0x100;
	_ =	swait.ge [sflag:s30], $0x1F40  }
0xdf: {  	s9 =	simm.s32 $0x200;
	s6 =	rddreg [dreg:$0x4];
	[sflag:s30] =	ssyncset.done $0x0  }
.LBB2_4:
0xe0: {  	[sflag:s30] =	ssyncadd.s32 $0xFFFFE0C0;
	s31 =	rddreg [dreg:$0x3];
	s6 =	sadd.s32 s8, s6  }
0xe1: {  	[tilespmem:s3], [sflag:$0x1] =	stream.linear.gather [hbm4b:s6+s3], $0x800, $0x38;
	[tilespmem:$0x13000] =	vst v63  }
0xe2: {  	s6 =	sadd.s32 s8, s31  }
0xe3: {  	[tilespmem:s18], [sflag:$0x2] =	stream.linear.gather [hbm4b:s6+s3], $0x800, $0x38;
	[tilespmem:$0x13000] =	vst v63  }
0xe4: {  	_ =	swait.ge [sflag:s17], $0x800  }
0xe5: {  	[sflag:s17] =	ssyncset.done $0x0  }
0xe6: {  	[sflag:s17] =	ssyncadd.s32 $0xFFFFF800  }
0xe7: {  	_ =	swait.ge [sflag:s19], $0x800  }
0xe8: {  	[sflag:s19] =	ssyncset.done $0x0  }
0xe9: {  	[sflag:s19] =	ssyncadd.s32 $0xFFFFF800  }
0xea: {  	[tilespmem:s16], [sflag:$0x1] =	stream.indirect.gather [hbm4b:s4+s20], $0x40, s3, s20, $0xb8;
	[tilespmem:$0x13000] =	vst v63  }
0xeb: {  	s7 =	smov.u32 s9;
	s6 =	rddreg [dreg:$0x5]  }
0xec: {  	[tilespmem:s21], [sflag:$0x2] =	stream.indirect.gather [hbm4b:s4+s20], $0x40, s6, s20, $0xb8;
	[tilespmem:$0x13000] =	vst v63  }
0xed: {  	s8 =	smov.u32 s7;
	s7 =	rddreg [dreg:$0x6]  }
0xee: {  	[tilespmem:s22], [sflag:$0x3] =	stream.indirect.gather [hbm4b:s4+s20], $0x40, s7, s20, $0xb8;
	[tilespmem:$0x13000] =	vst v63  }
0xef: {  	s6 =	rddreg [dreg:$0x7]  }
0xf0: {  	[tilespmem:s23], [sflag:$0x4] =	stream.indirect.gather [hbm4b:s4+s20], $0x40, s6, s20, $0xb8;
	[tilespmem:$0x13000] =	vst v63  }
0xf1: {  	_ =	swait.ge [sflag:s17], $0x1F40  }
0xf2: {  	[sflag:s17] =	ssyncset.done $0x0  }
0xf3: {  	[sflag:s17] =	ssyncadd.s32 $0xFFFFE0C0  }
0xf4: {  	[spmem:s1] =	stream.indirect.scatter.add.f32 [tilespmem:s16], [sflag:$0x5], $0x40, s18, s20, $0xb8;
	[tilespmem:$0x13000] =	vst v63  }
0xf5: {  	_ =	swait.ge [sflag:s19], $0x1F40  }
0xf6: {  	[sflag:s19] =	ssyncset.done $0x0  }
0xf7: {  	s7 =	rddreg [dreg:$0x8];
	[sflag:s19] =	ssyncadd.s32 $0xFFFFE0C0  }
0xf8: {  	[spmem:s1] =	stream.indirect.scatter.add.f32 [tilespmem:s21], [sflag:$0x6], $0x40, s7, s20, $0xb8;
	[tilespmem:$0x13000] =	vst v63  }
0xf9: {  	_ =	swait.ge [sflag:s24], $0x1F40  }
0xfa: {  	[sflag:s24] =	ssyncset.done $0x0  }
0xfb: {  	s7 =	rddreg [dreg:$0x9];
	[sflag:s24] =	ssyncadd.s32 $0xFFFFE0C0  }
0xfc: {  	[spmem:s1] =	stream.indirect.scatter.add.f32 [tilespmem:s22], [sflag:$0x7], $0x40, s7, s20, $0xb8;
	[tilespmem:$0x13000] =	vst v63  }
0xfd: {  	_ =	swait.ge [sflag:s25], $0x1F40  }
0xfe: {  	[sflag:s25] =	ssyncset.done $0x0  }
0xff: {  	s7 =	rddreg [dreg:$0xa];
	[sflag:s25] =	ssyncadd.s32 $0xFFFFE0C0  }
0x100: {  	[spmem:s1] =	stream.indirect.scatter.add.f32 [tilespmem:s23], [sflag:$0x8], $0x40, s7, s20, $0xb8;
	[tilespmem:$0x13000] =	vst v63  }
0x101: {  	_ =	swait.ge [sflag:s26], $0x1F40  }
0x102: {  	[sflag:s26] =	ssyncset.done $0x0  }
0x103: {  	s7 =	rddreg [dreg:$0xb];
	[sflag:s26] =	ssyncadd.s32 $0xFFFFE0C0  }
0x104: {  	[tilespmem:s16], [sflag:$0x1] =	stream.indirect.gather [hbm4b:s4+s20], $0x40, s7, s20, $0xb8;
	[tilespmem:$0x13000] =	vst v63  }
0x105: {  	_ =	swait.ge [sflag:s28], $0x1F40  }
0x106: {  	[sflag:s28] =	ssyncset.done $0x0  }
0x107: {  	s7 =	rddreg [dreg:$0xc];
	[sflag:s28] =	ssyncadd.s32 $0xFFFFE0C0  }
0x108: {  	[tilespmem:s21], [sflag:$0x2] =	stream.indirect.gather [hbm4b:s4+s20], $0x40, s7, s20, $0xb8;
	[tilespmem:$0x13000] =	vst v63  }
0x109: {  	_ =	swait.ge [sflag:s29], $0x1F40  }
0x10a: {  	[sflag:s29] =	ssyncset.done $0x0  }
0x10b: {  	s7 =	rddreg [dreg:$0xd];
	[sflag:s29] =	ssyncadd.s32 $0xFFFFE0C0  }
0x10c: {  	[tilespmem:s22], [sflag:$0x3] =	stream.indirect.gather [hbm4b:s4+s20], $0x40, s7, s20, $0xb8;
	[tilespmem:$0x13000] =	vst v63  }
0x10d: {  	_ =	swait.ge [sflag:s30], $0x1F40  }
0x10e: {  	[sflag:s30] =	ssyncset.done $0x0  }
0x10f: {  	s7 =	rddreg [dreg:$0xe];
	[sflag:s30] =	ssyncadd.s32 $0xFFFFE0C0  }
0x110: {  	[tilespmem:s23], [sflag:$0x4] =	stream.indirect.gather [hbm4b:s4+s20], $0x40, s7, s20, $0xb8;
	[tilespmem:$0x13000] =	vst v63  }
0x111: {  	_ =	swait.ge [sflag:s17], $0x1F40  }
0x112: {  	[sflag:s17] =	ssyncset.done $0x0  }
0x113: {  	s7 =	rddreg [dreg:$0xf];
	[sflag:s17] =	ssyncadd.s32 $0xFFFFE0C0  }
0x114: {  	[spmem:s1] =	stream.indirect.scatter.add.f32 [tilespmem:s16], [sflag:$0x5], $0x40, s7, s20, $0xb8;
	[tilespmem:$0x13000] =	vst v63  }
0x115: {  	_ =	swait.ge [sflag:s19], $0x1F40  }
0x116: {  	[sflag:s19] =	ssyncset.done $0x0  }
0x117: {  	s7 =	rddreg [dreg:$0x10];
	[sflag:s19] =	ssyncadd.s32 $0xFFFFE0C0  }
0x118: {  	[spmem:s1] =	stream.indirect.scatter.add.f32 [tilespmem:s21], [sflag:$0x6], $0x40, s7, s20, $0xb8;
	[tilespmem:$0x13000] =	vst v63  }
0x119: {  	_ =	swait.ge [sflag:s24], $0x1F40  }
0x11a: {  	[sflag:s24] =	ssyncset.done $0x0  }
0x11b: {  	s7 =	rddreg [dreg:$0x11];
	[sflag:s24] =	ssyncadd.s32 $0xFFFFE0C0  }
0x11c: {  	[spmem:s1] =	stream.indirect.scatter.add.f32 [tilespmem:s22], [sflag:$0x7], $0x40, s7, s20, $0xb8;
	[tilespmem:$0x13000] =	vst v63  }
0x11d: {  	_ =	swait.ge [sflag:s25], $0x1F40  }
0x11e: {  	[sflag:s25] =	ssyncset.done $0x0  }
0x11f: {  	s7 =	rddreg [dreg:$0x12];
	[sflag:s25] =	ssyncadd.s32 $0xFFFFE0C0  }
0x120: {  	[spmem:s1] =	stream.indirect.scatter.add.f32 [tilespmem:s23], [sflag:$0x8], $0x40, s7, s20, $0xb8;
	[tilespmem:$0x13000] =	vst v63  }
0x121: {  	_ =	swait.ge [sflag:s26], $0x1F40  }
0x122: {  	[sflag:s26] =	ssyncset.done $0x0  }
0x123: {  	s7 =	rddreg [dreg:$0x13];
	[sflag:s26] =	ssyncadd.s32 $0xFFFFE0C0  }
0x124: {  	[tilespmem:s16], [sflag:$0x1] =	stream.indirect.gather [hbm4b:s4+s20], $0x40, s7, s20, $0xb8;
	[tilespmem:$0x13000] =	vst v63  }
0x125: {  	_ =	swait.ge [sflag:s28], $0x1F40  }
0x126: {  	[sflag:s28] =	ssyncset.done $0x0  }
0x127: {  	s7 =	rddreg [dreg:$0x14];
	[sflag:s28] =	ssyncadd.s32 $0xFFFFE0C0  }
0x128: {  	[tilespmem:s21], [sflag:$0x2] =	stream.indirect.gather [hbm4b:s4+s20], $0x40, s7, s20, $0xb8;
	[tilespmem:$0x13000] =	vst v63  }
0x129: {  	_ =	swait.ge [sflag:s29], $0x1F40  }
0x12a: {  	[sflag:s29] =	ssyncset.done $0x0  }
0x12b: {  	s7 =	rddreg [dreg:$0x15];
	[sflag:s29] =	ssyncadd.s32 $0xFFFFE0C0  }
0x12c: {  	[tilespmem:s22], [sflag:$0x3] =	stream.indirect.gather [hbm4b:s4+s20], $0x40, s7, s20, $0xb8;
	[tilespmem:$0x13000] =	vst v63  }
0x12d: {  	_ =	swait.ge [sflag:s30], $0x1F40  }
0x12e: {  	[sflag:s30] =	ssyncset.done $0x0  }
0x12f: {  	s7 =	rddreg [dreg:$0x16];
	[sflag:s30] =	ssyncadd.s32 $0xFFFFE0C0  }
0x130: {  	[tilespmem:s23], [sflag:$0x4] =	stream.indirect.gather [hbm4b:s4+s20], $0x40, s7, s20, $0xb8;
	[tilespmem:$0x13000] =	vst v63  }
0x131: {  	_ =	swait.ge [sflag:s17], $0x1F40  }
0x132: {  	[sflag:s17] =	ssyncset.done $0x0  }
0x133: {  	s7 =	rddreg [dreg:$0x17];
	[sflag:s17] =	ssyncadd.s32 $0xFFFFE0C0  }
0x134: {  	[spmem:s1] =	stream.indirect.scatter.add.f32 [tilespmem:s16], [sflag:$0x5], $0x40, s7, s20, $0xb8;
	[tilespmem:$0x13000] =	vst v63  }
0x135: {  	_ =	swait.ge [sflag:s19], $0x1F40  }
0x136: {  	[sflag:s19] =	ssyncset.done $0x0  }
0x137: {  	s7 =	rddreg [dreg:$0x18];
	[sflag:s19] =	ssyncadd.s32 $0xFFFFE0C0  }
0x138: {  	[spmem:s1] =	stream.indirect.scatter.add.f32 [tilespmem:s21], [sflag:$0x6], $0x40, s7, s20, $0xb8;
	[tilespmem:$0x13000] =	vst v63  }
0x139: {  	_ =	swait.ge [sflag:s24], $0x1F40  }
0x13a: {  	[sflag:s24] =	ssyncset.done $0x0  }
0x13b: {  	s31 =	simm.s32 $0xD00;
	[sflag:s24] =	ssyncadd.s32 $0xFFFFE0C0  }
0x13c: {  	[spmem:s1] =	stream.indirect.scatter.add.f32 [tilespmem:s22], [sflag:$0x7], $0x40, s31, s20, $0xb8;
	[tilespmem:$0x13000] =	vst v63  }
0x13d: {  	_ =	swait.ge [sflag:s25], $0x1F40  }
0x13e: {  	[sflag:s25] =	ssyncset.done $0x0  }
0x13f: {  	[sflag:s25] =	ssyncadd.s32 $0xFFFFE0C0  }
0x140: {  	[spmem:s1] =	stream.indirect.scatter.add.f32 [tilespmem:s23], [sflag:$0x8], $0x40, s0, s20, $0xb8;
	[tilespmem:$0x13000] =	vst v63  }
0x141: {  	_ =	swait.ge [sflag:s26], $0x1F40  }
0x142: {  	[sflag:s26] =	ssyncset.done $0x0  }
0x143: {  	[sflag:s26] =	ssyncadd.s32 $0xFFFFE0C0  }
0x144: {  	[tilespmem:s16], [sflag:$0x1] =	stream.indirect.gather [hbm4b:s4+s20], $0x40, s2, s20, $0xb8;
	[tilespmem:$0x13000] =	vst v63  }
0x145: {  	_ =	swait.ge [sflag:s28], $0x1F40  }
0x146: {  	[sflag:s28] =	ssyncset.done $0x0  }
0x147: {  	[sflag:s28] =	ssyncadd.s32 $0xFFFFE0C0  }
0x148: {  	[tilespmem:s21], [sflag:$0x2] =	stream.indirect.gather [hbm4b:s4+s20], $0x40, s10, s20, $0xb8;
	[tilespmem:$0x13000] =	vst v63  }
0x149: {  	_ =	swait.ge [sflag:s29], $0x1F40  }
0x14a: {  	[sflag:s29] =	ssyncset.done $0x0  }
0x14b: {  	[sflag:s29] =	ssyncadd.s32 $0xFFFFE0C0  }
0x14c: {  	[tilespmem:s22], [sflag:$0x3] =	stream.indirect.gather [hbm4b:s4+s20], $0x40, s11, s20, $0xb8;
	[tilespmem:$0x13000] =	vst v63  }
0x14d: {  	_ =	swait.ge [sflag:s30], $0x1F40  }
0x14e: {  	[sflag:s30] =	ssyncset.done $0x0  }
0x14f: {  	[sflag:s30] =	ssyncadd.s32 $0xFFFFE0C0  }
0x150: {  	[tilespmem:s23], [sflag:$0x4] =	stream.indirect.gather [hbm4b:s4+s20], $0x40, s12, s20, $0xb8;
	[tilespmem:$0x13000] =	vst v63  }
0x151: {  	_ =	swait.ge [sflag:s17], $0x1F40  }
0x152: {  	[sflag:s17] =	ssyncset.done $0x0  }
0x153: {  	[sflag:s17] =	ssyncadd.s32 $0xFFFFE0C0  }
0x154: {  	[spmem:s1] =	stream.indirect.scatter.add.f32 [tilespmem:s16], [sflag:$0x5], $0x40, s13, s20, $0xb8;
	[tilespmem:$0x13000] =	vst v63  }
0x155: {  	_ =	swait.ge [sflag:s19], $0x1F40  }
0x156: {  	[sflag:s19] =	ssyncset.done $0x0  }
0x157: {  	[sflag:s19] =	ssyncadd.s32 $0xFFFFE0C0  }
0x158: {  	[spmem:s1] =	stream.indirect.scatter.add.f32 [tilespmem:s21], [sflag:$0x6], $0x40, s14, s20, $0xb8;
	[tilespmem:$0x13000] =	vst v63  }
0x159: {  	_ =	swait.ge [sflag:s24], $0x1F40  }
0x15a: {  	[sflag:s24] =	ssyncset.done $0x0  }
0x15b: {  	[sflag:s24] =	ssyncadd.s32 $0xFFFFE0C0  }
0x15c: {  	[spmem:s1] =	stream.indirect.scatter.add.f32 [tilespmem:s22], [sflag:$0x7], $0x40, s15, s20, $0xb8;
	[tilespmem:$0x13000] =	vst v63  }
0x15d: {  	_ =	swait.ge [sflag:s25], $0x1F40  }
0x15e: {  	[sflag:s25] =	ssyncset.done $0x0  }
0x15f: {  	[sflag:s25] =	ssyncadd.s32 $0xFFFFE0C0  }
0x160: {  	[spmem:s1] =	stream.indirect.scatter.add.f32 [tilespmem:s23], [sflag:$0x8], $0x40, s5, s20, $0xb8;
	[tilespmem:$0x13000] =	vst v63  }
0x161: {  	_ =	swait.ge [sflag:s26], $0x1F40  }
0x162: {  	[sflag:s26] =	ssyncset.done $0x0  }
0x163: {  	[sflag:s26] =	ssyncadd.s32 $0xFFFFE0C0  }
0x164: {  	_ =	swait.ge [sflag:s28], $0x1F40  }
0x165: {  	[sflag:s28] =	ssyncset.done $0x0  }
0x166: {  	p0 =	sne.s32 s9, $0x400;
	[sflag:s28] =	ssyncadd.s32 $0xFFFFE0C0  }
.Ltmp1:
0x167: {  	_ =	swait.ge [sflag:s29], $0x1F40;
	(pc) =	sbr.rel @p0 .LBB2_4-.Ltmp1, $4  }
0x168: {  	[sflag:s29] =	ssyncset.done $0x0  }
0x169: {  	[sflag:s29] =	ssyncadd.s32 $0xFFFFE0C0  }
0x16a: {  	_ =	swait.ge [sflag:s30], $0x1F40  }
0x16b: {  	s9 =	sadd.s32 $0x100, s9;
	s6 =	rddreg [dreg:$0x4];
	[sflag:s30] =	ssyncset.done $0x0  }
0x16c: {  	s7 =	rddreg [dreg:$0x3];
	[sflag:s30] =	ssyncadd.s32 $0xFFFFE0C0;
	s6 =	sadd.s32 s8, s6  }
0x16d: {  	[tilespmem:s3], [sflag:$0x1] =	stream.linear.gather [hbm4b:s6+s3], $0x800, $0x38;
	[tilespmem:$0x13000] =	vst v63  }
0x16e: {  	s9 =	sadd.s32 s8, s7  }
0x16f: {  	[tilespmem:s18], [sflag:$0x2] =	stream.linear.gather [hbm4b:s9+s3], $0x800, $0x38;
	[tilespmem:$0x13000] =	vst v63  }
0x170: {  	_ =	swait.ge [sflag:s17], $0x800  }
0x171: {  	[sflag:s17] =	ssyncset.done $0x0  }
0x172: {  	[sflag:s17] =	ssyncadd.s32 $0xFFFFF800  }
0x173: {  	_ =	swait.ge [sflag:s19], $0x800  }
0x174: {  	[sflag:s19] =	ssyncset.done $0x0  }
0x175: {  	[sflag:s19] =	ssyncadd.s32 $0xFFFFF800  }
0x176: {  	[tilespmem:s16], [sflag:$0x1] =	stream.indirect.gather [hbm4b:s4+s20], $0x40, s3, s20, $0xb8;
	[tilespmem:$0x13000] =	vst v63  }
0x177: {  	s7 =	rddreg [dreg:$0x5]  }
0x178: {  	[tilespmem:s21], [sflag:$0x2] =	stream.indirect.gather [hbm4b:s4+s20], $0x40, s7, s20, $0xb8;
	[tilespmem:$0x13000] =	vst v63  }
0x179: {  	s8 =	rddreg [dreg:$0x6]  }
0x17a: {  	[tilespmem:s22], [sflag:$0x3] =	stream.indirect.gather [hbm4b:s4+s20], $0x40, s8, s20, $0xb8;
	[tilespmem:$0x13000] =	vst v63  }
0x17b: {  	s9 =	rddreg [dreg:$0x7]  }
0x17c: {  	[tilespmem:s23], [sflag:$0x4] =	stream.indirect.gather [hbm4b:s4+s20], $0x40, s9, s20, $0xb8;
	[tilespmem:$0x13000] =	vst v63  }
0x17d: {  	_ =	swait.ge [sflag:s17], $0x1F40  }
0x17e: {  	[sflag:s17] =	ssyncset.done $0x0  }
0x17f: {  	[sflag:s17] =	ssyncadd.s32 $0xFFFFE0C0  }
0x180: {  	[spmem:s1] =	stream.indirect.scatter.add.f32 [tilespmem:s16], [sflag:$0x5], $0x40, s18, s20, $0xb8;
	[tilespmem:$0x13000] =	vst v63  }
0x181: {  	_ =	swait.ge [sflag:s19], $0x1F40  }
0x182: {  	[sflag:s19] =	ssyncset.done $0x0  }
0x183: {  	s8 =	rddreg [dreg:$0x8];
	[sflag:s19] =	ssyncadd.s32 $0xFFFFE0C0  }
0x184: {  	[spmem:s1] =	stream.indirect.scatter.add.f32 [tilespmem:s21], [sflag:$0x6], $0x40, s8, s20, $0xb8;
	[tilespmem:$0x13000] =	vst v63  }
0x185: {  	_ =	swait.ge [sflag:s24], $0x1F40  }
0x186: {  	[sflag:s24] =	ssyncset.done $0x0  }
0x187: {  	s9 =	rddreg [dreg:$0x9];
	[sflag:s24] =	ssyncadd.s32 $0xFFFFE0C0  }
0x188: {  	[spmem:s1] =	stream.indirect.scatter.add.f32 [tilespmem:s22], [sflag:$0x7], $0x40, s9, s20, $0xb8;
	[tilespmem:$0x13000] =	vst v63  }
0x189: {  	_ =	swait.ge [sflag:s25], $0x1F40  }
0x18a: {  	[sflag:s25] =	ssyncset.done $0x0  }
0x18b: {  	s7 =	rddreg [dreg:$0xa];
	[sflag:s25] =	ssyncadd.s32 $0xFFFFE0C0  }
0x18c: {  	[spmem:s1] =	stream.indirect.scatter.add.f32 [tilespmem:s23], [sflag:$0x8], $0x40, s7, s20, $0xb8;
	[tilespmem:$0x13000] =	vst v63  }
0x18d: {  	_ =	swait.ge [sflag:s26], $0x1F40  }
0x18e: {  	[sflag:s26] =	ssyncset.done $0x0  }
0x18f: {  	s8 =	rddreg [dreg:$0xb];
	[sflag:s26] =	ssyncadd.s32 $0xFFFFE0C0  }
0x190: {  	[tilespmem:s16], [sflag:$0x1] =	stream.indirect.gather [hbm4b:s4+s20], $0x40, s8, s20, $0xb8;
	[tilespmem:$0x13000] =	vst v63  }
0x191: {  	_ =	swait.ge [sflag:s28], $0x1F40  }
0x192: {  	[sflag:s28] =	ssyncset.done $0x0  }
0x193: {  	s9 =	rddreg [dreg:$0xc];
	[sflag:s28] =	ssyncadd.s32 $0xFFFFE0C0  }
0x194: {  	[tilespmem:s21], [sflag:$0x2] =	stream.indirect.gather [hbm4b:s4+s20], $0x40, s9, s20, $0xb8;
	[tilespmem:$0x13000] =	vst v63  }
0x195: {  	_ =	swait.ge [sflag:s29], $0x1F40  }
0x196: {  	[sflag:s29] =	ssyncset.done $0x0  }
0x197: {  	s7 =	rddreg [dreg:$0xd];
	[sflag:s29] =	ssyncadd.s32 $0xFFFFE0C0  }
0x198: {  	[tilespmem:s22], [sflag:$0x3] =	stream.indirect.gather [hbm4b:s4+s20], $0x40, s7, s20, $0xb8;
	[tilespmem:$0x13000] =	vst v63  }
0x199: {  	_ =	swait.ge [sflag:s30], $0x1F40  }
0x19a: {  	[sflag:s30] =	ssyncset.done $0x0  }
0x19b: {  	s8 =	rddreg [dreg:$0xe];
	[sflag:s30] =	ssyncadd.s32 $0xFFFFE0C0  }
0x19c: {  	[tilespmem:s23], [sflag:$0x4] =	stream.indirect.gather [hbm4b:s4+s20], $0x40, s8, s20, $0xb8;
	[tilespmem:$0x13000] =	vst v63  }
0x19d: {  	_ =	swait.ge [sflag:s17], $0x1F40  }
0x19e: {  	[sflag:s17] =	ssyncset.done $0x0  }
0x19f: {  	s9 =	rddreg [dreg:$0xf];
	[sflag:s17] =	ssyncadd.s32 $0xFFFFE0C0  }
0x1a0: {  	[spmem:s1] =	stream.indirect.scatter.add.f32 [tilespmem:s16], [sflag:$0x5], $0x40, s9, s20, $0xb8;
	[tilespmem:$0x13000] =	vst v63  }
0x1a1: {  	_ =	swait.ge [sflag:s19], $0x1F40  }
0x1a2: {  	[sflag:s19] =	ssyncset.done $0x0  }
0x1a3: {  	s7 =	rddreg [dreg:$0x10];
	[sflag:s19] =	ssyncadd.s32 $0xFFFFE0C0  }
0x1a4: {  	[spmem:s1] =	stream.indirect.scatter.add.f32 [tilespmem:s21], [sflag:$0x6], $0x40, s7, s20, $0xb8;
	[tilespmem:$0x13000] =	vst v63  }
0x1a5: {  	_ =	swait.ge [sflag:s24], $0x1F40  }
0x1a6: {  	[sflag:s24] =	ssyncset.done $0x0  }
0x1a7: {  	s8 =	rddreg [dreg:$0x11];
	[sflag:s24] =	ssyncadd.s32 $0xFFFFE0C0  }
0x1a8: {  	[spmem:s1] =	stream.indirect.scatter.add.f32 [tilespmem:s22], [sflag:$0x7], $0x40, s8, s20, $0xb8;
	[tilespmem:$0x13000] =	vst v63  }
0x1a9: {  	_ =	swait.ge [sflag:s25], $0x1F40  }
0x1aa: {  	[sflag:s25] =	ssyncset.done $0x0  }
0x1ab: {  	s9 =	rddreg [dreg:$0x12];
	[sflag:s25] =	ssyncadd.s32 $0xFFFFE0C0  }
0x1ac: {  	[spmem:s1] =	stream.indirect.scatter.add.f32 [tilespmem:s23], [sflag:$0x8], $0x40, s9, s20, $0xb8;
	[tilespmem:$0x13000] =	vst v63  }
0x1ad: {  	_ =	swait.ge [sflag:s26], $0x1F40  }
0x1ae: {  	[sflag:s26] =	ssyncset.done $0x0  }
0x1af: {  	s7 =	rddreg [dreg:$0x13];
	[sflag:s26] =	ssyncadd.s32 $0xFFFFE0C0  }
0x1b0: {  	[tilespmem:s16], [sflag:$0x1] =	stream.indirect.gather [hbm4b:s4+s20], $0x40, s7, s20, $0xb8;
	[tilespmem:$0x13000] =	vst v63  }
0x1b1: {  	_ =	swait.ge [sflag:s28], $0x1F40  }
0x1b2: {  	[sflag:s28] =	ssyncset.done $0x0  }
0x1b3: {  	s8 =	rddreg [dreg:$0x14];
	[sflag:s28] =	ssyncadd.s32 $0xFFFFE0C0  }
0x1b4: {  	[tilespmem:s21], [sflag:$0x2] =	stream.indirect.gather [hbm4b:s4+s20], $0x40, s8, s20, $0xb8;
	[tilespmem:$0x13000] =	vst v63  }
0x1b5: {  	_ =	swait.ge [sflag:s29], $0x1F40  }
0x1b6: {  	[sflag:s29] =	ssyncset.done $0x0  }
0x1b7: {  	s9 =	rddreg [dreg:$0x15];
	[sflag:s29] =	ssyncadd.s32 $0xFFFFE0C0  }
0x1b8: {  	[tilespmem:s22], [sflag:$0x3] =	stream.indirect.gather [hbm4b:s4+s20], $0x40, s9, s20, $0xb8;
	[tilespmem:$0x13000] =	vst v63  }
0x1b9: {  	_ =	swait.ge [sflag:s30], $0x1F40  }
0x1ba: {  	[sflag:s30] =	ssyncset.done $0x0  }
0x1bb: {  	s7 =	rddreg [dreg:$0x16];
	[sflag:s30] =	ssyncadd.s32 $0xFFFFE0C0  }
0x1bc: {  	[tilespmem:s23], [sflag:$0x4] =	stream.indirect.gather [hbm4b:s4+s20], $0x40, s7, s20, $0xb8;
	[tilespmem:$0x13000] =	vst v63  }
0x1bd: {  	_ =	swait.ge [sflag:s17], $0x1F40  }
0x1be: {  	[sflag:s17] =	ssyncset.done $0x0  }
0x1bf: {  	s8 =	rddreg [dreg:$0x17];
	[sflag:s17] =	ssyncadd.s32 $0xFFFFE0C0  }
0x1c0: {  	[spmem:s1] =	stream.indirect.scatter.add.f32 [tilespmem:s16], [sflag:$0x5], $0x40, s8, s20, $0xb8;
	[tilespmem:$0x13000] =	vst v63  }
0x1c1: {  	_ =	swait.ge [sflag:s19], $0x1F40  }
0x1c2: {  	[sflag:s19] =	ssyncset.done $0x0  }
0x1c3: {  	s9 =	rddreg [dreg:$0x18];
	[sflag:s19] =	ssyncadd.s32 $0xFFFFE0C0  }
0x1c4: {  	[spmem:s1] =	stream.indirect.scatter.add.f32 [tilespmem:s21], [sflag:$0x6], $0x40, s9, s20, $0xb8;
	[tilespmem:$0x13000] =	vst v63  }
0x1c5: {  	_ =	swait.ge [sflag:s24], $0x1F40  }
0x1c6: {  	[sflag:s24] =	ssyncset.done $0x0  }
0x1c7: {  	[sflag:s24] =	ssyncadd.s32 $0xFFFFE0C0  }
0x1c8: {  	[spmem:s1] =	stream.indirect.scatter.add.f32 [tilespmem:s22], [sflag:$0x7], $0x40, s31, s20, $0xb8;
	[tilespmem:$0x13000] =	vst v63  }
0x1c9: {  	_ =	swait.ge [sflag:s25], $0x1F40  }
0x1ca: {  	[sflag:s25] =	ssyncset.done $0x0  }
0x1cb: {  	[sflag:s25] =	ssyncadd.s32 $0xFFFFE0C0  }
0x1cc: {  	[spmem:s1] =	stream.indirect.scatter.add.f32 [tilespmem:s23], [sflag:$0x8], $0x40, s0, s20, $0xb8;
	[tilespmem:$0x13000] =	vst v63  }
0x1cd: {  	_ =	swait.ge [sflag:s26], $0x1F40  }
0x1ce: {  	[sflag:s26] =	ssyncset.done $0x0  }
0x1cf: {  	[sflag:s26] =	ssyncadd.s32 $0xFFFFE0C0  }
0x1d0: {  	[tilespmem:s16], [sflag:$0x1] =	stream.indirect.gather [hbm4b:s4+s20], $0x40, s2, s20, $0xb8;
	[tilespmem:$0x13000] =	vst v63  }
0x1d1: {  	_ =	swait.ge [sflag:s28], $0x1F40  }
0x1d2: {  	[sflag:s28] =	ssyncset.done $0x0  }
0x1d3: {  	[sflag:s28] =	ssyncadd.s32 $0xFFFFE0C0  }
0x1d4: {  	[tilespmem:s21], [sflag:$0x2] =	stream.indirect.gather [hbm4b:s4+s20], $0x40, s10, s20, $0xb8;
	[tilespmem:$0x13000] =	vst v63  }
0x1d5: {  	_ =	swait.ge [sflag:s29], $0x1F40  }
0x1d6: {  	[sflag:s29] =	ssyncset.done $0x0  }
0x1d7: {  	[sflag:s29] =	ssyncadd.s32 $0xFFFFE0C0  }
0x1d8: {  	[tilespmem:s22], [sflag:$0x3] =	stream.indirect.gather [hbm4b:s4+s20], $0x40, s11, s20, $0xb8;
	[tilespmem:$0x13000] =	vst v63  }
0x1d9: {  	_ =	swait.ge [sflag:s30], $0x1F40  }
0x1da: {  	[sflag:s30] =	ssyncset.done $0x0  }
0x1db: {  	[sflag:s30] =	ssyncadd.s32 $0xFFFFE0C0  }
0x1dc: {  	[tilespmem:s23], [sflag:$0x4] =	stream.indirect.gather [hbm4b:s4+s20], $0x40, s12, s20, $0xb8;
	[tilespmem:$0x13000] =	vst v63  }
0x1dd: {  	_ =	swait.ge [sflag:s17], $0x1F40  }
0x1de: {  	[sflag:s17] =	ssyncset.done $0x0  }
0x1df: {  	[sflag:s17] =	ssyncadd.s32 $0xFFFFE0C0  }
0x1e0: {  	[spmem:s1] =	stream.indirect.scatter.add.f32 [tilespmem:s16], [sflag:$0x5], $0x40, s13, s20, $0xb8;
	[tilespmem:$0x13000] =	vst v63  }
0x1e1: {  	_ =	swait.ge [sflag:s19], $0x1F40  }
0x1e2: {  	[sflag:s19] =	ssyncset.done $0x0  }
0x1e3: {  	[sflag:s19] =	ssyncadd.s32 $0xFFFFE0C0  }
0x1e4: {  	[spmem:s1] =	stream.indirect.scatter.add.f32 [tilespmem:s21], [sflag:$0x6], $0x40, s14, s20, $0xb8;
	[tilespmem:$0x13000] =	vst v63  }
0x1e5: {  	_ =	swait.ge [sflag:s24], $0x1F40  }
0x1e6: {  	[sflag:s24] =	ssyncset.done $0x0  }
0x1e7: {  	[sflag:s24] =	ssyncadd.s32 $0xFFFFE0C0  }
0x1e8: {  	[spmem:s1] =	stream.indirect.scatter.add.f32 [tilespmem:s22], [sflag:$0x7], $0x40, s15, s20, $0xb8;
	[tilespmem:$0x13000] =	vst v63  }
0x1e9: {  	_ =	swait.ge [sflag:s25], $0x1F40  }
0x1ea: {  	[sflag:s25] =	ssyncset.done $0x0  }
0x1eb: {  	[sflag:s25] =	ssyncadd.s32 $0xFFFFE0C0  }
0x1ec: {  	[spmem:s1] =	stream.indirect.scatter.add.f32 [tilespmem:s23], [sflag:$0x8], $0x40, s5, s20, $0xb8;
	[tilespmem:$0x13000] =	vst v63  }
0x1ed: {  	_ =	swait.ge [sflag:s26], $0x1F40  }
0x1ee: {  	[sflag:s26] =	ssyncset.done $0x0  }
0x1ef: {  	[sflag:s26] =	ssyncadd.s32 $0xFFFFE0C0  }
0x1f0: {  	_ =	swait.ge [sflag:s28], $0x1F40  }
0x1f1: {  	[sflag:s28] =	ssyncset.done $0x0  }
0x1f2: {  	[sflag:s28] =	ssyncadd.s32 $0xFFFFE0C0  }
0x1f3: {  	_ =	swait.ge [sflag:s29], $0x1F40  }
0x1f4: {  	[sflag:s29] =	ssyncset.done $0x0  }
0x1f5: {  	[sflag:s29] =	ssyncadd.s32 $0xFFFFE0C0  }
0x1f6: {  	_ =	swait.ge [sflag:s30], $0x1F40  }
0x1f7: {  	[sflag:s30] =	ssyncset.done $0x0  }
0x1f8: {  	s7 =	stileid.u32;
	[sflag:s30] =	ssyncadd.s32 $0xFFFFE0C0  }
0x1f9: {  	s6 =	sshll.u32 s7, $0x6;
	[bflag:$0x0] =	sbarrier.arrive $0xFFFF  }
0x1fa: {  	s6 =	sor.u32 $0x1C05, s6;
	s31 =	rddreg [dreg:$0x19]  }
0x1fb: {  	s9 =	simm.s32 $0x10;
	s8 =	rddreg [dreg:$0x1e];
	s7 =	sshrl.u32 s31, $0x3  }
0x1fc: {  	[hbm:s8@s9], [sflag:s6] =	dma.strided [spmem:s7@s30], $0x400, s17, $0x8   }
0x1fd: {  	s7 =	rddreg [dreg:$0x1a]  }
0x1fe: {  	s8 =	rddreg [dreg:$0x1f];
	s7 =	sshrl.u32 s7, $0x3  }
0x1ff: {  	[hbm:s8@s9], [sflag:s6] =	dma.strided [spmem:s7@s30], $0x400, s17, $0x8   }
0x200: {  	s8 =	sld [smem:$0x7FA]  }
0x201: {  	s7 =	rddreg [dreg:$0x1b]  }
0x202: {  	s7 =	sshrl.u32 s7, $0x3  }
0x203: {  	[hbm:s8@s9], [sflag:s6] =	dma.strided [spmem:s7@s30], $0x400, s17, $0x8   }
0x204: {  	s8 =	sld [smem:$0x7FB]  }
0x205: {  	s7 =	rddreg [dreg:$0x1c]  }
0x206: {  	s7 =	sshrl.u32 s7, $0x3  }
0x207: {  	[hbm:s8@s9], [sflag:s6] =	dma.strided [spmem:s7@s30], $0x400, s17, $0x8   }
0x208: {  	s8 =	sld [smem:$0x7FC]  }
0x209: {  	s7 =	rddreg [dreg:$0x1d]  }
0x20a: {  	s7 =	sshrl.u32 s7, $0x3  }
0x20b: {  	[hbm:s8@s9], [sflag:s6] =	dma.strided [spmem:s7@s30], $0x400, s17, $0x8   }
0x20c: {  	_ =	swait.ge [sflag:s26], $0x400  }
0x20d: {  	[sflag:s26] =	ssyncset.done $0x0  }
0x20e: {  	[sflag:s26] =	ssyncadd.s32 $0xFFFFFC00  }
0x20f: {  	_ =	swait.ge [sflag:s26], $0x400  }
0x210: {  	[sflag:s26] =	ssyncset.done $0x0  }
0x211: {  	[sflag:s26] =	ssyncadd.s32 $0xFFFFFC00  }
0x212: {  	_ =	swait.ge [sflag:s26], $0x400  }
0x213: {  	[sflag:s26] =	ssyncset.done $0x0  }
0x214: {  	[sflag:s26] =	ssyncadd.s32 $0xFFFFFC00  }
0x215: {  	_ =	swait.ge [sflag:s26], $0x400  }
0x216: {  	[sflag:s26] =	ssyncset.done $0x0  }
0x217: {  	[sflag:s26] =	ssyncadd.s32 $0xFFFFFC00  }
0x218: {  	_ =	swait.ge [sflag:s26], $0x400  }
0x219: {  	s8 =	sld [smem:$0x7F9]  }
0x21a: {  	s9 =	sld [smem:$0x7FD];
	_ =	sdelay $0x1  }
0x21b: {  	s7 =	sadd.s32 $0x1, s8  }
0x21c: {  	p0 =	sne.s32 s7, s9  }
.Ltmp2:
0x21d: {  	_ = 	snop;
	(pc) =	sbr.rel @p0 .LBB2_1-.Ltmp2, $3  }
0x21e: {  	_ =	sdelay $0x1  }
0x21f: {  	[sflag:s26] =	ssyncset.done $0x0  }
0x220: {  	[sflag:s26] =	ssyncadd.s32 $0xFFFFFC00  }
0x221: {  	_ =	sfence.sel $0x180000  }
0x222: {  	[bflag:$0x0] =	sbarrier.arrive $0xFFFF  }
0x223: {  	_ =	strace $0x9000004D  }
0x224: {  	s0 =	stileid.u32;
	[bflag:$0x2] =	sbarrier.arrive $0xFFFF  }
0x225: {  	p0 =	sne.s32 s0, $0x0;
	s0 =	rddreg [dreg:$0x2]  }
0x226: {  	s0 =	sadd.s32 @!p0 $0x100000, s0  }
0x227: {  	[sflag:s0] =	ssyncadd.tile.s32 @!p0 $0x1;
	_ =	shalt  }
.Lfunc_end2:
_tile_overlayer_lowered:
.L_overlay_start_2:
0x228: {  	(tag) =	ssettag $0x2  }
0x229: {  	s0 =	rddreg [dreg:$0x0];
	s2 =	stileid.u32  }
0x22a: {  	s1 =	rddreg [dreg:$0x1];
	p0 =	sne.s32 s2, $0x0  }
0x22b: {  	s3 =	rddreg [dreg:$0x2];
	[bflag:$0x3] =	sbarrier.arrive $0xFFFF;
	s2 =	simm.s32 @!p0 $0x1C09  }
0x22c: {  	[timem:s3], [sflag:s2] =	dma.local @!p0 [hbm:s0], s1  }
0x22d: {  	s0 =	simm.s32 @!p0 $0x9  }
0x22e: {  	_ =	swait.ge @!p0 [sflag:s0], s1  }
0x22f: {  	s1 =	ssub.s32 @!p0 $0x0, s1;
	[sflag:s0] =	ssyncset.done @!p0 $0x0  }
0x230: {  	[sflag:s0] =	ssyncadd.s32 @!p0 s1  }
0x231: {  	[bflag:$0x3] =	sbarrier.arrive $0xFFFF  }
0x232: {  	_ =	shalt  }

// kernel: kernel.8.cloned.1.call-start
scs
__scs_entry_jumppad:
0x0: {  	(pc) =	sbr.rel $0x88, $3  }
0x1: {  	(tag) =	ssettag $0x0;
	lr =	simm.s32 $0x1  }
0x2: {  	[smem:$0x3F9B] =	sst lr;
	_ =	strace $0xD0000000  }
0x3: {  	_ = 	snop  }
0x4: {  	_ = 	snop  }
0x5: {  	_ = 	snop  }
0x6: {  	_ = 	snop  }
0x7: {  	_ = 	snop  }
__scs_overlays_trampoline_lowered:
0x8: {  	[smem:$0x3FAA] =	sst s0  }
0x9: {  	[smem:$0x3FAB] =	sst s1  }
0xa: {  	[smem:$0x3FAC] =	sst s2  }
0xb: {  	[smem:$0x3FAD] =	sst s3  }
0xc: {  	[smem:$0x3FAE] =	sst s4  }
0xd: {  	[smem:$0x3FAF] =	sst s5  }
0xe: {  	[smem:$0x3FB0] =	sst s6  }
0xf: {  	[smem:$0x3FB1] =	sst s7  }
0x10: {  	[smem:$0x3FB2] =	sst s8  }
0x11: {  	[smem:$0x3FB3] =	sst s9;
	s0 =	simm.s32 @!p0 $0x0  }
0x12: {  	s1 =	sld [smem:$0x3F99];
	s0 =	simm.s32 @p0 $0x1  }
0x13: {  	[smem:$0x3FB4] =	sst s0;
	s0 =	simm.s32 @!p1 $0x0  }
0x14: {  	s2 =	sld [smem:$0x3F98];
	s0 =	simm.s32 @p1 $0x1  }
0x15: {  	[smem:$0x3FB5] =	sst s0;
	s0 =	simm.s32 @!p2 $0x0  }
0x16: {  	s3 =	sld [smem:$0x3FDB];
	s0 =	simm.s32 @p2 $0x1  }
0x17: {  	s4 =	simm.s32 $0x1BF5;
	[smem:$0x3FB7] =	sst s0  }
0x18: {  	s0 =	sld [smem:$0x3F9A];
	_ =	swait.ge [sflag:s4], $0x0  }
0x19: {  	s7 =	sld [smem:$0x3F9B]  }
0x1a: {  	s8 =	sadd.s32 $0xFFFFE003, lr  }
0x1b: {  	s9 =	sadd.s32 $0xFFFFFEF7, lr;
	s5 =	simm.s32 $0xFFFFFFFF;
	p2 =	slt.u32 s8, $0xFFFFF086  }
0x1c: {  	p1 =	slt.u32 s9, $0xF7A;
	s5 =	simm.s32 @!p2 $0x0  }
0x1d: {  	s5 =	simm.s32 @p1 $0x1;
	p0 =	seq.s32 s7, s2  }
0x1e: {  	s7 =	smul.u32 @!p0 $0xF7A, s2;
	p2 =	seq.s32 @!p0 s5, $0x0  }
0x1f: {  	s9 =	smul.u32 $0xF7A, s1;
	s8 =	simm.s32 @!p0 $0x1BF5;
	p2 =	por !p2, p0  }
0x20: {  	[sflag:s8] =	ssyncset.s32 @!p0 $0xFFFFF086;
	s6 =	sadd.s32 @!p0 s3, s7;
	s7 =	simm.s32 @!p0 $0x108  }
0x21: {  	s3 =	sadd.s32 s3, s9;
	s6 =	sadd.s32 @!p0 $0x88, s6;
	s7 =	simm.s32 @p2 $0x1082  }
0x22: {  	[simem:s7], [sflag:s8] =	dma.local @!p0 [hbm:s6], $0xF7A  }
0x23: {  	s9 =	sor.u32 $0xD0000000, s2;
	s6 =	simm.s32 $0x108;
	_ =	swait.ge @!p0 [sflag:s8], $0x0  }
0x24: {  	s3 =	sadd.s32 $0x88, s3;
	s6 =	simm.s32 @!p1 $0x1082;
	[sflag:s4] =	ssyncset.s32 $0xFFFFF086  }
0x25: {  	[simem:s6], [sflag:s4] =	dma.local [hbm:s3], $0xF7A  }
0x26: {  	[smem:$0x3F9B] =	sst s1;
	(tag) =	ssettag s2;
	_ =	strace s9  }
0x27: {  	s1 =	sld [smem:$0x3FAB]  }
0x28: {  	s2 =	sld [smem:$0x3FAC]  }
0x29: {  	s4 =	sld [smem:$0x3FAE]  }
0x2a: {  	p0 =	seq.s32 s5, $0x0;
	s5 =	sld [smem:$0x3FAF]  }
0x2b: {  	s6 =	sld [smem:$0x3FB0]  }
0x2c: {  	s7 =	sld [smem:$0x3FB1]  }
0x2d: {  	s3 =	simm.s32 $0x108;
	s8 =	sld [smem:$0x3FB2]  }
0x2e: {  	s3 =	simm.s32 @!p0 $0x1082;
	s9 =	sld [smem:$0x3FB3]  }
0x2f: {  	lr =	sadd.s32 s0, s3;
	s0 =	sld [smem:$0x3FAA]  }
0x30: {  	s3 =	sld [smem:$0x3FAD]  }
0x31: {  	[smem:$0x3FB6] =	sst s10  }
0x32: {  	s10 =	sld [smem:$0x3FB4];
	_ =	sdelay $0x3  }
0x33: {  	p0 =	seq.s32 s10, $0x1;
	s10 =	sld [smem:$0x3FB6];
	_ =	sdelay $0x3  }
0x34: {  	[smem:$0x3FB6] =	sst s10  }
0x35: {  	s10 =	sld [smem:$0x3FB5];
	_ =	sdelay $0x3  }
0x36: {  	p1 =	seq.s32 s10, $0x1;
	s10 =	sld [smem:$0x3FB6];
	_ =	sdelay $0x3  }
0x37: {  	[smem:$0x3FB6] =	sst s10  }
0x38: {  	s10 =	sld [smem:$0x3FB7]  }
0x39: {  	_ = 	snop;
	(pc) =	sbr.ind lr, $3  }
0x3a: {  	_ = 	snop  }
0x3b: {  	_ = 	snop  }
0x3c: {  	p2 =	seq.s32 s10, $0x1;
	s10 =	sld [smem:$0x3FB6]  }
0x3d: {  	_ =	shalt  }
0x3e: {  	_ =	shalt  }
0x3f: {  	_ =	shalt  }
0x40: {  	_ =	shalt  }
0x41: {  	_ =	shalt  }
0x42: {  	_ =	shalt  }
0x43: {  	_ =	shalt  }
0x44: {  	_ =	shalt  }
0x45: {  	_ =	shalt  }
0x46: {  	_ =	shalt  }
0x47: {  	_ =	shalt  }
0x48: {  	_ =	shalt  }
0x49: {  	_ =	shalt  }
0x4a: {  	_ =	shalt  }
0x4b: {  	_ =	shalt  }
0x4c: {  	_ =	shalt  }
0x4d: {  	_ =	shalt  }
0x4e: {  	_ =	shalt  }
0x4f: {  	_ =	shalt  }
0x50: {  	_ =	shalt  }
0x51: {  	_ =	shalt  }
0x52: {  	_ =	shalt  }
0x53: {  	_ =	shalt  }
0x54: {  	_ =	shalt  }
0x55: {  	_ =	shalt  }
0x56: {  	_ =	shalt  }
0x57: {  	_ =	shalt  }
0x58: {  	_ =	shalt  }
0x59: {  	_ =	shalt  }
0x5a: {  	_ =	shalt  }
0x5b: {  	_ =	shalt  }
0x5c: {  	_ =	shalt  }
0x5d: {  	_ =	shalt  }
0x5e: {  	_ =	shalt  }
0x5f: {  	_ =	shalt  }
0x60: {  	_ =	shalt  }
0x61: {  	_ =	shalt  }
0x62: {  	_ =	shalt  }
0x63: {  	_ =	shalt  }
0x64: {  	_ =	shalt  }
0x65: {  	_ =	shalt  }
0x66: {  	_ =	shalt  }
0x67: {  	_ =	shalt  }
0x68: {  	_ =	shalt  }
0x69: {  	_ =	shalt  }
0x6a: {  	_ =	shalt  }
0x6b: {  	_ =	shalt  }
0x6c: {  	_ =	shalt  }
0x6d: {  	_ =	shalt  }
0x6e: {  	_ =	shalt  }
0x6f: {  	_ =	shalt  }
0x70: {  	_ =	shalt  }
0x71: {  	_ =	shalt  }
0x72: {  	_ =	shalt  }
0x73: {  	_ =	shalt  }
0x74: {  	_ =	shalt  }
0x75: {  	_ =	shalt  }
0x76: {  	_ =	shalt  }
0x77: {  	_ =	shalt  }
0x78: {  	_ =	shalt  }
0x79: {  	_ =	shalt  }
0x7a: {  	_ =	shalt  }
0x7b: {  	_ =	shalt  }
0x7c: {  	_ =	shalt  }
0x7d: {  	_ =	shalt  }
0x7e: {  	_ =	shalt  }
0x7f: {  	_ =	shalt  }
0x80: {  	_ =	shalt  }
0x81: {  	_ =	shalt  }
0x82: {  	_ =	shalt  }
0x83: {  	_ =	shalt  }
0x84: {  	_ =	shalt  }
0x85: {  	_ =	shalt  }
0x86: {  	_ =	shalt  }
0x87: {  	_ =	shalt  }
.Lfunc_end0:
.L_simem_size_0:
called_computation_lowered:
.L_overlay_start_0:
0x88: {  	s2 =	sld [smem:$0x3FD9]  }
0x89: {  	s3 =	sld [smem:$0x3FFE];
	_ =	sdelay $0x1  }
0x8a: {  	s1 =	srdreg.scid  }
0x8b: {  	s0 =	sand.u32 $0x1, s1  }
0x8c: {  	s17 =	sshll.u32 s0, $0xA;
	s2 =	sadd.s32 s3, s2  }
0x8d: {  	s2 =	sadd.s32 s2, s17  }
0x8e: {  	[smem:$0x3FC2] =	sst s2  }
0x8f: {  	_ = 	snop  }
0x90: {  	s2 =	sld [smem:$0x3FD0];
	(tm) =	ssettm $0x1  }
0x91: {  	s18 =	sld [smem:$0x3FFB];
	_ =	sdelay $0x3  }
0x92: {  	_ =	strace s18  }
0x93: {  	s3 =	sld [smem:$0x3FFC];
	_ =	sdelay $0x3  }
0x94: {  	_ =	strace s3  }
0x95: {  	s3 =	sld [smem:$0x3FFD];
	_ =	sdelay $0x3  }
0x96: {  	_ =	strace s3  }
0x97: {  	_ =	strace $0x8FFFFFFF  }
0x98: {  	s19 =	sld [smem:$0x3FDB];
	_ =	sdelay $0x1  }
0x99: {  	s4 =	simm.s32 $_scs_section_size  }
0x9a: {  	s5 =	simm.s32 $_size__tile_overlayer_lowered;
	s6 =	simm.s32 $_tile_overlayer_lowered  }
0x9b: {  	s22 =	simm.s32 $0x1BFF;
	s21 =	sshll.u32 s6, $0x1;
	s3 =	sadd.s32 s4, s19  }
0x9c: {  	s7 =	simm.s32 $0x0;
	s20 =	sshll.u32 s5, $0x1;
	s5 =	sadd.s32 s21, s3  }
0x9d: {  	[timem:s7], [sflag:s22] =	dma.local [hbm:s5], s20  }
0x9e: {  	_ =	swait.ge [sflag:s22], s20  }
0x9f: {  	s4 =	ssub.s32 $0x0, s20;
	[sflag:s22] =	ssyncset.done $0x0  }
0xa0: {  	[sflag:s22] =	ssyncadd.s32 s4;
	_ =	sdelay $0x1  }
0xa1: {  	s23 =	simm.s32 $0x1B8B  }
0xa2: {  	_ =	swait.ge [sflag:s23], $0x1  }
0xa3: {  	[sflag:s23] =	ssyncset.done $0x0  }
0xa4: {  	s25 =	simm.s32 $0x1B8E;
	s24 =	sld [smem:$0x3FFE];
	[sflag:s23] =	ssyncadd.s32 $0xFFFFFFFF  }
0xa5: {  	s26 =	simm.s32 $execute0_lowered;
	[smem:$0x3FD2] =	sst s25  }
0xa6: {  	s5 =	sshll.u32 s26, $0x1;
	_ =	strace $0x80000046;
	[dreg:$0x1] =	wrdreg $0xFFFFFFFF  }
0xa7: {  	s28 =	simm.s32 $_size_execute0_lowered;
	s3 =	sadd.s32 s3, s5;
	[dreg:$0x0] =	wrdreg $0x0  }
0xa8: {  	s5 =	sshll.u32 s28, $0x1;
	[dreg:$0x2] =	wrdreg s3  }
0xa9: {  	[dreg:$0x3] =	wrdreg s5  }
0xaa: {  	[dreg:$0x4] =	wrdreg $0xC0  }
0xab: {  	_ =	task [dreg:s7], $0x5FFFF  }
0xac: {  	[dreg:$0x1] =	wrdreg $0xFFFFFFFF  }
0xad: {  	[dreg:$0x0] =	wrdreg $0x60  }
0xae: {  	[dreg:$0x2] =	wrdreg s24  }
0xaf: {  	[dreg:$0x3] =	wrdreg s2  }
0xb0: {  	[dreg:$0x4] =	wrdreg $0xB000  }
0xb1: {  	[dreg:$0x5] =	wrdreg $0x9  }
0xb2: {  	_ =	task.clear_ibuf [dreg:s7], $0x6FFFF;
	_ =	strace $0x90000046  }
0xb3: {  	s29 =	simm.s32 $0x9;
	_ =	strace $0x80000048  }
0xb4: {  	_ =	swait.ge [sflag:s29], $0x1  }
0xb5: {  	[sflag:s29] =	ssyncadd.s32 $0xFFFFFFFF  }
0xb6: {  	_ =	strace $0x90000048  }
0xb7: {  	_ =	sfence  }
0xb8: {  	s30 =	sld [smem:$0x0];
	_ =	sdelay $0x2  }
0xb9: {  	s31 =	sshll.u32 s1, $0xD;
	s1 =	sshrl.u32 s1, $0x2  }
0xba: {  	s3 =	sand.u32 $0x4000, s31;
	s1 =	sadd.s32 s1, s30  }
0xbb: {  	s0 =	sor.u32 s3, s0;
	s1 =	sshll.u32 s1, $0x11  }
0xbc: {  	s0 =	sor.u32 s1, s0  }
0xbd: {  	s0 =	sadd.s32 $0x8F2B, s0  }
0xbe: {  	[sflag:s0] =	ssyncadd.remote.s32 $0x1  }
0xbf: {  	_ =	sfence.sel $0xFFFF  }
0xc0: {  	[dreg:$0x0] =	wrdreg $0xFFFFFFFF;
	(pc) =	sbr.abs _section_cstart, $3  }
0xc1: {  	[dreg:$0x1] =	wrdreg $0xFFFFFFFF  }
0xc2: {  	_ =	task.clear_ibuf [dreg:s7], $0x2FFFF;
	_ =	strace $0x9FFFFFFF  }
0xc3: {  	(tm) =	ssettm $0x7FFFFFFF  }
tec
execute0_lowered:
.L_overlay_start_1:
0x0: {  	(tag) =	ssettag $0x1  }
0x1: {  	s0 =	rddreg [dreg:$0x0]  }
0x2: {  	s1 =	srdreg.scid;
	s5 =	rddreg [dreg:$0x1]  }
0x3: {  	s22 =	stileid.u32;
	s2 =	rddreg [dreg:$0x2]  }
0x4: {  	s3 =	simm.s32 $0x0;
	s29 =	simm.f32 $1.000000000e+00;
	s9 =	simm.s32 $0x1  }
0x5: {  	s10 =	simm.s32 $0x7D;
	s11 =	simm.s32 $0x800;
	s12 =	simm.s32 $0x80  }
0x6: {  	s13 =	simm.s32 $0x100;
	s14 =	simm.s32 $0x180;
	s15 =	simm.s32 $0x200  }
0x7: {  	s16 =	simm.s32 $0x280;
	s17 =	simm.s32 $0x300;
	s18 =	simm.s32 $0x380  }
0x8: {  	s19 =	simm.s32 $0x400;
	s20 =	simm.s32 $0x480;
	s21 =	simm.s32 $0x500  }
0x9: {  	s28 =	simm.s32 $0x780;
	s30 =	simm.s32 $0x10;
	s6 =	smul.u32 $0x2800, s22  }
0xa: {  	s31 =	simm.s32 $0x0;
	s1 =	sand.u32 $0x1, s1;
	s7 =	smul.u32 $0xA00, s22  }
0xb: {  	[smem:$0x7FF] =	sst s3;
	s8 =	smul.u32 $0x500, s22;
	s26 =	sshll.u32 s22, $0x6  }
0xc: {  	s22 =	simm.s32 $0x580;
	s4 =	smul.u32 $0x28000, s1;
	_ =	strace $0x80000047  }
0xd: {  	s23 =	ssub.s32 $0x2, s1;
	p0 =	seq.s32 s1, $0x0;
	s1 =	sshll.u32 s1, $0x7  }
0xe: {  	s24 =	sshrl.u32 s23, $0x1;
	s25 =	sshrl.u32 s7, $0x2;
	s1 =	sor.u32 s1, s8  }
0xf: {  	s29 =	simm.s32 @!p0 $0x0;
	s4 =	sadd.s32 s6, s4;
	s6 =	ssub.s32 s23, s24  }
0x10: {  	s1 =	sshrl.u32 s1, $0x3;
	s23 =	simm.s32 $0x600;
	s4 =	sadd.s32 $0x50000, s4  }
0x11: {  	s24 =	sor.u32 $0x1C01, s26;
	s26 =	simm.s32 $0x700;
	s4 =	sshrl.u32 s4, $0x3  }
0x12: {  	s5 =	sadd.s32 s5, s1;
	s6 =	smax.u32 s6, $0x1;
	s0 =	sadd.s32 s4, s0  }
0x13: {  	v1 =	vimm.f32 $1.000000000e+00;
	v0 =	vmov s29;
	s4 =	sadd.s32 s25, s2;
	s25 =	simm.s32 $0x680;
	s7 =	sadd.s32 $0x2800, s0  }
.LBB2_1:
0x14: {  	[tilespmem:$0x800] =	vst v1  }
0x15: {  	[tilespmem:$0x810] =	vst v1  }
0x16: {  	[tilespmem:$0x820] =	vst v1  }
0x17: {  	[tilespmem:$0x830] =	vst v1  }
0x18: {  	[tilespmem:$0x840] =	vst v1  }
0x19: {  	[tilespmem:$0x850] =	vst v1  }
0x1a: {  	[tilespmem:$0x860] =	vst v1  }
0x1b: {  	[tilespmem:$0x870] =	vst v1  }
0x1c: {  	[tilespmem:$0x880] =	vst v0  }
0x1d: {  	[tilespmem:$0x890] =	vst v0  }
0x1e: {  	[tilespmem:$0x8A0] =	vst v0  }
0x1f: {  	[tilespmem:$0x8B0] =	vst v0  }
0x20: {  	[tilespmem:$0x8C0] =	vst v0  }
0x21: {  	[tilespmem:$0x8D0] =	vst v0  }
0x22: {  	[tilespmem:$0x8E0] =	vst v0  }
0x23: {  	[tilespmem:$0x8F0] =	vst v0  }
0x24: {  	[tilespmem:$0x900] =	vst v0  }
0x25: {  	[tilespmem:$0x910] =	vst v0  }
0x26: {  	[tilespmem:$0x920] =	vst v0  }
0x27: {  	[tilespmem:$0x930] =	vst v0  }
0x28: {  	[tilespmem:$0x940] =	vst v0  }
0x29: {  	[tilespmem:$0x950] =	vst v0  }
0x2a: {  	[tilespmem:$0x960] =	vst v0  }
0x2b: {  	[tilespmem:$0x970] =	vst v0  }
0x2c: {  	[tilespmem:$0x980] =	vst v0  }
0x2d: {  	[tilespmem:$0x990] =	vst v0  }
0x2e: {  	[tilespmem:$0x9A0] =	vst v0  }
0x2f: {  	[tilespmem:$0x9B0] =	vst v0  }
0x30: {  	[tilespmem:$0x9C0] =	vst v0  }
0x31: {  	[tilespmem:$0x9D0] =	vst v0  }
0x32: {  	[tilespmem:$0x9E0] =	vst v0  }
0x33: {  	[tilespmem:$0x9F0] =	vst v0  }
0x34: {  	[tilespmem:$0xA00] =	vst v0  }
0x35: {  	[tilespmem:$0xA10] =	vst v0  }
0x36: {  	[tilespmem:$0xA20] =	vst v0  }
0x37: {  	[tilespmem:$0xA30] =	vst v0  }
0x38: {  	[tilespmem:$0xA40] =	vst v0  }
0x39: {  	[tilespmem:$0xA50] =	vst v0  }
0x3a: {  	[tilespmem:$0xA60] =	vst v0  }
0x3b: {  	[tilespmem:$0xA70] =	vst v0  }
0x3c: {  	[tilespmem:$0xA80] =	vst v0  }
0x3d: {  	[tilespmem:$0xA90] =	vst v0  }
0x3e: {  	[tilespmem:$0xAA0] =	vst v0  }
0x3f: {  	[tilespmem:$0xAB0] =	vst v0  }
0x40: {  	[tilespmem:$0xAC0] =	vst v0  }
0x41: {  	[tilespmem:$0xAD0] =	vst v0  }
0x42: {  	[tilespmem:$0xAE0] =	vst v0  }
0x43: {  	[tilespmem:$0xAF0] =	vst v0;
	s0 =	simm.s32 $0x880  }
0x44: {  	[spmem:s4] =	stream.linear.scatter [tilespmem:s0], [sflag:$0x1], $0x280, $0x38;
	[tilespmem:$0xD80] =	vst v63  }
0x45: {  	_ =	swait.ge [sflag:s9], $0x280  }
0x46: {  	[sflag:s9] =	ssyncset.done $0x0  }
0x47: {  	[sflag:s9] =	ssyncadd.s32 $0xFFFFFD80  }
0x48: {  	s29 =	sadd.s32 $0x0, s7;
	[bflag:$0x0] =	sbarrier.arrive $0xFFFF  }
0x49: {  	[tilespmem:s3], [sflag:$0x1] =	stream.linear.gather [hbm4b:s29+s3], $0x800, $0x38;
	[tilespmem:$0xD80] =	vst v63  }
0x4a: {  	_ =	swait.ge [sflag:s9], $0x800  }
0x4b: {  	[sflag:s9] =	ssyncset.done $0x0  }
0x4c: {  	[sflag:s9] =	ssyncadd.s32 $0xFFFFF800  }
0x4d: {  	[spmem:s2] =	stream.indirect.scatter.add.f32 [tilespmem:s11], [sflag:$0x1], $0x1, s3, s10, $0xb8;
	[tilespmem:$0xD80] =	vst v63  }
0x4e: {  	_ =	swait.ge [sflag:s9], $0x7D  }
0x4f: {  	[sflag:s9] =	ssyncset.done $0x0  }
0x50: {  	[sflag:s9] =	ssyncadd.s32 $0xFFFFFF83  }
0x51: {  	[spmem:s2] =	stream.indirect.scatter.add.f32 [tilespmem:s11], [sflag:$0x1], $0x1, s12, s10, $0xb8;
	[tilespmem:$0xD80] =	vst v63  }
0x52: {  	_ =	swait.ge [sflag:s9], $0x7D  }
0x53: {  	[sflag:s9] =	ssyncset.done $0x0  }
0x54: {  	[sflag:s9] =	ssyncadd.s32 $0xFFFFFF83  }
0x55: {  	[spmem:s2] =	stream.indirect.scatter.add.f32 [tilespmem:s11], [sflag:$0x1], $0x1, s13, s10, $0xb8;
	[tilespmem:$0xD80] =	vst v63  }
0x56: {  	_ =	swait.ge [sflag:s9], $0x7D  }
0x57: {  	[sflag:s9] =	ssyncset.done $0x0  }
0x58: {  	[sflag:s9] =	ssyncadd.s32 $0xFFFFFF83  }
0x59: {  	[spmem:s2] =	stream.indirect.scatter.add.f32 [tilespmem:s11], [sflag:$0x1], $0x1, s14, s10, $0xb8;
	[tilespmem:$0xD80] =	vst v63  }
0x5a: {  	_ =	swait.ge [sflag:s9], $0x7D  }
0x5b: {  	[sflag:s9] =	ssyncset.done $0x0  }
0x5c: {  	[sflag:s9] =	ssyncadd.s32 $0xFFFFFF83  }
0x5d: {  	[spmem:s2] =	stream.indirect.scatter.add.f32 [tilespmem:s11], [sflag:$0x1], $0x1, s15, s10, $0xb8;
	[tilespmem:$0xD80] =	vst v63  }
0x5e: {  	_ =	swait.ge [sflag:s9], $0x7D  }
0x5f: {  	[sflag:s9] =	ssyncset.done $0x0  }
0x60: {  	[sflag:s9] =	ssyncadd.s32 $0xFFFFFF83  }
0x61: {  	[spmem:s2] =	stream.indirect.scatter.add.f32 [tilespmem:s11], [sflag:$0x1], $0x1, s16, s10, $0xb8;
	[tilespmem:$0xD80] =	vst v63  }
0x62: {  	_ =	swait.ge [sflag:s9], $0x7D  }
0x63: {  	[sflag:s9] =	ssyncset.done $0x0  }
0x64: {  	[sflag:s9] =	ssyncadd.s32 $0xFFFFFF83  }
0x65: {  	[spmem:s2] =	stream.indirect.scatter.add.f32 [tilespmem:s11], [sflag:$0x1], $0x1, s17, s10, $0xb8;
	[tilespmem:$0xD80] =	vst v63  }
0x66: {  	_ =	swait.ge [sflag:s9], $0x7D  }
0x67: {  	[sflag:s9] =	ssyncset.done $0x0  }
0x68: {  	[sflag:s9] =	ssyncadd.s32 $0xFFFFFF83  }
0x69: {  	[spmem:s2] =	stream.indirect.scatter.add.f32 [tilespmem:s11], [sflag:$0x1], $0x1, s18, s10, $0xb8;
	[tilespmem:$0xD80] =	vst v63  }
0x6a: {  	_ =	swait.ge [sflag:s9], $0x7D  }
0x6b: {  	[sflag:s9] =	ssyncset.done $0x0  }
0x6c: {  	[sflag:s9] =	ssyncadd.s32 $0xFFFFFF83  }
0x6d: {  	[spmem:s2] =	stream.indirect.scatter.add.f32 [tilespmem:s11], [sflag:$0x1], $0x1, s19, s10, $0xb8;
	[tilespmem:$0xD80] =	vst v63  }
0x6e: {  	_ =	swait.ge [sflag:s9], $0x7D  }
0x6f: {  	[sflag:s9] =	ssyncset.done $0x0  }
0x70: {  	[sflag:s9] =	ssyncadd.s32 $0xFFFFFF83  }
0x71: {  	[spmem:s2] =	stream.indirect.scatter.add.f32 [tilespmem:s11], [sflag:$0x1], $0x1, s20, s10, $0xb8;
	[tilespmem:$0xD80] =	vst v63  }
0x72: {  	_ =	swait.ge [sflag:s9], $0x7D  }
0x73: {  	[sflag:s9] =	ssyncset.done $0x0  }
0x74: {  	[sflag:s9] =	ssyncadd.s32 $0xFFFFFF83  }
0x75: {  	[spmem:s2] =	stream.indirect.scatter.add.f32 [tilespmem:s11], [sflag:$0x1], $0x1, s21, s10, $0xb8;
	[tilespmem:$0xD80] =	vst v63  }
0x76: {  	_ =	swait.ge [sflag:s9], $0x7D  }
0x77: {  	[sflag:s9] =	ssyncset.done $0x0  }
0x78: {  	[sflag:s9] =	ssyncadd.s32 $0xFFFFFF83  }
0x79: {  	[spmem:s2] =	stream.indirect.scatter.add.f32 [tilespmem:s11], [sflag:$0x1], $0x1, s22, s10, $0xb8;
	[tilespmem:$0xD80] =	vst v63  }
0x7a: {  	_ =	swait.ge [sflag:s9], $0x7D  }
0x7b: {  	[sflag:s9] =	ssyncset.done $0x0  }
0x7c: {  	[sflag:s9] =	ssyncadd.s32 $0xFFFFFF83  }
0x7d: {  	[spmem:s2] =	stream.indirect.scatter.add.f32 [tilespmem:s11], [sflag:$0x1], $0x1, s23, s10, $0xb8;
	[tilespmem:$0xD80] =	vst v63  }
0x7e: {  	_ =	swait.ge [sflag:s9], $0x7D  }
0x7f: {  	[sflag:s9] =	ssyncset.done $0x0  }
0x80: {  	[sflag:s9] =	ssyncadd.s32 $0xFFFFFF83  }
0x81: {  	[spmem:s2] =	stream.indirect.scatter.add.f32 [tilespmem:s11], [sflag:$0x1], $0x1, s25, s10, $0xb8;
	[tilespmem:$0xD80] =	vst v63  }
0x82: {  	_ =	swait.ge [sflag:s9], $0x7D  }
0x83: {  	[sflag:s9] =	ssyncset.done $0x0  }
0x84: {  	[sflag:s9] =	ssyncadd.s32 $0xFFFFFF83  }
0x85: {  	[spmem:s2] =	stream.indirect.scatter.add.f32 [tilespmem:s11], [sflag:$0x1], $0x1, s26, s10, $0xb8;
	[tilespmem:$0xD80] =	vst v63  }
0x86: {  	_ =	swait.ge [sflag:s9], $0x7D  }
0x87: {  	[sflag:s9] =	ssyncset.done $0x0  }
0x88: {  	[sflag:s9] =	ssyncadd.s32 $0xFFFFFF83  }
0x89: {  	[spmem:s2] =	stream.indirect.scatter.add.f32 [tilespmem:s11], [sflag:$0x1], $0x1, s28, s10, $0xb8;
	[tilespmem:$0xD80] =	vst v63  }
0x8a: {  	_ =	swait.ge [sflag:s9], $0x7D  }
0x8b: {  	s1 =	simm.s32 $0x100;
	s0 =	simm.s32 $0x200;
	[sflag:s9] =	ssyncset.done $0x0  }
.LBB2_2:
0x8c: {  	s29 =	sadd.s32 s1, s7  }
0x8d: {  	[sflag:s9] =	ssyncadd.s32 $0xFFFFFF83;
	s1 =	smov.u32 s0;
	s8 =	sadd.s32 $0x100, s0  }
0x8e: {  	[tilespmem:s3], [sflag:$0x1] =	stream.linear.gather [hbm4b:s29+s3], $0x800, $0x38;
	[tilespmem:$0xD80] =	vst v63  }
0x8f: {  	p0 =	sne.s32 s0, $0x400;
	_ =	swait.ge [sflag:s9], $0x800  }
0x90: {  	[sflag:s9] =	ssyncset.done $0x0  }
0x91: {  	[sflag:s9] =	ssyncadd.s32 $0xFFFFF800  }
0x92: {  	[spmem:s2] =	stream.indirect.scatter.add.f32 [tilespmem:s11], [sflag:$0x1], $0x1, s3, s10, $0xb8;
	[tilespmem:$0xD80] =	vst v63  }
0x93: {  	_ =	swait.ge [sflag:s9], $0x7D  }
0x94: {  	[sflag:s9] =	ssyncset.done $0x0  }
0x95: {  	[sflag:s9] =	ssyncadd.s32 $0xFFFFFF83  }
0x96: {  	[spmem:s2] =	stream.indirect.scatter.add.f32 [tilespmem:s11], [sflag:$0x1], $0x1, s12, s10, $0xb8;
	[tilespmem:$0xD80] =	vst v63  }
0x97: {  	_ =	swait.ge [sflag:s9], $0x7D  }
0x98: {  	[sflag:s9] =	ssyncset.done $0x0  }
0x99: {  	[sflag:s9] =	ssyncadd.s32 $0xFFFFFF83  }
0x9a: {  	[spmem:s2] =	stream.indirect.scatter.add.f32 [tilespmem:s11], [sflag:$0x1], $0x1, s13, s10, $0xb8;
	[tilespmem:$0xD80] =	vst v63  }
0x9b: {  	_ =	swait.ge [sflag:s9], $0x7D  }
0x9c: {  	[sflag:s9] =	ssyncset.done $0x0  }
0x9d: {  	[sflag:s9] =	ssyncadd.s32 $0xFFFFFF83  }
0x9e: {  	[spmem:s2] =	stream.indirect.scatter.add.f32 [tilespmem:s11], [sflag:$0x1], $0x1, s14, s10, $0xb8;
	[tilespmem:$0xD80] =	vst v63  }
0x9f: {  	_ =	swait.ge [sflag:s9], $0x7D  }
0xa0: {  	[sflag:s9] =	ssyncset.done $0x0  }
0xa1: {  	[sflag:s9] =	ssyncadd.s32 $0xFFFFFF83  }
0xa2: {  	[spmem:s2] =	stream.indirect.scatter.add.f32 [tilespmem:s11], [sflag:$0x1], $0x1, s15, s10, $0xb8;
	[tilespmem:$0xD80] =	vst v63  }
0xa3: {  	_ =	swait.ge [sflag:s9], $0x7D  }
0xa4: {  	[sflag:s9] =	ssyncset.done $0x0  }
0xa5: {  	[sflag:s9] =	ssyncadd.s32 $0xFFFFFF83  }
0xa6: {  	[spmem:s2] =	stream.indirect.scatter.add.f32 [tilespmem:s11], [sflag:$0x1], $0x1, s16, s10, $0xb8;
	[tilespmem:$0xD80] =	vst v63  }
0xa7: {  	_ =	swait.ge [sflag:s9], $0x7D  }
0xa8: {  	[sflag:s9] =	ssyncset.done $0x0  }
0xa9: {  	[sflag:s9] =	ssyncadd.s32 $0xFFFFFF83  }
0xaa: {  	[spmem:s2] =	stream.indirect.scatter.add.f32 [tilespmem:s11], [sflag:$0x1], $0x1, s17, s10, $0xb8;
	[tilespmem:$0xD80] =	vst v63  }
0xab: {  	_ =	swait.ge [sflag:s9], $0x7D  }
0xac: {  	[sflag:s9] =	ssyncset.done $0x0  }
0xad: {  	[sflag:s9] =	ssyncadd.s32 $0xFFFFFF83  }
0xae: {  	[spmem:s2] =	stream.indirect.scatter.add.f32 [tilespmem:s11], [sflag:$0x1], $0x1, s18, s10, $0xb8;
	[tilespmem:$0xD80] =	vst v63  }
0xaf: {  	_ =	swait.ge [sflag:s9], $0x7D  }
0xb0: {  	[sflag:s9] =	ssyncset.done $0x0  }
0xb1: {  	[sflag:s9] =	ssyncadd.s32 $0xFFFFFF83  }
0xb2: {  	[spmem:s2] =	stream.indirect.scatter.add.f32 [tilespmem:s11], [sflag:$0x1], $0x1, s19, s10, $0xb8;
	[tilespmem:$0xD80] =	vst v63  }
0xb3: {  	_ =	swait.ge [sflag:s9], $0x7D  }
0xb4: {  	[sflag:s9] =	ssyncset.done $0x0  }
0xb5: {  	[sflag:s9] =	ssyncadd.s32 $0xFFFFFF83  }
0xb6: {  	[spmem:s2] =	stream.indirect.scatter.add.f32 [tilespmem:s11], [sflag:$0x1], $0x1, s20, s10, $0xb8;
	[tilespmem:$0xD80] =	vst v63  }
0xb7: {  	_ =	swait.ge [sflag:s9], $0x7D  }
0xb8: {  	[sflag:s9] =	ssyncset.done $0x0  }
0xb9: {  	[sflag:s9] =	ssyncadd.s32 $0xFFFFFF83  }
0xba: {  	[spmem:s2] =	stream.indirect.scatter.add.f32 [tilespmem:s11], [sflag:$0x1], $0x1, s21, s10, $0xb8;
	[tilespmem:$0xD80] =	vst v63  }
0xbb: {  	_ =	swait.ge [sflag:s9], $0x7D  }
0xbc: {  	[sflag:s9] =	ssyncset.done $0x0  }
0xbd: {  	[sflag:s9] =	ssyncadd.s32 $0xFFFFFF83  }
0xbe: {  	[spmem:s2] =	stream.indirect.scatter.add.f32 [tilespmem:s11], [sflag:$0x1], $0x1, s22, s10, $0xb8;
	[tilespmem:$0xD80] =	vst v63  }
0xbf: {  	_ =	swait.ge [sflag:s9], $0x7D  }
0xc0: {  	[sflag:s9] =	ssyncset.done $0x0  }
0xc1: {  	[sflag:s9] =	ssyncadd.s32 $0xFFFFFF83  }
0xc2: {  	[spmem:s2] =	stream.indirect.scatter.add.f32 [tilespmem:s11], [sflag:$0x1], $0x1, s23, s10, $0xb8;
	[tilespmem:$0xD80] =	vst v63  }
0xc3: {  	_ =	swait.ge [sflag:s9], $0x7D  }
0xc4: {  	[sflag:s9] =	ssyncset.done $0x0  }
0xc5: {  	[sflag:s9] =	ssyncadd.s32 $0xFFFFFF83  }
0xc6: {  	[spmem:s2] =	stream.indirect.scatter.add.f32 [tilespmem:s11], [sflag:$0x1], $0x1, s25, s10, $0xb8;
	[tilespmem:$0xD80] =	vst v63  }
0xc7: {  	_ =	swait.ge [sflag:s9], $0x7D  }
0xc8: {  	[sflag:s9] =	ssyncset.done $0x0  }
0xc9: {  	[sflag:s9] =	ssyncadd.s32 $0xFFFFFF83  }
0xca: {  	[spmem:s2] =	stream.indirect.scatter.add.f32 [tilespmem:s11], [sflag:$0x1], $0x1, s26, s10, $0xb8;
	[tilespmem:$0xD80] =	vst v63  }
0xcb: {  	_ =	swait.ge [sflag:s9], $0x7D  }
.Ltmp0:
0xcc: {  	[sflag:s9] =	ssyncset.done $0x0;
	(pc) =	sbr.rel @p0 .LBB2_2-.Ltmp0, $4  }
0xcd: {  	[sflag:s9] =	ssyncadd.s32 $0xFFFFFF83  }
0xce: {  	[spmem:s2] =	stream.indirect.scatter.add.f32 [tilespmem:s11], [sflag:$0x1], $0x1, s28, s10, $0xb8;
	[tilespmem:$0xD80] =	vst v63  }
0xcf: {  	_ =	swait.ge [sflag:s9], $0x7D  }
0xd0: {  	s0 =	smov.u32 s8;
	[sflag:s9] =	ssyncset.done $0x0  }
0xd1: {  	s0 =	sadd.s32 s1, s7;
	[sflag:s9] =	ssyncadd.s32 $0xFFFFFF83  }
0xd2: {  	[tilespmem:s3], [sflag:$0x1] =	stream.linear.gather [hbm4b:s0+s3], $0x800, $0x38;
	[tilespmem:$0xD80] =	vst v63  }
0xd3: {  	_ =	swait.ge [sflag:s9], $0x800  }
0xd4: {  	[sflag:s9] =	ssyncset.done $0x0  }
0xd5: {  	[sflag:s9] =	ssyncadd.s32 $0xFFFFF800  }
0xd6: {  	[spmem:s2] =	stream.indirect.scatter.add.f32 [tilespmem:s11], [sflag:$0x1], $0x1, s3, s10, $0xb8;
	[tilespmem:$0xD80] =	vst v63  }
0xd7: {  	_ =	swait.ge [sflag:s9], $0x7D  }
0xd8: {  	[sflag:s9] =	ssyncset.done $0x0  }
0xd9: {  	[sflag:s9] =	ssyncadd.s32 $0xFFFFFF83  }
0xda: {  	[spmem:s2] =	stream.indirect.scatter.add.f32 [tilespmem:s11], [sflag:$0x1], $0x1, s12, s10, $0xb8;
	[tilespmem:$0xD80] =	vst v63  }
0xdb: {  	_ =	swait.ge [sflag:s9], $0x7D  }
0xdc: {  	[sflag:s9] =	ssyncset.done $0x0  }
0xdd: {  	[sflag:s9] =	ssyncadd.s32 $0xFFFFFF83  }
0xde: {  	[spmem:s2] =	stream.indirect.scatter.add.f32 [tilespmem:s11], [sflag:$0x1], $0x1, s13, s10, $0xb8;
	[tilespmem:$0xD80] =	vst v63  }
0xdf: {  	_ =	swait.ge [sflag:s9], $0x7D  }
0xe0: {  	[sflag:s9] =	ssyncset.done $0x0  }
0xe1: {  	[sflag:s9] =	ssyncadd.s32 $0xFFFFFF83  }
0xe2: {  	[spmem:s2] =	stream.indirect.scatter.add.f32 [tilespmem:s11], [sflag:$0x1], $0x1, s14, s10, $0xb8;
	[tilespmem:$0xD80] =	vst v63  }
0xe3: {  	_ =	swait.ge [sflag:s9], $0x7D  }
0xe4: {  	[sflag:s9] =	ssyncset.done $0x0  }
0xe5: {  	[sflag:s9] =	ssyncadd.s32 $0xFFFFFF83  }
0xe6: {  	[spmem:s2] =	stream.indirect.scatter.add.f32 [tilespmem:s11], [sflag:$0x1], $0x1, s15, s10, $0xb8;
	[tilespmem:$0xD80] =	vst v63  }
0xe7: {  	_ =	swait.ge [sflag:s9], $0x7D  }
0xe8: {  	[sflag:s9] =	ssyncset.done $0x0  }
0xe9: {  	[sflag:s9] =	ssyncadd.s32 $0xFFFFFF83  }
0xea: {  	[spmem:s2] =	stream.indirect.scatter.add.f32 [tilespmem:s11], [sflag:$0x1], $0x1, s16, s10, $0xb8;
	[tilespmem:$0xD80] =	vst v63  }
0xeb: {  	_ =	swait.ge [sflag:s9], $0x7D  }
0xec: {  	[sflag:s9] =	ssyncset.done $0x0  }
0xed: {  	[sflag:s9] =	ssyncadd.s32 $0xFFFFFF83  }
0xee: {  	[spmem:s2] =	stream.indirect.scatter.add.f32 [tilespmem:s11], [sflag:$0x1], $0x1, s17, s10, $0xb8;
	[tilespmem:$0xD80] =	vst v63  }
0xef: {  	_ =	swait.ge [sflag:s9], $0x7D  }
0xf0: {  	[sflag:s9] =	ssyncset.done $0x0  }
0xf1: {  	[sflag:s9] =	ssyncadd.s32 $0xFFFFFF83  }
0xf2: {  	[spmem:s2] =	stream.indirect.scatter.add.f32 [tilespmem:s11], [sflag:$0x1], $0x1, s18, s10, $0xb8;
	[tilespmem:$0xD80] =	vst v63  }
0xf3: {  	_ =	swait.ge [sflag:s9], $0x7D  }
0xf4: {  	[sflag:s9] =	ssyncset.done $0x0  }
0xf5: {  	[sflag:s9] =	ssyncadd.s32 $0xFFFFFF83  }
0xf6: {  	[spmem:s2] =	stream.indirect.scatter.add.f32 [tilespmem:s11], [sflag:$0x1], $0x1, s19, s10, $0xb8;
	[tilespmem:$0xD80] =	vst v63  }
0xf7: {  	_ =	swait.ge [sflag:s9], $0x7D  }
0xf8: {  	[sflag:s9] =	ssyncset.done $0x0  }
0xf9: {  	[sflag:s9] =	ssyncadd.s32 $0xFFFFFF83  }
0xfa: {  	[spmem:s2] =	stream.indirect.scatter.add.f32 [tilespmem:s11], [sflag:$0x1], $0x1, s20, s10, $0xb8;
	[tilespmem:$0xD80] =	vst v63  }
0xfb: {  	_ =	swait.ge [sflag:s9], $0x7D  }
0xfc: {  	[sflag:s9] =	ssyncset.done $0x0  }
0xfd: {  	[sflag:s9] =	ssyncadd.s32 $0xFFFFFF83  }
0xfe: {  	[spmem:s2] =	stream.indirect.scatter.add.f32 [tilespmem:s11], [sflag:$0x1], $0x1, s21, s10, $0xb8;
	[tilespmem:$0xD80] =	vst v63  }
0xff: {  	_ =	swait.ge [sflag:s9], $0x7D  }
0x100: {  	[sflag:s9] =	ssyncset.done $0x0  }
0x101: {  	[sflag:s9] =	ssyncadd.s32 $0xFFFFFF83  }
0x102: {  	[spmem:s2] =	stream.indirect.scatter.add.f32 [tilespmem:s11], [sflag:$0x1], $0x1, s22, s10, $0xb8;
	[tilespmem:$0xD80] =	vst v63  }
0x103: {  	_ =	swait.ge [sflag:s9], $0x7D  }
0x104: {  	[sflag:s9] =	ssyncset.done $0x0  }
0x105: {  	[sflag:s9] =	ssyncadd.s32 $0xFFFFFF83  }
0x106: {  	[spmem:s2] =	stream.indirect.scatter.add.f32 [tilespmem:s11], [sflag:$0x1], $0x1, s23, s10, $0xb8;
	[tilespmem:$0xD80] =	vst v63  }
0x107: {  	_ =	swait.ge [sflag:s9], $0x7D  }
0x108: {  	[sflag:s9] =	ssyncset.done $0x0  }
0x109: {  	[sflag:s9] =	ssyncadd.s32 $0xFFFFFF83  }
0x10a: {  	[spmem:s2] =	stream.indirect.scatter.add.f32 [tilespmem:s11], [sflag:$0x1], $0x1, s25, s10, $0xb8;
	[tilespmem:$0xD80] =	vst v63  }
0x10b: {  	_ =	swait.ge [sflag:s9], $0x7D  }
0x10c: {  	[sflag:s9] =	ssyncset.done $0x0  }
0x10d: {  	[sflag:s9] =	ssyncadd.s32 $0xFFFFFF83  }
0x10e: {  	[spmem:s2] =	stream.indirect.scatter.add.f32 [tilespmem:s11], [sflag:$0x1], $0x1, s26, s10, $0xb8;
	[tilespmem:$0xD80] =	vst v63  }
0x10f: {  	_ =	swait.ge [sflag:s9], $0x7D  }
0x110: {  	[sflag:s9] =	ssyncset.done $0x0  }
0x111: {  	[sflag:s9] =	ssyncadd.s32 $0xFFFFFF83  }
0x112: {  	[spmem:s2] =	stream.indirect.scatter.add.f32 [tilespmem:s11], [sflag:$0x1], $0x1, s28, s10, $0xb8;
	[tilespmem:$0xD80] =	vst v63  }
0x113: {  	_ =	swait.ge [sflag:s9], $0x7D  }
0x114: {  	s31 =	sadd.s32 $0x1, s31;
	[sflag:s9] =	ssyncset.done $0x0  }
0x115: {  	s8 =	sshrl.u32 s4, $0x3;
	p0 =	sne.s32 s31, s6;
	[sflag:s9] =	ssyncadd.s32 $0xFFFFFF83  }
.Ltmp1:
0x116: {  	s29 =	simm.s32 $0x20;
	[bflag:$0x0] =	sbarrier.arrive $0xFFFF;
	(pc) =	sbr.rel @p0 .LBB2_1-.Ltmp1, $4  }
0x117: {  	[hbm:s5@s29], [sflag:s24] =	dma.strided [spmem:s8@s30], $0x50, s9, $0x10   }
0x118: {  	_ =	swait.ge [sflag:s9], $0x50  }
0x119: {  	[sflag:s9] =	ssyncset.done $0x0  }
0x11a: {  	[sflag:s9] =	ssyncadd.s32 $0xFFFFFFB0  }
0x11b: {  	_ =	sfence.sel $0x180000  }
0x11c: {  	[bflag:$0x0] =	sbarrier.arrive $0xFFFF  }
0x11d: {  	_ =	strace $0x90000047  }
0x11e: {  	s0 =	stileid.u32;
	[bflag:$0x2] =	sbarrier.arrive $0xFFFF  }
0x11f: {  	p0 =	sne.s32 s0, $0x0;
	s0 =	rddreg [dreg:$0x3]  }
0x120: {  	s0 =	sadd.s32 @!p0 $0x100000, s0  }
0x121: {  	[sflag:s0] =	ssyncadd.tile.s32 @!p0 $0x1;
	_ =	shalt  }
.Lfunc_end2:
_tile_overlayer_lowered:
.L_overlay_start_2:
0x122: {  	(tag) =	ssettag $0x2  }
0x123: {  	s0 =	rddreg [dreg:$0x0];
	s2 =	stileid.u32  }
0x124: {  	s1 =	rddreg [dreg:$0x1];
	p0 =	sne.s32 s2, $0x0  }
0x125: {  	s3 =	rddreg [dreg:$0x2];
	[bflag:$0x3] =	sbarrier.arrive $0xFFFF;
	s2 =	simm.s32 @!p0 $0x1C01  }
0x126: {  	[timem:s3], [sflag:s2] =	dma.local @!p0 [hbm:s0], s1  }
0x127: {  	s0 =	simm.s32 @!p0 $0x1  }
0x128: {  	_ =	swait.ge @!p0 [sflag:s0], s1  }
0x129: {  	s1 =	ssub.s32 @!p0 $0x0, s1;
	[sflag:s0] =	ssyncset.done @!p0 $0x0  }
0x12a: {  	[sflag:s0] =	ssyncadd.s32 @!p0 s1  }
0x12b: {  	[bflag:$0x3] =	sbarrier.arrive $0xFFFF  }
0x12c: {  	_ =	shalt  }

</sc_bundles>
